<compile_context>
chip_gen: v7x
topology: tpu7x:2x2x1
jax: 0.10.2.dev20260603
libtpu: 0.0.44.dev20260713+nightly
codegen_flags: <defaults>
</compile_context>

<pallas_src>
import functools
import math

import jax
import jax.numpy as jnp
from jax import lax
from jax.experimental import pallas as pl
from jax.experimental.pallas import tpu as pltpu
from jax.experimental.pallas import tpu_sc as plsc

VOCAB = 100000
DIM = 64
D2 = DIM * 2
D4 = DIM * 4
MAX_SEQ = 512
B = 1024
S = 200
N = B * S
NW = 32
CH = 100
G = S
PER_W = N // NW
NG = PER_W // G
NCH = PER_W // CH
IBLK = 16
NBLK = NCH // IBLK
GPB = IBLK // 2
LANES = 16
NBUF = 2
RU = 2


def _pos_table():
    position = jnp.arange(MAX_SEQ, dtype=jnp.float32)[:, None]
    div_term = jnp.exp(
        jnp.arange(0, DIM, 2).astype(jnp.float32) * (-math.log(10000.0) / DIM)
    )
    pe_sin = jnp.sin(position * div_term)
    pe_cos = jnp.cos(position * div_term)
    pe_real = jnp.zeros((MAX_SEQ, DIM), jnp.float32)
    pe_real = pe_real.at[:, 0::2].set(pe_sin)
    pe_real = pe_real.at[:, 1::2].set(pe_cos)
    pe_imag = jnp.zeros((MAX_SEQ, DIM), jnp.float32)
    pe_imag = pe_imag.at[:, 0::2].set(pe_cos)
    pe_imag = pe_imag.at[:, 1::2].set(-pe_sin)
    return jnp.concatenate([pe_real, pe_imag], axis=-1)[:S]


def _sc_embed(tok2d, omega_table, pi_table, pos):
    mesh = plsc.VectorSubcoreMesh(core_axis_name="c", subcore_axis_name="s")

    @functools.partial(
        pl.kernel,
        out_type=jax.ShapeDtypeStruct((N, D4), jnp.float32),
        mesh=mesh,
        scratch_types=[
            pltpu.VMEM((IBLK, CH), jnp.int32),
            pltpu.VMEM((S, D2), jnp.float32),
            [pltpu.VMEM((G, D2), jnp.float32)] * NBUF,
            [pltpu.VMEM((G, D2), jnp.float32)] * NBUF,
            [pltpu.SemaphoreType.DMA] * NBUF,
            [pltpu.SemaphoreType.DMA] * NBUF,
            pltpu.SemaphoreType.DMA,
        ],
    )
    def k(tok_hbm, omega_hbm, pi_hbm, pos_hbm, out_hbm,
          idx_v, pos_v, om_v, pi_v, sem_o, sem_p, sem_w):
        wid = lax.axis_index("s") * 2 + lax.axis_index("c")
        base = wid * PER_W
        pltpu.sync_copy(pos_hbm, pos_v)

        def load_idx(blk):
            pltpu.sync_copy(tok_hbm.at[pl.ds(wid * NCH + blk * IBLK, IBLK)],
                            idx_v)

        def gathers(c, b):
            pltpu.async_copy(omega_hbm.at[idx_v.at[c]],
                             om_v[b].at[pl.ds(0, CH)], sem_o[b])
            pltpu.async_copy(omega_hbm.at[idx_v.at[c + 1]],
                             om_v[b].at[pl.ds(CH, CH)], sem_o[b])
            pltpu.async_copy(pi_hbm.at[idx_v.at[c]],
                             pi_v[b].at[pl.ds(0, CH)], sem_p[b])
            pltpu.async_copy(pi_hbm.at[idx_v.at[c + 1]],
                             pi_v[b].at[pl.ds(CH, CH)], sem_p[b])

        def wait_gathers(b):
            pltpu.make_async_copy(
                omega_hbm.at[pl.ds(0, G)], om_v[b], sem_o[b]).wait()
            pltpu.make_async_copy(
                pi_hbm.at[pl.ds(0, G)], pi_v[b], sem_p[b]).wait()

        def wait_writes():
            pltpu.make_async_copy(
                om_v[0], out_hbm.at[pl.ds(0, G), pl.ds(0, D2)], sem_w).wait()
            pltpu.make_async_copy(
                pi_v[0], out_hbm.at[pl.ds(0, G), pl.ds(D2, D2)], sem_w).wait()

        load_idx(0)
        gathers(0, 0)

        def block_body(blk, carry):
            for gb in range(GPB):
                g = blk * GPB + gb
                b = gb % NBUF
                nb = (gb + 1) % NBUF
                if gb == 0:
                    @pl.when(blk > 0)
                    def _():
                        wait_writes()
                else:
                    wait_writes()
                if gb == GPB - 1:
                    wait_gathers(b)

                    @pl.when(blk < NBLK - 1)
                    def _():
                        load_idx(blk + 1)
                        gathers(0, nb)
                else:
                    gathers(2 * (gb + 1), nb)
                    wait_gathers(b)

                def row_body(jj, carry2):
                    for r in range(RU):
                        j = jj * RU + r
                        for h in range(D2 // LANES):
                            sl = pl.ds(h * LANES, LANES)
                            p = pos_v[j, sl]
                            om_v[b][j, sl] = om_v[b][j, sl] + p
                            pi_v[b][j, sl] = pi_v[b][j, sl] + p
                    return carry2

                lax.fori_loop(0, G // RU, row_body, 0)
                r0 = base + g * G
                pltpu.async_copy(
                    om_v[b], out_hbm.at[pl.ds(r0, G), pl.ds(0, D2)], sem_w)
                pltpu.async_copy(
                    pi_v[b], out_hbm.at[pl.ds(r0, G), pl.ds(D2, D2)], sem_w)
            return carry

        lax.fori_loop(0, NBLK, block_body, 0)
        wait_writes()

    return k(tok2d, omega_table, pi_table, pos)


def kernel(token_ids, omega_table, pi_table):
    tok2d = token_ids.reshape(N // CH, CH).astype(jnp.int32)
    pos = _pos_table()
    out = _sc_embed(tok2d, omega_table, pi_table, pos)
    return out.reshape(B, S, D4)

# --- scband reference (transcript-rebuilt; emitter-appended) ---
"""Pipeline reference for scband-spinor-embedding-56959856279926 (READ-ONLY COPY).

The authoritative reference and input builder live on the scoring server;
editing this copy changes nothing except your own understanding.
"""

import jax, jax.numpy as jnp
import numpy as np
import math

VOCAB = 100000
DIM = 64
MAX_SEQ = 512
B = 1024
S = 200


def _pos_encoding(max_len, dim):
    position = jnp.arange(max_len, dtype=jnp.float32)[:, None]
    div_term = jnp.exp(jnp.arange(0, dim, 2).astype(jnp.float32) * (-math.log(10000.0) / dim))
    pe_sin = jnp.sin(position * div_term)
    pe_cos = jnp.cos(position * div_term)
    pe_real = jnp.zeros((max_len, dim), jnp.float32)
    pe_real = pe_real.at[:, 0::2].set(pe_sin)
    pe_real = pe_real.at[:, 1::2].set(pe_cos)
    pe_imag = jnp.zeros((max_len, dim), jnp.float32)
    pe_imag = pe_imag.at[:, 0::2].set(pe_cos)
    pe_imag = pe_imag.at[:, 1::2].set(-pe_sin)
    return jnp.concatenate([pe_real, pe_imag], axis=-1)  # (max_len, dim*2)


def setup_inputs(seed: int = 0) -> dict:
    key = jax.random.key(seed)
    k1, k2, k3 = jax.random.split(key, 3)
    token_ids = jax.random.randint(k1, (B, S), 0, VOCAB)
    omega_table = jax.random.normal(k2, (VOCAB, DIM * 2), dtype=jnp.float32)
    pi_table = jax.random.normal(k3, (VOCAB, DIM * 2), dtype=jnp.float32)
    return {"token_ids": token_ids, "omega_table": omega_table, "pi_table": pi_table}


def reference(token_ids, omega_table, pi_table):
    # Embedding lookups (gather)
    omega = jnp.take(omega_table, token_ids, axis=0)  # (B, S, DIM*2)
    pi = jnp.take(pi_table, token_ids, axis=0)        # (B, S, DIM*2)
    # Positional encoding (seq_len <= max_seq_len, so applied)
    pos_enc = _pos_encoding(MAX_SEQ, DIM)[:S][None, :, :]  # (1, S, DIM*2)
    omega = omega + pos_enc
    pi = pi + pos_enc
    twistor = jnp.concatenate([omega, pi], axis=-1)  # (B, S, DIM*4)
    return twistor

if __name__ == "__main__":
    import jax
    _d = setup_inputs()
    print(jax.jit(kernel)(*tuple(_d.values())))

</pallas_src>

<mosaic_0001>
#map = affine_map<(d0, d1) -> (0, 0)>
module attributes {stable_mosaic.version = 14 : i64} {
  func.func @k(%arg0: i32, %arg1: i32, %arg2: memref<2048x100xi32, #tpu.memory_space<hbm>>, %arg3: memref<100000x128xf32, #tpu.memory_space<hbm>>, %arg4: memref<100000x128xf32, #tpu.memory_space<hbm>>, %arg5: memref<200x128xf32, #tpu.memory_space<hbm>>, %arg6: memref<204800x256xf32, #tpu.memory_space<hbm>>, %arg7: memref<16x100xi32, #tpu.memory_space<vmem>>, %arg8: memref<200x128xf32, #tpu.memory_space<vmem>>, %arg9: memref<200x128xf32, #tpu.memory_space<vmem>>, %arg10: memref<200x128xf32, #tpu.memory_space<vmem>>, %arg11: memref<200x128xf32, #tpu.memory_space<vmem>>, %arg12: memref<200x128xf32, #tpu.memory_space<vmem>>, %arg13: memref<!tpu.dma_semaphore, #tpu.memory_space<semaphore_mem>>, %arg14: memref<!tpu.dma_semaphore, #tpu.memory_space<semaphore_mem>>, %arg15: memref<!tpu.dma_semaphore, #tpu.memory_space<semaphore_mem>>, %arg16: memref<!tpu.dma_semaphore, #tpu.memory_space<semaphore_mem>>, %arg17: memref<!tpu.dma_semaphore, #tpu.memory_space<semaphore_mem>>) attributes {dimension_semantics = [#tpu.dimension_semantics<core_parallel>, #tpu.dimension_semantics<subcore_parallel>], iteration_bounds = array<i64: 2, 16>, scalar_prefetch = 0 : i64, scratch_operands = 11 : i64, tpu.core_type = #tpu.core_type<sc_vector_subcore>, window_params = [{transform_indices = #map}, {transform_indices = #map}, {transform_indices = #map}, {transform_indices = #map}, {transform_indices = #map}]} {
    %mul3A = arith.constant 2 : i32
    %mul3A_0 = arith.muli %arg1, %mul3A : i32
    %add3A = arith.addi %mul3A_0, %arg0 : i32
    %mul3A_1 = arith.constant 6400 : i32
    %mul3A_2 = arith.muli %add3A, %mul3A_1 : i32
    "tpu.region"() ({
      %run_scoped3A = tpu.sem_alloc : memref<!tpu.dma_semaphore, #tpu.memory_space<semaphore_mem>>
      tpu.enqueue_dma source(%arg5 : memref<200x128xf32, #tpu.memory_space<hbm>>) target(%arg8 : memref<200x128xf32, #tpu.memory_space<vmem>>) target_semaphore(%run_scoped3A : memref<!tpu.dma_semaphore, #tpu.memory_space<semaphore_mem>>)
      tpu.wait_dma2 semaphore(%run_scoped3A : memref<!tpu.dma_semaphore, #tpu.memory_space<semaphore_mem>>) src(%arg5 : memref<200x128xf32, #tpu.memory_space<hbm>>) dst(%arg8 : memref<200x128xf32, #tpu.memory_space<vmem>>)
      tpu.yield
    }) : () -> ()
    %mul3A_3 = arith.constant 64 : i32
    %mul3A_4 = arith.muli %add3A, %mul3A_3 : i32
    %add3A_5 = arith.constant 0 : i32
    %add3A_6 = arith.addi %mul3A_4, %add3A_5 : i32
    "tpu.region"() ({
      %run_scoped3A = tpu.sem_alloc : memref<!tpu.dma_semaphore, #tpu.memory_space<semaphore_mem>>
      %dma_start3A_62 = arith.constant 0 : i32
      %dma_start3A_63 = tpu.memref_slice %arg2[%add3A_6, %dma_start3A_62] : memref<2048x100xi32, #tpu.memory_space<hbm>> -> memref<16x100xi32, #tpu.memory_space<hbm>>
      %dma_start3A_64 = arith.constant 0 : i32
      %dma_start3A_65 = tpu.memref_slice %arg2[%add3A_6, %dma_start3A_64] : memref<2048x100xi32, #tpu.memory_space<hbm>> -> memref<16x100xi32, #tpu.memory_space<hbm>>
      tpu.enqueue_dma source(%dma_start3A_65 : memref<16x100xi32, #tpu.memory_space<hbm>>) target(%arg7 : memref<16x100xi32, #tpu.memory_space<vmem>>) target_semaphore(%run_scoped3A : memref<!tpu.dma_semaphore, #tpu.memory_space<semaphore_mem>>)
      %dma_wait3A_66 = arith.constant 0 : i32
      %dma_wait3A_67 = tpu.memref_slice %arg2[%add3A_6, %dma_wait3A_66] : memref<2048x100xi32, #tpu.memory_space<hbm>> -> memref<16x100xi32, #tpu.memory_space<hbm>>
      %dma_wait3A_68 = arith.constant 0 : i32
      %dma_wait3A_69 = tpu.memref_slice %arg2[%add3A_6, %dma_wait3A_68] : memref<2048x100xi32, #tpu.memory_space<hbm>> -> memref<16x100xi32, #tpu.memory_space<hbm>>
      tpu.wait_dma2 semaphore(%run_scoped3A : memref<!tpu.dma_semaphore, #tpu.memory_space<semaphore_mem>>) src(%dma_wait3A_69 : memref<16x100xi32, #tpu.memory_space<hbm>>) dst(%arg7 : memref<16x100xi32, #tpu.memory_space<vmem>>)
      tpu.yield
    }) : () -> ()
    %dma_start3A = arith.constant 0 : i32
    %dma_start3A_7 = arith.constant 0 : i32
    %dma_start3A_8 = arith.constant 0 : i32
    %dma_start3A_9 = tpu.memref_slice %arg9[%dma_start3A_7, %dma_start3A_8] : memref<200x128xf32, #tpu.memory_space<vmem>> -> memref<100x128xf32, #tpu.memory_space<vmem>>
    %dma_start3A_10 = arith.constant 0 : i32
    %dma_start3A_11 = tpu.memref_slice %arg7[%dma_start3A, %dma_start3A_10] : memref<16x100xi32, #tpu.memory_space<vmem>> -> memref<1x100xi32, #tpu.memory_space<vmem>>
    %dma_start3A_12 = tpu.memref_squeeze %dma_start3A_11 : memref<1x100xi32, #tpu.memory_space<vmem>> -> memref<100xi32, #tpu.memory_space<vmem>>
    %dma_start3A_13 = arith.constant 0 : i32
    %dma_start3A_14 = arith.constant 0 : i32
    %dma_start3A_15 = tpu.memref_slice %arg3[%dma_start3A_13, %dma_start3A_14] : memref<100000x128xf32, #tpu.memory_space<hbm>> -> memref<100000x128xf32, #tpu.memory_space<hbm>>
    tpu.enqueue_indirect_dma source(%dma_start3A_15 : memref<100000x128xf32, #tpu.memory_space<hbm>>) target(%dma_start3A_9 : memref<100x128xf32, #tpu.memory_space<vmem>>) offsets(%dma_start3A_12 : memref<100xi32, #tpu.memory_space<vmem>>) semaphore(%arg13 : memref<!tpu.dma_semaphore, #tpu.memory_space<semaphore_mem>>)
    %dma_start3A_16 = arith.constant 1 : i32
    %dma_start3A_17 = arith.constant 100 : i32
    %dma_start3A_18 = arith.constant 0 : i32
    %dma_start3A_19 = tpu.memref_slice %arg9[%dma_start3A_17, %dma_start3A_18] : memref<200x128xf32, #tpu.memory_space<vmem>> -> memref<100x128xf32, #tpu.memory_space<vmem>>
    %dma_start3A_20 = arith.constant 0 : i32
    %dma_start3A_21 = tpu.memref_slice %arg7[%dma_start3A_16, %dma_start3A_20] : memref<16x100xi32, #tpu.memory_space<vmem>> -> memref<1x100xi32, #tpu.memory_space<vmem>>
    %dma_start3A_22 = tpu.memref_squeeze %dma_start3A_21 : memref<1x100xi32, #tpu.memory_space<vmem>> -> memref<100xi32, #tpu.memory_space<vmem>>
    %dma_start3A_23 = arith.constant 0 : i32
    %dma_start3A_24 = arith.constant 0 : i32
    %dma_start3A_25 = tpu.memref_slice %arg3[%dma_start3A_23, %dma_start3A_24] : memref<100000x128xf32, #tpu.memory_space<hbm>> -> memref<100000x128xf32, #tpu.memory_space<hbm>>
    tpu.enqueue_indirect_dma source(%dma_start3A_25 : memref<100000x128xf32, #tpu.memory_space<hbm>>) target(%dma_start3A_19 : memref<100x128xf32, #tpu.memory_space<vmem>>) offsets(%dma_start3A_22 : memref<100xi32, #tpu.memory_space<vmem>>) semaphore(%arg13 : memref<!tpu.dma_semaphore, #tpu.memory_space<semaphore_mem>>)
    %dma_start3A_26 = arith.constant 0 : i32
    %dma_start3A_27 = arith.constant 0 : i32
    %dma_start3A_28 = arith.constant 0 : i32
    %dma_start3A_29 = tpu.memref_slice %arg11[%dma_start3A_27, %dma_start3A_28] : memref<200x128xf32, #tpu.memory_space<vmem>> -> memref<100x128xf32, #tpu.memory_space<vmem>>
    %dma_start3A_30 = arith.constant 0 : i32
    %dma_start3A_31 = tpu.memref_slice %arg7[%dma_start3A_26, %dma_start3A_30] : memref<16x100xi32, #tpu.memory_space<vmem>> -> memref<1x100xi32, #tpu.memory_space<vmem>>
    %dma_start3A_32 = tpu.memref_squeeze %dma_start3A_31 : memref<1x100xi32, #tpu.memory_space<vmem>> -> memref<100xi32, #tpu.memory_space<vmem>>
    %dma_start3A_33 = arith.constant 0 : i32
    %dma_start3A_34 = arith.constant 0 : i32
    %dma_start3A_35 = tpu.memref_slice %arg4[%dma_start3A_33, %dma_start3A_34] : memref<100000x128xf32, #tpu.memory_space<hbm>> -> memref<100000x128xf32, #tpu.memory_space<hbm>>
    tpu.enqueue_indirect_dma source(%dma_start3A_35 : memref<100000x128xf32, #tpu.memory_space<hbm>>) target(%dma_start3A_29 : memref<100x128xf32, #tpu.memory_space<vmem>>) offsets(%dma_start3A_32 : memref<100xi32, #tpu.memory_space<vmem>>) semaphore(%arg15 : memref<!tpu.dma_semaphore, #tpu.memory_space<semaphore_mem>>)
    %dma_start3A_36 = arith.constant 1 : i32
    %dma_start3A_37 = arith.constant 100 : i32
    %dma_start3A_38 = arith.constant 0 : i32
    %dma_start3A_39 = tpu.memref_slice %arg11[%dma_start3A_37, %dma_start3A_38] : memref<200x128xf32, #tpu.memory_space<vmem>> -> memref<100x128xf32, #tpu.memory_space<vmem>>
    %dma_start3A_40 = arith.constant 0 : i32
    %dma_start3A_41 = tpu.memref_slice %arg7[%dma_start3A_36, %dma_start3A_40] : memref<16x100xi32, #tpu.memory_space<vmem>> -> memref<1x100xi32, #tpu.memory_space<vmem>>
    %dma_start3A_42 = tpu.memref_squeeze %dma_start3A_41 : memref<1x100xi32, #tpu.memory_space<vmem>> -> memref<100xi32, #tpu.memory_space<vmem>>
    %dma_start3A_43 = arith.constant 0 : i32
    %dma_start3A_44 = arith.constant 0 : i32
    %dma_start3A_45 = tpu.memref_slice %arg4[%dma_start3A_43, %dma_start3A_44] : memref<100000x128xf32, #tpu.memory_space<hbm>> -> memref<100000x128xf32, #tpu.memory_space<hbm>>
    tpu.enqueue_indirect_dma source(%dma_start3A_45 : memref<100000x128xf32, #tpu.memory_space<hbm>>) target(%dma_start3A_39 : memref<100x128xf32, #tpu.memory_space<vmem>>) offsets(%dma_start3A_42 : memref<100xi32, #tpu.memory_space<vmem>>) semaphore(%arg15 : memref<!tpu.dma_semaphore, #tpu.memory_space<semaphore_mem>>)
    %scan3A = arith.constant 0 : i32
    %scan3A_46 = arith.constant 0 : i32
    %scan3A_47 = arith.constant 4 : i32
    %scan3A_48 = arith.addi %scan3A_46, %scan3A_47 : i32
    %scan3A_49 = arith.constant 1 : i32
    scf.for %scan3A_62 = %scan3A_46 to %scan3A_48 step %scan3A_49  : i32 {
      %mul3A_63 = arith.constant 8 : i32
      %mul3A_64 = arith.muli %scan3A_62, %mul3A_63 : i32
      %add3A_65 = arith.constant 0 : i32
      %add3A_66 = arith.addi %mul3A_64, %add3A_65 : i32
      %gt3A = arith.constant 0 : i32
      %gt3A_67 = arith.cmpi sgt, %scan3A_62, %gt3A : i32
      %convert_element_type3A = arith.extui %gt3A_67 : i1 to i32
      %cond3A = arith.constant 0 : i32
      %cond3A_68 = arith.cmpi ne, %convert_element_type3A, %cond3A : i32
      scf.if %cond3A_68 {
        %dma_wait3A_697 = arith.constant 0 : i32
        %dma_wait3A_698 = arith.constant 0 : i32
        %dma_wait3A_699 = tpu.memref_slice %arg6[%dma_wait3A_697, %dma_wait3A_698] : memref<204800x256xf32, #tpu.memory_space<hbm>> -> memref<200x128xf32, #tpu.memory_space<hbm>>
        %dma_wait3A_700 = arith.constant 0 : i32
        %dma_wait3A_701 = arith.constant 0 : i32
        %dma_wait3A_702 = tpu.memref_slice %arg6[%dma_wait3A_700, %dma_wait3A_701] : memref<204800x256xf32, #tpu.memory_space<hbm>> -> memref<200x128xf32, #tpu.memory_space<hbm>>
        tpu.wait_dma2 semaphore(%arg17 : memref<!tpu.dma_semaphore, #tpu.memory_space<semaphore_mem>>) src(%arg9 : memref<200x128xf32, #tpu.memory_space<vmem>>) dst(%dma_wait3A_702 : memref<200x128xf32, #tpu.memory_space<hbm>>)
        %dma_wait3A_703 = arith.constant 0 : i32
        %dma_wait3A_704 = arith.constant 128 : i32
        %dma_wait3A_705 = tpu.memref_slice %arg6[%dma_wait3A_703, %dma_wait3A_704] : memref<204800x256xf32, #tpu.memory_space<hbm>> -> memref<200x128xf32, #tpu.memory_space<hbm>>
        %dma_wait3A_706 = arith.constant 0 : i32
        %dma_wait3A_707 = arith.constant 128 : i32
        %dma_wait3A_708 = tpu.memref_slice %arg6[%dma_wait3A_706, %dma_wait3A_707] : memref<204800x256xf32, #tpu.memory_space<hbm>> -> memref<200x128xf32, #tpu.memory_space<hbm>>
        tpu.wait_dma2 semaphore(%arg17 : memref<!tpu.dma_semaphore, #tpu.memory_space<semaphore_mem>>) src(%arg11 : memref<200x128xf32, #tpu.memory_space<vmem>>) dst(%dma_wait3A_708 : memref<200x128xf32, #tpu.memory_space<hbm>>)
      } else {
      }
      %dma_start3A_69 = arith.constant 2 : i32
      %dma_start3A_70 = arith.constant 0 : i32
      %dma_start3A_71 = arith.constant 0 : i32
      %dma_start3A_72 = tpu.memref_slice %arg10[%dma_start3A_70, %dma_start3A_71] : memref<200x128xf32, #tpu.memory_space<vmem>> -> memref<100x128xf32, #tpu.memory_space<vmem>>
      %dma_start3A_73 = arith.constant 0 : i32
      %dma_start3A_74 = tpu.memref_slice %arg7[%dma_start3A_69, %dma_start3A_73] : memref<16x100xi32, #tpu.memory_space<vmem>> -> memref<1x100xi32, #tpu.memory_space<vmem>>
      %dma_start3A_75 = tpu.memref_squeeze %dma_start3A_74 : memref<1x100xi32, #tpu.memory_space<vmem>> -> memref<100xi32, #tpu.memory_space<vmem>>
      %dma_start3A_76 = arith.constant 0 : i32
      %dma_start3A_77 = arith.constant 0 : i32
      %dma_start3A_78 = tpu.memref_slice %arg3[%dma_start3A_76, %dma_start3A_77] : memref<100000x128xf32, #tpu.memory_space<hbm>> -> memref<100000x128xf32, #tpu.memory_space<hbm>>
      tpu.enqueue_indirect_dma source(%dma_start3A_78 : memref<100000x128xf32, #tpu.memory_space<hbm>>) target(%dma_start3A_72 : memref<100x128xf32, #tpu.memory_space<vmem>>) offsets(%dma_start3A_75 : memref<100xi32, #tpu.memory_space<vmem>>) semaphore(%arg14 : memref<!tpu.dma_semaphore, #tpu.memory_space<semaphore_mem>>)
      %dma_start3A_79 = arith.constant 3 : i32
      %dma_start3A_80 = arith.constant 100 : i32
      %dma_start3A_81 = arith.constant 0 : i32
      %dma_start3A_82 = tpu.memref_slice %arg10[%dma_start3A_80, %dma_start3A_81] : memref<200x128xf32, #tpu.memory_space<vmem>> -> memref<100x128xf32, #tpu.memory_space<vmem>>
      %dma_start3A_83 = arith.constant 0 : i32
      %dma_start3A_84 = tpu.memref_slice %arg7[%dma_start3A_79, %dma_start3A_83] : memref<16x100xi32, #tpu.memory_space<vmem>> -> memref<1x100xi32, #tpu.memory_space<vmem>>
      %dma_start3A_85 = tpu.memref_squeeze %dma_start3A_84 : memref<1x100xi32, #tpu.memory_space<vmem>> -> memref<100xi32, #tpu.memory_space<vmem>>
      %dma_start3A_86 = arith.constant 0 : i32
      %dma_start3A_87 = arith.constant 0 : i32
      %dma_start3A_88 = tpu.memref_slice %arg3[%dma_start3A_86, %dma_start3A_87] : memref<100000x128xf32, #tpu.memory_space<hbm>> -> memref<100000x128xf32, #tpu.memory_space<hbm>>
      tpu.enqueue_indirect_dma source(%dma_start3A_88 : memref<100000x128xf32, #tpu.memory_space<hbm>>) target(%dma_start3A_82 : memref<100x128xf32, #tpu.memory_space<vmem>>) offsets(%dma_start3A_85 : memref<100xi32, #tpu.memory_space<vmem>>) semaphore(%arg14 : memref<!tpu.dma_semaphore, #tpu.memory_space<semaphore_mem>>)
      %dma_start3A_89 = arith.constant 2 : i32
      %dma_start3A_90 = arith.constant 0 : i32
      %dma_start3A_91 = arith.constant 0 : i32
      %dma_start3A_92 = tpu.memref_slice %arg12[%dma_start3A_90, %dma_start3A_91] : memref<200x128xf32, #tpu.memory_space<vmem>> -> memref<100x128xf32, #tpu.memory_space<vmem>>
      %dma_start3A_93 = arith.constant 0 : i32
      %dma_start3A_94 = tpu.memref_slice %arg7[%dma_start3A_89, %dma_start3A_93] : memref<16x100xi32, #tpu.memory_space<vmem>> -> memref<1x100xi32, #tpu.memory_space<vmem>>
      %dma_start3A_95 = tpu.memref_squeeze %dma_start3A_94 : memref<1x100xi32, #tpu.memory_space<vmem>> -> memref<100xi32, #tpu.memory_space<vmem>>
      %dma_start3A_96 = arith.constant 0 : i32
      %dma_start3A_97 = arith.constant 0 : i32
      %dma_start3A_98 = tpu.memref_slice %arg4[%dma_start3A_96, %dma_start3A_97] : memref<100000x128xf32, #tpu.memory_space<hbm>> -> memref<100000x128xf32, #tpu.memory_space<hbm>>
      tpu.enqueue_indirect_dma source(%dma_start3A_98 : memref<100000x128xf32, #tpu.memory_space<hbm>>) target(%dma_start3A_92 : memref<100x128xf32, #tpu.memory_space<vmem>>) offsets(%dma_start3A_95 : memref<100xi32, #tpu.memory_space<vmem>>) semaphore(%arg16 : memref<!tpu.dma_semaphore, #tpu.memory_space<semaphore_mem>>)
      %dma_start3A_99 = arith.constant 3 : i32
      %dma_start3A_100 = arith.constant 100 : i32
      %dma_start3A_101 = arith.constant 0 : i32
      %dma_start3A_102 = tpu.memref_slice %arg12[%dma_start3A_100, %dma_start3A_101] : memref<200x128xf32, #tpu.memory_space<vmem>> -> memref<100x128xf32, #tpu.memory_space<vmem>>
      %dma_start3A_103 = arith.constant 0 : i32
      %dma_start3A_104 = tpu.memref_slice %arg7[%dma_start3A_99, %dma_start3A_103] : memref<16x100xi32, #tpu.memory_space<vmem>> -> memref<1x100xi32, #tpu.memory_space<vmem>>
      %dma_start3A_105 = tpu.memref_squeeze %dma_start3A_104 : memref<1x100xi32, #tpu.memory_space<vmem>> -> memref<100xi32, #tpu.memory_space<vmem>>
      %dma_start3A_106 = arith.constant 0 : i32
      %dma_start3A_107 = arith.constant 0 : i32
      %dma_start3A_108 = tpu.memref_slice %arg4[%dma_start3A_106, %dma_start3A_107] : memref<100000x128xf32, #tpu.memory_space<hbm>> -> memref<100000x128xf32, #tpu.memory_space<hbm>>
      tpu.enqueue_indirect_dma source(%dma_start3A_108 : memref<100000x128xf32, #tpu.memory_space<hbm>>) target(%dma_start3A_102 : memref<100x128xf32, #tpu.memory_space<vmem>>) offsets(%dma_start3A_105 : memref<100xi32, #tpu.memory_space<vmem>>) semaphore(%arg16 : memref<!tpu.dma_semaphore, #tpu.memory_space<semaphore_mem>>)
      %dma_wait3A_109 = arith.constant 0 : i32
      %dma_wait3A_110 = arith.constant 0 : i32
      %dma_wait3A_111 = tpu.memref_slice %arg3[%dma_wait3A_109, %dma_wait3A_110] : memref<100000x128xf32, #tpu.memory_space<hbm>> -> memref<200x128xf32, #tpu.memory_space<hbm>>
      %dma_wait3A_112 = arith.constant 0 : i32
      %dma_wait3A_113 = arith.constant 0 : i32
      %dma_wait3A_114 = tpu.memref_slice %arg3[%dma_wait3A_112, %dma_wait3A_113] : memref<100000x128xf32, #tpu.memory_space<hbm>> -> memref<200x128xf32, #tpu.memory_space<hbm>>
      tpu.wait_dma2 semaphore(%arg13 : memref<!tpu.dma_semaphore, #tpu.memory_space<semaphore_mem>>) src(%dma_wait3A_114 : memref<200x128xf32, #tpu.memory_space<hbm>>) dst(%arg9 : memref<200x128xf32, #tpu.memory_space<vmem>>)
      %dma_wait3A_115 = arith.constant 0 : i32
      %dma_wait3A_116 = arith.constant 0 : i32
      %dma_wait3A_117 = tpu.memref_slice %arg4[%dma_wait3A_115, %dma_wait3A_116] : memref<100000x128xf32, #tpu.memory_space<hbm>> -> memref<200x128xf32, #tpu.memory_space<hbm>>
      %dma_wait3A_118 = arith.constant 0 : i32
      %dma_wait3A_119 = arith.constant 0 : i32
      %dma_wait3A_120 = tpu.memref_slice %arg4[%dma_wait3A_118, %dma_wait3A_119] : memref<100000x128xf32, #tpu.memory_space<hbm>> -> memref<200x128xf32, #tpu.memory_space<hbm>>
      tpu.wait_dma2 semaphore(%arg15 : memref<!tpu.dma_semaphore, #tpu.memory_space<semaphore_mem>>) src(%dma_wait3A_120 : memref<200x128xf32, #tpu.memory_space<hbm>>) dst(%arg11 : memref<200x128xf32, #tpu.memory_space<vmem>>)
      %scan3A_121 = arith.constant 0 : i32
      %scan3A_122 = arith.constant 0 : i32
      %scan3A_123 = arith.constant 100 : i32
      %scan3A_124 = arith.addi %scan3A_122, %scan3A_123 : i32
      %scan3A_125 = arith.constant 1 : i32
      scf.for %scan3A_697 = %scan3A_122 to %scan3A_124 step %scan3A_125  : i32 {
        %mul3A_698 = arith.constant 2 : i32
        %mul3A_699 = arith.muli %scan3A_697, %mul3A_698 : i32
        %add3A_700 = arith.constant 0 : i32
        %add3A_701 = arith.addi %mul3A_699, %add3A_700 : i32
        %get3A = arith.index_cast %add3A_701 : i32 to index
        %get3A_702 = arith.constant 0 : index
        %get3A_703 = tpu.vector_load %arg8[%get3A, %get3A_702] {strides = array<i32>} : memref<200x128xf32, #tpu.memory_space<vmem>>, vector<1x16xf32>,
        %get3A_704 = vector.shape_cast %get3A_703 : vector<1x16xf32> to vector<16xf32>
        %get3A_705 = arith.index_cast %add3A_701 : i32 to index
        %get3A_706 = arith.constant 0 : index
        %get3A_707 = tpu.vector_load %arg9[%get3A_705, %get3A_706] {strides = array<i32>} : memref<200x128xf32, #tpu.memory_space<vmem>>, vector<1x16xf32>,
        %get3A_708 = vector.shape_cast %get3A_707 : vector<1x16xf32> to vector<16xf32>
        %add3A_709 = arith.addf %get3A_708, %get3A_704 : vector<16xf32>
        %swap3A = arith.index_cast %add3A_701 : i32 to index
        %swap3A_710 = arith.constant 0 : index
        %swap3A_711 = tpu.vector_load %arg9[%swap3A, %swap3A_710] {strides = array<i32>} : memref<200x128xf32, #tpu.memory_space<vmem>>, vector<1x16xf32>,
        %swap3A_712 = vector.shape_cast %swap3A_711 : vector<1x16xf32> to vector<16xf32>
        %swap3A_713 = vector.shape_cast %add3A_709 : vector<16xf32> to vector<1x16xf32>
        tpu.vector_store %arg9[%swap3A, %swap3A_710], %swap3A_713 {strides = array<i32>} : memref<200x128xf32, #tpu.memory_space<vmem>>, vector<1x16xf32>,
        %get3A_714 = arith.index_cast %add3A_701 : i32 to index
        %get3A_715 = arith.constant 0 : index
        %get3A_716 = tpu.vector_load %arg11[%get3A_714, %get3A_715] {strides = array<i32>} : memref<200x128xf32, #tpu.memory_space<vmem>>, vector<1x16xf32>,
        %get3A_717 = vector.shape_cast %get3A_716 : vector<1x16xf32> to vector<16xf32>
        %add3A_718 = arith.addf %get3A_717, %get3A_704 : vector<16xf32>
        %swap3A_719 = arith.index_cast %add3A_701 : i32 to index
        %swap3A_720 = arith.constant 0 : index
        %swap3A_721 = tpu.vector_load %arg11[%swap3A_719, %swap3A_720] {strides = array<i32>} : memref<200x128xf32, #tpu.memory_space<vmem>>, vector<1x16xf32>,
        %swap3A_722 = vector.shape_cast %swap3A_721 : vector<1x16xf32> to vector<16xf32>
        %swap3A_723 = vector.shape_cast %add3A_718 : vector<16xf32> to vector<1x16xf32>
        tpu.vector_store %arg11[%swap3A_719, %swap3A_720], %swap3A_723 {strides = array<i32>} : memref<200x128xf32, #tpu.memory_space<vmem>>, vector<1x16xf32>,
        %get3A_724 = arith.index_cast %add3A_701 : i32 to index
        %get3A_725 = arith.constant 16 : index
        %get3A_726 = tpu.vector_load %arg8[%get3A_724, %get3A_725] {strides = array<i32>} : memref<200x128xf32, #tpu.memory_space<vmem>>, vector<1x16xf32>,
        %get3A_727 = vector.shape_cast %get3A_726 : vector<1x16xf32> to vector<16xf32>
        %get3A_728 = arith.index_cast %add3A_701 : i32 to index
        %get3A_729 = arith.constant 16 : index
        %get3A_730 = tpu.vector_load %arg9[%get3A_728, %get3A_729] {strides = array<i32>} : memref<200x128xf32, #tpu.memory_space<vmem>>, vector<1x16xf32>,
        %get3A_731 = vector.shape_cast %get3A_730 : vector<1x16xf32> to vector<16xf32>
        %add3A_732 = arith.addf %get3A_731, %get3A_727 : vector<16xf32>
        %swap3A_733 = arith.index_cast %add3A_701 : i32 to index
        %swap3A_734 = arith.constant 16 : index
        %swap3A_735 = tpu.vector_load %arg9[%swap3A_733, %swap3A_734] {strides = array<i32>} : memref<200x128xf32, #tpu.memory_space<vmem>>, vector<1x16xf32>,
        %swap3A_736 = vector.shape_cast %swap3A_735 : vector<1x16xf32> to vector<16xf32>
        %swap3A_737 = vector.shape_cast %add3A_732 : vector<16xf32> to vector<1x16xf32>
        tpu.vector_store %arg9[%swap3A_733, %swap3A_734], %swap3A_737 {strides = array<i32>} : memref<200x128xf32, #tpu.memory_space<vmem>>, vector<1x16xf32>,
        %get3A_738 = arith.index_cast %add3A_701 : i32 to index
        %get3A_739 = arith.constant 16 : index
        %get3A_740 = tpu.vector_load %arg11[%get3A_738, %get3A_739] {strides = array<i32>} : memref<200x128xf32, #tpu.memory_space<vmem>>, vector<1x16xf32>,
        %get3A_741 = vector.shape_cast %get3A_740 : vector<1x16xf32> to vector<16xf32>
        %add3A_742 = arith.addf %get3A_741, %get3A_727 : vector<16xf32>
        %swap3A_743 = arith.index_cast %add3A_701 : i32 to index
        %swap3A_744 = arith.constant 16 : index
        %swap3A_745 = tpu.vector_load %arg11[%swap3A_743, %swap3A_744] {strides = array<i32>} : memref<200x128xf32, #tpu.memory_space<vmem>>, vector<1x16xf32>,
        %swap3A_746 = vector.shape_cast %swap3A_745 : vector<1x16xf32> to vector<16xf32>
        %swap3A_747 = vector.shape_cast %add3A_742 : vector<16xf32> to vector<1x16xf32>
        tpu.vector_store %arg11[%swap3A_743, %swap3A_744], %swap3A_747 {strides = array<i32>} : memref<200x128xf32, #tpu.memory_space<vmem>>, vector<1x16xf32>,
        %get3A_748 = arith.index_cast %add3A_701 : i32 to index
        %get3A_749 = arith.constant 32 : index
        %get3A_750 = tpu.vector_load %arg8[%get3A_748, %get3A_749] {strides = array<i32>} : memref<200x128xf32, #tpu.memory_space<vmem>>, vector<1x16xf32>,
        %get3A_751 = vector.shape_cast %get3A_750 : vector<1x16xf32> to vector<16xf32>
        %get3A_752 = arith.index_cast %add3A_701 : i32 to index
        %get3A_753 = arith.constant 32 : index
        %get3A_754 = tpu.vector_load %arg9[%get3A_752, %get3A_753] {strides = array<i32>} : memref<200x128xf32, #tpu.memory_space<vmem>>, vector<1x16xf32>,
        %get3A_755 = vector.shape_cast %get3A_754 : vector<1x16xf32> to vector<16xf32>
        %add3A_756 = arith.addf %get3A_755, %get3A_751 : vector<16xf32>
        %swap3A_757 = arith.index_cast %add3A_701 : i32 to index
        %swap3A_758 = arith.constant 32 : index
        %swap3A_759 = tpu.vector_load %arg9[%swap3A_757, %swap3A_758] {strides = array<i32>} : memref<200x128xf32, #tpu.memory_space<vmem>>, vector<1x16xf32>,
        %swap3A_760 = vector.shape_cast %swap3A_759 : vector<1x16xf32> to vector<16xf32>
        %swap3A_761 = vector.shape_cast %add3A_756 : vector<16xf32> to vector<1x16xf32>
        tpu.vector_store %arg9[%swap3A_757, %swap3A_758], %swap3A_761 {strides = array<i32>} : memref<200x128xf32, #tpu.memory_space<vmem>>, vector<1x16xf32>,
        %get3A_762 = arith.index_cast %add3A_701 : i32 to index
        %get3A_763 = arith.constant 32 : index
        %get3A_764 = tpu.vector_load %arg11[%get3A_762, %get3A_763] {strides = array<i32>} : memref<200x128xf32, #tpu.memory_space<vmem>>, vector<1x16xf32>,
        %get3A_765 = vector.shape_cast %get3A_764 : vector<1x16xf32> to vector<16xf32>
        %add3A_766 = arith.addf %get3A_765, %get3A_751 : vector<16xf32>
        %swap3A_767 = arith.index_cast %add3A_701 : i32 to index
        %swap3A_768 = arith.constant 32 : index
        %swap3A_769 = tpu.vector_load %arg11[%swap3A_767, %swap3A_768] {strides = array<i32>} : memref<200x128xf32, #tpu.memory_space<vmem>>, vector<1x16xf32>,
        %swap3A_770 = vector.shape_cast %swap3A_769 : vector<1x16xf32> to vector<16xf32>
        %swap3A_771 = vector.shape_cast %add3A_766 : vector<16xf32> to vector<1x16xf32>
        tpu.vector_store %arg11[%swap3A_767, %swap3A_768], %swap3A_771 {strides = array<i32>} : memref<200x128xf32, #tpu.memory_space<vmem>>, vector<1x16xf32>,
        %get3A_772 = arith.index_cast %add3A_701 : i32 to index
        %get3A_773 = arith.constant 48 : index
        %get3A_774 = tpu.vector_load %arg8[%get3A_772, %get3A_773] {strides = array<i32>} : memref<200x128xf32, #tpu.memory_space<vmem>>, vector<1x16xf32>,
        %get3A_775 = vector.shape_cast %get3A_774 : vector<1x16xf32> to vector<16xf32>
        %get3A_776 = arith.index_cast %add3A_701 : i32 to index
        %get3A_777 = arith.constant 48 : index
        %get3A_778 = tpu.vector_load %arg9[%get3A_776, %get3A_777] {strides = array<i32>} : memref<200x128xf32, #tpu.memory_space<vmem>>, vector<1x16xf32>,
        %get3A_779 = vector.shape_cast %get3A_778 : vector<1x16xf32> to vector<16xf32>
        %add3A_780 = arith.addf %get3A_779, %get3A_775 : vector<16xf32>
        %swap3A_781 = arith.index_cast %add3A_701 : i32 to index
        %swap3A_782 = arith.constant 48 : index
        %swap3A_783 = tpu.vector_load %arg9[%swap3A_781, %swap3A_782] {strides = array<i32>} : memref<200x128xf32, #tpu.memory_space<vmem>>, vector<1x16xf32>,
        %swap3A_784 = vector.shape_cast %swap3A_783 : vector<1x16xf32> to vector<16xf32>
        %swap3A_785 = vector.shape_cast %add3A_780 : vector<16xf32> to vector<1x16xf32>
        tpu.vector_store %arg9[%swap3A_781, %swap3A_782], %swap3A_785 {strides = array<i32>} : memref<200x128xf32, #tpu.memory_space<vmem>>, vector<1x16xf32>,
        %get3A_786 = arith.index_cast %add3A_701 : i32 to index
        %get3A_787 = arith.constant 48 : index
        %get3A_788 = tpu.vector_load %arg11[%get3A_786, %get3A_787] {strides = array<i32>} : memref<200x128xf32, #tpu.memory_space<vmem>>, vector<1x16xf32>,
        %get3A_789 = vector.shape_cast %get3A_788 : vector<1x16xf32> to vector<16xf32>
        %add3A_790 = arith.addf %get3A_789, %get3A_775 : vector<16xf32>
        %swap3A_791 = arith.index_cast %add3A_701 : i32 to index
        %swap3A_792 = arith.constant 48 : index
        %swap3A_793 = tpu.vector_load %arg11[%swap3A_791, %swap3A_792] {strides = array<i32>} : memref<200x128xf32, #tpu.memory_space<vmem>>, vector<1x16xf32>,
        %swap3A_794 = vector.shape_cast %swap3A_793 : vector<1x16xf32> to vector<16xf32>
        %swap3A_795 = vector.shape_cast %add3A_790 : vector<16xf32> to vector<1x16xf32>
        tpu.vector_store %arg11[%swap3A_791, %swap3A_792], %swap3A_795 {strides = array<i32>} : memref<200x128xf32, #tpu.memory_space<vmem>>, vector<1x16xf32>,
        %get3A_796 = arith.index_cast %add3A_701 : i32 to index
        %get3A_797 = arith.constant 64 : index
        %get3A_798 = tpu.vector_load %arg8[%get3A_796, %get3A_797] {strides = array<i32>} : memref<200x128xf32, #tpu.memory_space<vmem>>, vector<1x16xf32>,
        %get3A_799 = vector.shape_cast %get3A_798 : vector<1x16xf32> to vector<16xf32>
        %get3A_800 = arith.index_cast %add3A_701 : i32 to index
        %get3A_801 = arith.constant 64 : index
        %get3A_802 = tpu.vector_load %arg9[%get3A_800, %get3A_801] {strides = array<i32>} : memref<200x128xf32, #tpu.memory_space<vmem>>, vector<1x16xf32>,
        %get3A_803 = vector.shape_cast %get3A_802 : vector<1x16xf32> to vector<16xf32>
        %add3A_804 = arith.addf %get3A_803, %get3A_799 : vector<16xf32>
        %swap3A_805 = arith.index_cast %add3A_701 : i32 to index
        %swap3A_806 = arith.constant 64 : index
        %swap3A_807 = tpu.vector_load %arg9[%swap3A_805, %swap3A_806] {strides = array<i32>} : memref<200x128xf32, #tpu.memory_space<vmem>>, vector<1x16xf32>,
        %swap3A_808 = vector.shape_cast %swap3A_807 : vector<1x16xf32> to vector<16xf32>
        %swap3A_809 = vector.shape_cast %add3A_804 : vector<16xf32> to vector<1x16xf32>
        tpu.vector_store %arg9[%swap3A_805, %swap3A_806], %swap3A_809 {strides = array<i32>} : memref<200x128xf32, #tpu.memory_space<vmem>>, vector<1x16xf32>,
        %get3A_810 = arith.index_cast %add3A_701 : i32 to index
        %get3A_811 = arith.constant 64 : index
        %get3A_812 = tpu.vector_load %arg11[%get3A_810, %get3A_811] {strides = array<i32>} : memref<200x128xf32, #tpu.memory_space<vmem>>, vector<1x16xf32>,
        %get3A_813 = vector.shape_cast %get3A_812 : vector<1x16xf32> to vector<16xf32>
        %add3A_814 = arith.addf %get3A_813, %get3A_799 : vector<16xf32>
        %swap3A_815 = arith.index_cast %add3A_701 : i32 to index
        %swap3A_816 = arith.constant 64 : index
        %swap3A_817 = tpu.vector_load %arg11[%swap3A_815, %swap3A_816] {strides = array<i32>} : memref<200x128xf32, #tpu.memory_space<vmem>>, vector<1x16xf32>,
        %swap3A_818 = vector.shape_cast %swap3A_817 : vector<1x16xf32> to vector<16xf32>
        %swap3A_819 = vector.shape_cast %add3A_814 : vector<16xf32> to vector<1x16xf32>
        tpu.vector_store %arg11[%swap3A_815, %swap3A_816], %swap3A_819 {strides = array<i32>} : memref<200x128xf32, #tpu.memory_space<vmem>>, vector<1x16xf32>,
        %get3A_820 = arith.index_cast %add3A_701 : i32 to index
        %get3A_821 = arith.constant 80 : index
        %get3A_822 = tpu.vector_load %arg8[%get3A_820, %get3A_821] {strides = array<i32>} : memref<200x128xf32, #tpu.memory_space<vmem>>, vector<1x16xf32>,
        %get3A_823 = vector.shape_cast %get3A_822 : vector<1x16xf32> to vector<16xf32>
        %get3A_824 = arith.index_cast %add3A_701 : i32 to index
        %get3A_825 = arith.constant 80 : index
        %get3A_826 = tpu.vector_load %arg9[%get3A_824, %get3A_825] {strides = array<i32>} : memref<200x128xf32, #tpu.memory_space<vmem>>, vector<1x16xf32>,
        %get3A_827 = vector.shape_cast %get3A_826 : vector<1x16xf32> to vector<16xf32>
        %add3A_828 = arith.addf %get3A_827, %get3A_823 : vector<16xf32>
        %swap3A_829 = arith.index_cast %add3A_701 : i32 to index
        %swap3A_830 = arith.constant 80 : index
        %swap3A_831 = tpu.vector_load %arg9[%swap3A_829, %swap3A_830] {strides = array<i32>} : memref<200x128xf32, #tpu.memory_space<vmem>>, vector<1x16xf32>,
        %swap3A_832 = vector.shape_cast %swap3A_831 : vector<1x16xf32> to vector<16xf32>
        %swap3A_833 = vector.shape_cast %add3A_828 : vector<16xf32> to vector<1x16xf32>
        tpu.vector_store %arg9[%swap3A_829, %swap3A_830], %swap3A_833 {strides = array<i32>} : memref<200x128xf32, #tpu.memory_space<vmem>>, vector<1x16xf32>,
        %get3A_834 = arith.index_cast %add3A_701 : i32 to index
        %get3A_835 = arith.constant 80 : index
        %get3A_836 = tpu.vector_load %arg11[%get3A_834, %get3A_835] {strides = array<i32>} : memref<200x128xf32, #tpu.memory_space<vmem>>, vector<1x16xf32>,
        %get3A_837 = vector.shape_cast %get3A_836 : vector<1x16xf32> to vector<16xf32>
        %add3A_838 = arith.addf %get3A_837, %get3A_823 : vector<16xf32>
        %swap3A_839 = arith.index_cast %add3A_701 : i32 to index
        %swap3A_840 = arith.constant 80 : index
        %swap3A_841 = tpu.vector_load %arg11[%swap3A_839, %swap3A_840] {strides = array<i32>} : memref<200x128xf32, #tpu.memory_space<vmem>>, vector<1x16xf32>,
        %swap3A_842 = vector.shape_cast %swap3A_841 : vector<1x16xf32> to vector<16xf32>
        %swap3A_843 = vector.shape_cast %add3A_838 : vector<16xf32> to vector<1x16xf32>
        tpu.vector_store %arg11[%swap3A_839, %swap3A_840], %swap3A_843 {strides = array<i32>} : memref<200x128xf32, #tpu.memory_space<vmem>>, vector<1x16xf32>,
        %get3A_844 = arith.index_cast %add3A_701 : i32 to index
        %get3A_845 = arith.constant 96 : index
        %get3A_846 = tpu.vector_load %arg8[%get3A_844, %get3A_845] {strides = array<i32>} : memref<200x128xf32, #tpu.memory_space<vmem>>, vector<1x16xf32>,
        %get3A_847 = vector.shape_cast %get3A_846 : vector<1x16xf32> to vector<16xf32>
        %get3A_848 = arith.index_cast %add3A_701 : i32 to index
        %get3A_849 = arith.constant 96 : index
        %get3A_850 = tpu.vector_load %arg9[%get3A_848, %get3A_849] {strides = array<i32>} : memref<200x128xf32, #tpu.memory_space<vmem>>, vector<1x16xf32>,
        %get3A_851 = vector.shape_cast %get3A_850 : vector<1x16xf32> to vector<16xf32>
        %add3A_852 = arith.addf %get3A_851, %get3A_847 : vector<16xf32>
        %swap3A_853 = arith.index_cast %add3A_701 : i32 to index
        %swap3A_854 = arith.constant 96 : index
        %swap3A_855 = tpu.vector_load %arg9[%swap3A_853, %swap3A_854] {strides = array<i32>} : memref<200x128xf32, #tpu.memory_space<vmem>>, vector<1x16xf32>,
        %swap3A_856 = vector.shape_cast %swap3A_855 : vector<1x16xf32> to vector<16xf32>
        %swap3A_857 = vector.shape_cast %add3A_852 : vector<16xf32> to vector<1x16xf32>
        tpu.vector_store %arg9[%swap3A_853, %swap3A_854], %swap3A_857 {strides = array<i32>} : memref<200x128xf32, #tpu.memory_space<vmem>>, vector<1x16xf32>,
        %get3A_858 = arith.index_cast %add3A_701 : i32 to index
        %get3A_859 = arith.constant 96 : index
        %get3A_860 = tpu.vector_load %arg11[%get3A_858, %get3A_859] {strides = array<i32>} : memref<200x128xf32, #tpu.memory_space<vmem>>, vector<1x16xf32>,
        %get3A_861 = vector.shape_cast %get3A_860 : vector<1x16xf32> to vector<16xf32>
        %add3A_862 = arith.addf %get3A_861, %get3A_847 : vector<16xf32>
        %swap3A_863 = arith.index_cast %add3A_701 : i32 to index
        %swap3A_864 = arith.constant 96 : index
        %swap3A_865 = tpu.vector_load %arg11[%swap3A_863, %swap3A_864] {strides = array<i32>} : memref<200x128xf32, #tpu.memory_space<vmem>>, vector<1x16xf32>,
        %swap3A_866 = vector.shape_cast %swap3A_865 : vector<1x16xf32> to vector<16xf32>
        %swap3A_867 = vector.shape_cast %add3A_862 : vector<16xf32> to vector<1x16xf32>
        tpu.vector_store %arg11[%swap3A_863, %swap3A_864], %swap3A_867 {strides = array<i32>} : memref<200x128xf32, #tpu.memory_space<vmem>>, vector<1x16xf32>,
        %get3A_868 = arith.index_cast %add3A_701 : i32 to index
        %get3A_869 = arith.constant 112 : index
        %get3A_870 = tpu.vector_load %arg8[%get3A_868, %get3A_869] {strides = array<i32>} : memref<200x128xf32, #tpu.memory_space<vmem>>, vector<1x16xf32>,
        %get3A_871 = vector.shape_cast %get3A_870 : vector<1x16xf32> to vector<16xf32>
        %get3A_872 = arith.index_cast %add3A_701 : i32 to index
        %get3A_873 = arith.constant 112 : index
        %get3A_874 = tpu.vector_load %arg9[%get3A_872, %get3A_873] {strides = array<i32>} : memref<200x128xf32, #tpu.memory_space<vmem>>, vector<1x16xf32>,
        %get3A_875 = vector.shape_cast %get3A_874 : vector<1x16xf32> to vector<16xf32>
        %add3A_876 = arith.addf %get3A_875, %get3A_871 : vector<16xf32>
        %swap3A_877 = arith.index_cast %add3A_701 : i32 to index
        %swap3A_878 = arith.constant 112 : index
        %swap3A_879 = tpu.vector_load %arg9[%swap3A_877, %swap3A_878] {strides = array<i32>} : memref<200x128xf32, #tpu.memory_space<vmem>>, vector<1x16xf32>,
        %swap3A_880 = vector.shape_cast %swap3A_879 : vector<1x16xf32> to vector<16xf32>
        %swap3A_881 = vector.shape_cast %add3A_876 : vector<16xf32> to vector<1x16xf32>
        tpu.vector_store %arg9[%swap3A_877, %swap3A_878], %swap3A_881 {strides = array<i32>} : memref<200x128xf32, #tpu.memory_space<vmem>>, vector<1x16xf32>,
        %get3A_882 = arith.index_cast %add3A_701 : i32 to index
        %get3A_883 = arith.constant 112 : index
        %get3A_884 = tpu.vector_load %arg11[%get3A_882, %get3A_883] {strides = array<i32>} : memref<200x128xf32, #tpu.memory_space<vmem>>, vector<1x16xf32>,
        %get3A_885 = vector.shape_cast %get3A_884 : vector<1x16xf32> to vector<16xf32>
        %add3A_886 = arith.addf %get3A_885, %get3A_871 : vector<16xf32>
        %swap3A_887 = arith.index_cast %add3A_701 : i32 to index
        %swap3A_888 = arith.constant 112 : index
        %swap3A_889 = tpu.vector_load %arg11[%swap3A_887, %swap3A_888] {strides = array<i32>} : memref<200x128xf32, #tpu.memory_space<vmem>>, vector<1x16xf32>,
        %swap3A_890 = vector.shape_cast %swap3A_889 : vector<1x16xf32> to vector<16xf32>
        %swap3A_891 = vector.shape_cast %add3A_886 : vector<16xf32> to vector<1x16xf32>
        tpu.vector_store %arg11[%swap3A_887, %swap3A_888], %swap3A_891 {strides = array<i32>} : memref<200x128xf32, #tpu.memory_space<vmem>>, vector<1x16xf32>,
        %mul3A_892 = arith.constant 2 : i32
        %mul3A_893 = arith.muli %scan3A_697, %mul3A_892 : i32
        %add3A_894 = arith.constant 1 : i32
        %add3A_895 = arith.addi %mul3A_893, %add3A_894 : i32
        %get3A_896 = arith.index_cast %add3A_895 : i32 to index
        %get3A_897 = arith.constant 0 : index
        %get3A_898 = tpu.vector_load %arg8[%get3A_896, %get3A_897] {strides = array<i32>} : memref<200x128xf32, #tpu.memory_space<vmem>>, vector<1x16xf32>,
        %get3A_899 = vector.shape_cast %get3A_898 : vector<1x16xf32> to vector<16xf32>
        %get3A_900 = arith.index_cast %add3A_895 : i32 to index
        %get3A_901 = arith.constant 0 : index
        %get3A_902 = tpu.vector_load %arg9[%get3A_900, %get3A_901] {strides = array<i32>} : memref<200x128xf32, #tpu.memory_space<vmem>>, vector<1x16xf32>,
        %get3A_903 = vector.shape_cast %get3A_902 : vector<1x16xf32> to vector<16xf32>
        %add3A_904 = arith.addf %get3A_903, %get3A_899 : vector<16xf32>
        %swap3A_905 = arith.index_cast %add3A_895 : i32 to index
        %swap3A_906 = arith.constant 0 : index
        %swap3A_907 = tpu.vector_load %arg9[%swap3A_905, %swap3A_906] {strides = array<i32>} : memref<200x128xf32, #tpu.memory_space<vmem>>, vector<1x16xf32>,
        %swap3A_908 = vector.shape_cast %swap3A_907 : vector<1x16xf32> to vector<16xf32>
        %swap3A_909 = vector.shape_cast %add3A_904 : vector<16xf32> to vector<1x16xf32>
        tpu.vector_store %arg9[%swap3A_905, %swap3A_906], %swap3A_909 {strides = array<i32>} : memref<200x128xf32, #tpu.memory_space<vmem>>, vector<1x16xf32>,
        %get3A_910 = arith.index_cast %add3A_895 : i32 to index
        %get3A_911 = arith.constant 0 : index
        %get3A_912 = tpu.vector_load %arg11[%get3A_910, %get3A_911] {strides = array<i32>} : memref<200x128xf32, #tpu.memory_space<vmem>>, vector<1x16xf32>,
        %get3A_913 = vector.shape_cast %get3A_912 : vector<1x16xf32> to vector<16xf32>
        %add3A_914 = arith.addf %get3A_913, %get3A_899 : vector<16xf32>
        %swap3A_915 = arith.index_cast %add3A_895 : i32 to index
        %swap3A_916 = arith.constant 0 : index
        %swap3A_917 = tpu.vector_load %arg11[%swap3A_915, %swap3A_916] {strides = array<i32>} : memref<200x128xf32, #tpu.memory_space<vmem>>, vector<1x16xf32>,
        %swap3A_918 = vector.shape_cast %swap3A_917 : vector<1x16xf32> to vector<16xf32>
        %swap3A_919 = vector.shape_cast %add3A_914 : vector<16xf32> to vector<1x16xf32>
        tpu.vector_store %arg11[%swap3A_915, %swap3A_916], %swap3A_919 {strides = array<i32>} : memref<200x128xf32, #tpu.memory_space<vmem>>, vector<1x16xf32>,
        %get3A_920 = arith.index_cast %add3A_895 : i32 to index
        %get3A_921 = arith.constant 16 : index
        %get3A_922 = tpu.vector_load %arg8[%get3A_920, %get3A_921] {strides = array<i32>} : memref<200x128xf32, #tpu.memory_space<vmem>>, vector<1x16xf32>,
        %get3A_923 = vector.shape_cast %get3A_922 : vector<1x16xf32> to vector<16xf32>
        %get3A_924 = arith.index_cast %add3A_895 : i32 to index
        %get3A_925 = arith.constant 16 : index
        %get3A_926 = tpu.vector_load %arg9[%get3A_924, %get3A_925] {strides = array<i32>} : memref<200x128xf32, #tpu.memory_space<vmem>>, vector<1x16xf32>,
        %get3A_927 = vector.shape_cast %get3A_926 : vector<1x16xf32> to vector<16xf32>
        %add3A_928 = arith.addf %get3A_927, %get3A_923 : vector<16xf32>
        %swap3A_929 = arith.index_cast %add3A_895 : i32 to index
        %swap3A_930 = arith.constant 16 : index
        %swap3A_931 = tpu.vector_load %arg9[%swap3A_929, %swap3A_930] {strides = array<i32>} : memref<200x128xf32, #tpu.memory_space<vmem>>, vector<1x16xf32>,
        %swap3A_932 = vector.shape_cast %swap3A_931 : vector<1x16xf32> to vector<16xf32>
        %swap3A_933 = vector.shape_cast %add3A_928 : vector<16xf32> to vector<1x16xf32>
        tpu.vector_store %arg9[%swap3A_929, %swap3A_930], %swap3A_933 {strides = array<i32>} : memref<200x128xf32, #tpu.memory_space<vmem>>, vector<1x16xf32>,
        %get3A_934 = arith.index_cast %add3A_895 : i32 to index
        %get3A_935 = arith.constant 16 : index
        %get3A_936 = tpu.vector_load %arg11[%get3A_934, %get3A_935] {strides = array<i32>} : memref<200x128xf32, #tpu.memory_space<vmem>>, vector<1x16xf32>,
        %get3A_937 = vector.shape_cast %get3A_936 : vector<1x16xf32> to vector<16xf32>
        %add3A_938 = arith.addf %get3A_937, %get3A_923 : vector<16xf32>
        %swap3A_939 = arith.index_cast %add3A_895 : i32 to index
        %swap3A_940 = arith.constant 16 : index
        %swap3A_941 = tpu.vector_load %arg11[%swap3A_939, %swap3A_940] {strides = array<i32>} : memref<200x128xf32, #tpu.memory_space<vmem>>, vector<1x16xf32>,
        %swap3A_942 = vector.shape_cast %swap3A_941 : vector<1x16xf32> to vector<16xf32>
        %swap3A_943 = vector.shape_cast %add3A_938 : vector<16xf32> to vector<1x16xf32>
        tpu.vector_store %arg11[%swap3A_939, %swap3A_940], %swap3A_943 {strides = array<i32>} : memref<200x128xf32, #tpu.memory_space<vmem>>, vector<1x16xf32>,
        %get3A_944 = arith.index_cast %add3A_895 : i32 to index
        %get3A_945 = arith.constant 32 : index
        %get3A_946 = tpu.vector_load %arg8[%get3A_944, %get3A_945] {strides = array<i32>} : memref<200x128xf32, #tpu.memory_space<vmem>>, vector<1x16xf32>,
        %get3A_947 = vector.shape_cast %get3A_946 : vector<1x16xf32> to vector<16xf32>
        %get3A_948 = arith.index_cast %add3A_895 : i32 to index
        %get3A_949 = arith.constant 32 : index
        %get3A_950 = tpu.vector_load %arg9[%get3A_948, %get3A_949] {strides = array<i32>} : memref<200x128xf32, #tpu.memory_space<vmem>>, vector<1x16xf32>,
        %get3A_951 = vector.shape_cast %get3A_950 : vector<1x16xf32> to vector<16xf32>
        %add3A_952 = arith.addf %get3A_951, %get3A_947 : vector<16xf32>
        %swap3A_953 = arith.index_cast %add3A_895 : i32 to index
        %swap3A_954 = arith.constant 32 : index
        %swap3A_955 = tpu.vector_load %arg9[%swap3A_953, %swap3A_954] {strides = array<i32>} : memref<200x128xf32, #tpu.memory_space<vmem>>, vector<1x16xf32>,
        %swap3A_956 = vector.shape_cast %swap3A_955 : vector<1x16xf32> to vector<16xf32>
        %swap3A_957 = vector.shape_cast %add3A_952 : vector<16xf32> to vector<1x16xf32>
        tpu.vector_store %arg9[%swap3A_953, %swap3A_954], %swap3A_957 {strides = array<i32>} : memref<200x128xf32, #tpu.memory_space<vmem>>, vector<1x16xf32>,
        %get3A_958 = arith.index_cast %add3A_895 : i32 to index
        %get3A_959 = arith.constant 32 : index
        %get3A_960 = tpu.vector_load %arg11[%get3A_958, %get3A_959] {strides = array<i32>} : memref<200x128xf32, #tpu.memory_space<vmem>>, vector<1x16xf32>,
        %get3A_961 = vector.shape_cast %get3A_960 : vector<1x16xf32> to vector<16xf32>
        %add3A_962 = arith.addf %get3A_961, %get3A_947 : vector<16xf32>
        %swap3A_963 = arith.index_cast %add3A_895 : i32 to index
        %swap3A_964 = arith.constant 32 : index
        %swap3A_965 = tpu.vector_load %arg11[%swap3A_963, %swap3A_964] {strides = array<i32>} : memref<200x128xf32, #tpu.memory_space<vmem>>, vector<1x16xf32>,
        %swap3A_966 = vector.shape_cast %swap3A_965 : vector<1x16xf32> to vector<16xf32>
        %swap3A_967 = vector.shape_cast %add3A_962 : vector<16xf32> to vector<1x16xf32>
        tpu.vector_store %arg11[%swap3A_963, %swap3A_964], %swap3A_967 {strides = array<i32>} : memref<200x128xf32, #tpu.memory_space<vmem>>, vector<1x16xf32>,
        %get3A_968 = arith.index_cast %add3A_895 : i32 to index
        %get3A_969 = arith.constant 48 : index
        %get3A_970 = tpu.vector_load %arg8[%get3A_968, %get3A_969] {strides = array<i32>} : memref<200x128xf32, #tpu.memory_space<vmem>>, vector<1x16xf32>,
        %get3A_971 = vector.shape_cast %get3A_970 : vector<1x16xf32> to vector<16xf32>
        %get3A_972 = arith.index_cast %add3A_895 : i32 to index
        %get3A_973 = arith.constant 48 : index
        %get3A_974 = tpu.vector_load %arg9[%get3A_972, %get3A_973] {strides = array<i32>} : memref<200x128xf32, #tpu.memory_space<vmem>>, vector<1x16xf32>,
        %get3A_975 = vector.shape_cast %get3A_974 : vector<1x16xf32> to vector<16xf32>
        %add3A_976 = arith.addf %get3A_975, %get3A_971 : vector<16xf32>
        %swap3A_977 = arith.index_cast %add3A_895 : i32 to index
        %swap3A_978 = arith.constant 48 : index
        %swap3A_979 = tpu.vector_load %arg9[%swap3A_977, %swap3A_978] {strides = array<i32>} : memref<200x128xf32, #tpu.memory_space<vmem>>, vector<1x16xf32>,
        %swap3A_980 = vector.shape_cast %swap3A_979 : vector<1x16xf32> to vector<16xf32>
        %swap3A_981 = vector.shape_cast %add3A_976 : vector<16xf32> to vector<1x16xf32>
        tpu.vector_store %arg9[%swap3A_977, %swap3A_978], %swap3A_981 {strides = array<i32>} : memref<200x128xf32, #tpu.memory_space<vmem>>, vector<1x16xf32>,
        %get3A_982 = arith.index_cast %add3A_895 : i32 to index
        %get3A_983 = arith.constant 48 : index
        %get3A_984 = tpu.vector_load %arg11[%get3A_982, %get3A_983] {strides = array<i32>} : memref<200x128xf32, #tpu.memory_space<vmem>>, vector<1x16xf32>,
        %get3A_985 = vector.shape_cast %get3A_984 : vector<1x16xf32> to vector<16xf32>
        %add3A_986 = arith.addf %get3A_985, %get3A_971 : vector<16xf32>
        %swap3A_987 = arith.index_cast %add3A_895 : i32 to index
        %swap3A_988 = arith.constant 48 : index
        %swap3A_989 = tpu.vector_load %arg11[%swap3A_987, %swap3A_988] {strides = array<i32>} : memref<200x128xf32, #tpu.memory_space<vmem>>, vector<1x16xf32>,
        %swap3A_990 = vector.shape_cast %swap3A_989 : vector<1x16xf32> to vector<16xf32>
        %swap3A_991 = vector.shape_cast %add3A_986 : vector<16xf32> to vector<1x16xf32>
        tpu.vector_store %arg11[%swap3A_987, %swap3A_988], %swap3A_991 {strides = array<i32>} : memref<200x128xf32, #tpu.memory_space<vmem>>, vector<1x16xf32>,
        %get3A_992 = arith.index_cast %add3A_895 : i32 to index
        %get3A_993 = arith.constant 64 : index
        %get3A_994 = tpu.vector_load %arg8[%get3A_992, %get3A_993] {strides = array<i32>} : memref<200x128xf32, #tpu.memory_space<vmem>>, vector<1x16xf32>,
        %get3A_995 = vector.shape_cast %get3A_994 : vector<1x16xf32> to vector<16xf32>
        %get3A_996 = arith.index_cast %add3A_895 : i32 to index
        %get3A_997 = arith.constant 64 : index
        %get3A_998 = tpu.vector_load %arg9[%get3A_996, %get3A_997] {strides = array<i32>} : memref<200x128xf32, #tpu.memory_space<vmem>>, vector<1x16xf32>,
        %get3A_999 = vector.shape_cast %get3A_998 : vector<1x16xf32> to vector<16xf32>
        %add3A_1000 = arith.addf %get3A_999, %get3A_995 : vector<16xf32>
        %swap3A_1001 = arith.index_cast %add3A_895 : i32 to index
        %swap3A_1002 = arith.constant 64 : index
        %swap3A_1003 = tpu.vector_load %arg9[%swap3A_1001, %swap3A_1002] {strides = array<i32>} : memref<200x128xf32, #tpu.memory_space<vmem>>, vector<1x16xf32>,
        %swap3A_1004 = vector.shape_cast %swap3A_1003 : vector<1x16xf32> to vector<16xf32>
        %swap3A_1005 = vector.shape_cast %add3A_1000 : vector<16xf32> to vector<1x16xf32>
        tpu.vector_store %arg9[%swap3A_1001, %swap3A_1002], %swap3A_1005 {strides = array<i32>} : memref<200x128xf32, #tpu.memory_space<vmem>>, vector<1x16xf32>,
        %get3A_1006 = arith.index_cast %add3A_895 : i32 to index
        %get3A_1007 = arith.constant 64 : index
        %get3A_1008 = tpu.vector_load %arg11[%get3A_1006, %get3A_1007] {strides = array<i32>} : memref<200x128xf32, #tpu.memory_space<vmem>>, vector<1x16xf32>,
        %get3A_1009 = vector.shape_cast %get3A_1008 : vector<1x16xf32> to vector<16xf32>
        %add3A_1010 = arith.addf %get3A_1009, %get3A_995 : vector<16xf32>
        %swap3A_1011 = arith.index_cast %add3A_895 : i32 to index
        %swap3A_1012 = arith.constant 64 : index
        %swap3A_1013 = tpu.vector_load %arg11[%swap3A_1011, %swap3A_1012] {strides = array<i32>} : memref<200x128xf32, #tpu.memory_space<vmem>>, vector<1x16xf32>,
        %swap3A_1014 = vector.shape_cast %swap3A_1013 : vector<1x16xf32> to vector<16xf32>
        %swap3A_1015 = vector.shape_cast %add3A_1010 : vector<16xf32> to vector<1x16xf32>
        tpu.vector_store %arg11[%swap3A_1011, %swap3A_1012], %swap3A_1015 {strides = array<i32>} : memref<200x128xf32, #tpu.memory_space<vmem>>, vector<1x16xf32>,
        %get3A_1016 = arith.index_cast %add3A_895 : i32 to index
        %get3A_1017 = arith.constant 80 : index
        %get3A_1018 = tpu.vector_load %arg8[%get3A_1016, %get3A_1017] {strides = array<i32>} : memref<200x128xf32, #tpu.memory_space<vmem>>, vector<1x16xf32>,
        %get3A_1019 = vector.shape_cast %get3A_1018 : vector<1x16xf32> to vector<16xf32>
        %get3A_1020 = arith.index_cast %add3A_895 : i32 to index
        %get3A_1021 = arith.constant 80 : index
        %get3A_1022 = tpu.vector_load %arg9[%get3A_1020, %get3A_1021] {strides = array<i32>} : memref<200x128xf32, #tpu.memory_space<vmem>>, vector<1x16xf32>,
        %get3A_1023 = vector.shape_cast %get3A_1022 : vector<1x16xf32> to vector<16xf32>
        %add3A_1024 = arith.addf %get3A_1023, %get3A_1019 : vector<16xf32>
        %swap3A_1025 = arith.index_cast %add3A_895 : i32 to index
        %swap3A_1026 = arith.constant 80 : index
        %swap3A_1027 = tpu.vector_load %arg9[%swap3A_1025, %swap3A_1026] {strides = array<i32>} : memref<200x128xf32, #tpu.memory_space<vmem>>, vector<1x16xf32>,
        %swap3A_1028 = vector.shape_cast %swap3A_1027 : vector<1x16xf32> to vector<16xf32>
        %swap3A_1029 = vector.shape_cast %add3A_1024 : vector<16xf32> to vector<1x16xf32>
        tpu.vector_store %arg9[%swap3A_1025, %swap3A_1026], %swap3A_1029 {strides = array<i32>} : memref<200x128xf32, #tpu.memory_space<vmem>>, vector<1x16xf32>,
        %get3A_1030 = arith.index_cast %add3A_895 : i32 to index
        %get3A_1031 = arith.constant 80 : index
        %get3A_1032 = tpu.vector_load %arg11[%get3A_1030, %get3A_1031] {strides = array<i32>} : memref<200x128xf32, #tpu.memory_space<vmem>>, vector<1x16xf32>,
        %get3A_1033 = vector.shape_cast %get3A_1032 : vector<1x16xf32> to vector<16xf32>
        %add3A_1034 = arith.addf %get3A_1033, %get3A_1019 : vector<16xf32>
        %swap3A_1035 = arith.index_cast %add3A_895 : i32 to index
        %swap3A_1036 = arith.constant 80 : index
        %swap3A_1037 = tpu.vector_load %arg11[%swap3A_1035, %swap3A_1036] {strides = array<i32>} : memref<200x128xf32, #tpu.memory_space<vmem>>, vector<1x16xf32>,
        %swap3A_1038 = vector.shape_cast %swap3A_1037 : vector<1x16xf32> to vector<16xf32>
        %swap3A_1039 = vector.shape_cast %add3A_1034 : vector<16xf32> to vector<1x16xf32>
        tpu.vector_store %arg11[%swap3A_1035, %swap3A_1036], %swap3A_1039 {strides = array<i32>} : memref<200x128xf32, #tpu.memory_space<vmem>>, vector<1x16xf32>,
        %get3A_1040 = arith.index_cast %add3A_895 : i32 to index
        %get3A_1041 = arith.constant 96 : index
        %get3A_1042 = tpu.vector_load %arg8[%get3A_1040, %get3A_1041] {strides = array<i32>} : memref<200x128xf32, #tpu.memory_space<vmem>>, vector<1x16xf32>,
        %get3A_1043 = vector.shape_cast %get3A_1042 : vector<1x16xf32> to vector<16xf32>
        %get3A_1044 = arith.index_cast %add3A_895 : i32 to index
        %get3A_1045 = arith.constant 96 : index
        %get3A_1046 = tpu.vector_load %arg9[%get3A_1044, %get3A_1045] {strides = array<i32>} : memref<200x128xf32, #tpu.memory_space<vmem>>, vector<1x16xf32>,
        %get3A_1047 = vector.shape_cast %get3A_1046 : vector<1x16xf32> to vector<16xf32>
        %add3A_1048 = arith.addf %get3A_1047, %get3A_1043 : vector<16xf32>
        %swap3A_1049 = arith.index_cast %add3A_895 : i32 to index
        %swap3A_1050 = arith.constant 96 : index
        %swap3A_1051 = tpu.vector_load %arg9[%swap3A_1049, %swap3A_1050] {strides = array<i32>} : memref<200x128xf32, #tpu.memory_space<vmem>>, vector<1x16xf32>,
        %swap3A_1052 = vector.shape_cast %swap3A_1051 : vector<1x16xf32> to vector<16xf32>
        %swap3A_1053 = vector.shape_cast %add3A_1048 : vector<16xf32> to vector<1x16xf32>
        tpu.vector_store %arg9[%swap3A_1049, %swap3A_1050], %swap3A_1053 {strides = array<i32>} : memref<200x128xf32, #tpu.memory_space<vmem>>, vector<1x16xf32>,
        %get3A_1054 = arith.index_cast %add3A_895 : i32 to index
        %get3A_1055 = arith.constant 96 : index
        %get3A_1056 = tpu.vector_load %arg11[%get3A_1054, %get3A_1055] {strides = array<i32>} : memref<200x128xf32, #tpu.memory_space<vmem>>, vector<1x16xf32>,
        %get3A_1057 = vector.shape_cast %get3A_1056 : vector<1x16xf32> to vector<16xf32>
        %add3A_1058 = arith.addf %get3A_1057, %get3A_1043 : vector<16xf32>
        %swap3A_1059 = arith.index_cast %add3A_895 : i32 to index
        %swap3A_1060 = arith.constant 96 : index
        %swap3A_1061 = tpu.vector_load %arg11[%swap3A_1059, %swap3A_1060] {strides = array<i32>} : memref<200x128xf32, #tpu.memory_space<vmem>>, vector<1x16xf32>,
        %swap3A_1062 = vector.shape_cast %swap3A_1061 : vector<1x16xf32> to vector<16xf32>
        %swap3A_1063 = vector.shape_cast %add3A_1058 : vector<16xf32> to vector<1x16xf32>
        tpu.vector_store %arg11[%swap3A_1059, %swap3A_1060], %swap3A_1063 {strides = array<i32>} : memref<200x128xf32, #tpu.memory_space<vmem>>, vector<1x16xf32>,
        %get3A_1064 = arith.index_cast %add3A_895 : i32 to index
        %get3A_1065 = arith.constant 112 : index
        %get3A_1066 = tpu.vector_load %arg8[%get3A_1064, %get3A_1065] {strides = array<i32>} : memref<200x128xf32, #tpu.memory_space<vmem>>, vector<1x16xf32>,
        %get3A_1067 = vector.shape_cast %get3A_1066 : vector<1x16xf32> to vector<16xf32>
        %get3A_1068 = arith.index_cast %add3A_895 : i32 to index
        %get3A_1069 = arith.constant 112 : index
        %get3A_1070 = tpu.vector_load %arg9[%get3A_1068, %get3A_1069] {strides = array<i32>} : memref<200x128xf32, #tpu.memory_space<vmem>>, vector<1x16xf32>,
        %get3A_1071 = vector.shape_cast %get3A_1070 : vector<1x16xf32> to vector<16xf32>
        %add3A_1072 = arith.addf %get3A_1071, %get3A_1067 : vector<16xf32>
        %swap3A_1073 = arith.index_cast %add3A_895 : i32 to index
        %swap3A_1074 = arith.constant 112 : index
        %swap3A_1075 = tpu.vector_load %arg9[%swap3A_1073, %swap3A_1074] {strides = array<i32>} : memref<200x128xf32, #tpu.memory_space<vmem>>, vector<1x16xf32>,
        %swap3A_1076 = vector.shape_cast %swap3A_1075 : vector<1x16xf32> to vector<16xf32>
        %swap3A_1077 = vector.shape_cast %add3A_1072 : vector<16xf32> to vector<1x16xf32>
        tpu.vector_store %arg9[%swap3A_1073, %swap3A_1074], %swap3A_1077 {strides = array<i32>} : memref<200x128xf32, #tpu.memory_space<vmem>>, vector<1x16xf32>,
        %get3A_1078 = arith.index_cast %add3A_895 : i32 to index
        %get3A_1079 = arith.constant 112 : index
        %get3A_1080 = tpu.vector_load %arg11[%get3A_1078, %get3A_1079] {strides = array<i32>} : memref<200x128xf32, #tpu.memory_space<vmem>>, vector<1x16xf32>,
        %get3A_1081 = vector.shape_cast %get3A_1080 : vector<1x16xf32> to vector<16xf32>
        %add3A_1082 = arith.addf %get3A_1081, %get3A_1067 : vector<16xf32>
        %swap3A_1083 = arith.index_cast %add3A_895 : i32 to index
        %swap3A_1084 = arith.constant 112 : index
        %swap3A_1085 = tpu.vector_load %arg11[%swap3A_1083, %swap3A_1084] {strides = array<i32>} : memref<200x128xf32, #tpu.memory_space<vmem>>, vector<1x16xf32>,
        %swap3A_1086 = vector.shape_cast %swap3A_1085 : vector<1x16xf32> to vector<16xf32>
        %swap3A_1087 = vector.shape_cast %add3A_1082 : vector<16xf32> to vector<1x16xf32>
        tpu.vector_store %arg11[%swap3A_1083, %swap3A_1084], %swap3A_1087 {strides = array<i32>} : memref<200x128xf32, #tpu.memory_space<vmem>>, vector<1x16xf32>,
      }
      %scan3A_126 = arith.constant 100 : i32
      %mul3A_127 = arith.constant 200 : i32
      %mul3A_128 = arith.muli %add3A_66, %mul3A_127 : i32
      %add3A_129 = arith.addi %mul3A_2, %mul3A_128 : i32
      %dma_start3A_130 = arith.constant 0 : i32
      %dma_start3A_131 = tpu.memref_slice %arg6[%add3A_129, %dma_start3A_130] : memref<204800x256xf32, #tpu.memory_space<hbm>> -> memref<200x128xf32, #tpu.memory_space<hbm>>
      %dma_start3A_132 = arith.constant 0 : i32
      %dma_start3A_133 = tpu.memref_slice %arg6[%add3A_129, %dma_start3A_132] : memref<204800x256xf32, #tpu.memory_space<hbm>> -> memref<200x128xf32, #tpu.memory_space<hbm>>
      tpu.enqueue_dma source(%arg9 : memref<200x128xf32, #tpu.memory_space<vmem>>) target(%dma_start3A_133 : memref<200x128xf32, #tpu.memory_space<hbm>>) target_semaphore(%arg17 : memref<!tpu.dma_semaphore, #tpu.memory_space<semaphore_mem>>)
      %dma_start3A_134 = arith.constant 128 : i32
      %dma_start3A_135 = tpu.memref_slice %arg6[%add3A_129, %dma_start3A_134] : memref<204800x256xf32, #tpu.memory_space<hbm>> -> memref<200x128xf32, #tpu.memory_space<hbm>>
      %dma_start3A_136 = arith.constant 128 : i32
      %dma_start3A_137 = tpu.memref_slice %arg6[%add3A_129, %dma_start3A_136] : memref<204800x256xf32, #tpu.memory_space<hbm>> -> memref<200x128xf32, #tpu.memory_space<hbm>>
      tpu.enqueue_dma source(%arg11 : memref<200x128xf32, #tpu.memory_space<vmem>>) target(%dma_start3A_137 : memref<200x128xf32, #tpu.memory_space<hbm>>) target_semaphore(%arg17 : memref<!tpu.dma_semaphore, #tpu.memory_space<semaphore_mem>>)
      %mul3A_138 = arith.constant 8 : i32
      %mul3A_139 = arith.muli %scan3A_62, %mul3A_138 : i32
      %add3A_140 = arith.constant 1 : i32
      %add3A_141 = arith.addi %mul3A_139, %add3A_140 : i32
      %dma_wait3A_142 = arith.constant 0 : i32
      %dma_wait3A_143 = arith.constant 0 : i32
      %dma_wait3A_144 = tpu.memref_slice %arg6[%dma_wait3A_142, %dma_wait3A_143] : memref<204800x256xf32, #tpu.memory_space<hbm>> -> memref<200x128xf32, #tpu.memory_space<hbm>>
      %dma_wait3A_145 = arith.constant 0 : i32
      %dma_wait3A_146 = arith.constant 0 : i32
      %dma_wait3A_147 = tpu.memref_slice %arg6[%dma_wait3A_145, %dma_wait3A_146] : memref<204800x256xf32, #tpu.memory_space<hbm>> -> memref<200x128xf32, #tpu.memory_space<hbm>>
      tpu.wait_dma2 semaphore(%arg17 : memref<!tpu.dma_semaphore, #tpu.memory_space<semaphore_mem>>) src(%arg9 : memref<200x128xf32, #tpu.memory_space<vmem>>) dst(%dma_wait3A_147 : memref<200x128xf32, #tpu.memory_space<hbm>>)
      %dma_wait3A_148 = arith.constant 0 : i32
      %dma_wait3A_149 = arith.constant 128 : i32
      %dma_wait3A_150 = tpu.memref_slice %arg6[%dma_wait3A_148, %dma_wait3A_149] : memref<204800x256xf32, #tpu.memory_space<hbm>> -> memref<200x128xf32, #tpu.memory_space<hbm>>
      %dma_wait3A_151 = arith.constant 0 : i32
      %dma_wait3A_152 = arith.constant 128 : i32
      %dma_wait3A_153 = tpu.memref_slice %arg6[%dma_wait3A_151, %dma_wait3A_152] : memref<204800x256xf32, #tpu.memory_space<hbm>> -> memref<200x128xf32, #tpu.memory_space<hbm>>
      tpu.wait_dma2 semaphore(%arg17 : memref<!tpu.dma_semaphore, #tpu.memory_space<semaphore_mem>>) src(%arg11 : memref<200x128xf32, #tpu.memory_space<vmem>>) dst(%dma_wait3A_153 : memref<200x128xf32, #tpu.memory_space<hbm>>)
      %dma_start3A_154 = arith.constant 4 : i32
      %dma_start3A_155 = arith.constant 0 : i32
      %dma_start3A_156 = arith.constant 0 : i32
      %dma_start3A_157 = tpu.memref_slice %arg9[%dma_start3A_155, %dma_start3A_156] : memref<200x128xf32, #tpu.memory_space<vmem>> -> memref<100x128xf32, #tpu.memory_space<vmem>>
      %dma_start3A_158 = arith.constant 0 : i32
      %dma_start3A_159 = tpu.memref_slice %arg7[%dma_start3A_154, %dma_start3A_158] : memref<16x100xi32, #tpu.memory_space<vmem>> -> memref<1x100xi32, #tpu.memory_space<vmem>>
      %dma_start3A_160 = tpu.memref_squeeze %dma_start3A_159 : memref<1x100xi32, #tpu.memory_space<vmem>> -> memref<100xi32, #tpu.memory_space<vmem>>
      %dma_start3A_161 = arith.constant 0 : i32
      %dma_start3A_162 = arith.constant 0 : i32
      %dma_start3A_163 = tpu.memref_slice %arg3[%dma_start3A_161, %dma_start3A_162] : memref<100000x128xf32, #tpu.memory_space<hbm>> -> memref<100000x128xf32, #tpu.memory_space<hbm>>
      tpu.enqueue_indirect_dma source(%dma_start3A_163 : memref<100000x128xf32, #tpu.memory_space<hbm>>) target(%dma_start3A_157 : memref<100x128xf32, #tpu.memory_space<vmem>>) offsets(%dma_start3A_160 : memref<100xi32, #tpu.memory_space<vmem>>) semaphore(%arg13 : memref<!tpu.dma_semaphore, #tpu.memory_space<semaphore_mem>>)
      %dma_start3A_164 = arith.constant 5 : i32
      %dma_start3A_165 = arith.constant 100 : i32
      %dma_start3A_166 = arith.constant 0 : i32
      %dma_start3A_167 = tpu.memref_slice %arg9[%dma_start3A_165, %dma_start3A_166] : memref<200x128xf32, #tpu.memory_space<vmem>> -> memref<100x128xf32, #tpu.memory_space<vmem>>
      %dma_start3A_168 = arith.constant 0 : i32
      %dma_start3A_169 = tpu.memref_slice %arg7[%dma_start3A_164, %dma_start3A_168] : memref<16x100xi32, #tpu.memory_space<vmem>> -> memref<1x100xi32, #tpu.memory_space<vmem>>
      %dma_start3A_170 = tpu.memref_squeeze %dma_start3A_169 : memref<1x100xi32, #tpu.memory_space<vmem>> -> memref<100xi32, #tpu.memory_space<vmem>>
      %dma_start3A_171 = arith.constant 0 : i32
      %dma_start3A_172 = arith.constant 0 : i32
      %dma_start3A_173 = tpu.memref_slice %arg3[%dma_start3A_171, %dma_start3A_172] : memref<100000x128xf32, #tpu.memory_space<hbm>> -> memref<100000x128xf32, #tpu.memory_space<hbm>>
      tpu.enqueue_indirect_dma source(%dma_start3A_173 : memref<100000x128xf32, #tpu.memory_space<hbm>>) target(%dma_start3A_167 : memref<100x128xf32, #tpu.memory_space<vmem>>) offsets(%dma_start3A_170 : memref<100xi32, #tpu.memory_space<vmem>>) semaphore(%arg13 : memref<!tpu.dma_semaphore, #tpu.memory_space<semaphore_mem>>)
      %dma_start3A_174 = arith.constant 4 : i32
      %dma_start3A_175 = arith.constant 0 : i32
      %dma_start3A_176 = arith.constant 0 : i32
      %dma_start3A_177 = tpu.memref_slice %arg11[%dma_start3A_175, %dma_start3A_176] : memref<200x128xf32, #tpu.memory_space<vmem>> -> memref<100x128xf32, #tpu.memory_space<vmem>>
      %dma_start3A_178 = arith.constant 0 : i32
      %dma_start3A_179 = tpu.memref_slice %arg7[%dma_start3A_174, %dma_start3A_178] : memref<16x100xi32, #tpu.memory_space<vmem>> -> memref<1x100xi32, #tpu.memory_space<vmem>>
      %dma_start3A_180 = tpu.memref_squeeze %dma_start3A_179 : memref<1x100xi32, #tpu.memory_space<vmem>> -> memref<100xi32, #tpu.memory_space<vmem>>
      %dma_start3A_181 = arith.constant 0 : i32
      %dma_start3A_182 = arith.constant 0 : i32
      %dma_start3A_183 = tpu.memref_slice %arg4[%dma_start3A_181, %dma_start3A_182] : memref<100000x128xf32, #tpu.memory_space<hbm>> -> memref<100000x128xf32, #tpu.memory_space<hbm>>
      tpu.enqueue_indirect_dma source(%dma_start3A_183 : memref<100000x128xf32, #tpu.memory_space<hbm>>) target(%dma_start3A_177 : memref<100x128xf32, #tpu.memory_space<vmem>>) offsets(%dma_start3A_180 : memref<100xi32, #tpu.memory_space<vmem>>) semaphore(%arg15 : memref<!tpu.dma_semaphore, #tpu.memory_space<semaphore_mem>>)
      %dma_start3A_184 = arith.constant 5 : i32
      %dma_start3A_185 = arith.constant 100 : i32
      %dma_start3A_186 = arith.constant 0 : i32
      %dma_start3A_187 = tpu.memref_slice %arg11[%dma_start3A_185, %dma_start3A_186] : memref<200x128xf32, #tpu.memory_space<vmem>> -> memref<100x128xf32, #tpu.memory_space<vmem>>
      %dma_start3A_188 = arith.constant 0 : i32
      %dma_start3A_189 = tpu.memref_slice %arg7[%dma_start3A_184, %dma_start3A_188] : memref<16x100xi32, #tpu.memory_space<vmem>> -> memref<1x100xi32, #tpu.memory_space<vmem>>
      %dma_start3A_190 = tpu.memref_squeeze %dma_start3A_189 : memref<1x100xi32, #tpu.memory_space<vmem>> -> memref<100xi32, #tpu.memory_space<vmem>>
      %dma_start3A_191 = arith.constant 0 : i32
      %dma_start3A_192 = arith.constant 0 : i32
      %dma_start3A_193 = tpu.memref_slice %arg4[%dma_start3A_191, %dma_start3A_192] : memref<100000x128xf32, #tpu.memory_space<hbm>> -> memref<100000x128xf32, #tpu.memory_space<hbm>>
      tpu.enqueue_indirect_dma source(%dma_start3A_193 : memref<100000x128xf32, #tpu.memory_space<hbm>>) target(%dma_start3A_187 : memref<100x128xf32, #tpu.memory_space<vmem>>) offsets(%dma_start3A_190 : memref<100xi32, #tpu.memory_space<vmem>>) semaphore(%arg15 : memref<!tpu.dma_semaphore, #tpu.memory_space<semaphore_mem>>)
      %dma_wait3A_194 = arith.constant 0 : i32
      %dma_wait3A_195 = arith.constant 0 : i32
      %dma_wait3A_196 = tpu.memref_slice %arg3[%dma_wait3A_194, %dma_wait3A_195] : memref<100000x128xf32, #tpu.memory_space<hbm>> -> memref<200x128xf32, #tpu.memory_space<hbm>>
      %dma_wait3A_197 = arith.constant 0 : i32
      %dma_wait3A_198 = arith.constant 0 : i32
      %dma_wait3A_199 = tpu.memref_slice %arg3[%dma_wait3A_197, %dma_wait3A_198] : memref<100000x128xf32, #tpu.memory_space<hbm>> -> memref<200x128xf32, #tpu.memory_space<hbm>>
      tpu.wait_dma2 semaphore(%arg14 : memref<!tpu.dma_semaphore, #tpu.memory_space<semaphore_mem>>) src(%dma_wait3A_199 : memref<200x128xf32, #tpu.memory_space<hbm>>) dst(%arg10 : memref<200x128xf32, #tpu.memory_space<vmem>>)
      %dma_wait3A_200 = arith.constant 0 : i32
      %dma_wait3A_201 = arith.constant 0 : i32
      %dma_wait3A_202 = tpu.memref_slice %arg4[%dma_wait3A_200, %dma_wait3A_201] : memref<100000x128xf32, #tpu.memory_space<hbm>> -> memref<200x128xf32, #tpu.memory_space<hbm>>
      %dma_wait3A_203 = arith.constant 0 : i32
      %dma_wait3A_204 = arith.constant 0 : i32
      %dma_wait3A_205 = tpu.memref_slice %arg4[%dma_wait3A_203, %dma_wait3A_204] : memref<100000x128xf32, #tpu.memory_space<hbm>> -> memref<200x128xf32, #tpu.memory_space<hbm>>
      tpu.wait_dma2 semaphore(%arg16 : memref<!tpu.dma_semaphore, #tpu.memory_space<semaphore_mem>>) src(%dma_wait3A_205 : memref<200x128xf32, #tpu.memory_space<hbm>>) dst(%arg12 : memref<200x128xf32, #tpu.memory_space<vmem>>)
      %scan3A_206 = arith.constant 0 : i32
      %scan3A_207 = arith.constant 0 : i32
      %scan3A_208 = arith.constant 100 : i32
      %scan3A_209 = arith.addi %scan3A_207, %scan3A_208 : i32
      %scan3A_210 = arith.constant 1 : i32
      scf.for %scan3A_697 = %scan3A_207 to %scan3A_209 step %scan3A_210  : i32 {
        %mul3A_698 = arith.constant 2 : i32
        %mul3A_699 = arith.muli %scan3A_697, %mul3A_698 : i32
        %add3A_700 = arith.constant 0 : i32
        %add3A_701 = arith.addi %mul3A_699, %add3A_700 : i32
        %get3A = arith.index_cast %add3A_701 : i32 to index
        %get3A_702 = arith.constant 0 : index
        %get3A_703 = tpu.vector_load %arg8[%get3A, %get3A_702] {strides = array<i32>} : memref<200x128xf32, #tpu.memory_space<vmem>>, vector<1x16xf32>,
        %get3A_704 = vector.shape_cast %get3A_703 : vector<1x16xf32> to vector<16xf32>
        %get3A_705 = arith.index_cast %add3A_701 : i32 to index
        %get3A_706 = arith.constant 0 : index
        %get3A_707 = tpu.vector_load %arg10[%get3A_705, %get3A_706] {strides = array<i32>} : memref<200x128xf32, #tpu.memory_space<vmem>>, vector<1x16xf32>,
        %get3A_708 = vector.shape_cast %get3A_707 : vector<1x16xf32> to vector<16xf32>
        %add3A_709 = arith.addf %get3A_708, %get3A_704 : vector<16xf32>
        %swap3A = arith.index_cast %add3A_701 : i32 to index
        %swap3A_710 = arith.constant 0 : index
        %swap3A_711 = tpu.vector_load %arg10[%swap3A, %swap3A_710] {strides = array<i32>} : memref<200x128xf32, #tpu.memory_space<vmem>>, vector<1x16xf32>,
        %swap3A_712 = vector.shape_cast %swap3A_711 : vector<1x16xf32> to vector<16xf32>
        %swap3A_713 = vector.shape_cast %add3A_709 : vector<16xf32> to vector<1x16xf32>
        tpu.vector_store %arg10[%swap3A, %swap3A_710], %swap3A_713 {strides = array<i32>} : memref<200x128xf32, #tpu.memory_space<vmem>>, vector<1x16xf32>,
        %get3A_714 = arith.index_cast %add3A_701 : i32 to index
        %get3A_715 = arith.constant 0 : index
        %get3A_716 = tpu.vector_load %arg12[%get3A_714, %get3A_715] {strides = array<i32>} : memref<200x128xf32, #tpu.memory_space<vmem>>, vector<1x16xf32>,
        %get3A_717 = vector.shape_cast %get3A_716 : vector<1x16xf32> to vector<16xf32>
        %add3A_718 = arith.addf %get3A_717, %get3A_704 : vector<16xf32>
        %swap3A_719 = arith.index_cast %add3A_701 : i32 to index
        %swap3A_720 = arith.constant 0 : index
        %swap3A_721 = tpu.vector_load %arg12[%swap3A_719, %swap3A_720] {strides = array<i32>} : memref<200x128xf32, #tpu.memory_space<vmem>>, vector<1x16xf32>,
        %swap3A_722 = vector.shape_cast %swap3A_721 : vector<1x16xf32> to vector<16xf32>
        %swap3A_723 = vector.shape_cast %add3A_718 : vector<16xf32> to vector<1x16xf32>
        tpu.vector_store %arg12[%swap3A_719, %swap3A_720], %swap3A_723 {strides = array<i32>} : memref<200x128xf32, #tpu.memory_space<vmem>>, vector<1x16xf32>,
        %get3A_724 = arith.index_cast %add3A_701 : i32 to index
        %get3A_725 = arith.constant 16 : index
        %get3A_726 = tpu.vector_load %arg8[%get3A_724, %get3A_725] {strides = array<i32>} : memref<200x128xf32, #tpu.memory_space<vmem>>, vector<1x16xf32>,
        %get3A_727 = vector.shape_cast %get3A_726 : vector<1x16xf32> to vector<16xf32>
        %get3A_728 = arith.index_cast %add3A_701 : i32 to index
        %get3A_729 = arith.constant 16 : index
        %get3A_730 = tpu.vector_load %arg10[%get3A_728, %get3A_729] {strides = array<i32>} : memref<200x128xf32, #tpu.memory_space<vmem>>, vector<1x16xf32>,
        %get3A_731 = vector.shape_cast %get3A_730 : vector<1x16xf32> to vector<16xf32>
        %add3A_732 = arith.addf %get3A_731, %get3A_727 : vector<16xf32>
        %swap3A_733 = arith.index_cast %add3A_701 : i32 to index
        %swap3A_734 = arith.constant 16 : index
        %swap3A_735 = tpu.vector_load %arg10[%swap3A_733, %swap3A_734] {strides = array<i32>} : memref<200x128xf32, #tpu.memory_space<vmem>>, vector<1x16xf32>,
        %swap3A_736 = vector.shape_cast %swap3A_735 : vector<1x16xf32> to vector<16xf32>
        %swap3A_737 = vector.shape_cast %add3A_732 : vector<16xf32> to vector<1x16xf32>
        tpu.vector_store %arg10[%swap3A_733, %swap3A_734], %swap3A_737 {strides = array<i32>} : memref<200x128xf32, #tpu.memory_space<vmem>>, vector<1x16xf32>,
        %get3A_738 = arith.index_cast %add3A_701 : i32 to index
        %get3A_739 = arith.constant 16 : index
        %get3A_740 = tpu.vector_load %arg12[%get3A_738, %get3A_739] {strides = array<i32>} : memref<200x128xf32, #tpu.memory_space<vmem>>, vector<1x16xf32>,
        %get3A_741 = vector.shape_cast %get3A_740 : vector<1x16xf32> to vector<16xf32>
        %add3A_742 = arith.addf %get3A_741, %get3A_727 : vector<16xf32>
        %swap3A_743 = arith.index_cast %add3A_701 : i32 to index
        %swap3A_744 = arith.constant 16 : index
        %swap3A_745 = tpu.vector_load %arg12[%swap3A_743, %swap3A_744] {strides = array<i32>} : memref<200x128xf32, #tpu.memory_space<vmem>>, vector<1x16xf32>,
        %swap3A_746 = vector.shape_cast %swap3A_745 : vector<1x16xf32> to vector<16xf32>
        %swap3A_747 = vector.shape_cast %add3A_742 : vector<16xf32> to vector<1x16xf32>
        tpu.vector_store %arg12[%swap3A_743, %swap3A_744], %swap3A_747 {strides = array<i32>} : memref<200x128xf32, #tpu.memory_space<vmem>>, vector<1x16xf32>,
        %get3A_748 = arith.index_cast %add3A_701 : i32 to index
        %get3A_749 = arith.constant 32 : index
        %get3A_750 = tpu.vector_load %arg8[%get3A_748, %get3A_749] {strides = array<i32>} : memref<200x128xf32, #tpu.memory_space<vmem>>, vector<1x16xf32>,
        %get3A_751 = vector.shape_cast %get3A_750 : vector<1x16xf32> to vector<16xf32>
        %get3A_752 = arith.index_cast %add3A_701 : i32 to index
        %get3A_753 = arith.constant 32 : index
        %get3A_754 = tpu.vector_load %arg10[%get3A_752, %get3A_753] {strides = array<i32>} : memref<200x128xf32, #tpu.memory_space<vmem>>, vector<1x16xf32>,
        %get3A_755 = vector.shape_cast %get3A_754 : vector<1x16xf32> to vector<16xf32>
        %add3A_756 = arith.addf %get3A_755, %get3A_751 : vector<16xf32>
        %swap3A_757 = arith.index_cast %add3A_701 : i32 to index
        %swap3A_758 = arith.constant 32 : index
        %swap3A_759 = tpu.vector_load %arg10[%swap3A_757, %swap3A_758] {strides = array<i32>} : memref<200x128xf32, #tpu.memory_space<vmem>>, vector<1x16xf32>,
        %swap3A_760 = vector.shape_cast %swap3A_759 : vector<1x16xf32> to vector<16xf32>
        %swap3A_761 = vector.shape_cast %add3A_756 : vector<16xf32> to vector<1x16xf32>
        tpu.vector_store %arg10[%swap3A_757, %swap3A_758], %swap3A_761 {strides = array<i32>} : memref<200x128xf32, #tpu.memory_space<vmem>>, vector<1x16xf32>,
        %get3A_762 = arith.index_cast %add3A_701 : i32 to index
        %get3A_763 = arith.constant 32 : index
        %get3A_764 = tpu.vector_load %arg12[%get3A_762, %get3A_763] {strides = array<i32>} : memref<200x128xf32, #tpu.memory_space<vmem>>, vector<1x16xf32>,
        %get3A_765 = vector.shape_cast %get3A_764 : vector<1x16xf32> to vector<16xf32>
        %add3A_766 = arith.addf %get3A_765, %get3A_751 : vector<16xf32>
        %swap3A_767 = arith.index_cast %add3A_701 : i32 to index
        %swap3A_768 = arith.constant 32 : index
        %swap3A_769 = tpu.vector_load %arg12[%swap3A_767, %swap3A_768] {strides = array<i32>} : memref<200x128xf32, #tpu.memory_space<vmem>>, vector<1x16xf32>,
        %swap3A_770 = vector.shape_cast %swap3A_769 : vector<1x16xf32> to vector<16xf32>
        %swap3A_771 = vector.shape_cast %add3A_766 : vector<16xf32> to vector<1x16xf32>
        tpu.vector_store %arg12[%swap3A_767, %swap3A_768], %swap3A_771 {strides = array<i32>} : memref<200x128xf32, #tpu.memory_space<vmem>>, vector<1x16xf32>,
        %get3A_772 = arith.index_cast %add3A_701 : i32 to index
        %get3A_773 = arith.constant 48 : index
        %get3A_774 = tpu.vector_load %arg8[%get3A_772, %get3A_773] {strides = array<i32>} : memref<200x128xf32, #tpu.memory_space<vmem>>, vector<1x16xf32>,
        %get3A_775 = vector.shape_cast %get3A_774 : vector<1x16xf32> to vector<16xf32>
        %get3A_776 = arith.index_cast %add3A_701 : i32 to index
        %get3A_777 = arith.constant 48 : index
        %get3A_778 = tpu.vector_load %arg10[%get3A_776, %get3A_777] {strides = array<i32>} : memref<200x128xf32, #tpu.memory_space<vmem>>, vector<1x16xf32>,
        %get3A_779 = vector.shape_cast %get3A_778 : vector<1x16xf32> to vector<16xf32>
        %add3A_780 = arith.addf %get3A_779, %get3A_775 : vector<16xf32>
        %swap3A_781 = arith.index_cast %add3A_701 : i32 to index
        %swap3A_782 = arith.constant 48 : index
        %swap3A_783 = tpu.vector_load %arg10[%swap3A_781, %swap3A_782] {strides = array<i32>} : memref<200x128xf32, #tpu.memory_space<vmem>>, vector<1x16xf32>,
        %swap3A_784 = vector.shape_cast %swap3A_783 : vector<1x16xf32> to vector<16xf32>
        %swap3A_785 = vector.shape_cast %add3A_780 : vector<16xf32> to vector<1x16xf32>
        tpu.vector_store %arg10[%swap3A_781, %swap3A_782], %swap3A_785 {strides = array<i32>} : memref<200x128xf32, #tpu.memory_space<vmem>>, vector<1x16xf32>,
        %get3A_786 = arith.index_cast %add3A_701 : i32 to index
        %get3A_787 = arith.constant 48 : index
        %get3A_788 = tpu.vector_load %arg12[%get3A_786, %get3A_787] {strides = array<i32>} : memref<200x128xf32, #tpu.memory_space<vmem>>, vector<1x16xf32>,
        %get3A_789 = vector.shape_cast %get3A_788 : vector<1x16xf32> to vector<16xf32>
        %add3A_790 = arith.addf %get3A_789, %get3A_775 : vector<16xf32>
        %swap3A_791 = arith.index_cast %add3A_701 : i32 to index
        %swap3A_792 = arith.constant 48 : index
        %swap3A_793 = tpu.vector_load %arg12[%swap3A_791, %swap3A_792] {strides = array<i32>} : memref<200x128xf32, #tpu.memory_space<vmem>>, vector<1x16xf32>,
        %swap3A_794 = vector.shape_cast %swap3A_793 : vector<1x16xf32> to vector<16xf32>
        %swap3A_795 = vector.shape_cast %add3A_790 : vector<16xf32> to vector<1x16xf32>
        tpu.vector_store %arg12[%swap3A_791, %swap3A_792], %swap3A_795 {strides = array<i32>} : memref<200x128xf32, #tpu.memory_space<vmem>>, vector<1x16xf32>,
        %get3A_796 = arith.index_cast %add3A_701 : i32 to index
        %get3A_797 = arith.constant 64 : index
        %get3A_798 = tpu.vector_load %arg8[%get3A_796, %get3A_797] {strides = array<i32>} : memref<200x128xf32, #tpu.memory_space<vmem>>, vector<1x16xf32>,
        %get3A_799 = vector.shape_cast %get3A_798 : vector<1x16xf32> to vector<16xf32>
        %get3A_800 = arith.index_cast %add3A_701 : i32 to index
        %get3A_801 = arith.constant 64 : index
        %get3A_802 = tpu.vector_load %arg10[%get3A_800, %get3A_801] {strides = array<i32>} : memref<200x128xf32, #tpu.memory_space<vmem>>, vector<1x16xf32>,
        %get3A_803 = vector.shape_cast %get3A_802 : vector<1x16xf32> to vector<16xf32>
        %add3A_804 = arith.addf %get3A_803, %get3A_799 : vector<16xf32>
        %swap3A_805 = arith.index_cast %add3A_701 : i32 to index
        %swap3A_806 = arith.constant 64 : index
        %swap3A_807 = tpu.vector_load %arg10[%swap3A_805, %swap3A_806] {strides = array<i32>} : memref<200x128xf32, #tpu.memory_space<vmem>>, vector<1x16xf32>,
        %swap3A_808 = vector.shape_cast %swap3A_807 : vector<1x16xf32> to vector<16xf32>
        %swap3A_809 = vector.shape_cast %add3A_804 : vector<16xf32> to vector<1x16xf32>
        tpu.vector_store %arg10[%swap3A_805, %swap3A_806], %swap3A_809 {strides = array<i32>} : memref<200x128xf32, #tpu.memory_space<vmem>>, vector<1x16xf32>,
        %get3A_810 = arith.index_cast %add3A_701 : i32 to index
        %get3A_811 = arith.constant 64 : index
        %get3A_812 = tpu.vector_load %arg12[%get3A_810, %get3A_811] {strides = array<i32>} : memref<200x128xf32, #tpu.memory_space<vmem>>, vector<1x16xf32>,
        %get3A_813 = vector.shape_cast %get3A_812 : vector<1x16xf32> to vector<16xf32>
        %add3A_814 = arith.addf %get3A_813, %get3A_799 : vector<16xf32>
        %swap3A_815 = arith.index_cast %add3A_701 : i32 to index
        %swap3A_816 = arith.constant 64 : index
        %swap3A_817 = tpu.vector_load %arg12[%swap3A_815, %swap3A_816] {strides = array<i32>} : memref<200x128xf32, #tpu.memory_space<vmem>>, vector<1x16xf32>,
        %swap3A_818 = vector.shape_cast %swap3A_817 : vector<1x16xf32> to vector<16xf32>
        %swap3A_819 = vector.shape_cast %add3A_814 : vector<16xf32> to vector<1x16xf32>
        tpu.vector_store %arg12[%swap3A_815, %swap3A_816], %swap3A_819 {strides = array<i32>} : memref<200x128xf32, #tpu.memory_space<vmem>>, vector<1x16xf32>,
        %get3A_820 = arith.index_cast %add3A_701 : i32 to index
        %get3A_821 = arith.constant 80 : index
        %get3A_822 = tpu.vector_load %arg8[%get3A_820, %get3A_821] {strides = array<i32>} : memref<200x128xf32, #tpu.memory_space<vmem>>, vector<1x16xf32>,
        %get3A_823 = vector.shape_cast %get3A_822 : vector<1x16xf32> to vector<16xf32>
        %get3A_824 = arith.index_cast %add3A_701 : i32 to index
        %get3A_825 = arith.constant 80 : index
        %get3A_826 = tpu.vector_load %arg10[%get3A_824, %get3A_825] {strides = array<i32>} : memref<200x128xf32, #tpu.memory_space<vmem>>, vector<1x16xf32>,
        %get3A_827 = vector.shape_cast %get3A_826 : vector<1x16xf32> to vector<16xf32>
        %add3A_828 = arith.addf %get3A_827, %get3A_823 : vector<16xf32>
        %swap3A_829 = arith.index_cast %add3A_701 : i32 to index
        %swap3A_830 = arith.constant 80 : index
        %swap3A_831 = tpu.vector_load %arg10[%swap3A_829, %swap3A_830] {strides = array<i32>} : memref<200x128xf32, #tpu.memory_space<vmem>>, vector<1x16xf32>,
        %swap3A_832 = vector.shape_cast %swap3A_831 : vector<1x16xf32> to vector<16xf32>
        %swap3A_833 = vector.shape_cast %add3A_828 : vector<16xf32> to vector<1x16xf32>
        tpu.vector_store %arg10[%swap3A_829, %swap3A_830], %swap3A_833 {strides = array<i32>} : memref<200x128xf32, #tpu.memory_space<vmem>>, vector<1x16xf32>,
        %get3A_834 = arith.index_cast %add3A_701 : i32 to index
        %get3A_835 = arith.constant 80 : index
        %get3A_836 = tpu.vector_load %arg12[%get3A_834, %get3A_835] {strides = array<i32>} : memref<200x128xf32, #tpu.memory_space<vmem>>, vector<1x16xf32>,
        %get3A_837 = vector.shape_cast %get3A_836 : vector<1x16xf32> to vector<16xf32>
        %add3A_838 = arith.addf %get3A_837, %get3A_823 : vector<16xf32>
        %swap3A_839 = arith.index_cast %add3A_701 : i32 to index
        %swap3A_840 = arith.constant 80 : index
        %swap3A_841 = tpu.vector_load %arg12[%swap3A_839, %swap3A_840] {strides = array<i32>} : memref<200x128xf32, #tpu.memory_space<vmem>>, vector<1x16xf32>,
        %swap3A_842 = vector.shape_cast %swap3A_841 : vector<1x16xf32> to vector<16xf32>
        %swap3A_843 = vector.shape_cast %add3A_838 : vector<16xf32> to vector<1x16xf32>
        tpu.vector_store %arg12[%swap3A_839, %swap3A_840], %swap3A_843 {strides = array<i32>} : memref<200x128xf32, #tpu.memory_space<vmem>>, vector<1x16xf32>,
        %get3A_844 = arith.index_cast %add3A_701 : i32 to index
        %get3A_845 = arith.constant 96 : index
        %get3A_846 = tpu.vector_load %arg8[%get3A_844, %get3A_845] {strides = array<i32>} : memref<200x128xf32, #tpu.memory_space<vmem>>, vector<1x16xf32>,
        %get3A_847 = vector.shape_cast %get3A_846 : vector<1x16xf32> to vector<16xf32>
        %get3A_848 = arith.index_cast %add3A_701 : i32 to index
        %get3A_849 = arith.constant 96 : index
        %get3A_850 = tpu.vector_load %arg10[%get3A_848, %get3A_849] {strides = array<i32>} : memref<200x128xf32, #tpu.memory_space<vmem>>, vector<1x16xf32>,
        %get3A_851 = vector.shape_cast %get3A_850 : vector<1x16xf32> to vector<16xf32>
        %add3A_852 = arith.addf %get3A_851, %get3A_847 : vector<16xf32>
        %swap3A_853 = arith.index_cast %add3A_701 : i32 to index
        %swap3A_854 = arith.constant 96 : index
        %swap3A_855 = tpu.vector_load %arg10[%swap3A_853, %swap3A_854] {strides = array<i32>} : memref<200x128xf32, #tpu.memory_space<vmem>>, vector<1x16xf32>,
        %swap3A_856 = vector.shape_cast %swap3A_855 : vector<1x16xf32> to vector<16xf32>
        %swap3A_857 = vector.shape_cast %add3A_852 : vector<16xf32> to vector<1x16xf32>
        tpu.vector_store %arg10[%swap3A_853, %swap3A_854], %swap3A_857 {strides = array<i32>} : memref<200x128xf32, #tpu.memory_space<vmem>>, vector<1x16xf32>,
        %get3A_858 = arith.index_cast %add3A_701 : i32 to index
        %get3A_859 = arith.constant 96 : index
        %get3A_860 = tpu.vector_load %arg12[%get3A_858, %get3A_859] {strides = array<i32>} : memref<200x128xf32, #tpu.memory_space<vmem>>, vector<1x16xf32>,
        %get3A_861 = vector.shape_cast %get3A_860 : vector<1x16xf32> to vector<16xf32>
        %add3A_862 = arith.addf %get3A_861, %get3A_847 : vector<16xf32>
        %swap3A_863 = arith.index_cast %add3A_701 : i32 to index
        %swap3A_864 = arith.constant 96 : index
        %swap3A_865 = tpu.vector_load %arg12[%swap3A_863, %swap3A_864] {strides = array<i32>} : memref<200x128xf32, #tpu.memory_space<vmem>>, vector<1x16xf32>,
        %swap3A_866 = vector.shape_cast %swap3A_865 : vector<1x16xf32> to vector<16xf32>
        %swap3A_867 = vector.shape_cast %add3A_862 : vector<16xf32> to vector<1x16xf32>
        tpu.vector_store %arg12[%swap3A_863, %swap3A_864], %swap3A_867 {strides = array<i32>} : memref<200x128xf32, #tpu.memory_space<vmem>>, vector<1x16xf32>,
        %get3A_868 = arith.index_cast %add3A_701 : i32 to index
        %get3A_869 = arith.constant 112 : index
        %get3A_870 = tpu.vector_load %arg8[%get3A_868, %get3A_869] {strides = array<i32>} : memref<200x128xf32, #tpu.memory_space<vmem>>, vector<1x16xf32>,
        %get3A_871 = vector.shape_cast %get3A_870 : vector<1x16xf32> to vector<16xf32>
        %get3A_872 = arith.index_cast %add3A_701 : i32 to index
        %get3A_873 = arith.constant 112 : index
        %get3A_874 = tpu.vector_load %arg10[%get3A_872, %get3A_873] {strides = array<i32>} : memref<200x128xf32, #tpu.memory_space<vmem>>, vector<1x16xf32>,
        %get3A_875 = vector.shape_cast %get3A_874 : vector<1x16xf32> to vector<16xf32>
        %add3A_876 = arith.addf %get3A_875, %get3A_871 : vector<16xf32>
        %swap3A_877 = arith.index_cast %add3A_701 : i32 to index
        %swap3A_878 = arith.constant 112 : index
        %swap3A_879 = tpu.vector_load %arg10[%swap3A_877, %swap3A_878] {strides = array<i32>} : memref<200x128xf32, #tpu.memory_space<vmem>>, vector<1x16xf32>,
        %swap3A_880 = vector.shape_cast %swap3A_879 : vector<1x16xf32> to vector<16xf32>
        %swap3A_881 = vector.shape_cast %add3A_876 : vector<16xf32> to vector<1x16xf32>
        tpu.vector_store %arg10[%swap3A_877, %swap3A_878], %swap3A_881 {strides = array<i32>} : memref<200x128xf32, #tpu.memory_space<vmem>>, vector<1x16xf32>,
        %get3A_882 = arith.index_cast %add3A_701 : i32 to index
        %get3A_883 = arith.constant 112 : index
        %get3A_884 = tpu.vector_load %arg12[%get3A_882, %get3A_883] {strides = array<i32>} : memref<200x128xf32, #tpu.memory_space<vmem>>, vector<1x16xf32>,
        %get3A_885 = vector.shape_cast %get3A_884 : vector<1x16xf32> to vector<16xf32>
        %add3A_886 = arith.addf %get3A_885, %get3A_871 : vector<16xf32>
        %swap3A_887 = arith.index_cast %add3A_701 : i32 to index
        %swap3A_888 = arith.constant 112 : index
        %swap3A_889 = tpu.vector_load %arg12[%swap3A_887, %swap3A_888] {strides = array<i32>} : memref<200x128xf32, #tpu.memory_space<vmem>>, vector<1x16xf32>,
        %swap3A_890 = vector.shape_cast %swap3A_889 : vector<1x16xf32> to vector<16xf32>
        %swap3A_891 = vector.shape_cast %add3A_886 : vector<16xf32> to vector<1x16xf32>
        tpu.vector_store %arg12[%swap3A_887, %swap3A_888], %swap3A_891 {strides = array<i32>} : memref<200x128xf32, #tpu.memory_space<vmem>>, vector<1x16xf32>,
        %mul3A_892 = arith.constant 2 : i32
        %mul3A_893 = arith.muli %scan3A_697, %mul3A_892 : i32
        %add3A_894 = arith.constant 1 : i32
        %add3A_895 = arith.addi %mul3A_893, %add3A_894 : i32
        %get3A_896 = arith.index_cast %add3A_895 : i32 to index
        %get3A_897 = arith.constant 0 : index
        %get3A_898 = tpu.vector_load %arg8[%get3A_896, %get3A_897] {strides = array<i32>} : memref<200x128xf32, #tpu.memory_space<vmem>>, vector<1x16xf32>,
        %get3A_899 = vector.shape_cast %get3A_898 : vector<1x16xf32> to vector<16xf32>
        %get3A_900 = arith.index_cast %add3A_895 : i32 to index
        %get3A_901 = arith.constant 0 : index
        %get3A_902 = tpu.vector_load %arg10[%get3A_900, %get3A_901] {strides = array<i32>} : memref<200x128xf32, #tpu.memory_space<vmem>>, vector<1x16xf32>,
        %get3A_903 = vector.shape_cast %get3A_902 : vector<1x16xf32> to vector<16xf32>
        %add3A_904 = arith.addf %get3A_903, %get3A_899 : vector<16xf32>
        %swap3A_905 = arith.index_cast %add3A_895 : i32 to index
        %swap3A_906 = arith.constant 0 : index
        %swap3A_907 = tpu.vector_load %arg10[%swap3A_905, %swap3A_906] {strides = array<i32>} : memref<200x128xf32, #tpu.memory_space<vmem>>, vector<1x16xf32>,
        %swap3A_908 = vector.shape_cast %swap3A_907 : vector<1x16xf32> to vector<16xf32>
        %swap3A_909 = vector.shape_cast %add3A_904 : vector<16xf32> to vector<1x16xf32>
        tpu.vector_store %arg10[%swap3A_905, %swap3A_906], %swap3A_909 {strides = array<i32>} : memref<200x128xf32, #tpu.memory_space<vmem>>, vector<1x16xf32>,
        %get3A_910 = arith.index_cast %add3A_895 : i32 to index
        %get3A_911 = arith.constant 0 : index
        %get3A_912 = tpu.vector_load %arg12[%get3A_910, %get3A_911] {strides = array<i32>} : memref<200x128xf32, #tpu.memory_space<vmem>>, vector<1x16xf32>,
        %get3A_913 = vector.shape_cast %get3A_912 : vector<1x16xf32> to vector<16xf32>
        %add3A_914 = arith.addf %get3A_913, %get3A_899 : vector<16xf32>
        %swap3A_915 = arith.index_cast %add3A_895 : i32 to index
        %swap3A_916 = arith.constant 0 : index
        %swap3A_917 = tpu.vector_load %arg12[%swap3A_915, %swap3A_916] {strides = array<i32>} : memref<200x128xf32, #tpu.memory_space<vmem>>, vector<1x16xf32>,
        %swap3A_918 = vector.shape_cast %swap3A_917 : vector<1x16xf32> to vector<16xf32>
        %swap3A_919 = vector.shape_cast %add3A_914 : vector<16xf32> to vector<1x16xf32>
        tpu.vector_store %arg12[%swap3A_915, %swap3A_916], %swap3A_919 {strides = array<i32>} : memref<200x128xf32, #tpu.memory_space<vmem>>, vector<1x16xf32>,
        %get3A_920 = arith.index_cast %add3A_895 : i32 to index
        %get3A_921 = arith.constant 16 : index
        %get3A_922 = tpu.vector_load %arg8[%get3A_920, %get3A_921] {strides = array<i32>} : memref<200x128xf32, #tpu.memory_space<vmem>>, vector<1x16xf32>,
        %get3A_923 = vector.shape_cast %get3A_922 : vector<1x16xf32> to vector<16xf32>
        %get3A_924 = arith.index_cast %add3A_895 : i32 to index
        %get3A_925 = arith.constant 16 : index
        %get3A_926 = tpu.vector_load %arg10[%get3A_924, %get3A_925] {strides = array<i32>} : memref<200x128xf32, #tpu.memory_space<vmem>>, vector<1x16xf32>,
        %get3A_927 = vector.shape_cast %get3A_926 : vector<1x16xf32> to vector<16xf32>
        %add3A_928 = arith.addf %get3A_927, %get3A_923 : vector<16xf32>
        %swap3A_929 = arith.index_cast %add3A_895 : i32 to index
        %swap3A_930 = arith.constant 16 : index
        %swap3A_931 = tpu.vector_load %arg10[%swap3A_929, %swap3A_930] {strides = array<i32>} : memref<200x128xf32, #tpu.memory_space<vmem>>, vector<1x16xf32>,
        %swap3A_932 = vector.shape_cast %swap3A_931 : vector<1x16xf32> to vector<16xf32>
        %swap3A_933 = vector.shape_cast %add3A_928 : vector<16xf32> to vector<1x16xf32>
        tpu.vector_store %arg10[%swap3A_929, %swap3A_930], %swap3A_933 {strides = array<i32>} : memref<200x128xf32, #tpu.memory_space<vmem>>, vector<1x16xf32>,
        %get3A_934 = arith.index_cast %add3A_895 : i32 to index
        %get3A_935 = arith.constant 16 : index
        %get3A_936 = tpu.vector_load %arg12[%get3A_934, %get3A_935] {strides = array<i32>} : memref<200x128xf32, #tpu.memory_space<vmem>>, vector<1x16xf32>,
        %get3A_937 = vector.shape_cast %get3A_936 : vector<1x16xf32> to vector<16xf32>
        %add3A_938 = arith.addf %get3A_937, %get3A_923 : vector<16xf32>
        %swap3A_939 = arith.index_cast %add3A_895 : i32 to index
        %swap3A_940 = arith.constant 16 : index
        %swap3A_941 = tpu.vector_load %arg12[%swap3A_939, %swap3A_940] {strides = array<i32>} : memref<200x128xf32, #tpu.memory_space<vmem>>, vector<1x16xf32>,
        %swap3A_942 = vector.shape_cast %swap3A_941 : vector<1x16xf32> to vector<16xf32>
        %swap3A_943 = vector.shape_cast %add3A_938 : vector<16xf32> to vector<1x16xf32>
        tpu.vector_store %arg12[%swap3A_939, %swap3A_940], %swap3A_943 {strides = array<i32>} : memref<200x128xf32, #tpu.memory_space<vmem>>, vector<1x16xf32>,
        %get3A_944 = arith.index_cast %add3A_895 : i32 to index
        %get3A_945 = arith.constant 32 : index
        %get3A_946 = tpu.vector_load %arg8[%get3A_944, %get3A_945] {strides = array<i32>} : memref<200x128xf32, #tpu.memory_space<vmem>>, vector<1x16xf32>,
        %get3A_947 = vector.shape_cast %get3A_946 : vector<1x16xf32> to vector<16xf32>
        %get3A_948 = arith.index_cast %add3A_895 : i32 to index
        %get3A_949 = arith.constant 32 : index
        %get3A_950 = tpu.vector_load %arg10[%get3A_948, %get3A_949] {strides = array<i32>} : memref<200x128xf32, #tpu.memory_space<vmem>>, vector<1x16xf32>,
        %get3A_951 = vector.shape_cast %get3A_950 : vector<1x16xf32> to vector<16xf32>
        %add3A_952 = arith.addf %get3A_951, %get3A_947 : vector<16xf32>
        %swap3A_953 = arith.index_cast %add3A_895 : i32 to index
        %swap3A_954 = arith.constant 32 : index
        %swap3A_955 = tpu.vector_load %arg10[%swap3A_953, %swap3A_954] {strides = array<i32>} : memref<200x128xf32, #tpu.memory_space<vmem>>, vector<1x16xf32>,
        %swap3A_956 = vector.shape_cast %swap3A_955 : vector<1x16xf32> to vector<16xf32>
        %swap3A_957 = vector.shape_cast %add3A_952 : vector<16xf32> to vector<1x16xf32>
        tpu.vector_store %arg10[%swap3A_953, %swap3A_954], %swap3A_957 {strides = array<i32>} : memref<200x128xf32, #tpu.memory_space<vmem>>, vector<1x16xf32>,
        %get3A_958 = arith.index_cast %add3A_895 : i32 to index
        %get3A_959 = arith.constant 32 : index
        %get3A_960 = tpu.vector_load %arg12[%get3A_958, %get3A_959] {strides = array<i32>} : memref<200x128xf32, #tpu.memory_space<vmem>>, vector<1x16xf32>,
        %get3A_961 = vector.shape_cast %get3A_960 : vector<1x16xf32> to vector<16xf32>
        %add3A_962 = arith.addf %get3A_961, %get3A_947 : vector<16xf32>
        %swap3A_963 = arith.index_cast %add3A_895 : i32 to index
        %swap3A_964 = arith.constant 32 : index
        %swap3A_965 = tpu.vector_load %arg12[%swap3A_963, %swap3A_964] {strides = array<i32>} : memref<200x128xf32, #tpu.memory_space<vmem>>, vector<1x16xf32>,
        %swap3A_966 = vector.shape_cast %swap3A_965 : vector<1x16xf32> to vector<16xf32>
        %swap3A_967 = vector.shape_cast %add3A_962 : vector<16xf32> to vector<1x16xf32>
        tpu.vector_store %arg12[%swap3A_963, %swap3A_964], %swap3A_967 {strides = array<i32>} : memref<200x128xf32, #tpu.memory_space<vmem>>, vector<1x16xf32>,
        %get3A_968 = arith.index_cast %add3A_895 : i32 to index
        %get3A_969 = arith.constant 48 : index
        %get3A_970 = tpu.vector_load %arg8[%get3A_968, %get3A_969] {strides = array<i32>} : memref<200x128xf32, #tpu.memory_space<vmem>>, vector<1x16xf32>,
        %get3A_971 = vector.shape_cast %get3A_970 : vector<1x16xf32> to vector<16xf32>
        %get3A_972 = arith.index_cast %add3A_895 : i32 to index
        %get3A_973 = arith.constant 48 : index
        %get3A_974 = tpu.vector_load %arg10[%get3A_972, %get3A_973] {strides = array<i32>} : memref<200x128xf32, #tpu.memory_space<vmem>>, vector<1x16xf32>,
        %get3A_975 = vector.shape_cast %get3A_974 : vector<1x16xf32> to vector<16xf32>
        %add3A_976 = arith.addf %get3A_975, %get3A_971 : vector<16xf32>
        %swap3A_977 = arith.index_cast %add3A_895 : i32 to index
        %swap3A_978 = arith.constant 48 : index
        %swap3A_979 = tpu.vector_load %arg10[%swap3A_977, %swap3A_978] {strides = array<i32>} : memref<200x128xf32, #tpu.memory_space<vmem>>, vector<1x16xf32>,
        %swap3A_980 = vector.shape_cast %swap3A_979 : vector<1x16xf32> to vector<16xf32>
        %swap3A_981 = vector.shape_cast %add3A_976 : vector<16xf32> to vector<1x16xf32>
        tpu.vector_store %arg10[%swap3A_977, %swap3A_978], %swap3A_981 {strides = array<i32>} : memref<200x128xf32, #tpu.memory_space<vmem>>, vector<1x16xf32>,
        %get3A_982 = arith.index_cast %add3A_895 : i32 to index
        %get3A_983 = arith.constant 48 : index
        %get3A_984 = tpu.vector_load %arg12[%get3A_982, %get3A_983] {strides = array<i32>} : memref<200x128xf32, #tpu.memory_space<vmem>>, vector<1x16xf32>,
        %get3A_985 = vector.shape_cast %get3A_984 : vector<1x16xf32> to vector<16xf32>
        %add3A_986 = arith.addf %get3A_985, %get3A_971 : vector<16xf32>
        %swap3A_987 = arith.index_cast %add3A_895 : i32 to index
        %swap3A_988 = arith.constant 48 : index
        %swap3A_989 = tpu.vector_load %arg12[%swap3A_987, %swap3A_988] {strides = array<i32>} : memref<200x128xf32, #tpu.memory_space<vmem>>, vector<1x16xf32>,
        %swap3A_990 = vector.shape_cast %swap3A_989 : vector<1x16xf32> to vector<16xf32>
        %swap3A_991 = vector.shape_cast %add3A_986 : vector<16xf32> to vector<1x16xf32>
        tpu.vector_store %arg12[%swap3A_987, %swap3A_988], %swap3A_991 {strides = array<i32>} : memref<200x128xf32, #tpu.memory_space<vmem>>, vector<1x16xf32>,
        %get3A_992 = arith.index_cast %add3A_895 : i32 to index
        %get3A_993 = arith.constant 64 : index
        %get3A_994 = tpu.vector_load %arg8[%get3A_992, %get3A_993] {strides = array<i32>} : memref<200x128xf32, #tpu.memory_space<vmem>>, vector<1x16xf32>,
        %get3A_995 = vector.shape_cast %get3A_994 : vector<1x16xf32> to vector<16xf32>
        %get3A_996 = arith.index_cast %add3A_895 : i32 to index
        %get3A_997 = arith.constant 64 : index
        %get3A_998 = tpu.vector_load %arg10[%get3A_996, %get3A_997] {strides = array<i32>} : memref<200x128xf32, #tpu.memory_space<vmem>>, vector<1x16xf32>,
        %get3A_999 = vector.shape_cast %get3A_998 : vector<1x16xf32> to vector<16xf32>
        %add3A_1000 = arith.addf %get3A_999, %get3A_995 : vector<16xf32>
        %swap3A_1001 = arith.index_cast %add3A_895 : i32 to index
        %swap3A_1002 = arith.constant 64 : index
        %swap3A_1003 = tpu.vector_load %arg10[%swap3A_1001, %swap3A_1002] {strides = array<i32>} : memref<200x128xf32, #tpu.memory_space<vmem>>, vector<1x16xf32>,
        %swap3A_1004 = vector.shape_cast %swap3A_1003 : vector<1x16xf32> to vector<16xf32>
        %swap3A_1005 = vector.shape_cast %add3A_1000 : vector<16xf32> to vector<1x16xf32>
        tpu.vector_store %arg10[%swap3A_1001, %swap3A_1002], %swap3A_1005 {strides = array<i32>} : memref<200x128xf32, #tpu.memory_space<vmem>>, vector<1x16xf32>,
        %get3A_1006 = arith.index_cast %add3A_895 : i32 to index
        %get3A_1007 = arith.constant 64 : index
        %get3A_1008 = tpu.vector_load %arg12[%get3A_1006, %get3A_1007] {strides = array<i32>} : memref<200x128xf32, #tpu.memory_space<vmem>>, vector<1x16xf32>,
        %get3A_1009 = vector.shape_cast %get3A_1008 : vector<1x16xf32> to vector<16xf32>
        %add3A_1010 = arith.addf %get3A_1009, %get3A_995 : vector<16xf32>
        %swap3A_1011 = arith.index_cast %add3A_895 : i32 to index
        %swap3A_1012 = arith.constant 64 : index
        %swap3A_1013 = tpu.vector_load %arg12[%swap3A_1011, %swap3A_1012] {strides = array<i32>} : memref<200x128xf32, #tpu.memory_space<vmem>>, vector<1x16xf32>,
        %swap3A_1014 = vector.shape_cast %swap3A_1013 : vector<1x16xf32> to vector<16xf32>
        %swap3A_1015 = vector.shape_cast %add3A_1010 : vector<16xf32> to vector<1x16xf32>
        tpu.vector_store %arg12[%swap3A_1011, %swap3A_1012], %swap3A_1015 {strides = array<i32>} : memref<200x128xf32, #tpu.memory_space<vmem>>, vector<1x16xf32>,
        %get3A_1016 = arith.index_cast %add3A_895 : i32 to index
        %get3A_1017 = arith.constant 80 : index
        %get3A_1018 = tpu.vector_load %arg8[%get3A_1016, %get3A_1017] {strides = array<i32>} : memref<200x128xf32, #tpu.memory_space<vmem>>, vector<1x16xf32>,
        %get3A_1019 = vector.shape_cast %get3A_1018 : vector<1x16xf32> to vector<16xf32>
        %get3A_1020 = arith.index_cast %add3A_895 : i32 to index
        %get3A_1021 = arith.constant 80 : index
        %get3A_1022 = tpu.vector_load %arg10[%get3A_1020, %get3A_1021] {strides = array<i32>} : memref<200x128xf32, #tpu.memory_space<vmem>>, vector<1x16xf32>,
        %get3A_1023 = vector.shape_cast %get3A_1022 : vector<1x16xf32> to vector<16xf32>
        %add3A_1024 = arith.addf %get3A_1023, %get3A_1019 : vector<16xf32>
        %swap3A_1025 = arith.index_cast %add3A_895 : i32 to index
        %swap3A_1026 = arith.constant 80 : index
        %swap3A_1027 = tpu.vector_load %arg10[%swap3A_1025, %swap3A_1026] {strides = array<i32>} : memref<200x128xf32, #tpu.memory_space<vmem>>, vector<1x16xf32>,
        %swap3A_1028 = vector.shape_cast %swap3A_1027 : vector<1x16xf32> to vector<16xf32>
        %swap3A_1029 = vector.shape_cast %add3A_1024 : vector<16xf32> to vector<1x16xf32>
        tpu.vector_store %arg10[%swap3A_1025, %swap3A_1026], %swap3A_1029 {strides = array<i32>} : memref<200x128xf32, #tpu.memory_space<vmem>>, vector<1x16xf32>,
        %get3A_1030 = arith.index_cast %add3A_895 : i32 to index
        %get3A_1031 = arith.constant 80 : index
        %get3A_1032 = tpu.vector_load %arg12[%get3A_1030, %get3A_1031] {strides = array<i32>} : memref<200x128xf32, #tpu.memory_space<vmem>>, vector<1x16xf32>,
        %get3A_1033 = vector.shape_cast %get3A_1032 : vector<1x16xf32> to vector<16xf32>
        %add3A_1034 = arith.addf %get3A_1033, %get3A_1019 : vector<16xf32>
        %swap3A_1035 = arith.index_cast %add3A_895 : i32 to index
        %swap3A_1036 = arith.constant 80 : index
        %swap3A_1037 = tpu.vector_load %arg12[%swap3A_1035, %swap3A_1036] {strides = array<i32>} : memref<200x128xf32, #tpu.memory_space<vmem>>, vector<1x16xf32>,
        %swap3A_1038 = vector.shape_cast %swap3A_1037 : vector<1x16xf32> to vector<16xf32>
        %swap3A_1039 = vector.shape_cast %add3A_1034 : vector<16xf32> to vector<1x16xf32>
        tpu.vector_store %arg12[%swap3A_1035, %swap3A_1036], %swap3A_1039 {strides = array<i32>} : memref<200x128xf32, #tpu.memory_space<vmem>>, vector<1x16xf32>,
        %get3A_1040 = arith.index_cast %add3A_895 : i32 to index
        %get3A_1041 = arith.constant 96 : index
        %get3A_1042 = tpu.vector_load %arg8[%get3A_1040, %get3A_1041] {strides = array<i32>} : memref<200x128xf32, #tpu.memory_space<vmem>>, vector<1x16xf32>,
        %get3A_1043 = vector.shape_cast %get3A_1042 : vector<1x16xf32> to vector<16xf32>
        %get3A_1044 = arith.index_cast %add3A_895 : i32 to index
        %get3A_1045 = arith.constant 96 : index
        %get3A_1046 = tpu.vector_load %arg10[%get3A_1044, %get3A_1045] {strides = array<i32>} : memref<200x128xf32, #tpu.memory_space<vmem>>, vector<1x16xf32>,
        %get3A_1047 = vector.shape_cast %get3A_1046 : vector<1x16xf32> to vector<16xf32>
        %add3A_1048 = arith.addf %get3A_1047, %get3A_1043 : vector<16xf32>
        %swap3A_1049 = arith.index_cast %add3A_895 : i32 to index
        %swap3A_1050 = arith.constant 96 : index
        %swap3A_1051 = tpu.vector_load %arg10[%swap3A_1049, %swap3A_1050] {strides = array<i32>} : memref<200x128xf32, #tpu.memory_space<vmem>>, vector<1x16xf32>,
        %swap3A_1052 = vector.shape_cast %swap3A_1051 : vector<1x16xf32> to vector<16xf32>
        %swap3A_1053 = vector.shape_cast %add3A_1048 : vector<16xf32> to vector<1x16xf32>
        tpu.vector_store %arg10[%swap3A_1049, %swap3A_1050], %swap3A_1053 {strides = array<i32>} : memref<200x128xf32, #tpu.memory_space<vmem>>, vector<1x16xf32>,
        %get3A_1054 = arith.index_cast %add3A_895 : i32 to index
        %get3A_1055 = arith.constant 96 : index
        %get3A_1056 = tpu.vector_load %arg12[%get3A_1054, %get3A_1055] {strides = array<i32>} : memref<200x128xf32, #tpu.memory_space<vmem>>, vector<1x16xf32>,
        %get3A_1057 = vector.shape_cast %get3A_1056 : vector<1x16xf32> to vector<16xf32>
        %add3A_1058 = arith.addf %get3A_1057, %get3A_1043 : vector<16xf32>
        %swap3A_1059 = arith.index_cast %add3A_895 : i32 to index
        %swap3A_1060 = arith.constant 96 : index
        %swap3A_1061 = tpu.vector_load %arg12[%swap3A_1059, %swap3A_1060] {strides = array<i32>} : memref<200x128xf32, #tpu.memory_space<vmem>>, vector<1x16xf32>,
        %swap3A_1062 = vector.shape_cast %swap3A_1061 : vector<1x16xf32> to vector<16xf32>
        %swap3A_1063 = vector.shape_cast %add3A_1058 : vector<16xf32> to vector<1x16xf32>
        tpu.vector_store %arg12[%swap3A_1059, %swap3A_1060], %swap3A_1063 {strides = array<i32>} : memref<200x128xf32, #tpu.memory_space<vmem>>, vector<1x16xf32>,
        %get3A_1064 = arith.index_cast %add3A_895 : i32 to index
        %get3A_1065 = arith.constant 112 : index
        %get3A_1066 = tpu.vector_load %arg8[%get3A_1064, %get3A_1065] {strides = array<i32>} : memref<200x128xf32, #tpu.memory_space<vmem>>, vector<1x16xf32>,
        %get3A_1067 = vector.shape_cast %get3A_1066 : vector<1x16xf32> to vector<16xf32>
        %get3A_1068 = arith.index_cast %add3A_895 : i32 to index
        %get3A_1069 = arith.constant 112 : index
        %get3A_1070 = tpu.vector_load %arg10[%get3A_1068, %get3A_1069] {strides = array<i32>} : memref<200x128xf32, #tpu.memory_space<vmem>>, vector<1x16xf32>,
        %get3A_1071 = vector.shape_cast %get3A_1070 : vector<1x16xf32> to vector<16xf32>
        %add3A_1072 = arith.addf %get3A_1071, %get3A_1067 : vector<16xf32>
        %swap3A_1073 = arith.index_cast %add3A_895 : i32 to index
        %swap3A_1074 = arith.constant 112 : index
        %swap3A_1075 = tpu.vector_load %arg10[%swap3A_1073, %swap3A_1074] {strides = array<i32>} : memref<200x128xf32, #tpu.memory_space<vmem>>, vector<1x16xf32>,
        %swap3A_1076 = vector.shape_cast %swap3A_1075 : vector<1x16xf32> to vector<16xf32>
        %swap3A_1077 = vector.shape_cast %add3A_1072 : vector<16xf32> to vector<1x16xf32>
        tpu.vector_store %arg10[%swap3A_1073, %swap3A_1074], %swap3A_1077 {strides = array<i32>} : memref<200x128xf32, #tpu.memory_space<vmem>>, vector<1x16xf32>,
        %get3A_1078 = arith.index_cast %add3A_895 : i32 to index
        %get3A_1079 = arith.constant 112 : index
        %get3A_1080 = tpu.vector_load %arg12[%get3A_1078, %get3A_1079] {strides = array<i32>} : memref<200x128xf32, #tpu.memory_space<vmem>>, vector<1x16xf32>,
        %get3A_1081 = vector.shape_cast %get3A_1080 : vector<1x16xf32> to vector<16xf32>
        %add3A_1082 = arith.addf %get3A_1081, %get3A_1067 : vector<16xf32>
        %swap3A_1083 = arith.index_cast %add3A_895 : i32 to index
        %swap3A_1084 = arith.constant 112 : index
        %swap3A_1085 = tpu.vector_load %arg12[%swap3A_1083, %swap3A_1084] {strides = array<i32>} : memref<200x128xf32, #tpu.memory_space<vmem>>, vector<1x16xf32>,
        %swap3A_1086 = vector.shape_cast %swap3A_1085 : vector<1x16xf32> to vector<16xf32>
        %swap3A_1087 = vector.shape_cast %add3A_1082 : vector<16xf32> to vector<1x16xf32>
        tpu.vector_store %arg12[%swap3A_1083, %swap3A_1084], %swap3A_1087 {strides = array<i32>} : memref<200x128xf32, #tpu.memory_space<vmem>>, vector<1x16xf32>,
      }
      %scan3A_211 = arith.constant 100 : i32
      %mul3A_212 = arith.constant 200 : i32
      %mul3A_213 = arith.muli %add3A_141, %mul3A_212 : i32
      %add3A_214 = arith.addi %mul3A_2, %mul3A_213 : i32
      %dma_start3A_215 = arith.constant 0 : i32
      %dma_start3A_216 = tpu.memref_slice %arg6[%add3A_214, %dma_start3A_215] : memref<204800x256xf32, #tpu.memory_space<hbm>> -> memref<200x128xf32, #tpu.memory_space<hbm>>
      %dma_start3A_217 = arith.constant 0 : i32
      %dma_start3A_218 = tpu.memref_slice %arg6[%add3A_214, %dma_start3A_217] : memref<204800x256xf32, #tpu.memory_space<hbm>> -> memref<200x128xf32, #tpu.memory_space<hbm>>
      tpu.enqueue_dma source(%arg10 : memref<200x128xf32, #tpu.memory_space<vmem>>) target(%dma_start3A_218 : memref<200x128xf32, #tpu.memory_space<hbm>>) target_semaphore(%arg17 : memref<!tpu.dma_semaphore, #tpu.memory_space<semaphore_mem>>)
      %dma_start3A_219 = arith.constant 128 : i32
      %dma_start3A_220 = tpu.memref_slice %arg6[%add3A_214, %dma_start3A_219] : memref<204800x256xf32, #tpu.memory_space<hbm>> -> memref<200x128xf32, #tpu.memory_space<hbm>>
      %dma_start3A_221 = arith.constant 128 : i32
      %dma_start3A_222 = tpu.memref_slice %arg6[%add3A_214, %dma_start3A_221] : memref<204800x256xf32, #tpu.memory_space<hbm>> -> memref<200x128xf32, #tpu.memory_space<hbm>>
      tpu.enqueue_dma source(%arg12 : memref<200x128xf32, #tpu.memory_space<vmem>>) target(%dma_start3A_222 : memref<200x128xf32, #tpu.memory_space<hbm>>) target_semaphore(%arg17 : memref<!tpu.dma_semaphore, #tpu.memory_space<semaphore_mem>>)
      %mul3A_223 = arith.constant 8 : i32
      %mul3A_224 = arith.muli %scan3A_62, %mul3A_223 : i32
      %add3A_225 = arith.constant 2 : i32
      %add3A_226 = arith.addi %mul3A_224, %add3A_225 : i32
      %dma_wait3A_227 = arith.constant 0 : i32
      %dma_wait3A_228 = arith.constant 0 : i32
      %dma_wait3A_229 = tpu.memref_slice %arg6[%dma_wait3A_227, %dma_wait3A_228] : memref<204800x256xf32, #tpu.memory_space<hbm>> -> memref<200x128xf32, #tpu.memory_space<hbm>>
      %dma_wait3A_230 = arith.constant 0 : i32
      %dma_wait3A_231 = arith.constant 0 : i32
      %dma_wait3A_232 = tpu.memref_slice %arg6[%dma_wait3A_230, %dma_wait3A_231] : memref<204800x256xf32, #tpu.memory_space<hbm>> -> memref<200x128xf32, #tpu.memory_space<hbm>>
      tpu.wait_dma2 semaphore(%arg17 : memref<!tpu.dma_semaphore, #tpu.memory_space<semaphore_mem>>) src(%arg9 : memref<200x128xf32, #tpu.memory_space<vmem>>) dst(%dma_wait3A_232 : memref<200x128xf32, #tpu.memory_space<hbm>>)
      %dma_wait3A_233 = arith.constant 0 : i32
      %dma_wait3A_234 = arith.constant 128 : i32
      %dma_wait3A_235 = tpu.memref_slice %arg6[%dma_wait3A_233, %dma_wait3A_234] : memref<204800x256xf32, #tpu.memory_space<hbm>> -> memref<200x128xf32, #tpu.memory_space<hbm>>
      %dma_wait3A_236 = arith.constant 0 : i32
      %dma_wait3A_237 = arith.constant 128 : i32
      %dma_wait3A_238 = tpu.memref_slice %arg6[%dma_wait3A_236, %dma_wait3A_237] : memref<204800x256xf32, #tpu.memory_space<hbm>> -> memref<200x128xf32, #tpu.memory_space<hbm>>
      tpu.wait_dma2 semaphore(%arg17 : memref<!tpu.dma_semaphore, #tpu.memory_space<semaphore_mem>>) src(%arg11 : memref<200x128xf32, #tpu.memory_space<vmem>>) dst(%dma_wait3A_238 : memref<200x128xf32, #tpu.memory_space<hbm>>)
      %dma_start3A_239 = arith.constant 6 : i32
      %dma_start3A_240 = arith.constant 0 : i32
      %dma_start3A_241 = arith.constant 0 : i32
      %dma_start3A_242 = tpu.memref_slice %arg10[%dma_start3A_240, %dma_start3A_241] : memref<200x128xf32, #tpu.memory_space<vmem>> -> memref<100x128xf32, #tpu.memory_space<vmem>>
      %dma_start3A_243 = arith.constant 0 : i32
      %dma_start3A_244 = tpu.memref_slice %arg7[%dma_start3A_239, %dma_start3A_243] : memref<16x100xi32, #tpu.memory_space<vmem>> -> memref<1x100xi32, #tpu.memory_space<vmem>>
      %dma_start3A_245 = tpu.memref_squeeze %dma_start3A_244 : memref<1x100xi32, #tpu.memory_space<vmem>> -> memref<100xi32, #tpu.memory_space<vmem>>
      %dma_start3A_246 = arith.constant 0 : i32
      %dma_start3A_247 = arith.constant 0 : i32
      %dma_start3A_248 = tpu.memref_slice %arg3[%dma_start3A_246, %dma_start3A_247] : memref<100000x128xf32, #tpu.memory_space<hbm>> -> memref<100000x128xf32, #tpu.memory_space<hbm>>
      tpu.enqueue_indirect_dma source(%dma_start3A_248 : memref<100000x128xf32, #tpu.memory_space<hbm>>) target(%dma_start3A_242 : memref<100x128xf32, #tpu.memory_space<vmem>>) offsets(%dma_start3A_245 : memref<100xi32, #tpu.memory_space<vmem>>) semaphore(%arg14 : memref<!tpu.dma_semaphore, #tpu.memory_space<semaphore_mem>>)
      %dma_start3A_249 = arith.constant 7 : i32
      %dma_start3A_250 = arith.constant 100 : i32
      %dma_start3A_251 = arith.constant 0 : i32
      %dma_start3A_252 = tpu.memref_slice %arg10[%dma_start3A_250, %dma_start3A_251] : memref<200x128xf32, #tpu.memory_space<vmem>> -> memref<100x128xf32, #tpu.memory_space<vmem>>
      %dma_start3A_253 = arith.constant 0 : i32
      %dma_start3A_254 = tpu.memref_slice %arg7[%dma_start3A_249, %dma_start3A_253] : memref<16x100xi32, #tpu.memory_space<vmem>> -> memref<1x100xi32, #tpu.memory_space<vmem>>
      %dma_start3A_255 = tpu.memref_squeeze %dma_start3A_254 : memref<1x100xi32, #tpu.memory_space<vmem>> -> memref<100xi32, #tpu.memory_space<vmem>>
      %dma_start3A_256 = arith.constant 0 : i32
      %dma_start3A_257 = arith.constant 0 : i32
      %dma_start3A_258 = tpu.memref_slice %arg3[%dma_start3A_256, %dma_start3A_257] : memref<100000x128xf32, #tpu.memory_space<hbm>> -> memref<100000x128xf32, #tpu.memory_space<hbm>>
      tpu.enqueue_indirect_dma source(%dma_start3A_258 : memref<100000x128xf32, #tpu.memory_space<hbm>>) target(%dma_start3A_252 : memref<100x128xf32, #tpu.memory_space<vmem>>) offsets(%dma_start3A_255 : memref<100xi32, #tpu.memory_space<vmem>>) semaphore(%arg14 : memref<!tpu.dma_semaphore, #tpu.memory_space<semaphore_mem>>)
      %dma_start3A_259 = arith.constant 6 : i32
      %dma_start3A_260 = arith.constant 0 : i32
      %dma_start3A_261 = arith.constant 0 : i32
      %dma_start3A_262 = tpu.memref_slice %arg12[%dma_start3A_260, %dma_start3A_261] : memref<200x128xf32, #tpu.memory_space<vmem>> -> memref<100x128xf32, #tpu.memory_space<vmem>>
      %dma_start3A_263 = arith.constant 0 : i32
      %dma_start3A_264 = tpu.memref_slice %arg7[%dma_start3A_259, %dma_start3A_263] : memref<16x100xi32, #tpu.memory_space<vmem>> -> memref<1x100xi32, #tpu.memory_space<vmem>>
      %dma_start3A_265 = tpu.memref_squeeze %dma_start3A_264 : memref<1x100xi32, #tpu.memory_space<vmem>> -> memref<100xi32, #tpu.memory_space<vmem>>
      %dma_start3A_266 = arith.constant 0 : i32
      %dma_start3A_267 = arith.constant 0 : i32
      %dma_start3A_268 = tpu.memref_slice %arg4[%dma_start3A_266, %dma_start3A_267] : memref<100000x128xf32, #tpu.memory_space<hbm>> -> memref<100000x128xf32, #tpu.memory_space<hbm>>
      tpu.enqueue_indirect_dma source(%dma_start3A_268 : memref<100000x128xf32, #tpu.memory_space<hbm>>) target(%dma_start3A_262 : memref<100x128xf32, #tpu.memory_space<vmem>>) offsets(%dma_start3A_265 : memref<100xi32, #tpu.memory_space<vmem>>) semaphore(%arg16 : memref<!tpu.dma_semaphore, #tpu.memory_space<semaphore_mem>>)
      %dma_start3A_269 = arith.constant 7 : i32
      %dma_start3A_270 = arith.constant 100 : i32
      %dma_start3A_271 = arith.constant 0 : i32
      %dma_start3A_272 = tpu.memref_slice %arg12[%dma_start3A_270, %dma_start3A_271] : memref<200x128xf32, #tpu.memory_space<vmem>> -> memref<100x128xf32, #tpu.memory_space<vmem>>
      %dma_start3A_273 = arith.constant 0 : i32
      %dma_start3A_274 = tpu.memref_slice %arg7[%dma_start3A_269, %dma_start3A_273] : memref<16x100xi32, #tpu.memory_space<vmem>> -> memref<1x100xi32, #tpu.memory_space<vmem>>
      %dma_start3A_275 = tpu.memref_squeeze %dma_start3A_274 : memref<1x100xi32, #tpu.memory_space<vmem>> -> memref<100xi32, #tpu.memory_space<vmem>>
      %dma_start3A_276 = arith.constant 0 : i32
      %dma_start3A_277 = arith.constant 0 : i32
      %dma_start3A_278 = tpu.memref_slice %arg4[%dma_start3A_276, %dma_start3A_277] : memref<100000x128xf32, #tpu.memory_space<hbm>> -> memref<100000x128xf32, #tpu.memory_space<hbm>>
      tpu.enqueue_indirect_dma source(%dma_start3A_278 : memref<100000x128xf32, #tpu.memory_space<hbm>>) target(%dma_start3A_272 : memref<100x128xf32, #tpu.memory_space<vmem>>) offsets(%dma_start3A_275 : memref<100xi32, #tpu.memory_space<vmem>>) semaphore(%arg16 : memref<!tpu.dma_semaphore, #tpu.memory_space<semaphore_mem>>)
      %dma_wait3A_279 = arith.constant 0 : i32
      %dma_wait3A_280 = arith.constant 0 : i32
      %dma_wait3A_281 = tpu.memref_slice %arg3[%dma_wait3A_279, %dma_wait3A_280] : memref<100000x128xf32, #tpu.memory_space<hbm>> -> memref<200x128xf32, #tpu.memory_space<hbm>>
      %dma_wait3A_282 = arith.constant 0 : i32
      %dma_wait3A_283 = arith.constant 0 : i32
      %dma_wait3A_284 = tpu.memref_slice %arg3[%dma_wait3A_282, %dma_wait3A_283] : memref<100000x128xf32, #tpu.memory_space<hbm>> -> memref<200x128xf32, #tpu.memory_space<hbm>>
      tpu.wait_dma2 semaphore(%arg13 : memref<!tpu.dma_semaphore, #tpu.memory_space<semaphore_mem>>) src(%dma_wait3A_284 : memref<200x128xf32, #tpu.memory_space<hbm>>) dst(%arg9 : memref<200x128xf32, #tpu.memory_space<vmem>>)
      %dma_wait3A_285 = arith.constant 0 : i32
      %dma_wait3A_286 = arith.constant 0 : i32
      %dma_wait3A_287 = tpu.memref_slice %arg4[%dma_wait3A_285, %dma_wait3A_286] : memref<100000x128xf32, #tpu.memory_space<hbm>> -> memref<200x128xf32, #tpu.memory_space<hbm>>
      %dma_wait3A_288 = arith.constant 0 : i32
      %dma_wait3A_289 = arith.constant 0 : i32
      %dma_wait3A_290 = tpu.memref_slice %arg4[%dma_wait3A_288, %dma_wait3A_289] : memref<100000x128xf32, #tpu.memory_space<hbm>> -> memref<200x128xf32, #tpu.memory_space<hbm>>
      tpu.wait_dma2 semaphore(%arg15 : memref<!tpu.dma_semaphore, #tpu.memory_space<semaphore_mem>>) src(%dma_wait3A_290 : memref<200x128xf32, #tpu.memory_space<hbm>>) dst(%arg11 : memref<200x128xf32, #tpu.memory_space<vmem>>)
      %scan3A_291 = arith.constant 0 : i32
      %scan3A_292 = arith.constant 0 : i32
      %scan3A_293 = arith.constant 100 : i32
      %scan3A_294 = arith.addi %scan3A_292, %scan3A_293 : i32
      %scan3A_295 = arith.constant 1 : i32
      scf.for %scan3A_697 = %scan3A_292 to %scan3A_294 step %scan3A_295  : i32 {
        %mul3A_698 = arith.constant 2 : i32
        %mul3A_699 = arith.muli %scan3A_697, %mul3A_698 : i32
        %add3A_700 = arith.constant 0 : i32
        %add3A_701 = arith.addi %mul3A_699, %add3A_700 : i32
        %get3A = arith.index_cast %add3A_701 : i32 to index
        %get3A_702 = arith.constant 0 : index
        %get3A_703 = tpu.vector_load %arg8[%get3A, %get3A_702] {strides = array<i32>} : memref<200x128xf32, #tpu.memory_space<vmem>>, vector<1x16xf32>,
        %get3A_704 = vector.shape_cast %get3A_703 : vector<1x16xf32> to vector<16xf32>
        %get3A_705 = arith.index_cast %add3A_701 : i32 to index
        %get3A_706 = arith.constant 0 : index
        %get3A_707 = tpu.vector_load %arg9[%get3A_705, %get3A_706] {strides = array<i32>} : memref<200x128xf32, #tpu.memory_space<vmem>>, vector<1x16xf32>,
        %get3A_708 = vector.shape_cast %get3A_707 : vector<1x16xf32> to vector<16xf32>
        %add3A_709 = arith.addf %get3A_708, %get3A_704 : vector<16xf32>
        %swap3A = arith.index_cast %add3A_701 : i32 to index
        %swap3A_710 = arith.constant 0 : index
        %swap3A_711 = tpu.vector_load %arg9[%swap3A, %swap3A_710] {strides = array<i32>} : memref<200x128xf32, #tpu.memory_space<vmem>>, vector<1x16xf32>,
        %swap3A_712 = vector.shape_cast %swap3A_711 : vector<1x16xf32> to vector<16xf32>
        %swap3A_713 = vector.shape_cast %add3A_709 : vector<16xf32> to vector<1x16xf32>
        tpu.vector_store %arg9[%swap3A, %swap3A_710], %swap3A_713 {strides = array<i32>} : memref<200x128xf32, #tpu.memory_space<vmem>>, vector<1x16xf32>,
        %get3A_714 = arith.index_cast %add3A_701 : i32 to index
        %get3A_715 = arith.constant 0 : index
        %get3A_716 = tpu.vector_load %arg11[%get3A_714, %get3A_715] {strides = array<i32>} : memref<200x128xf32, #tpu.memory_space<vmem>>, vector<1x16xf32>,
        %get3A_717 = vector.shape_cast %get3A_716 : vector<1x16xf32> to vector<16xf32>
        %add3A_718 = arith.addf %get3A_717, %get3A_704 : vector<16xf32>
        %swap3A_719 = arith.index_cast %add3A_701 : i32 to index
        %swap3A_720 = arith.constant 0 : index
        %swap3A_721 = tpu.vector_load %arg11[%swap3A_719, %swap3A_720] {strides = array<i32>} : memref<200x128xf32, #tpu.memory_space<vmem>>, vector<1x16xf32>,
        %swap3A_722 = vector.shape_cast %swap3A_721 : vector<1x16xf32> to vector<16xf32>
        %swap3A_723 = vector.shape_cast %add3A_718 : vector<16xf32> to vector<1x16xf32>
        tpu.vector_store %arg11[%swap3A_719, %swap3A_720], %swap3A_723 {strides = array<i32>} : memref<200x128xf32, #tpu.memory_space<vmem>>, vector<1x16xf32>,
        %get3A_724 = arith.index_cast %add3A_701 : i32 to index
        %get3A_725 = arith.constant 16 : index
        %get3A_726 = tpu.vector_load %arg8[%get3A_724, %get3A_725] {strides = array<i32>} : memref<200x128xf32, #tpu.memory_space<vmem>>, vector<1x16xf32>,
        %get3A_727 = vector.shape_cast %get3A_726 : vector<1x16xf32> to vector<16xf32>
        %get3A_728 = arith.index_cast %add3A_701 : i32 to index
        %get3A_729 = arith.constant 16 : index
        %get3A_730 = tpu.vector_load %arg9[%get3A_728, %get3A_729] {strides = array<i32>} : memref<200x128xf32, #tpu.memory_space<vmem>>, vector<1x16xf32>,
        %get3A_731 = vector.shape_cast %get3A_730 : vector<1x16xf32> to vector<16xf32>
        %add3A_732 = arith.addf %get3A_731, %get3A_727 : vector<16xf32>
        %swap3A_733 = arith.index_cast %add3A_701 : i32 to index
        %swap3A_734 = arith.constant 16 : index
        %swap3A_735 = tpu.vector_load %arg9[%swap3A_733, %swap3A_734] {strides = array<i32>} : memref<200x128xf32, #tpu.memory_space<vmem>>, vector<1x16xf32>,
        %swap3A_736 = vector.shape_cast %swap3A_735 : vector<1x16xf32> to vector<16xf32>
        %swap3A_737 = vector.shape_cast %add3A_732 : vector<16xf32> to vector<1x16xf32>
        tpu.vector_store %arg9[%swap3A_733, %swap3A_734], %swap3A_737 {strides = array<i32>} : memref<200x128xf32, #tpu.memory_space<vmem>>, vector<1x16xf32>,
        %get3A_738 = arith.index_cast %add3A_701 : i32 to index
        %get3A_739 = arith.constant 16 : index
        %get3A_740 = tpu.vector_load %arg11[%get3A_738, %get3A_739] {strides = array<i32>} : memref<200x128xf32, #tpu.memory_space<vmem>>, vector<1x16xf32>,
        %get3A_741 = vector.shape_cast %get3A_740 : vector<1x16xf32> to vector<16xf32>
        %add3A_742 = arith.addf %get3A_741, %get3A_727 : vector<16xf32>
        %swap3A_743 = arith.index_cast %add3A_701 : i32 to index
        %swap3A_744 = arith.constant 16 : index
        %swap3A_745 = tpu.vector_load %arg11[%swap3A_743, %swap3A_744] {strides = array<i32>} : memref<200x128xf32, #tpu.memory_space<vmem>>, vector<1x16xf32>,
        %swap3A_746 = vector.shape_cast %swap3A_745 : vector<1x16xf32> to vector<16xf32>
        %swap3A_747 = vector.shape_cast %add3A_742 : vector<16xf32> to vector<1x16xf32>
        tpu.vector_store %arg11[%swap3A_743, %swap3A_744], %swap3A_747 {strides = array<i32>} : memref<200x128xf32, #tpu.memory_space<vmem>>, vector<1x16xf32>,
        %get3A_748 = arith.index_cast %add3A_701 : i32 to index
        %get3A_749 = arith.constant 32 : index
        %get3A_750 = tpu.vector_load %arg8[%get3A_748, %get3A_749] {strides = array<i32>} : memref<200x128xf32, #tpu.memory_space<vmem>>, vector<1x16xf32>,
        %get3A_751 = vector.shape_cast %get3A_750 : vector<1x16xf32> to vector<16xf32>
        %get3A_752 = arith.index_cast %add3A_701 : i32 to index
        %get3A_753 = arith.constant 32 : index
        %get3A_754 = tpu.vector_load %arg9[%get3A_752, %get3A_753] {strides = array<i32>} : memref<200x128xf32, #tpu.memory_space<vmem>>, vector<1x16xf32>,
        %get3A_755 = vector.shape_cast %get3A_754 : vector<1x16xf32> to vector<16xf32>
        %add3A_756 = arith.addf %get3A_755, %get3A_751 : vector<16xf32>
        %swap3A_757 = arith.index_cast %add3A_701 : i32 to index
        %swap3A_758 = arith.constant 32 : index
        %swap3A_759 = tpu.vector_load %arg9[%swap3A_757, %swap3A_758] {strides = array<i32>} : memref<200x128xf32, #tpu.memory_space<vmem>>, vector<1x16xf32>,
        %swap3A_760 = vector.shape_cast %swap3A_759 : vector<1x16xf32> to vector<16xf32>
        %swap3A_761 = vector.shape_cast %add3A_756 : vector<16xf32> to vector<1x16xf32>
        tpu.vector_store %arg9[%swap3A_757, %swap3A_758], %swap3A_761 {strides = array<i32>} : memref<200x128xf32, #tpu.memory_space<vmem>>, vector<1x16xf32>,
        %get3A_762 = arith.index_cast %add3A_701 : i32 to index
        %get3A_763 = arith.constant 32 : index
        %get3A_764 = tpu.vector_load %arg11[%get3A_762, %get3A_763] {strides = array<i32>} : memref<200x128xf32, #tpu.memory_space<vmem>>, vector<1x16xf32>,
        %get3A_765 = vector.shape_cast %get3A_764 : vector<1x16xf32> to vector<16xf32>
        %add3A_766 = arith.addf %get3A_765, %get3A_751 : vector<16xf32>
        %swap3A_767 = arith.index_cast %add3A_701 : i32 to index
        %swap3A_768 = arith.constant 32 : index
        %swap3A_769 = tpu.vector_load %arg11[%swap3A_767, %swap3A_768] {strides = array<i32>} : memref<200x128xf32, #tpu.memory_space<vmem>>, vector<1x16xf32>,
        %swap3A_770 = vector.shape_cast %swap3A_769 : vector<1x16xf32> to vector<16xf32>
        %swap3A_771 = vector.shape_cast %add3A_766 : vector<16xf32> to vector<1x16xf32>
        tpu.vector_store %arg11[%swap3A_767, %swap3A_768], %swap3A_771 {strides = array<i32>} : memref<200x128xf32, #tpu.memory_space<vmem>>, vector<1x16xf32>,
        %get3A_772 = arith.index_cast %add3A_701 : i32 to index
        %get3A_773 = arith.constant 48 : index
        %get3A_774 = tpu.vector_load %arg8[%get3A_772, %get3A_773] {strides = array<i32>} : memref<200x128xf32, #tpu.memory_space<vmem>>, vector<1x16xf32>,
        %get3A_775 = vector.shape_cast %get3A_774 : vector<1x16xf32> to vector<16xf32>
        %get3A_776 = arith.index_cast %add3A_701 : i32 to index
        %get3A_777 = arith.constant 48 : index
        %get3A_778 = tpu.vector_load %arg9[%get3A_776, %get3A_777] {strides = array<i32>} : memref<200x128xf32, #tpu.memory_space<vmem>>, vector<1x16xf32>,
        %get3A_779 = vector.shape_cast %get3A_778 : vector<1x16xf32> to vector<16xf32>
        %add3A_780 = arith.addf %get3A_779, %get3A_775 : vector<16xf32>
        %swap3A_781 = arith.index_cast %add3A_701 : i32 to index
        %swap3A_782 = arith.constant 48 : index
        %swap3A_783 = tpu.vector_load %arg9[%swap3A_781, %swap3A_782] {strides = array<i32>} : memref<200x128xf32, #tpu.memory_space<vmem>>, vector<1x16xf32>,
        %swap3A_784 = vector.shape_cast %swap3A_783 : vector<1x16xf32> to vector<16xf32>
        %swap3A_785 = vector.shape_cast %add3A_780 : vector<16xf32> to vector<1x16xf32>
        tpu.vector_store %arg9[%swap3A_781, %swap3A_782], %swap3A_785 {strides = array<i32>} : memref<200x128xf32, #tpu.memory_space<vmem>>, vector<1x16xf32>,
        %get3A_786 = arith.index_cast %add3A_701 : i32 to index
        %get3A_787 = arith.constant 48 : index
        %get3A_788 = tpu.vector_load %arg11[%get3A_786, %get3A_787] {strides = array<i32>} : memref<200x128xf32, #tpu.memory_space<vmem>>, vector<1x16xf32>,
        %get3A_789 = vector.shape_cast %get3A_788 : vector<1x16xf32> to vector<16xf32>
        %add3A_790 = arith.addf %get3A_789, %get3A_775 : vector<16xf32>
        %swap3A_791 = arith.index_cast %add3A_701 : i32 to index
        %swap3A_792 = arith.constant 48 : index
        %swap3A_793 = tpu.vector_load %arg11[%swap3A_791, %swap3A_792] {strides = array<i32>} : memref<200x128xf32, #tpu.memory_space<vmem>>, vector<1x16xf32>,
        %swap3A_794 = vector.shape_cast %swap3A_793 : vector<1x16xf32> to vector<16xf32>
        %swap3A_795 = vector.shape_cast %add3A_790 : vector<16xf32> to vector<1x16xf32>
        tpu.vector_store %arg11[%swap3A_791, %swap3A_792], %swap3A_795 {strides = array<i32>} : memref<200x128xf32, #tpu.memory_space<vmem>>, vector<1x16xf32>,
        %get3A_796 = arith.index_cast %add3A_701 : i32 to index
        %get3A_797 = arith.constant 64 : index
        %get3A_798 = tpu.vector_load %arg8[%get3A_796, %get3A_797] {strides = array<i32>} : memref<200x128xf32, #tpu.memory_space<vmem>>, vector<1x16xf32>,
        %get3A_799 = vector.shape_cast %get3A_798 : vector<1x16xf32> to vector<16xf32>
        %get3A_800 = arith.index_cast %add3A_701 : i32 to index
        %get3A_801 = arith.constant 64 : index
        %get3A_802 = tpu.vector_load %arg9[%get3A_800, %get3A_801] {strides = array<i32>} : memref<200x128xf32, #tpu.memory_space<vmem>>, vector<1x16xf32>,
        %get3A_803 = vector.shape_cast %get3A_802 : vector<1x16xf32> to vector<16xf32>
        %add3A_804 = arith.addf %get3A_803, %get3A_799 : vector<16xf32>
        %swap3A_805 = arith.index_cast %add3A_701 : i32 to index
        %swap3A_806 = arith.constant 64 : index
        %swap3A_807 = tpu.vector_load %arg9[%swap3A_805, %swap3A_806] {strides = array<i32>} : memref<200x128xf32, #tpu.memory_space<vmem>>, vector<1x16xf32>,
        %swap3A_808 = vector.shape_cast %swap3A_807 : vector<1x16xf32> to vector<16xf32>
        %swap3A_809 = vector.shape_cast %add3A_804 : vector<16xf32> to vector<1x16xf32>
        tpu.vector_store %arg9[%swap3A_805, %swap3A_806], %swap3A_809 {strides = array<i32>} : memref<200x128xf32, #tpu.memory_space<vmem>>, vector<1x16xf32>,
        %get3A_810 = arith.index_cast %add3A_701 : i32 to index
        %get3A_811 = arith.constant 64 : index
        %get3A_812 = tpu.vector_load %arg11[%get3A_810, %get3A_811] {strides = array<i32>} : memref<200x128xf32, #tpu.memory_space<vmem>>, vector<1x16xf32>,
        %get3A_813 = vector.shape_cast %get3A_812 : vector<1x16xf32> to vector<16xf32>
        %add3A_814 = arith.addf %get3A_813, %get3A_799 : vector<16xf32>
        %swap3A_815 = arith.index_cast %add3A_701 : i32 to index
        %swap3A_816 = arith.constant 64 : index
        %swap3A_817 = tpu.vector_load %arg11[%swap3A_815, %swap3A_816] {strides = array<i32>} : memref<200x128xf32, #tpu.memory_space<vmem>>, vector<1x16xf32>,
        %swap3A_818 = vector.shape_cast %swap3A_817 : vector<1x16xf32> to vector<16xf32>
        %swap3A_819 = vector.shape_cast %add3A_814 : vector<16xf32> to vector<1x16xf32>
        tpu.vector_store %arg11[%swap3A_815, %swap3A_816], %swap3A_819 {strides = array<i32>} : memref<200x128xf32, #tpu.memory_space<vmem>>, vector<1x16xf32>,
        %get3A_820 = arith.index_cast %add3A_701 : i32 to index
        %get3A_821 = arith.constant 80 : index
        %get3A_822 = tpu.vector_load %arg8[%get3A_820, %get3A_821] {strides = array<i32>} : memref<200x128xf32, #tpu.memory_space<vmem>>, vector<1x16xf32>,
        %get3A_823 = vector.shape_cast %get3A_822 : vector<1x16xf32> to vector<16xf32>
        %get3A_824 = arith.index_cast %add3A_701 : i32 to index
        %get3A_825 = arith.constant 80 : index
        %get3A_826 = tpu.vector_load %arg9[%get3A_824, %get3A_825] {strides = array<i32>} : memref<200x128xf32, #tpu.memory_space<vmem>>, vector<1x16xf32>,
        %get3A_827 = vector.shape_cast %get3A_826 : vector<1x16xf32> to vector<16xf32>
        %add3A_828 = arith.addf %get3A_827, %get3A_823 : vector<16xf32>
        %swap3A_829 = arith.index_cast %add3A_701 : i32 to index
        %swap3A_830 = arith.constant 80 : index
        %swap3A_831 = tpu.vector_load %arg9[%swap3A_829, %swap3A_830] {strides = array<i32>} : memref<200x128xf32, #tpu.memory_space<vmem>>, vector<1x16xf32>,
        %swap3A_832 = vector.shape_cast %swap3A_831 : vector<1x16xf32> to vector<16xf32>
        %swap3A_833 = vector.shape_cast %add3A_828 : vector<16xf32> to vector<1x16xf32>
        tpu.vector_store %arg9[%swap3A_829, %swap3A_830], %swap3A_833 {strides = array<i32>} : memref<200x128xf32, #tpu.memory_space<vmem>>, vector<1x16xf32>,
        %get3A_834 = arith.index_cast %add3A_701 : i32 to index
        %get3A_835 = arith.constant 80 : index
        %get3A_836 = tpu.vector_load %arg11[%get3A_834, %get3A_835] {strides = array<i32>} : memref<200x128xf32, #tpu.memory_space<vmem>>, vector<1x16xf32>,
        %get3A_837 = vector.shape_cast %get3A_836 : vector<1x16xf32> to vector<16xf32>
        %add3A_838 = arith.addf %get3A_837, %get3A_823 : vector<16xf32>
        %swap3A_839 = arith.index_cast %add3A_701 : i32 to index
        %swap3A_840 = arith.constant 80 : index
        %swap3A_841 = tpu.vector_load %arg11[%swap3A_839, %swap3A_840] {strides = array<i32>} : memref<200x128xf32, #tpu.memory_space<vmem>>, vector<1x16xf32>,
        %swap3A_842 = vector.shape_cast %swap3A_841 : vector<1x16xf32> to vector<16xf32>
        %swap3A_843 = vector.shape_cast %add3A_838 : vector<16xf32> to vector<1x16xf32>
        tpu.vector_store %arg11[%swap3A_839, %swap3A_840], %swap3A_843 {strides = array<i32>} : memref<200x128xf32, #tpu.memory_space<vmem>>, vector<1x16xf32>,
        %get3A_844 = arith.index_cast %add3A_701 : i32 to index
        %get3A_845 = arith.constant 96 : index
        %get3A_846 = tpu.vector_load %arg8[%get3A_844, %get3A_845] {strides = array<i32>} : memref<200x128xf32, #tpu.memory_space<vmem>>, vector<1x16xf32>,
        %get3A_847 = vector.shape_cast %get3A_846 : vector<1x16xf32> to vector<16xf32>
        %get3A_848 = arith.index_cast %add3A_701 : i32 to index
        %get3A_849 = arith.constant 96 : index
        %get3A_850 = tpu.vector_load %arg9[%get3A_848, %get3A_849] {strides = array<i32>} : memref<200x128xf32, #tpu.memory_space<vmem>>, vector<1x16xf32>,
        %get3A_851 = vector.shape_cast %get3A_850 : vector<1x16xf32> to vector<16xf32>
        %add3A_852 = arith.addf %get3A_851, %get3A_847 : vector<16xf32>
        %swap3A_853 = arith.index_cast %add3A_701 : i32 to index
        %swap3A_854 = arith.constant 96 : index
        %swap3A_855 = tpu.vector_load %arg9[%swap3A_853, %swap3A_854] {strides = array<i32>} : memref<200x128xf32, #tpu.memory_space<vmem>>, vector<1x16xf32>,
        %swap3A_856 = vector.shape_cast %swap3A_855 : vector<1x16xf32> to vector<16xf32>
        %swap3A_857 = vector.shape_cast %add3A_852 : vector<16xf32> to vector<1x16xf32>
        tpu.vector_store %arg9[%swap3A_853, %swap3A_854], %swap3A_857 {strides = array<i32>} : memref<200x128xf32, #tpu.memory_space<vmem>>, vector<1x16xf32>,
        %get3A_858 = arith.index_cast %add3A_701 : i32 to index
        %get3A_859 = arith.constant 96 : index
        %get3A_860 = tpu.vector_load %arg11[%get3A_858, %get3A_859] {strides = array<i32>} : memref<200x128xf32, #tpu.memory_space<vmem>>, vector<1x16xf32>,
        %get3A_861 = vector.shape_cast %get3A_860 : vector<1x16xf32> to vector<16xf32>
        %add3A_862 = arith.addf %get3A_861, %get3A_847 : vector<16xf32>
        %swap3A_863 = arith.index_cast %add3A_701 : i32 to index
        %swap3A_864 = arith.constant 96 : index
        %swap3A_865 = tpu.vector_load %arg11[%swap3A_863, %swap3A_864] {strides = array<i32>} : memref<200x128xf32, #tpu.memory_space<vmem>>, vector<1x16xf32>,
        %swap3A_866 = vector.shape_cast %swap3A_865 : vector<1x16xf32> to vector<16xf32>
        %swap3A_867 = vector.shape_cast %add3A_862 : vector<16xf32> to vector<1x16xf32>
        tpu.vector_store %arg11[%swap3A_863, %swap3A_864], %swap3A_867 {strides = array<i32>} : memref<200x128xf32, #tpu.memory_space<vmem>>, vector<1x16xf32>,
        %get3A_868 = arith.index_cast %add3A_701 : i32 to index
        %get3A_869 = arith.constant 112 : index
        %get3A_870 = tpu.vector_load %arg8[%get3A_868, %get3A_869] {strides = array<i32>} : memref<200x128xf32, #tpu.memory_space<vmem>>, vector<1x16xf32>,
        %get3A_871 = vector.shape_cast %get3A_870 : vector<1x16xf32> to vector<16xf32>
        %get3A_872 = arith.index_cast %add3A_701 : i32 to index
        %get3A_873 = arith.constant 112 : index
        %get3A_874 = tpu.vector_load %arg9[%get3A_872, %get3A_873] {strides = array<i32>} : memref<200x128xf32, #tpu.memory_space<vmem>>, vector<1x16xf32>,
        %get3A_875 = vector.shape_cast %get3A_874 : vector<1x16xf32> to vector<16xf32>
        %add3A_876 = arith.addf %get3A_875, %get3A_871 : vector<16xf32>
        %swap3A_877 = arith.index_cast %add3A_701 : i32 to index
        %swap3A_878 = arith.constant 112 : index
        %swap3A_879 = tpu.vector_load %arg9[%swap3A_877, %swap3A_878] {strides = array<i32>} : memref<200x128xf32, #tpu.memory_space<vmem>>, vector<1x16xf32>,
        %swap3A_880 = vector.shape_cast %swap3A_879 : vector<1x16xf32> to vector<16xf32>
        %swap3A_881 = vector.shape_cast %add3A_876 : vector<16xf32> to vector<1x16xf32>
        tpu.vector_store %arg9[%swap3A_877, %swap3A_878], %swap3A_881 {strides = array<i32>} : memref<200x128xf32, #tpu.memory_space<vmem>>, vector<1x16xf32>,
        %get3A_882 = arith.index_cast %add3A_701 : i32 to index
        %get3A_883 = arith.constant 112 : index
        %get3A_884 = tpu.vector_load %arg11[%get3A_882, %get3A_883] {strides = array<i32>} : memref<200x128xf32, #tpu.memory_space<vmem>>, vector<1x16xf32>,
        %get3A_885 = vector.shape_cast %get3A_884 : vector<1x16xf32> to vector<16xf32>
        %add3A_886 = arith.addf %get3A_885, %get3A_871 : vector<16xf32>
        %swap3A_887 = arith.index_cast %add3A_701 : i32 to index
        %swap3A_888 = arith.constant 112 : index
        %swap3A_889 = tpu.vector_load %arg11[%swap3A_887, %swap3A_888] {strides = array<i32>} : memref<200x128xf32, #tpu.memory_space<vmem>>, vector<1x16xf32>,
        %swap3A_890 = vector.shape_cast %swap3A_889 : vector<1x16xf32> to vector<16xf32>
        %swap3A_891 = vector.shape_cast %add3A_886 : vector<16xf32> to vector<1x16xf32>
        tpu.vector_store %arg11[%swap3A_887, %swap3A_888], %swap3A_891 {strides = array<i32>} : memref<200x128xf32, #tpu.memory_space<vmem>>, vector<1x16xf32>,
        %mul3A_892 = arith.constant 2 : i32
        %mul3A_893 = arith.muli %scan3A_697, %mul3A_892 : i32
        %add3A_894 = arith.constant 1 : i32
        %add3A_895 = arith.addi %mul3A_893, %add3A_894 : i32
        %get3A_896 = arith.index_cast %add3A_895 : i32 to index
        %get3A_897 = arith.constant 0 : index
        %get3A_898 = tpu.vector_load %arg8[%get3A_896, %get3A_897] {strides = array<i32>} : memref<200x128xf32, #tpu.memory_space<vmem>>, vector<1x16xf32>,
        %get3A_899 = vector.shape_cast %get3A_898 : vector<1x16xf32> to vector<16xf32>
        %get3A_900 = arith.index_cast %add3A_895 : i32 to index
        %get3A_901 = arith.constant 0 : index
        %get3A_902 = tpu.vector_load %arg9[%get3A_900, %get3A_901] {strides = array<i32>} : memref<200x128xf32, #tpu.memory_space<vmem>>, vector<1x16xf32>,
        %get3A_903 = vector.shape_cast %get3A_902 : vector<1x16xf32> to vector<16xf32>
        %add3A_904 = arith.addf %get3A_903, %get3A_899 : vector<16xf32>
        %swap3A_905 = arith.index_cast %add3A_895 : i32 to index
        %swap3A_906 = arith.constant 0 : index
        %swap3A_907 = tpu.vector_load %arg9[%swap3A_905, %swap3A_906] {strides = array<i32>} : memref<200x128xf32, #tpu.memory_space<vmem>>, vector<1x16xf32>,
        %swap3A_908 = vector.shape_cast %swap3A_907 : vector<1x16xf32> to vector<16xf32>
        %swap3A_909 = vector.shape_cast %add3A_904 : vector<16xf32> to vector<1x16xf32>
        tpu.vector_store %arg9[%swap3A_905, %swap3A_906], %swap3A_909 {strides = array<i32>} : memref<200x128xf32, #tpu.memory_space<vmem>>, vector<1x16xf32>,
        %get3A_910 = arith.index_cast %add3A_895 : i32 to index
        %get3A_911 = arith.constant 0 : index
        %get3A_912 = tpu.vector_load %arg11[%get3A_910, %get3A_911] {strides = array<i32>} : memref<200x128xf32, #tpu.memory_space<vmem>>, vector<1x16xf32>,
        %get3A_913 = vector.shape_cast %get3A_912 : vector<1x16xf32> to vector<16xf32>
        %add3A_914 = arith.addf %get3A_913, %get3A_899 : vector<16xf32>
        %swap3A_915 = arith.index_cast %add3A_895 : i32 to index
        %swap3A_916 = arith.constant 0 : index
        %swap3A_917 = tpu.vector_load %arg11[%swap3A_915, %swap3A_916] {strides = array<i32>} : memref<200x128xf32, #tpu.memory_space<vmem>>, vector<1x16xf32>,
        %swap3A_918 = vector.shape_cast %swap3A_917 : vector<1x16xf32> to vector<16xf32>
        %swap3A_919 = vector.shape_cast %add3A_914 : vector<16xf32> to vector<1x16xf32>
        tpu.vector_store %arg11[%swap3A_915, %swap3A_916], %swap3A_919 {strides = array<i32>} : memref<200x128xf32, #tpu.memory_space<vmem>>, vector<1x16xf32>,
        %get3A_920 = arith.index_cast %add3A_895 : i32 to index
        %get3A_921 = arith.constant 16 : index
        %get3A_922 = tpu.vector_load %arg8[%get3A_920, %get3A_921] {strides = array<i32>} : memref<200x128xf32, #tpu.memory_space<vmem>>, vector<1x16xf32>,
        %get3A_923 = vector.shape_cast %get3A_922 : vector<1x16xf32> to vector<16xf32>
        %get3A_924 = arith.index_cast %add3A_895 : i32 to index
        %get3A_925 = arith.constant 16 : index
        %get3A_926 = tpu.vector_load %arg9[%get3A_924, %get3A_925] {strides = array<i32>} : memref<200x128xf32, #tpu.memory_space<vmem>>, vector<1x16xf32>,
        %get3A_927 = vector.shape_cast %get3A_926 : vector<1x16xf32> to vector<16xf32>
        %add3A_928 = arith.addf %get3A_927, %get3A_923 : vector<16xf32>
        %swap3A_929 = arith.index_cast %add3A_895 : i32 to index
        %swap3A_930 = arith.constant 16 : index
        %swap3A_931 = tpu.vector_load %arg9[%swap3A_929, %swap3A_930] {strides = array<i32>} : memref<200x128xf32, #tpu.memory_space<vmem>>, vector<1x16xf32>,
        %swap3A_932 = vector.shape_cast %swap3A_931 : vector<1x16xf32> to vector<16xf32>
        %swap3A_933 = vector.shape_cast %add3A_928 : vector<16xf32> to vector<1x16xf32>
        tpu.vector_store %arg9[%swap3A_929, %swap3A_930], %swap3A_933 {strides = array<i32>} : memref<200x128xf32, #tpu.memory_space<vmem>>, vector<1x16xf32>,
        %get3A_934 = arith.index_cast %add3A_895 : i32 to index
        %get3A_935 = arith.constant 16 : index
        %get3A_936 = tpu.vector_load %arg11[%get3A_934, %get3A_935] {strides = array<i32>} : memref<200x128xf32, #tpu.memory_space<vmem>>, vector<1x16xf32>,
        %get3A_937 = vector.shape_cast %get3A_936 : vector<1x16xf32> to vector<16xf32>
        %add3A_938 = arith.addf %get3A_937, %get3A_923 : vector<16xf32>
        %swap3A_939 = arith.index_cast %add3A_895 : i32 to index
        %swap3A_940 = arith.constant 16 : index
        %swap3A_941 = tpu.vector_load %arg11[%swap3A_939, %swap3A_940] {strides = array<i32>} : memref<200x128xf32, #tpu.memory_space<vmem>>, vector<1x16xf32>,
        %swap3A_942 = vector.shape_cast %swap3A_941 : vector<1x16xf32> to vector<16xf32>
        %swap3A_943 = vector.shape_cast %add3A_938 : vector<16xf32> to vector<1x16xf32>
        tpu.vector_store %arg11[%swap3A_939, %swap3A_940], %swap3A_943 {strides = array<i32>} : memref<200x128xf32, #tpu.memory_space<vmem>>, vector<1x16xf32>,
        %get3A_944 = arith.index_cast %add3A_895 : i32 to index
        %get3A_945 = arith.constant 32 : index
        %get3A_946 = tpu.vector_load %arg8[%get3A_944, %get3A_945] {strides = array<i32>} : memref<200x128xf32, #tpu.memory_space<vmem>>, vector<1x16xf32>,
        %get3A_947 = vector.shape_cast %get3A_946 : vector<1x16xf32> to vector<16xf32>
        %get3A_948 = arith.index_cast %add3A_895 : i32 to index
        %get3A_949 = arith.constant 32 : index
        %get3A_950 = tpu.vector_load %arg9[%get3A_948, %get3A_949] {strides = array<i32>} : memref<200x128xf32, #tpu.memory_space<vmem>>, vector<1x16xf32>,
        %get3A_951 = vector.shape_cast %get3A_950 : vector<1x16xf32> to vector<16xf32>
        %add3A_952 = arith.addf %get3A_951, %get3A_947 : vector<16xf32>
        %swap3A_953 = arith.index_cast %add3A_895 : i32 to index
        %swap3A_954 = arith.constant 32 : index
        %swap3A_955 = tpu.vector_load %arg9[%swap3A_953, %swap3A_954] {strides = array<i32>} : memref<200x128xf32, #tpu.memory_space<vmem>>, vector<1x16xf32>,
        %swap3A_956 = vector.shape_cast %swap3A_955 : vector<1x16xf32> to vector<16xf32>
        %swap3A_957 = vector.shape_cast %add3A_952 : vector<16xf32> to vector<1x16xf32>
        tpu.vector_store %arg9[%swap3A_953, %swap3A_954], %swap3A_957 {strides = array<i32>} : memref<200x128xf32, #tpu.memory_space<vmem>>, vector<1x16xf32>,
        %get3A_958 = arith.index_cast %add3A_895 : i32 to index
        %get3A_959 = arith.constant 32 : index
        %get3A_960 = tpu.vector_load %arg11[%get3A_958, %get3A_959] {strides = array<i32>} : memref<200x128xf32, #tpu.memory_space<vmem>>, vector<1x16xf32>,
        %get3A_961 = vector.shape_cast %get3A_960 : vector<1x16xf32> to vector<16xf32>
        %add3A_962 = arith.addf %get3A_961, %get3A_947 : vector<16xf32>
        %swap3A_963 = arith.index_cast %add3A_895 : i32 to index
        %swap3A_964 = arith.constant 32 : index
        %swap3A_965 = tpu.vector_load %arg11[%swap3A_963, %swap3A_964] {strides = array<i32>} : memref<200x128xf32, #tpu.memory_space<vmem>>, vector<1x16xf32>,
        %swap3A_966 = vector.shape_cast %swap3A_965 : vector<1x16xf32> to vector<16xf32>
        %swap3A_967 = vector.shape_cast %add3A_962 : vector<16xf32> to vector<1x16xf32>
        tpu.vector_store %arg11[%swap3A_963, %swap3A_964], %swap3A_967 {strides = array<i32>} : memref<200x128xf32, #tpu.memory_space<vmem>>, vector<1x16xf32>,
        %get3A_968 = arith.index_cast %add3A_895 : i32 to index
        %get3A_969 = arith.constant 48 : index
        %get3A_970 = tpu.vector_load %arg8[%get3A_968, %get3A_969] {strides = array<i32>} : memref<200x128xf32, #tpu.memory_space<vmem>>, vector<1x16xf32>,
        %get3A_971 = vector.shape_cast %get3A_970 : vector<1x16xf32> to vector<16xf32>
        %get3A_972 = arith.index_cast %add3A_895 : i32 to index
        %get3A_973 = arith.constant 48 : index
        %get3A_974 = tpu.vector_load %arg9[%get3A_972, %get3A_973] {strides = array<i32>} : memref<200x128xf32, #tpu.memory_space<vmem>>, vector<1x16xf32>,
        %get3A_975 = vector.shape_cast %get3A_974 : vector<1x16xf32> to vector<16xf32>
        %add3A_976 = arith.addf %get3A_975, %get3A_971 : vector<16xf32>
        %swap3A_977 = arith.index_cast %add3A_895 : i32 to index
        %swap3A_978 = arith.constant 48 : index
        %swap3A_979 = tpu.vector_load %arg9[%swap3A_977, %swap3A_978] {strides = array<i32>} : memref<200x128xf32, #tpu.memory_space<vmem>>, vector<1x16xf32>,
        %swap3A_980 = vector.shape_cast %swap3A_979 : vector<1x16xf32> to vector<16xf32>
        %swap3A_981 = vector.shape_cast %add3A_976 : vector<16xf32> to vector<1x16xf32>
        tpu.vector_store %arg9[%swap3A_977, %swap3A_978], %swap3A_981 {strides = array<i32>} : memref<200x128xf32, #tpu.memory_space<vmem>>, vector<1x16xf32>,
        %get3A_982 = arith.index_cast %add3A_895 : i32 to index
        %get3A_983 = arith.constant 48 : index
        %get3A_984 = tpu.vector_load %arg11[%get3A_982, %get3A_983] {strides = array<i32>} : memref<200x128xf32, #tpu.memory_space<vmem>>, vector<1x16xf32>,
        %get3A_985 = vector.shape_cast %get3A_984 : vector<1x16xf32> to vector<16xf32>
        %add3A_986 = arith.addf %get3A_985, %get3A_971 : vector<16xf32>
        %swap3A_987 = arith.index_cast %add3A_895 : i32 to index
        %swap3A_988 = arith.constant 48 : index
        %swap3A_989 = tpu.vector_load %arg11[%swap3A_987, %swap3A_988] {strides = array<i32>} : memref<200x128xf32, #tpu.memory_space<vmem>>, vector<1x16xf32>,
        %swap3A_990 = vector.shape_cast %swap3A_989 : vector<1x16xf32> to vector<16xf32>
        %swap3A_991 = vector.shape_cast %add3A_986 : vector<16xf32> to vector<1x16xf32>
        tpu.vector_store %arg11[%swap3A_987, %swap3A_988], %swap3A_991 {strides = array<i32>} : memref<200x128xf32, #tpu.memory_space<vmem>>, vector<1x16xf32>,
        %get3A_992 = arith.index_cast %add3A_895 : i32 to index
        %get3A_993 = arith.constant 64 : index
        %get3A_994 = tpu.vector_load %arg8[%get3A_992, %get3A_993] {strides = array<i32>} : memref<200x128xf32, #tpu.memory_space<vmem>>, vector<1x16xf32>,
        %get3A_995 = vector.shape_cast %get3A_994 : vector<1x16xf32> to vector<16xf32>
        %get3A_996 = arith.index_cast %add3A_895 : i32 to index
        %get3A_997 = arith.constant 64 : index
        %get3A_998 = tpu.vector_load %arg9[%get3A_996, %get3A_997] {strides = array<i32>} : memref<200x128xf32, #tpu.memory_space<vmem>>, vector<1x16xf32>,
        %get3A_999 = vector.shape_cast %get3A_998 : vector<1x16xf32> to vector<16xf32>
        %add3A_1000 = arith.addf %get3A_999, %get3A_995 : vector<16xf32>
        %swap3A_1001 = arith.index_cast %add3A_895 : i32 to index
        %swap3A_1002 = arith.constant 64 : index
        %swap3A_1003 = tpu.vector_load %arg9[%swap3A_1001, %swap3A_1002] {strides = array<i32>} : memref<200x128xf32, #tpu.memory_space<vmem>>, vector<1x16xf32>,
        %swap3A_1004 = vector.shape_cast %swap3A_1003 : vector<1x16xf32> to vector<16xf32>
        %swap3A_1005 = vector.shape_cast %add3A_1000 : vector<16xf32> to vector<1x16xf32>
        tpu.vector_store %arg9[%swap3A_1001, %swap3A_1002], %swap3A_1005 {strides = array<i32>} : memref<200x128xf32, #tpu.memory_space<vmem>>, vector<1x16xf32>,
        %get3A_1006 = arith.index_cast %add3A_895 : i32 to index
        %get3A_1007 = arith.constant 64 : index
        %get3A_1008 = tpu.vector_load %arg11[%get3A_1006, %get3A_1007] {strides = array<i32>} : memref<200x128xf32, #tpu.memory_space<vmem>>, vector<1x16xf32>,
        %get3A_1009 = vector.shape_cast %get3A_1008 : vector<1x16xf32> to vector<16xf32>
        %add3A_1010 = arith.addf %get3A_1009, %get3A_995 : vector<16xf32>
        %swap3A_1011 = arith.index_cast %add3A_895 : i32 to index
        %swap3A_1012 = arith.constant 64 : index
        %swap3A_1013 = tpu.vector_load %arg11[%swap3A_1011, %swap3A_1012] {strides = array<i32>} : memref<200x128xf32, #tpu.memory_space<vmem>>, vector<1x16xf32>,
        %swap3A_1014 = vector.shape_cast %swap3A_1013 : vector<1x16xf32> to vector<16xf32>
        %swap3A_1015 = vector.shape_cast %add3A_1010 : vector<16xf32> to vector<1x16xf32>
        tpu.vector_store %arg11[%swap3A_1011, %swap3A_1012], %swap3A_1015 {strides = array<i32>} : memref<200x128xf32, #tpu.memory_space<vmem>>, vector<1x16xf32>,
        %get3A_1016 = arith.index_cast %add3A_895 : i32 to index
        %get3A_1017 = arith.constant 80 : index
        %get3A_1018 = tpu.vector_load %arg8[%get3A_1016, %get3A_1017] {strides = array<i32>} : memref<200x128xf32, #tpu.memory_space<vmem>>, vector<1x16xf32>,
        %get3A_1019 = vector.shape_cast %get3A_1018 : vector<1x16xf32> to vector<16xf32>
        %get3A_1020 = arith.index_cast %add3A_895 : i32 to index
        %get3A_1021 = arith.constant 80 : index
        %get3A_1022 = tpu.vector_load %arg9[%get3A_1020, %get3A_1021] {strides = array<i32>} : memref<200x128xf32, #tpu.memory_space<vmem>>, vector<1x16xf32>,
        %get3A_1023 = vector.shape_cast %get3A_1022 : vector<1x16xf32> to vector<16xf32>
        %add3A_1024 = arith.addf %get3A_1023, %get3A_1019 : vector<16xf32>
        %swap3A_1025 = arith.index_cast %add3A_895 : i32 to index
        %swap3A_1026 = arith.constant 80 : index
        %swap3A_1027 = tpu.vector_load %arg9[%swap3A_1025, %swap3A_1026] {strides = array<i32>} : memref<200x128xf32, #tpu.memory_space<vmem>>, vector<1x16xf32>,
        %swap3A_1028 = vector.shape_cast %swap3A_1027 : vector<1x16xf32> to vector<16xf32>
        %swap3A_1029 = vector.shape_cast %add3A_1024 : vector<16xf32> to vector<1x16xf32>
        tpu.vector_store %arg9[%swap3A_1025, %swap3A_1026], %swap3A_1029 {strides = array<i32>} : memref<200x128xf32, #tpu.memory_space<vmem>>, vector<1x16xf32>,
        %get3A_1030 = arith.index_cast %add3A_895 : i32 to index
        %get3A_1031 = arith.constant 80 : index
        %get3A_1032 = tpu.vector_load %arg11[%get3A_1030, %get3A_1031] {strides = array<i32>} : memref<200x128xf32, #tpu.memory_space<vmem>>, vector<1x16xf32>,
        %get3A_1033 = vector.shape_cast %get3A_1032 : vector<1x16xf32> to vector<16xf32>
        %add3A_1034 = arith.addf %get3A_1033, %get3A_1019 : vector<16xf32>
        %swap3A_1035 = arith.index_cast %add3A_895 : i32 to index
        %swap3A_1036 = arith.constant 80 : index
        %swap3A_1037 = tpu.vector_load %arg11[%swap3A_1035, %swap3A_1036] {strides = array<i32>} : memref<200x128xf32, #tpu.memory_space<vmem>>, vector<1x16xf32>,
        %swap3A_1038 = vector.shape_cast %swap3A_1037 : vector<1x16xf32> to vector<16xf32>
        %swap3A_1039 = vector.shape_cast %add3A_1034 : vector<16xf32> to vector<1x16xf32>
        tpu.vector_store %arg11[%swap3A_1035, %swap3A_1036], %swap3A_1039 {strides = array<i32>} : memref<200x128xf32, #tpu.memory_space<vmem>>, vector<1x16xf32>,
        %get3A_1040 = arith.index_cast %add3A_895 : i32 to index
        %get3A_1041 = arith.constant 96 : index
        %get3A_1042 = tpu.vector_load %arg8[%get3A_1040, %get3A_1041] {strides = array<i32>} : memref<200x128xf32, #tpu.memory_space<vmem>>, vector<1x16xf32>,
        %get3A_1043 = vector.shape_cast %get3A_1042 : vector<1x16xf32> to vector<16xf32>
        %get3A_1044 = arith.index_cast %add3A_895 : i32 to index
        %get3A_1045 = arith.constant 96 : index
        %get3A_1046 = tpu.vector_load %arg9[%get3A_1044, %get3A_1045] {strides = array<i32>} : memref<200x128xf32, #tpu.memory_space<vmem>>, vector<1x16xf32>,
        %get3A_1047 = vector.shape_cast %get3A_1046 : vector<1x16xf32> to vector<16xf32>
        %add3A_1048 = arith.addf %get3A_1047, %get3A_1043 : vector<16xf32>
        %swap3A_1049 = arith.index_cast %add3A_895 : i32 to index
        %swap3A_1050 = arith.constant 96 : index
        %swap3A_1051 = tpu.vector_load %arg9[%swap3A_1049, %swap3A_1050] {strides = array<i32>} : memref<200x128xf32, #tpu.memory_space<vmem>>, vector<1x16xf32>,
        %swap3A_1052 = vector.shape_cast %swap3A_1051 : vector<1x16xf32> to vector<16xf32>
        %swap3A_1053 = vector.shape_cast %add3A_1048 : vector<16xf32> to vector<1x16xf32>
        tpu.vector_store %arg9[%swap3A_1049, %swap3A_1050], %swap3A_1053 {strides = array<i32>} : memref<200x128xf32, #tpu.memory_space<vmem>>, vector<1x16xf32>,
        %get3A_1054 = arith.index_cast %add3A_895 : i32 to index
        %get3A_1055 = arith.constant 96 : index
        %get3A_1056 = tpu.vector_load %arg11[%get3A_1054, %get3A_1055] {strides = array<i32>} : memref<200x128xf32, #tpu.memory_space<vmem>>, vector<1x16xf32>,
        %get3A_1057 = vector.shape_cast %get3A_1056 : vector<1x16xf32> to vector<16xf32>
        %add3A_1058 = arith.addf %get3A_1057, %get3A_1043 : vector<16xf32>
        %swap3A_1059 = arith.index_cast %add3A_895 : i32 to index
        %swap3A_1060 = arith.constant 96 : index
        %swap3A_1061 = tpu.vector_load %arg11[%swap3A_1059, %swap3A_1060] {strides = array<i32>} : memref<200x128xf32, #tpu.memory_space<vmem>>, vector<1x16xf32>,
        %swap3A_1062 = vector.shape_cast %swap3A_1061 : vector<1x16xf32> to vector<16xf32>
        %swap3A_1063 = vector.shape_cast %add3A_1058 : vector<16xf32> to vector<1x16xf32>
        tpu.vector_store %arg11[%swap3A_1059, %swap3A_1060], %swap3A_1063 {strides = array<i32>} : memref<200x128xf32, #tpu.memory_space<vmem>>, vector<1x16xf32>,
        %get3A_1064 = arith.index_cast %add3A_895 : i32 to index
        %get3A_1065 = arith.constant 112 : index
        %get3A_1066 = tpu.vector_load %arg8[%get3A_1064, %get3A_1065] {strides = array<i32>} : memref<200x128xf32, #tpu.memory_space<vmem>>, vector<1x16xf32>,
        %get3A_1067 = vector.shape_cast %get3A_1066 : vector<1x16xf32> to vector<16xf32>
        %get3A_1068 = arith.index_cast %add3A_895 : i32 to index
        %get3A_1069 = arith.constant 112 : index
        %get3A_1070 = tpu.vector_load %arg9[%get3A_1068, %get3A_1069] {strides = array<i32>} : memref<200x128xf32, #tpu.memory_space<vmem>>, vector<1x16xf32>,
        %get3A_1071 = vector.shape_cast %get3A_1070 : vector<1x16xf32> to vector<16xf32>
        %add3A_1072 = arith.addf %get3A_1071, %get3A_1067 : vector<16xf32>
        %swap3A_1073 = arith.index_cast %add3A_895 : i32 to index
        %swap3A_1074 = arith.constant 112 : index
        %swap3A_1075 = tpu.vector_load %arg9[%swap3A_1073, %swap3A_1074] {strides = array<i32>} : memref<200x128xf32, #tpu.memory_space<vmem>>, vector<1x16xf32>,
        %swap3A_1076 = vector.shape_cast %swap3A_1075 : vector<1x16xf32> to vector<16xf32>
        %swap3A_1077 = vector.shape_cast %add3A_1072 : vector<16xf32> to vector<1x16xf32>
        tpu.vector_store %arg9[%swap3A_1073, %swap3A_1074], %swap3A_1077 {strides = array<i32>} : memref<200x128xf32, #tpu.memory_space<vmem>>, vector<1x16xf32>,
        %get3A_1078 = arith.index_cast %add3A_895 : i32 to index
        %get3A_1079 = arith.constant 112 : index
        %get3A_1080 = tpu.vector_load %arg11[%get3A_1078, %get3A_1079] {strides = array<i32>} : memref<200x128xf32, #tpu.memory_space<vmem>>, vector<1x16xf32>,
        %get3A_1081 = vector.shape_cast %get3A_1080 : vector<1x16xf32> to vector<16xf32>
        %add3A_1082 = arith.addf %get3A_1081, %get3A_1067 : vector<16xf32>
        %swap3A_1083 = arith.index_cast %add3A_895 : i32 to index
        %swap3A_1084 = arith.constant 112 : index
        %swap3A_1085 = tpu.vector_load %arg11[%swap3A_1083, %swap3A_1084] {strides = array<i32>} : memref<200x128xf32, #tpu.memory_space<vmem>>, vector<1x16xf32>,
        %swap3A_1086 = vector.shape_cast %swap3A_1085 : vector<1x16xf32> to vector<16xf32>
        %swap3A_1087 = vector.shape_cast %add3A_1082 : vector<16xf32> to vector<1x16xf32>
        tpu.vector_store %arg11[%swap3A_1083, %swap3A_1084], %swap3A_1087 {strides = array<i32>} : memref<200x128xf32, #tpu.memory_space<vmem>>, vector<1x16xf32>,
      }
      %scan3A_296 = arith.constant 100 : i32
      %mul3A_297 = arith.constant 200 : i32
      %mul3A_298 = arith.muli %add3A_226, %mul3A_297 : i32
      %add3A_299 = arith.addi %mul3A_2, %mul3A_298 : i32
      %dma_start3A_300 = arith.constant 0 : i32
      %dma_start3A_301 = tpu.memref_slice %arg6[%add3A_299, %dma_start3A_300] : memref<204800x256xf32, #tpu.memory_space<hbm>> -> memref<200x128xf32, #tpu.memory_space<hbm>>
      %dma_start3A_302 = arith.constant 0 : i32
      %dma_start3A_303 = tpu.memref_slice %arg6[%add3A_299, %dma_start3A_302] : memref<204800x256xf32, #tpu.memory_space<hbm>> -> memref<200x128xf32, #tpu.memory_space<hbm>>
      tpu.enqueue_dma source(%arg9 : memref<200x128xf32, #tpu.memory_space<vmem>>) target(%dma_start3A_303 : memref<200x128xf32, #tpu.memory_space<hbm>>) target_semaphore(%arg17 : memref<!tpu.dma_semaphore, #tpu.memory_space<semaphore_mem>>)
      %dma_start3A_304 = arith.constant 128 : i32
      %dma_start3A_305 = tpu.memref_slice %arg6[%add3A_299, %dma_start3A_304] : memref<204800x256xf32, #tpu.memory_space<hbm>> -> memref<200x128xf32, #tpu.memory_space<hbm>>
      %dma_start3A_306 = arith.constant 128 : i32
      %dma_start3A_307 = tpu.memref_slice %arg6[%add3A_299, %dma_start3A_306] : memref<204800x256xf32, #tpu.memory_space<hbm>> -> memref<200x128xf32, #tpu.memory_space<hbm>>
      tpu.enqueue_dma source(%arg11 : memref<200x128xf32, #tpu.memory_space<vmem>>) target(%dma_start3A_307 : memref<200x128xf32, #tpu.memory_space<hbm>>) target_semaphore(%arg17 : memref<!tpu.dma_semaphore, #tpu.memory_space<semaphore_mem>>)
      %mul3A_308 = arith.constant 8 : i32
      %mul3A_309 = arith.muli %scan3A_62, %mul3A_308 : i32
      %add3A_310 = arith.constant 3 : i32
      %add3A_311 = arith.addi %mul3A_309, %add3A_310 : i32
      %dma_wait3A_312 = arith.constant 0 : i32
      %dma_wait3A_313 = arith.constant 0 : i32
      %dma_wait3A_314 = tpu.memref_slice %arg6[%dma_wait3A_312, %dma_wait3A_313] : memref<204800x256xf32, #tpu.memory_space<hbm>> -> memref<200x128xf32, #tpu.memory_space<hbm>>
      %dma_wait3A_315 = arith.constant 0 : i32
      %dma_wait3A_316 = arith.constant 0 : i32
      %dma_wait3A_317 = tpu.memref_slice %arg6[%dma_wait3A_315, %dma_wait3A_316] : memref<204800x256xf32, #tpu.memory_space<hbm>> -> memref<200x128xf32, #tpu.memory_space<hbm>>
      tpu.wait_dma2 semaphore(%arg17 : memref<!tpu.dma_semaphore, #tpu.memory_space<semaphore_mem>>) src(%arg9 : memref<200x128xf32, #tpu.memory_space<vmem>>) dst(%dma_wait3A_317 : memref<200x128xf32, #tpu.memory_space<hbm>>)
      %dma_wait3A_318 = arith.constant 0 : i32
      %dma_wait3A_319 = arith.constant 128 : i32
      %dma_wait3A_320 = tpu.memref_slice %arg6[%dma_wait3A_318, %dma_wait3A_319] : memref<204800x256xf32, #tpu.memory_space<hbm>> -> memref<200x128xf32, #tpu.memory_space<hbm>>
      %dma_wait3A_321 = arith.constant 0 : i32
      %dma_wait3A_322 = arith.constant 128 : i32
      %dma_wait3A_323 = tpu.memref_slice %arg6[%dma_wait3A_321, %dma_wait3A_322] : memref<204800x256xf32, #tpu.memory_space<hbm>> -> memref<200x128xf32, #tpu.memory_space<hbm>>
      tpu.wait_dma2 semaphore(%arg17 : memref<!tpu.dma_semaphore, #tpu.memory_space<semaphore_mem>>) src(%arg11 : memref<200x128xf32, #tpu.memory_space<vmem>>) dst(%dma_wait3A_323 : memref<200x128xf32, #tpu.memory_space<hbm>>)
      %dma_start3A_324 = arith.constant 8 : i32
      %dma_start3A_325 = arith.constant 0 : i32
      %dma_start3A_326 = arith.constant 0 : i32
      %dma_start3A_327 = tpu.memref_slice %arg9[%dma_start3A_325, %dma_start3A_326] : memref<200x128xf32, #tpu.memory_space<vmem>> -> memref<100x128xf32, #tpu.memory_space<vmem>>
      %dma_start3A_328 = arith.constant 0 : i32
      %dma_start3A_329 = tpu.memref_slice %arg7[%dma_start3A_324, %dma_start3A_328] : memref<16x100xi32, #tpu.memory_space<vmem>> -> memref<1x100xi32, #tpu.memory_space<vmem>>
      %dma_start3A_330 = tpu.memref_squeeze %dma_start3A_329 : memref<1x100xi32, #tpu.memory_space<vmem>> -> memref<100xi32, #tpu.memory_space<vmem>>
      %dma_start3A_331 = arith.constant 0 : i32
      %dma_start3A_332 = arith.constant 0 : i32
      %dma_start3A_333 = tpu.memref_slice %arg3[%dma_start3A_331, %dma_start3A_332] : memref<100000x128xf32, #tpu.memory_space<hbm>> -> memref<100000x128xf32, #tpu.memory_space<hbm>>
      tpu.enqueue_indirect_dma source(%dma_start3A_333 : memref<100000x128xf32, #tpu.memory_space<hbm>>) target(%dma_start3A_327 : memref<100x128xf32, #tpu.memory_space<vmem>>) offsets(%dma_start3A_330 : memref<100xi32, #tpu.memory_space<vmem>>) semaphore(%arg13 : memref<!tpu.dma_semaphore, #tpu.memory_space<semaphore_mem>>)
      %dma_start3A_334 = arith.constant 9 : i32
      %dma_start3A_335 = arith.constant 100 : i32
      %dma_start3A_336 = arith.constant 0 : i32
      %dma_start3A_337 = tpu.memref_slice %arg9[%dma_start3A_335, %dma_start3A_336] : memref<200x128xf32, #tpu.memory_space<vmem>> -> memref<100x128xf32, #tpu.memory_space<vmem>>
      %dma_start3A_338 = arith.constant 0 : i32
      %dma_start3A_339 = tpu.memref_slice %arg7[%dma_start3A_334, %dma_start3A_338] : memref<16x100xi32, #tpu.memory_space<vmem>> -> memref<1x100xi32, #tpu.memory_space<vmem>>
      %dma_start3A_340 = tpu.memref_squeeze %dma_start3A_339 : memref<1x100xi32, #tpu.memory_space<vmem>> -> memref<100xi32, #tpu.memory_space<vmem>>
      %dma_start3A_341 = arith.constant 0 : i32
      %dma_start3A_342 = arith.constant 0 : i32
      %dma_start3A_343 = tpu.memref_slice %arg3[%dma_start3A_341, %dma_start3A_342] : memref<100000x128xf32, #tpu.memory_space<hbm>> -> memref<100000x128xf32, #tpu.memory_space<hbm>>
      tpu.enqueue_indirect_dma source(%dma_start3A_343 : memref<100000x128xf32, #tpu.memory_space<hbm>>) target(%dma_start3A_337 : memref<100x128xf32, #tpu.memory_space<vmem>>) offsets(%dma_start3A_340 : memref<100xi32, #tpu.memory_space<vmem>>) semaphore(%arg13 : memref<!tpu.dma_semaphore, #tpu.memory_space<semaphore_mem>>)
      %dma_start3A_344 = arith.constant 8 : i32
      %dma_start3A_345 = arith.constant 0 : i32
      %dma_start3A_346 = arith.constant 0 : i32
      %dma_start3A_347 = tpu.memref_slice %arg11[%dma_start3A_345, %dma_start3A_346] : memref<200x128xf32, #tpu.memory_space<vmem>> -> memref<100x128xf32, #tpu.memory_space<vmem>>
      %dma_start3A_348 = arith.constant 0 : i32
      %dma_start3A_349 = tpu.memref_slice %arg7[%dma_start3A_344, %dma_start3A_348] : memref<16x100xi32, #tpu.memory_space<vmem>> -> memref<1x100xi32, #tpu.memory_space<vmem>>
      %dma_start3A_350 = tpu.memref_squeeze %dma_start3A_349 : memref<1x100xi32, #tpu.memory_space<vmem>> -> memref<100xi32, #tpu.memory_space<vmem>>
      %dma_start3A_351 = arith.constant 0 : i32
      %dma_start3A_352 = arith.constant 0 : i32
      %dma_start3A_353 = tpu.memref_slice %arg4[%dma_start3A_351, %dma_start3A_352] : memref<100000x128xf32, #tpu.memory_space<hbm>> -> memref<100000x128xf32, #tpu.memory_space<hbm>>
      tpu.enqueue_indirect_dma source(%dma_start3A_353 : memref<100000x128xf32, #tpu.memory_space<hbm>>) target(%dma_start3A_347 : memref<100x128xf32, #tpu.memory_space<vmem>>) offsets(%dma_start3A_350 : memref<100xi32, #tpu.memory_space<vmem>>) semaphore(%arg15 : memref<!tpu.dma_semaphore, #tpu.memory_space<semaphore_mem>>)
      %dma_start3A_354 = arith.constant 9 : i32
      %dma_start3A_355 = arith.constant 100 : i32
      %dma_start3A_356 = arith.constant 0 : i32
      %dma_start3A_357 = tpu.memref_slice %arg11[%dma_start3A_355, %dma_start3A_356] : memref<200x128xf32, #tpu.memory_space<vmem>> -> memref<100x128xf32, #tpu.memory_space<vmem>>
      %dma_start3A_358 = arith.constant 0 : i32
      %dma_start3A_359 = tpu.memref_slice %arg7[%dma_start3A_354, %dma_start3A_358] : memref<16x100xi32, #tpu.memory_space<vmem>> -> memref<1x100xi32, #tpu.memory_space<vmem>>
      %dma_start3A_360 = tpu.memref_squeeze %dma_start3A_359 : memref<1x100xi32, #tpu.memory_space<vmem>> -> memref<100xi32, #tpu.memory_space<vmem>>
      %dma_start3A_361 = arith.constant 0 : i32
      %dma_start3A_362 = arith.constant 0 : i32
      %dma_start3A_363 = tpu.memref_slice %arg4[%dma_start3A_361, %dma_start3A_362] : memref<100000x128xf32, #tpu.memory_space<hbm>> -> memref<100000x128xf32, #tpu.memory_space<hbm>>
      tpu.enqueue_indirect_dma source(%dma_start3A_363 : memref<100000x128xf32, #tpu.memory_space<hbm>>) target(%dma_start3A_357 : memref<100x128xf32, #tpu.memory_space<vmem>>) offsets(%dma_start3A_360 : memref<100xi32, #tpu.memory_space<vmem>>) semaphore(%arg15 : memref<!tpu.dma_semaphore, #tpu.memory_space<semaphore_mem>>)
      %dma_wait3A_364 = arith.constant 0 : i32
      %dma_wait3A_365 = arith.constant 0 : i32
      %dma_wait3A_366 = tpu.memref_slice %arg3[%dma_wait3A_364, %dma_wait3A_365] : memref<100000x128xf32, #tpu.memory_space<hbm>> -> memref<200x128xf32, #tpu.memory_space<hbm>>
      %dma_wait3A_367 = arith.constant 0 : i32
      %dma_wait3A_368 = arith.constant 0 : i32
      %dma_wait3A_369 = tpu.memref_slice %arg3[%dma_wait3A_367, %dma_wait3A_368] : memref<100000x128xf32, #tpu.memory_space<hbm>> -> memref<200x128xf32, #tpu.memory_space<hbm>>
      tpu.wait_dma2 semaphore(%arg14 : memref<!tpu.dma_semaphore, #tpu.memory_space<semaphore_mem>>) src(%dma_wait3A_369 : memref<200x128xf32, #tpu.memory_space<hbm>>) dst(%arg10 : memref<200x128xf32, #tpu.memory_space<vmem>>)
      %dma_wait3A_370 = arith.constant 0 : i32
      %dma_wait3A_371 = arith.constant 0 : i32
      %dma_wait3A_372 = tpu.memref_slice %arg4[%dma_wait3A_370, %dma_wait3A_371] : memref<100000x128xf32, #tpu.memory_space<hbm>> -> memref<200x128xf32, #tpu.memory_space<hbm>>
      %dma_wait3A_373 = arith.constant 0 : i32
      %dma_wait3A_374 = arith.constant 0 : i32
      %dma_wait3A_375 = tpu.memref_slice %arg4[%dma_wait3A_373, %dma_wait3A_374] : memref<100000x128xf32, #tpu.memory_space<hbm>> -> memref<200x128xf32, #tpu.memory_space<hbm>>
      tpu.wait_dma2 semaphore(%arg16 : memref<!tpu.dma_semaphore, #tpu.memory_space<semaphore_mem>>) src(%dma_wait3A_375 : memref<200x128xf32, #tpu.memory_space<hbm>>) dst(%arg12 : memref<200x128xf32, #tpu.memory_space<vmem>>)
      %scan3A_376 = arith.constant 0 : i32
      %scan3A_377 = arith.constant 0 : i32
      %scan3A_378 = arith.constant 100 : i32
      %scan3A_379 = arith.addi %scan3A_377, %scan3A_378 : i32
      %scan3A_380 = arith.constant 1 : i32
      scf.for %scan3A_697 = %scan3A_377 to %scan3A_379 step %scan3A_380  : i32 {
        %mul3A_698 = arith.constant 2 : i32
        %mul3A_699 = arith.muli %scan3A_697, %mul3A_698 : i32
        %add3A_700 = arith.constant 0 : i32
        %add3A_701 = arith.addi %mul3A_699, %add3A_700 : i32
        %get3A = arith.index_cast %add3A_701 : i32 to index
        %get3A_702 = arith.constant 0 : index
        %get3A_703 = tpu.vector_load %arg8[%get3A, %get3A_702] {strides = array<i32>} : memref<200x128xf32, #tpu.memory_space<vmem>>, vector<1x16xf32>,
        %get3A_704 = vector.shape_cast %get3A_703 : vector<1x16xf32> to vector<16xf32>
        %get3A_705 = arith.index_cast %add3A_701 : i32 to index
        %get3A_706 = arith.constant 0 : index
        %get3A_707 = tpu.vector_load %arg10[%get3A_705, %get3A_706] {strides = array<i32>} : memref<200x128xf32, #tpu.memory_space<vmem>>, vector<1x16xf32>,
        %get3A_708 = vector.shape_cast %get3A_707 : vector<1x16xf32> to vector<16xf32>
        %add3A_709 = arith.addf %get3A_708, %get3A_704 : vector<16xf32>
        %swap3A = arith.index_cast %add3A_701 : i32 to index
        %swap3A_710 = arith.constant 0 : index
        %swap3A_711 = tpu.vector_load %arg10[%swap3A, %swap3A_710] {strides = array<i32>} : memref<200x128xf32, #tpu.memory_space<vmem>>, vector<1x16xf32>,
        %swap3A_712 = vector.shape_cast %swap3A_711 : vector<1x16xf32> to vector<16xf32>
        %swap3A_713 = vector.shape_cast %add3A_709 : vector<16xf32> to vector<1x16xf32>
        tpu.vector_store %arg10[%swap3A, %swap3A_710], %swap3A_713 {strides = array<i32>} : memref<200x128xf32, #tpu.memory_space<vmem>>, vector<1x16xf32>,
        %get3A_714 = arith.index_cast %add3A_701 : i32 to index
        %get3A_715 = arith.constant 0 : index
        %get3A_716 = tpu.vector_load %arg12[%get3A_714, %get3A_715] {strides = array<i32>} : memref<200x128xf32, #tpu.memory_space<vmem>>, vector<1x16xf32>,
        %get3A_717 = vector.shape_cast %get3A_716 : vector<1x16xf32> to vector<16xf32>
        %add3A_718 = arith.addf %get3A_717, %get3A_704 : vector<16xf32>
        %swap3A_719 = arith.index_cast %add3A_701 : i32 to index
        %swap3A_720 = arith.constant 0 : index
        %swap3A_721 = tpu.vector_load %arg12[%swap3A_719, %swap3A_720] {strides = array<i32>} : memref<200x128xf32, #tpu.memory_space<vmem>>, vector<1x16xf32>,
        %swap3A_722 = vector.shape_cast %swap3A_721 : vector<1x16xf32> to vector<16xf32>
        %swap3A_723 = vector.shape_cast %add3A_718 : vector<16xf32> to vector<1x16xf32>
        tpu.vector_store %arg12[%swap3A_719, %swap3A_720], %swap3A_723 {strides = array<i32>} : memref<200x128xf32, #tpu.memory_space<vmem>>, vector<1x16xf32>,
        %get3A_724 = arith.index_cast %add3A_701 : i32 to index
        %get3A_725 = arith.constant 16 : index
        %get3A_726 = tpu.vector_load %arg8[%get3A_724, %get3A_725] {strides = array<i32>} : memref<200x128xf32, #tpu.memory_space<vmem>>, vector<1x16xf32>,
        %get3A_727 = vector.shape_cast %get3A_726 : vector<1x16xf32> to vector<16xf32>
        %get3A_728 = arith.index_cast %add3A_701 : i32 to index
        %get3A_729 = arith.constant 16 : index
        %get3A_730 = tpu.vector_load %arg10[%get3A_728, %get3A_729] {strides = array<i32>} : memref<200x128xf32, #tpu.memory_space<vmem>>, vector<1x16xf32>,
        %get3A_731 = vector.shape_cast %get3A_730 : vector<1x16xf32> to vector<16xf32>
        %add3A_732 = arith.addf %get3A_731, %get3A_727 : vector<16xf32>
        %swap3A_733 = arith.index_cast %add3A_701 : i32 to index
        %swap3A_734 = arith.constant 16 : index
        %swap3A_735 = tpu.vector_load %arg10[%swap3A_733, %swap3A_734] {strides = array<i32>} : memref<200x128xf32, #tpu.memory_space<vmem>>, vector<1x16xf32>,
        %swap3A_736 = vector.shape_cast %swap3A_735 : vector<1x16xf32> to vector<16xf32>
        %swap3A_737 = vector.shape_cast %add3A_732 : vector<16xf32> to vector<1x16xf32>
        tpu.vector_store %arg10[%swap3A_733, %swap3A_734], %swap3A_737 {strides = array<i32>} : memref<200x128xf32, #tpu.memory_space<vmem>>, vector<1x16xf32>,
        %get3A_738 = arith.index_cast %add3A_701 : i32 to index
        %get3A_739 = arith.constant 16 : index
        %get3A_740 = tpu.vector_load %arg12[%get3A_738, %get3A_739] {strides = array<i32>} : memref<200x128xf32, #tpu.memory_space<vmem>>, vector<1x16xf32>,
        %get3A_741 = vector.shape_cast %get3A_740 : vector<1x16xf32> to vector<16xf32>
        %add3A_742 = arith.addf %get3A_741, %get3A_727 : vector<16xf32>
        %swap3A_743 = arith.index_cast %add3A_701 : i32 to index
        %swap3A_744 = arith.constant 16 : index
        %swap3A_745 = tpu.vector_load %arg12[%swap3A_743, %swap3A_744] {strides = array<i32>} : memref<200x128xf32, #tpu.memory_space<vmem>>, vector<1x16xf32>,
        %swap3A_746 = vector.shape_cast %swap3A_745 : vector<1x16xf32> to vector<16xf32>
        %swap3A_747 = vector.shape_cast %add3A_742 : vector<16xf32> to vector<1x16xf32>
        tpu.vector_store %arg12[%swap3A_743, %swap3A_744], %swap3A_747 {strides = array<i32>} : memref<200x128xf32, #tpu.memory_space<vmem>>, vector<1x16xf32>,
        %get3A_748 = arith.index_cast %add3A_701 : i32 to index
        %get3A_749 = arith.constant 32 : index
        %get3A_750 = tpu.vector_load %arg8[%get3A_748, %get3A_749] {strides = array<i32>} : memref<200x128xf32, #tpu.memory_space<vmem>>, vector<1x16xf32>,
        %get3A_751 = vector.shape_cast %get3A_750 : vector<1x16xf32> to vector<16xf32>
        %get3A_752 = arith.index_cast %add3A_701 : i32 to index
        %get3A_753 = arith.constant 32 : index
        %get3A_754 = tpu.vector_load %arg10[%get3A_752, %get3A_753] {strides = array<i32>} : memref<200x128xf32, #tpu.memory_space<vmem>>, vector<1x16xf32>,
        %get3A_755 = vector.shape_cast %get3A_754 : vector<1x16xf32> to vector<16xf32>
        %add3A_756 = arith.addf %get3A_755, %get3A_751 : vector<16xf32>
        %swap3A_757 = arith.index_cast %add3A_701 : i32 to index
        %swap3A_758 = arith.constant 32 : index
        %swap3A_759 = tpu.vector_load %arg10[%swap3A_757, %swap3A_758] {strides = array<i32>} : memref<200x128xf32, #tpu.memory_space<vmem>>, vector<1x16xf32>,
        %swap3A_760 = vector.shape_cast %swap3A_759 : vector<1x16xf32> to vector<16xf32>
        %swap3A_761 = vector.shape_cast %add3A_756 : vector<16xf32> to vector<1x16xf32>
        tpu.vector_store %arg10[%swap3A_757, %swap3A_758], %swap3A_761 {strides = array<i32>} : memref<200x128xf32, #tpu.memory_space<vmem>>, vector<1x16xf32>,
        %get3A_762 = arith.index_cast %add3A_701 : i32 to index
        %get3A_763 = arith.constant 32 : index
        %get3A_764 = tpu.vector_load %arg12[%get3A_762, %get3A_763] {strides = array<i32>} : memref<200x128xf32, #tpu.memory_space<vmem>>, vector<1x16xf32>,
        %get3A_765 = vector.shape_cast %get3A_764 : vector<1x16xf32> to vector<16xf32>
        %add3A_766 = arith.addf %get3A_765, %get3A_751 : vector<16xf32>
        %swap3A_767 = arith.index_cast %add3A_701 : i32 to index
        %swap3A_768 = arith.constant 32 : index
        %swap3A_769 = tpu.vector_load %arg12[%swap3A_767, %swap3A_768] {strides = array<i32>} : memref<200x128xf32, #tpu.memory_space<vmem>>, vector<1x16xf32>,
        %swap3A_770 = vector.shape_cast %swap3A_769 : vector<1x16xf32> to vector<16xf32>
        %swap3A_771 = vector.shape_cast %add3A_766 : vector<16xf32> to vector<1x16xf32>
        tpu.vector_store %arg12[%swap3A_767, %swap3A_768], %swap3A_771 {strides = array<i32>} : memref<200x128xf32, #tpu.memory_space<vmem>>, vector<1x16xf32>,
        %get3A_772 = arith.index_cast %add3A_701 : i32 to index
        %get3A_773 = arith.constant 48 : index
        %get3A_774 = tpu.vector_load %arg8[%get3A_772, %get3A_773] {strides = array<i32>} : memref<200x128xf32, #tpu.memory_space<vmem>>, vector<1x16xf32>,
        %get3A_775 = vector.shape_cast %get3A_774 : vector<1x16xf32> to vector<16xf32>
        %get3A_776 = arith.index_cast %add3A_701 : i32 to index
        %get3A_777 = arith.constant 48 : index
        %get3A_778 = tpu.vector_load %arg10[%get3A_776, %get3A_777] {strides = array<i32>} : memref<200x128xf32, #tpu.memory_space<vmem>>, vector<1x16xf32>,
        %get3A_779 = vector.shape_cast %get3A_778 : vector<1x16xf32> to vector<16xf32>
        %add3A_780 = arith.addf %get3A_779, %get3A_775 : vector<16xf32>
        %swap3A_781 = arith.index_cast %add3A_701 : i32 to index
        %swap3A_782 = arith.constant 48 : index
        %swap3A_783 = tpu.vector_load %arg10[%swap3A_781, %swap3A_782] {strides = array<i32>} : memref<200x128xf32, #tpu.memory_space<vmem>>, vector<1x16xf32>,
        %swap3A_784 = vector.shape_cast %swap3A_783 : vector<1x16xf32> to vector<16xf32>
        %swap3A_785 = vector.shape_cast %add3A_780 : vector<16xf32> to vector<1x16xf32>
        tpu.vector_store %arg10[%swap3A_781, %swap3A_782], %swap3A_785 {strides = array<i32>} : memref<200x128xf32, #tpu.memory_space<vmem>>, vector<1x16xf32>,
        %get3A_786 = arith.index_cast %add3A_701 : i32 to index
        %get3A_787 = arith.constant 48 : index
        %get3A_788 = tpu.vector_load %arg12[%get3A_786, %get3A_787] {strides = array<i32>} : memref<200x128xf32, #tpu.memory_space<vmem>>, vector<1x16xf32>,
        %get3A_789 = vector.shape_cast %get3A_788 : vector<1x16xf32> to vector<16xf32>
        %add3A_790 = arith.addf %get3A_789, %get3A_775 : vector<16xf32>
        %swap3A_791 = arith.index_cast %add3A_701 : i32 to index
        %swap3A_792 = arith.constant 48 : index
        %swap3A_793 = tpu.vector_load %arg12[%swap3A_791, %swap3A_792] {strides = array<i32>} : memref<200x128xf32, #tpu.memory_space<vmem>>, vector<1x16xf32>,
        %swap3A_794 = vector.shape_cast %swap3A_793 : vector<1x16xf32> to vector<16xf32>
        %swap3A_795 = vector.shape_cast %add3A_790 : vector<16xf32> to vector<1x16xf32>
        tpu.vector_store %arg12[%swap3A_791, %swap3A_792], %swap3A_795 {strides = array<i32>} : memref<200x128xf32, #tpu.memory_space<vmem>>, vector<1x16xf32>,
        %get3A_796 = arith.index_cast %add3A_701 : i32 to index
        %get3A_797 = arith.constant 64 : index
        %get3A_798 = tpu.vector_load %arg8[%get3A_796, %get3A_797] {strides = array<i32>} : memref<200x128xf32, #tpu.memory_space<vmem>>, vector<1x16xf32>,
        %get3A_799 = vector.shape_cast %get3A_798 : vector<1x16xf32> to vector<16xf32>
        %get3A_800 = arith.index_cast %add3A_701 : i32 to index
        %get3A_801 = arith.constant 64 : index
        %get3A_802 = tpu.vector_load %arg10[%get3A_800, %get3A_801] {strides = array<i32>} : memref<200x128xf32, #tpu.memory_space<vmem>>, vector<1x16xf32>,
        %get3A_803 = vector.shape_cast %get3A_802 : vector<1x16xf32> to vector<16xf32>
        %add3A_804 = arith.addf %get3A_803, %get3A_799 : vector<16xf32>
        %swap3A_805 = arith.index_cast %add3A_701 : i32 to index
        %swap3A_806 = arith.constant 64 : index
        %swap3A_807 = tpu.vector_load %arg10[%swap3A_805, %swap3A_806] {strides = array<i32>} : memref<200x128xf32, #tpu.memory_space<vmem>>, vector<1x16xf32>,
        %swap3A_808 = vector.shape_cast %swap3A_807 : vector<1x16xf32> to vector<16xf32>
        %swap3A_809 = vector.shape_cast %add3A_804 : vector<16xf32> to vector<1x16xf32>
        tpu.vector_store %arg10[%swap3A_805, %swap3A_806], %swap3A_809 {strides = array<i32>} : memref<200x128xf32, #tpu.memory_space<vmem>>, vector<1x16xf32>,
        %get3A_810 = arith.index_cast %add3A_701 : i32 to index
        %get3A_811 = arith.constant 64 : index
        %get3A_812 = tpu.vector_load %arg12[%get3A_810, %get3A_811] {strides = array<i32>} : memref<200x128xf32, #tpu.memory_space<vmem>>, vector<1x16xf32>,
        %get3A_813 = vector.shape_cast %get3A_812 : vector<1x16xf32> to vector<16xf32>
        %add3A_814 = arith.addf %get3A_813, %get3A_799 : vector<16xf32>
        %swap3A_815 = arith.index_cast %add3A_701 : i32 to index
        %swap3A_816 = arith.constant 64 : index
        %swap3A_817 = tpu.vector_load %arg12[%swap3A_815, %swap3A_816] {strides = array<i32>} : memref<200x128xf32, #tpu.memory_space<vmem>>, vector<1x16xf32>,
        %swap3A_818 = vector.shape_cast %swap3A_817 : vector<1x16xf32> to vector<16xf32>
        %swap3A_819 = vector.shape_cast %add3A_814 : vector<16xf32> to vector<1x16xf32>
        tpu.vector_store %arg12[%swap3A_815, %swap3A_816], %swap3A_819 {strides = array<i32>} : memref<200x128xf32, #tpu.memory_space<vmem>>, vector<1x16xf32>,
        %get3A_820 = arith.index_cast %add3A_701 : i32 to index
        %get3A_821 = arith.constant 80 : index
        %get3A_822 = tpu.vector_load %arg8[%get3A_820, %get3A_821] {strides = array<i32>} : memref<200x128xf32, #tpu.memory_space<vmem>>, vector<1x16xf32>,
        %get3A_823 = vector.shape_cast %get3A_822 : vector<1x16xf32> to vector<16xf32>
        %get3A_824 = arith.index_cast %add3A_701 : i32 to index
        %get3A_825 = arith.constant 80 : index
        %get3A_826 = tpu.vector_load %arg10[%get3A_824, %get3A_825] {strides = array<i32>} : memref<200x128xf32, #tpu.memory_space<vmem>>, vector<1x16xf32>,
        %get3A_827 = vector.shape_cast %get3A_826 : vector<1x16xf32> to vector<16xf32>
        %add3A_828 = arith.addf %get3A_827, %get3A_823 : vector<16xf32>
        %swap3A_829 = arith.index_cast %add3A_701 : i32 to index
        %swap3A_830 = arith.constant 80 : index
        %swap3A_831 = tpu.vector_load %arg10[%swap3A_829, %swap3A_830] {strides = array<i32>} : memref<200x128xf32, #tpu.memory_space<vmem>>, vector<1x16xf32>,
        %swap3A_832 = vector.shape_cast %swap3A_831 : vector<1x16xf32> to vector<16xf32>
        %swap3A_833 = vector.shape_cast %add3A_828 : vector<16xf32> to vector<1x16xf32>
        tpu.vector_store %arg10[%swap3A_829, %swap3A_830], %swap3A_833 {strides = array<i32>} : memref<200x128xf32, #tpu.memory_space<vmem>>, vector<1x16xf32>,
        %get3A_834 = arith.index_cast %add3A_701 : i32 to index
        %get3A_835 = arith.constant 80 : index
        %get3A_836 = tpu.vector_load %arg12[%get3A_834, %get3A_835] {strides = array<i32>} : memref<200x128xf32, #tpu.memory_space<vmem>>, vector<1x16xf32>,
        %get3A_837 = vector.shape_cast %get3A_836 : vector<1x16xf32> to vector<16xf32>
        %add3A_838 = arith.addf %get3A_837, %get3A_823 : vector<16xf32>
        %swap3A_839 = arith.index_cast %add3A_701 : i32 to index
        %swap3A_840 = arith.constant 80 : index
        %swap3A_841 = tpu.vector_load %arg12[%swap3A_839, %swap3A_840] {strides = array<i32>} : memref<200x128xf32, #tpu.memory_space<vmem>>, vector<1x16xf32>,
        %swap3A_842 = vector.shape_cast %swap3A_841 : vector<1x16xf32> to vector<16xf32>
        %swap3A_843 = vector.shape_cast %add3A_838 : vector<16xf32> to vector<1x16xf32>
        tpu.vector_store %arg12[%swap3A_839, %swap3A_840], %swap3A_843 {strides = array<i32>} : memref<200x128xf32, #tpu.memory_space<vmem>>, vector<1x16xf32>,
        %get3A_844 = arith.index_cast %add3A_701 : i32 to index
        %get3A_845 = arith.constant 96 : index
        %get3A_846 = tpu.vector_load %arg8[%get3A_844, %get3A_845] {strides = array<i32>} : memref<200x128xf32, #tpu.memory_space<vmem>>, vector<1x16xf32>,
        %get3A_847 = vector.shape_cast %get3A_846 : vector<1x16xf32> to vector<16xf32>
        %get3A_848 = arith.index_cast %add3A_701 : i32 to index
        %get3A_849 = arith.constant 96 : index
        %get3A_850 = tpu.vector_load %arg10[%get3A_848, %get3A_849] {strides = array<i32>} : memref<200x128xf32, #tpu.memory_space<vmem>>, vector<1x16xf32>,
        %get3A_851 = vector.shape_cast %get3A_850 : vector<1x16xf32> to vector<16xf32>
        %add3A_852 = arith.addf %get3A_851, %get3A_847 : vector<16xf32>
        %swap3A_853 = arith.index_cast %add3A_701 : i32 to index
        %swap3A_854 = arith.constant 96 : index
        %swap3A_855 = tpu.vector_load %arg10[%swap3A_853, %swap3A_854] {strides = array<i32>} : memref<200x128xf32, #tpu.memory_space<vmem>>, vector<1x16xf32>,
        %swap3A_856 = vector.shape_cast %swap3A_855 : vector<1x16xf32> to vector<16xf32>
        %swap3A_857 = vector.shape_cast %add3A_852 : vector<16xf32> to vector<1x16xf32>
        tpu.vector_store %arg10[%swap3A_853, %swap3A_854], %swap3A_857 {strides = array<i32>} : memref<200x128xf32, #tpu.memory_space<vmem>>, vector<1x16xf32>,
        %get3A_858 = arith.index_cast %add3A_701 : i32 to index
        %get3A_859 = arith.constant 96 : index
        %get3A_860 = tpu.vector_load %arg12[%get3A_858, %get3A_859] {strides = array<i32>} : memref<200x128xf32, #tpu.memory_space<vmem>>, vector<1x16xf32>,
        %get3A_861 = vector.shape_cast %get3A_860 : vector<1x16xf32> to vector<16xf32>
        %add3A_862 = arith.addf %get3A_861, %get3A_847 : vector<16xf32>
        %swap3A_863 = arith.index_cast %add3A_701 : i32 to index
        %swap3A_864 = arith.constant 96 : index
        %swap3A_865 = tpu.vector_load %arg12[%swap3A_863, %swap3A_864] {strides = array<i32>} : memref<200x128xf32, #tpu.memory_space<vmem>>, vector<1x16xf32>,
        %swap3A_866 = vector.shape_cast %swap3A_865 : vector<1x16xf32> to vector<16xf32>
        %swap3A_867 = vector.shape_cast %add3A_862 : vector<16xf32> to vector<1x16xf32>
        tpu.vector_store %arg12[%swap3A_863, %swap3A_864], %swap3A_867 {strides = array<i32>} : memref<200x128xf32, #tpu.memory_space<vmem>>, vector<1x16xf32>,
        %get3A_868 = arith.index_cast %add3A_701 : i32 to index
        %get3A_869 = arith.constant 112 : index
        %get3A_870 = tpu.vector_load %arg8[%get3A_868, %get3A_869] {strides = array<i32>} : memref<200x128xf32, #tpu.memory_space<vmem>>, vector<1x16xf32>,
        %get3A_871 = vector.shape_cast %get3A_870 : vector<1x16xf32> to vector<16xf32>
        %get3A_872 = arith.index_cast %add3A_701 : i32 to index
        %get3A_873 = arith.constant 112 : index
        %get3A_874 = tpu.vector_load %arg10[%get3A_872, %get3A_873] {strides = array<i32>} : memref<200x128xf32, #tpu.memory_space<vmem>>, vector<1x16xf32>,
        %get3A_875 = vector.shape_cast %get3A_874 : vector<1x16xf32> to vector<16xf32>
        %add3A_876 = arith.addf %get3A_875, %get3A_871 : vector<16xf32>
        %swap3A_877 = arith.index_cast %add3A_701 : i32 to index
        %swap3A_878 = arith.constant 112 : index
        %swap3A_879 = tpu.vector_load %arg10[%swap3A_877, %swap3A_878] {strides = array<i32>} : memref<200x128xf32, #tpu.memory_space<vmem>>, vector<1x16xf32>,
        %swap3A_880 = vector.shape_cast %swap3A_879 : vector<1x16xf32> to vector<16xf32>
        %swap3A_881 = vector.shape_cast %add3A_876 : vector<16xf32> to vector<1x16xf32>
        tpu.vector_store %arg10[%swap3A_877, %swap3A_878], %swap3A_881 {strides = array<i32>} : memref<200x128xf32, #tpu.memory_space<vmem>>, vector<1x16xf32>,
        %get3A_882 = arith.index_cast %add3A_701 : i32 to index
        %get3A_883 = arith.constant 112 : index
        %get3A_884 = tpu.vector_load %arg12[%get3A_882, %get3A_883] {strides = array<i32>} : memref<200x128xf32, #tpu.memory_space<vmem>>, vector<1x16xf32>,
        %get3A_885 = vector.shape_cast %get3A_884 : vector<1x16xf32> to vector<16xf32>
        %add3A_886 = arith.addf %get3A_885, %get3A_871 : vector<16xf32>
        %swap3A_887 = arith.index_cast %add3A_701 : i32 to index
        %swap3A_888 = arith.constant 112 : index
        %swap3A_889 = tpu.vector_load %arg12[%swap3A_887, %swap3A_888] {strides = array<i32>} : memref<200x128xf32, #tpu.memory_space<vmem>>, vector<1x16xf32>,
        %swap3A_890 = vector.shape_cast %swap3A_889 : vector<1x16xf32> to vector<16xf32>
        %swap3A_891 = vector.shape_cast %add3A_886 : vector<16xf32> to vector<1x16xf32>
        tpu.vector_store %arg12[%swap3A_887, %swap3A_888], %swap3A_891 {strides = array<i32>} : memref<200x128xf32, #tpu.memory_space<vmem>>, vector<1x16xf32>,
        %mul3A_892 = arith.constant 2 : i32
        %mul3A_893 = arith.muli %scan3A_697, %mul3A_892 : i32
        %add3A_894 = arith.constant 1 : i32
        %add3A_895 = arith.addi %mul3A_893, %add3A_894 : i32
        %get3A_896 = arith.index_cast %add3A_895 : i32 to index
        %get3A_897 = arith.constant 0 : index
        %get3A_898 = tpu.vector_load %arg8[%get3A_896, %get3A_897] {strides = array<i32>} : memref<200x128xf32, #tpu.memory_space<vmem>>, vector<1x16xf32>,
        %get3A_899 = vector.shape_cast %get3A_898 : vector<1x16xf32> to vector<16xf32>
        %get3A_900 = arith.index_cast %add3A_895 : i32 to index
        %get3A_901 = arith.constant 0 : index
        %get3A_902 = tpu.vector_load %arg10[%get3A_900, %get3A_901] {strides = array<i32>} : memref<200x128xf32, #tpu.memory_space<vmem>>, vector<1x16xf32>,
        %get3A_903 = vector.shape_cast %get3A_902 : vector<1x16xf32> to vector<16xf32>
        %add3A_904 = arith.addf %get3A_903, %get3A_899 : vector<16xf32>
        %swap3A_905 = arith.index_cast %add3A_895 : i32 to index
        %swap3A_906 = arith.constant 0 : index
        %swap3A_907 = tpu.vector_load %arg10[%swap3A_905, %swap3A_906] {strides = array<i32>} : memref<200x128xf32, #tpu.memory_space<vmem>>, vector<1x16xf32>,
        %swap3A_908 = vector.shape_cast %swap3A_907 : vector<1x16xf32> to vector<16xf32>
        %swap3A_909 = vector.shape_cast %add3A_904 : vector<16xf32> to vector<1x16xf32>
        tpu.vector_store %arg10[%swap3A_905, %swap3A_906], %swap3A_909 {strides = array<i32>} : memref<200x128xf32, #tpu.memory_space<vmem>>, vector<1x16xf32>,
        %get3A_910 = arith.index_cast %add3A_895 : i32 to index
        %get3A_911 = arith.constant 0 : index
        %get3A_912 = tpu.vector_load %arg12[%get3A_910, %get3A_911] {strides = array<i32>} : memref<200x128xf32, #tpu.memory_space<vmem>>, vector<1x16xf32>,
        %get3A_913 = vector.shape_cast %get3A_912 : vector<1x16xf32> to vector<16xf32>
        %add3A_914 = arith.addf %get3A_913, %get3A_899 : vector<16xf32>
        %swap3A_915 = arith.index_cast %add3A_895 : i32 to index
        %swap3A_916 = arith.constant 0 : index
        %swap3A_917 = tpu.vector_load %arg12[%swap3A_915, %swap3A_916] {strides = array<i32>} : memref<200x128xf32, #tpu.memory_space<vmem>>, vector<1x16xf32>,
        %swap3A_918 = vector.shape_cast %swap3A_917 : vector<1x16xf32> to vector<16xf32>
        %swap3A_919 = vector.shape_cast %add3A_914 : vector<16xf32> to vector<1x16xf32>
        tpu.vector_store %arg12[%swap3A_915, %swap3A_916], %swap3A_919 {strides = array<i32>} : memref<200x128xf32, #tpu.memory_space<vmem>>, vector<1x16xf32>,
        %get3A_920 = arith.index_cast %add3A_895 : i32 to index
        %get3A_921 = arith.constant 16 : index
        %get3A_922 = tpu.vector_load %arg8[%get3A_920, %get3A_921] {strides = array<i32>} : memref<200x128xf32, #tpu.memory_space<vmem>>, vector<1x16xf32>,
        %get3A_923 = vector.shape_cast %get3A_922 : vector<1x16xf32> to vector<16xf32>
        %get3A_924 = arith.index_cast %add3A_895 : i32 to index
        %get3A_925 = arith.constant 16 : index
        %get3A_926 = tpu.vector_load %arg10[%get3A_924, %get3A_925] {strides = array<i32>} : memref<200x128xf32, #tpu.memory_space<vmem>>, vector<1x16xf32>,
        %get3A_927 = vector.shape_cast %get3A_926 : vector<1x16xf32> to vector<16xf32>
        %add3A_928 = arith.addf %get3A_927, %get3A_923 : vector<16xf32>
        %swap3A_929 = arith.index_cast %add3A_895 : i32 to index
        %swap3A_930 = arith.constant 16 : index
        %swap3A_931 = tpu.vector_load %arg10[%swap3A_929, %swap3A_930] {strides = array<i32>} : memref<200x128xf32, #tpu.memory_space<vmem>>, vector<1x16xf32>,
        %swap3A_932 = vector.shape_cast %swap3A_931 : vector<1x16xf32> to vector<16xf32>
        %swap3A_933 = vector.shape_cast %add3A_928 : vector<16xf32> to vector<1x16xf32>
        tpu.vector_store %arg10[%swap3A_929, %swap3A_930], %swap3A_933 {strides = array<i32>} : memref<200x128xf32, #tpu.memory_space<vmem>>, vector<1x16xf32>,
        %get3A_934 = arith.index_cast %add3A_895 : i32 to index
        %get3A_935 = arith.constant 16 : index
        %get3A_936 = tpu.vector_load %arg12[%get3A_934, %get3A_935] {strides = array<i32>} : memref<200x128xf32, #tpu.memory_space<vmem>>, vector<1x16xf32>,
        %get3A_937 = vector.shape_cast %get3A_936 : vector<1x16xf32> to vector<16xf32>
        %add3A_938 = arith.addf %get3A_937, %get3A_923 : vector<16xf32>
        %swap3A_939 = arith.index_cast %add3A_895 : i32 to index
        %swap3A_940 = arith.constant 16 : index
        %swap3A_941 = tpu.vector_load %arg12[%swap3A_939, %swap3A_940] {strides = array<i32>} : memref<200x128xf32, #tpu.memory_space<vmem>>, vector<1x16xf32>,
        %swap3A_942 = vector.shape_cast %swap3A_941 : vector<1x16xf32> to vector<16xf32>
        %swap3A_943 = vector.shape_cast %add3A_938 : vector<16xf32> to vector<1x16xf32>
        tpu.vector_store %arg12[%swap3A_939, %swap3A_940], %swap3A_943 {strides = array<i32>} : memref<200x128xf32, #tpu.memory_space<vmem>>, vector<1x16xf32>,
        %get3A_944 = arith.index_cast %add3A_895 : i32 to index
        %get3A_945 = arith.constant 32 : index
        %get3A_946 = tpu.vector_load %arg8[%get3A_944, %get3A_945] {strides = array<i32>} : memref<200x128xf32, #tpu.memory_space<vmem>>, vector<1x16xf32>,
        %get3A_947 = vector.shape_cast %get3A_946 : vector<1x16xf32> to vector<16xf32>
        %get3A_948 = arith.index_cast %add3A_895 : i32 to index
        %get3A_949 = arith.constant 32 : index
        %get3A_950 = tpu.vector_load %arg10[%get3A_948, %get3A_949] {strides = array<i32>} : memref<200x128xf32, #tpu.memory_space<vmem>>, vector<1x16xf32>,
        %get3A_951 = vector.shape_cast %get3A_950 : vector<1x16xf32> to vector<16xf32>
        %add3A_952 = arith.addf %get3A_951, %get3A_947 : vector<16xf32>
        %swap3A_953 = arith.index_cast %add3A_895 : i32 to index
        %swap3A_954 = arith.constant 32 : index
        %swap3A_955 = tpu.vector_load %arg10[%swap3A_953, %swap3A_954] {strides = array<i32>} : memref<200x128xf32, #tpu.memory_space<vmem>>, vector<1x16xf32>,
        %swap3A_956 = vector.shape_cast %swap3A_955 : vector<1x16xf32> to vector<16xf32>
        %swap3A_957 = vector.shape_cast %add3A_952 : vector<16xf32> to vector<1x16xf32>
        tpu.vector_store %arg10[%swap3A_953, %swap3A_954], %swap3A_957 {strides = array<i32>} : memref<200x128xf32, #tpu.memory_space<vmem>>, vector<1x16xf32>,
        %get3A_958 = arith.index_cast %add3A_895 : i32 to index
        %get3A_959 = arith.constant 32 : index
        %get3A_960 = tpu.vector_load %arg12[%get3A_958, %get3A_959] {strides = array<i32>} : memref<200x128xf32, #tpu.memory_space<vmem>>, vector<1x16xf32>,
        %get3A_961 = vector.shape_cast %get3A_960 : vector<1x16xf32> to vector<16xf32>
        %add3A_962 = arith.addf %get3A_961, %get3A_947 : vector<16xf32>
        %swap3A_963 = arith.index_cast %add3A_895 : i32 to index
        %swap3A_964 = arith.constant 32 : index
        %swap3A_965 = tpu.vector_load %arg12[%swap3A_963, %swap3A_964] {strides = array<i32>} : memref<200x128xf32, #tpu.memory_space<vmem>>, vector<1x16xf32>,
        %swap3A_966 = vector.shape_cast %swap3A_965 : vector<1x16xf32> to vector<16xf32>
        %swap3A_967 = vector.shape_cast %add3A_962 : vector<16xf32> to vector<1x16xf32>
        tpu.vector_store %arg12[%swap3A_963, %swap3A_964], %swap3A_967 {strides = array<i32>} : memref<200x128xf32, #tpu.memory_space<vmem>>, vector<1x16xf32>,
        %get3A_968 = arith.index_cast %add3A_895 : i32 to index
        %get3A_969 = arith.constant 48 : index
        %get3A_970 = tpu.vector_load %arg8[%get3A_968, %get3A_969] {strides = array<i32>} : memref<200x128xf32, #tpu.memory_space<vmem>>, vector<1x16xf32>,
        %get3A_971 = vector.shape_cast %get3A_970 : vector<1x16xf32> to vector<16xf32>
        %get3A_972 = arith.index_cast %add3A_895 : i32 to index
        %get3A_973 = arith.constant 48 : index
        %get3A_974 = tpu.vector_load %arg10[%get3A_972, %get3A_973] {strides = array<i32>} : memref<200x128xf32, #tpu.memory_space<vmem>>, vector<1x16xf32>,
        %get3A_975 = vector.shape_cast %get3A_974 : vector<1x16xf32> to vector<16xf32>
        %add3A_976 = arith.addf %get3A_975, %get3A_971 : vector<16xf32>
        %swap3A_977 = arith.index_cast %add3A_895 : i32 to index
        %swap3A_978 = arith.constant 48 : index
        %swap3A_979 = tpu.vector_load %arg10[%swap3A_977, %swap3A_978] {strides = array<i32>} : memref<200x128xf32, #tpu.memory_space<vmem>>, vector<1x16xf32>,
        %swap3A_980 = vector.shape_cast %swap3A_979 : vector<1x16xf32> to vector<16xf32>
        %swap3A_981 = vector.shape_cast %add3A_976 : vector<16xf32> to vector<1x16xf32>
        tpu.vector_store %arg10[%swap3A_977, %swap3A_978], %swap3A_981 {strides = array<i32>} : memref<200x128xf32, #tpu.memory_space<vmem>>, vector<1x16xf32>,
        %get3A_982 = arith.index_cast %add3A_895 : i32 to index
        %get3A_983 = arith.constant 48 : index
        %get3A_984 = tpu.vector_load %arg12[%get3A_982, %get3A_983] {strides = array<i32>} : memref<200x128xf32, #tpu.memory_space<vmem>>, vector<1x16xf32>,
        %get3A_985 = vector.shape_cast %get3A_984 : vector<1x16xf32> to vector<16xf32>
        %add3A_986 = arith.addf %get3A_985, %get3A_971 : vector<16xf32>
        %swap3A_987 = arith.index_cast %add3A_895 : i32 to index
        %swap3A_988 = arith.constant 48 : index
        %swap3A_989 = tpu.vector_load %arg12[%swap3A_987, %swap3A_988] {strides = array<i32>} : memref<200x128xf32, #tpu.memory_space<vmem>>, vector<1x16xf32>,
        %swap3A_990 = vector.shape_cast %swap3A_989 : vector<1x16xf32> to vector<16xf32>
        %swap3A_991 = vector.shape_cast %add3A_986 : vector<16xf32> to vector<1x16xf32>
        tpu.vector_store %arg12[%swap3A_987, %swap3A_988], %swap3A_991 {strides = array<i32>} : memref<200x128xf32, #tpu.memory_space<vmem>>, vector<1x16xf32>,
        %get3A_992 = arith.index_cast %add3A_895 : i32 to index
        %get3A_993 = arith.constant 64 : index
        %get3A_994 = tpu.vector_load %arg8[%get3A_992, %get3A_993] {strides = array<i32>} : memref<200x128xf32, #tpu.memory_space<vmem>>, vector<1x16xf32>,
        %get3A_995 = vector.shape_cast %get3A_994 : vector<1x16xf32> to vector<16xf32>
        %get3A_996 = arith.index_cast %add3A_895 : i32 to index
        %get3A_997 = arith.constant 64 : index
        %get3A_998 = tpu.vector_load %arg10[%get3A_996, %get3A_997] {strides = array<i32>} : memref<200x128xf32, #tpu.memory_space<vmem>>, vector<1x16xf32>,
        %get3A_999 = vector.shape_cast %get3A_998 : vector<1x16xf32> to vector<16xf32>
        %add3A_1000 = arith.addf %get3A_999, %get3A_995 : vector<16xf32>
        %swap3A_1001 = arith.index_cast %add3A_895 : i32 to index
        %swap3A_1002 = arith.constant 64 : index
        %swap3A_1003 = tpu.vector_load %arg10[%swap3A_1001, %swap3A_1002] {strides = array<i32>} : memref<200x128xf32, #tpu.memory_space<vmem>>, vector<1x16xf32>,
        %swap3A_1004 = vector.shape_cast %swap3A_1003 : vector<1x16xf32> to vector<16xf32>
        %swap3A_1005 = vector.shape_cast %add3A_1000 : vector<16xf32> to vector<1x16xf32>
        tpu.vector_store %arg10[%swap3A_1001, %swap3A_1002], %swap3A_1005 {strides = array<i32>} : memref<200x128xf32, #tpu.memory_space<vmem>>, vector<1x16xf32>,
        %get3A_1006 = arith.index_cast %add3A_895 : i32 to index
        %get3A_1007 = arith.constant 64 : index
        %get3A_1008 = tpu.vector_load %arg12[%get3A_1006, %get3A_1007] {strides = array<i32>} : memref<200x128xf32, #tpu.memory_space<vmem>>, vector<1x16xf32>,
        %get3A_1009 = vector.shape_cast %get3A_1008 : vector<1x16xf32> to vector<16xf32>
        %add3A_1010 = arith.addf %get3A_1009, %get3A_995 : vector<16xf32>
        %swap3A_1011 = arith.index_cast %add3A_895 : i32 to index
        %swap3A_1012 = arith.constant 64 : index
        %swap3A_1013 = tpu.vector_load %arg12[%swap3A_1011, %swap3A_1012] {strides = array<i32>} : memref<200x128xf32, #tpu.memory_space<vmem>>, vector<1x16xf32>,
        %swap3A_1014 = vector.shape_cast %swap3A_1013 : vector<1x16xf32> to vector<16xf32>
        %swap3A_1015 = vector.shape_cast %add3A_1010 : vector<16xf32> to vector<1x16xf32>
        tpu.vector_store %arg12[%swap3A_1011, %swap3A_1012], %swap3A_1015 {strides = array<i32>} : memref<200x128xf32, #tpu.memory_space<vmem>>, vector<1x16xf32>,
        %get3A_1016 = arith.index_cast %add3A_895 : i32 to index
        %get3A_1017 = arith.constant 80 : index
        %get3A_1018 = tpu.vector_load %arg8[%get3A_1016, %get3A_1017] {strides = array<i32>} : memref<200x128xf32, #tpu.memory_space<vmem>>, vector<1x16xf32>,
        %get3A_1019 = vector.shape_cast %get3A_1018 : vector<1x16xf32> to vector<16xf32>
        %get3A_1020 = arith.index_cast %add3A_895 : i32 to index
        %get3A_1021 = arith.constant 80 : index
        %get3A_1022 = tpu.vector_load %arg10[%get3A_1020, %get3A_1021] {strides = array<i32>} : memref<200x128xf32, #tpu.memory_space<vmem>>, vector<1x16xf32>,
        %get3A_1023 = vector.shape_cast %get3A_1022 : vector<1x16xf32> to vector<16xf32>
        %add3A_1024 = arith.addf %get3A_1023, %get3A_1019 : vector<16xf32>
        %swap3A_1025 = arith.index_cast %add3A_895 : i32 to index
        %swap3A_1026 = arith.constant 80 : index
        %swap3A_1027 = tpu.vector_load %arg10[%swap3A_1025, %swap3A_1026] {strides = array<i32>} : memref<200x128xf32, #tpu.memory_space<vmem>>, vector<1x16xf32>,
        %swap3A_1028 = vector.shape_cast %swap3A_1027 : vector<1x16xf32> to vector<16xf32>
        %swap3A_1029 = vector.shape_cast %add3A_1024 : vector<16xf32> to vector<1x16xf32>
        tpu.vector_store %arg10[%swap3A_1025, %swap3A_1026], %swap3A_1029 {strides = array<i32>} : memref<200x128xf32, #tpu.memory_space<vmem>>, vector<1x16xf32>,
        %get3A_1030 = arith.index_cast %add3A_895 : i32 to index
        %get3A_1031 = arith.constant 80 : index
        %get3A_1032 = tpu.vector_load %arg12[%get3A_1030, %get3A_1031] {strides = array<i32>} : memref<200x128xf32, #tpu.memory_space<vmem>>, vector<1x16xf32>,
        %get3A_1033 = vector.shape_cast %get3A_1032 : vector<1x16xf32> to vector<16xf32>
        %add3A_1034 = arith.addf %get3A_1033, %get3A_1019 : vector<16xf32>
        %swap3A_1035 = arith.index_cast %add3A_895 : i32 to index
        %swap3A_1036 = arith.constant 80 : index
        %swap3A_1037 = tpu.vector_load %arg12[%swap3A_1035, %swap3A_1036] {strides = array<i32>} : memref<200x128xf32, #tpu.memory_space<vmem>>, vector<1x16xf32>,
        %swap3A_1038 = vector.shape_cast %swap3A_1037 : vector<1x16xf32> to vector<16xf32>
        %swap3A_1039 = vector.shape_cast %add3A_1034 : vector<16xf32> to vector<1x16xf32>
        tpu.vector_store %arg12[%swap3A_1035, %swap3A_1036], %swap3A_1039 {strides = array<i32>} : memref<200x128xf32, #tpu.memory_space<vmem>>, vector<1x16xf32>,
        %get3A_1040 = arith.index_cast %add3A_895 : i32 to index
        %get3A_1041 = arith.constant 96 : index
        %get3A_1042 = tpu.vector_load %arg8[%get3A_1040, %get3A_1041] {strides = array<i32>} : memref<200x128xf32, #tpu.memory_space<vmem>>, vector<1x16xf32>,
        %get3A_1043 = vector.shape_cast %get3A_1042 : vector<1x16xf32> to vector<16xf32>
        %get3A_1044 = arith.index_cast %add3A_895 : i32 to index
        %get3A_1045 = arith.constant 96 : index
        %get3A_1046 = tpu.vector_load %arg10[%get3A_1044, %get3A_1045] {strides = array<i32>} : memref<200x128xf32, #tpu.memory_space<vmem>>, vector<1x16xf32>,
        %get3A_1047 = vector.shape_cast %get3A_1046 : vector<1x16xf32> to vector<16xf32>
        %add3A_1048 = arith.addf %get3A_1047, %get3A_1043 : vector<16xf32>
        %swap3A_1049 = arith.index_cast %add3A_895 : i32 to index
        %swap3A_1050 = arith.constant 96 : index
        %swap3A_1051 = tpu.vector_load %arg10[%swap3A_1049, %swap3A_1050] {strides = array<i32>} : memref<200x128xf32, #tpu.memory_space<vmem>>, vector<1x16xf32>,
        %swap3A_1052 = vector.shape_cast %swap3A_1051 : vector<1x16xf32> to vector<16xf32>
        %swap3A_1053 = vector.shape_cast %add3A_1048 : vector<16xf32> to vector<1x16xf32>
        tpu.vector_store %arg10[%swap3A_1049, %swap3A_1050], %swap3A_1053 {strides = array<i32>} : memref<200x128xf32, #tpu.memory_space<vmem>>, vector<1x16xf32>,
        %get3A_1054 = arith.index_cast %add3A_895 : i32 to index
        %get3A_1055 = arith.constant 96 : index
        %get3A_1056 = tpu.vector_load %arg12[%get3A_1054, %get3A_1055] {strides = array<i32>} : memref<200x128xf32, #tpu.memory_space<vmem>>, vector<1x16xf32>,
        %get3A_1057 = vector.shape_cast %get3A_1056 : vector<1x16xf32> to vector<16xf32>
        %add3A_1058 = arith.addf %get3A_1057, %get3A_1043 : vector<16xf32>
        %swap3A_1059 = arith.index_cast %add3A_895 : i32 to index
        %swap3A_1060 = arith.constant 96 : index
        %swap3A_1061 = tpu.vector_load %arg12[%swap3A_1059, %swap3A_1060] {strides = array<i32>} : memref<200x128xf32, #tpu.memory_space<vmem>>, vector<1x16xf32>,
        %swap3A_1062 = vector.shape_cast %swap3A_1061 : vector<1x16xf32> to vector<16xf32>
        %swap3A_1063 = vector.shape_cast %add3A_1058 : vector<16xf32> to vector<1x16xf32>
        tpu.vector_store %arg12[%swap3A_1059, %swap3A_1060], %swap3A_1063 {strides = array<i32>} : memref<200x128xf32, #tpu.memory_space<vmem>>, vector<1x16xf32>,
        %get3A_1064 = arith.index_cast %add3A_895 : i32 to index
        %get3A_1065 = arith.constant 112 : index
        %get3A_1066 = tpu.vector_load %arg8[%get3A_1064, %get3A_1065] {strides = array<i32>} : memref<200x128xf32, #tpu.memory_space<vmem>>, vector<1x16xf32>,
        %get3A_1067 = vector.shape_cast %get3A_1066 : vector<1x16xf32> to vector<16xf32>
        %get3A_1068 = arith.index_cast %add3A_895 : i32 to index
        %get3A_1069 = arith.constant 112 : index
        %get3A_1070 = tpu.vector_load %arg10[%get3A_1068, %get3A_1069] {strides = array<i32>} : memref<200x128xf32, #tpu.memory_space<vmem>>, vector<1x16xf32>,
        %get3A_1071 = vector.shape_cast %get3A_1070 : vector<1x16xf32> to vector<16xf32>
        %add3A_1072 = arith.addf %get3A_1071, %get3A_1067 : vector<16xf32>
        %swap3A_1073 = arith.index_cast %add3A_895 : i32 to index
        %swap3A_1074 = arith.constant 112 : index
        %swap3A_1075 = tpu.vector_load %arg10[%swap3A_1073, %swap3A_1074] {strides = array<i32>} : memref<200x128xf32, #tpu.memory_space<vmem>>, vector<1x16xf32>,
        %swap3A_1076 = vector.shape_cast %swap3A_1075 : vector<1x16xf32> to vector<16xf32>
        %swap3A_1077 = vector.shape_cast %add3A_1072 : vector<16xf32> to vector<1x16xf32>
        tpu.vector_store %arg10[%swap3A_1073, %swap3A_1074], %swap3A_1077 {strides = array<i32>} : memref<200x128xf32, #tpu.memory_space<vmem>>, vector<1x16xf32>,
        %get3A_1078 = arith.index_cast %add3A_895 : i32 to index
        %get3A_1079 = arith.constant 112 : index
        %get3A_1080 = tpu.vector_load %arg12[%get3A_1078, %get3A_1079] {strides = array<i32>} : memref<200x128xf32, #tpu.memory_space<vmem>>, vector<1x16xf32>,
        %get3A_1081 = vector.shape_cast %get3A_1080 : vector<1x16xf32> to vector<16xf32>
        %add3A_1082 = arith.addf %get3A_1081, %get3A_1067 : vector<16xf32>
        %swap3A_1083 = arith.index_cast %add3A_895 : i32 to index
        %swap3A_1084 = arith.constant 112 : index
        %swap3A_1085 = tpu.vector_load %arg12[%swap3A_1083, %swap3A_1084] {strides = array<i32>} : memref<200x128xf32, #tpu.memory_space<vmem>>, vector<1x16xf32>,
        %swap3A_1086 = vector.shape_cast %swap3A_1085 : vector<1x16xf32> to vector<16xf32>
        %swap3A_1087 = vector.shape_cast %add3A_1082 : vector<16xf32> to vector<1x16xf32>
        tpu.vector_store %arg12[%swap3A_1083, %swap3A_1084], %swap3A_1087 {strides = array<i32>} : memref<200x128xf32, #tpu.memory_space<vmem>>, vector<1x16xf32>,
      }
      %scan3A_381 = arith.constant 100 : i32
      %mul3A_382 = arith.constant 200 : i32
      %mul3A_383 = arith.muli %add3A_311, %mul3A_382 : i32
      %add3A_384 = arith.addi %mul3A_2, %mul3A_383 : i32
      %dma_start3A_385 = arith.constant 0 : i32
      %dma_start3A_386 = tpu.memref_slice %arg6[%add3A_384, %dma_start3A_385] : memref<204800x256xf32, #tpu.memory_space<hbm>> -> memref<200x128xf32, #tpu.memory_space<hbm>>
      %dma_start3A_387 = arith.constant 0 : i32
      %dma_start3A_388 = tpu.memref_slice %arg6[%add3A_384, %dma_start3A_387] : memref<204800x256xf32, #tpu.memory_space<hbm>> -> memref<200x128xf32, #tpu.memory_space<hbm>>
      tpu.enqueue_dma source(%arg10 : memref<200x128xf32, #tpu.memory_space<vmem>>) target(%dma_start3A_388 : memref<200x128xf32, #tpu.memory_space<hbm>>) target_semaphore(%arg17 : memref<!tpu.dma_semaphore, #tpu.memory_space<semaphore_mem>>)
      %dma_start3A_389 = arith.constant 128 : i32
      %dma_start3A_390 = tpu.memref_slice %arg6[%add3A_384, %dma_start3A_389] : memref<204800x256xf32, #tpu.memory_space<hbm>> -> memref<200x128xf32, #tpu.memory_space<hbm>>
      %dma_start3A_391 = arith.constant 128 : i32
      %dma_start3A_392 = tpu.memref_slice %arg6[%add3A_384, %dma_start3A_391] : memref<204800x256xf32, #tpu.memory_space<hbm>> -> memref<200x128xf32, #tpu.memory_space<hbm>>
      tpu.enqueue_dma source(%arg12 : memref<200x128xf32, #tpu.memory_space<vmem>>) target(%dma_start3A_392 : memref<200x128xf32, #tpu.memory_space<hbm>>) target_semaphore(%arg17 : memref<!tpu.dma_semaphore, #tpu.memory_space<semaphore_mem>>)
      %mul3A_393 = arith.constant 8 : i32
      %mul3A_394 = arith.muli %scan3A_62, %mul3A_393 : i32
      %add3A_395 = arith.constant 4 : i32
      %add3A_396 = arith.addi %mul3A_394, %add3A_395 : i32
      %dma_wait3A_397 = arith.constant 0 : i32
      %dma_wait3A_398 = arith.constant 0 : i32
      %dma_wait3A_399 = tpu.memref_slice %arg6[%dma_wait3A_397, %dma_wait3A_398] : memref<204800x256xf32, #tpu.memory_space<hbm>> -> memref<200x128xf32, #tpu.memory_space<hbm>>
      %dma_wait3A_400 = arith.constant 0 : i32
      %dma_wait3A_401 = arith.constant 0 : i32
      %dma_wait3A_402 = tpu.memref_slice %arg6[%dma_wait3A_400, %dma_wait3A_401] : memref<204800x256xf32, #tpu.memory_space<hbm>> -> memref<200x128xf32, #tpu.memory_space<hbm>>
      tpu.wait_dma2 semaphore(%arg17 : memref<!tpu.dma_semaphore, #tpu.memory_space<semaphore_mem>>) src(%arg9 : memref<200x128xf32, #tpu.memory_space<vmem>>) dst(%dma_wait3A_402 : memref<200x128xf32, #tpu.memory_space<hbm>>)
      %dma_wait3A_403 = arith.constant 0 : i32
      %dma_wait3A_404 = arith.constant 128 : i32
      %dma_wait3A_405 = tpu.memref_slice %arg6[%dma_wait3A_403, %dma_wait3A_404] : memref<204800x256xf32, #tpu.memory_space<hbm>> -> memref<200x128xf32, #tpu.memory_space<hbm>>
      %dma_wait3A_406 = arith.constant 0 : i32
      %dma_wait3A_407 = arith.constant 128 : i32
      %dma_wait3A_408 = tpu.memref_slice %arg6[%dma_wait3A_406, %dma_wait3A_407] : memref<204800x256xf32, #tpu.memory_space<hbm>> -> memref<200x128xf32, #tpu.memory_space<hbm>>
      tpu.wait_dma2 semaphore(%arg17 : memref<!tpu.dma_semaphore, #tpu.memory_space<semaphore_mem>>) src(%arg11 : memref<200x128xf32, #tpu.memory_space<vmem>>) dst(%dma_wait3A_408 : memref<200x128xf32, #tpu.memory_space<hbm>>)
      %dma_start3A_409 = arith.constant 10 : i32
      %dma_start3A_410 = arith.constant 0 : i32
      %dma_start3A_411 = arith.constant 0 : i32
      %dma_start3A_412 = tpu.memref_slice %arg10[%dma_start3A_410, %dma_start3A_411] : memref<200x128xf32, #tpu.memory_space<vmem>> -> memref<100x128xf32, #tpu.memory_space<vmem>>
      %dma_start3A_413 = arith.constant 0 : i32
      %dma_start3A_414 = tpu.memref_slice %arg7[%dma_start3A_409, %dma_start3A_413] : memref<16x100xi32, #tpu.memory_space<vmem>> -> memref<1x100xi32, #tpu.memory_space<vmem>>
      %dma_start3A_415 = tpu.memref_squeeze %dma_start3A_414 : memref<1x100xi32, #tpu.memory_space<vmem>> -> memref<100xi32, #tpu.memory_space<vmem>>
      %dma_start3A_416 = arith.constant 0 : i32
      %dma_start3A_417 = arith.constant 0 : i32
      %dma_start3A_418 = tpu.memref_slice %arg3[%dma_start3A_416, %dma_start3A_417] : memref<100000x128xf32, #tpu.memory_space<hbm>> -> memref<100000x128xf32, #tpu.memory_space<hbm>>
      tpu.enqueue_indirect_dma source(%dma_start3A_418 : memref<100000x128xf32, #tpu.memory_space<hbm>>) target(%dma_start3A_412 : memref<100x128xf32, #tpu.memory_space<vmem>>) offsets(%dma_start3A_415 : memref<100xi32, #tpu.memory_space<vmem>>) semaphore(%arg14 : memref<!tpu.dma_semaphore, #tpu.memory_space<semaphore_mem>>)
      %dma_start3A_419 = arith.constant 11 : i32
      %dma_start3A_420 = arith.constant 100 : i32
      %dma_start3A_421 = arith.constant 0 : i32
      %dma_start3A_422 = tpu.memref_slice %arg10[%dma_start3A_420, %dma_start3A_421] : memref<200x128xf32, #tpu.memory_space<vmem>> -> memref<100x128xf32, #tpu.memory_space<vmem>>
      %dma_start3A_423 = arith.constant 0 : i32
      %dma_start3A_424 = tpu.memref_slice %arg7[%dma_start3A_419, %dma_start3A_423] : memref<16x100xi32, #tpu.memory_space<vmem>> -> memref<1x100xi32, #tpu.memory_space<vmem>>
      %dma_start3A_425 = tpu.memref_squeeze %dma_start3A_424 : memref<1x100xi32, #tpu.memory_space<vmem>> -> memref<100xi32, #tpu.memory_space<vmem>>
      %dma_start3A_426 = arith.constant 0 : i32
      %dma_start3A_427 = arith.constant 0 : i32
      %dma_start3A_428 = tpu.memref_slice %arg3[%dma_start3A_426, %dma_start3A_427] : memref<100000x128xf32, #tpu.memory_space<hbm>> -> memref<100000x128xf32, #tpu.memory_space<hbm>>
      tpu.enqueue_indirect_dma source(%dma_start3A_428 : memref<100000x128xf32, #tpu.memory_space<hbm>>) target(%dma_start3A_422 : memref<100x128xf32, #tpu.memory_space<vmem>>) offsets(%dma_start3A_425 : memref<100xi32, #tpu.memory_space<vmem>>) semaphore(%arg14 : memref<!tpu.dma_semaphore, #tpu.memory_space<semaphore_mem>>)
      %dma_start3A_429 = arith.constant 10 : i32
      %dma_start3A_430 = arith.constant 0 : i32
      %dma_start3A_431 = arith.constant 0 : i32
      %dma_start3A_432 = tpu.memref_slice %arg12[%dma_start3A_430, %dma_start3A_431] : memref<200x128xf32, #tpu.memory_space<vmem>> -> memref<100x128xf32, #tpu.memory_space<vmem>>
      %dma_start3A_433 = arith.constant 0 : i32
      %dma_start3A_434 = tpu.memref_slice %arg7[%dma_start3A_429, %dma_start3A_433] : memref<16x100xi32, #tpu.memory_space<vmem>> -> memref<1x100xi32, #tpu.memory_space<vmem>>
      %dma_start3A_435 = tpu.memref_squeeze %dma_start3A_434 : memref<1x100xi32, #tpu.memory_space<vmem>> -> memref<100xi32, #tpu.memory_space<vmem>>
      %dma_start3A_436 = arith.constant 0 : i32
      %dma_start3A_437 = arith.constant 0 : i32
      %dma_start3A_438 = tpu.memref_slice %arg4[%dma_start3A_436, %dma_start3A_437] : memref<100000x128xf32, #tpu.memory_space<hbm>> -> memref<100000x128xf32, #tpu.memory_space<hbm>>
      tpu.enqueue_indirect_dma source(%dma_start3A_438 : memref<100000x128xf32, #tpu.memory_space<hbm>>) target(%dma_start3A_432 : memref<100x128xf32, #tpu.memory_space<vmem>>) offsets(%dma_start3A_435 : memref<100xi32, #tpu.memory_space<vmem>>) semaphore(%arg16 : memref<!tpu.dma_semaphore, #tpu.memory_space<semaphore_mem>>)
      %dma_start3A_439 = arith.constant 11 : i32
      %dma_start3A_440 = arith.constant 100 : i32
      %dma_start3A_441 = arith.constant 0 : i32
      %dma_start3A_442 = tpu.memref_slice %arg12[%dma_start3A_440, %dma_start3A_441] : memref<200x128xf32, #tpu.memory_space<vmem>> -> memref<100x128xf32, #tpu.memory_space<vmem>>
      %dma_start3A_443 = arith.constant 0 : i32
      %dma_start3A_444 = tpu.memref_slice %arg7[%dma_start3A_439, %dma_start3A_443] : memref<16x100xi32, #tpu.memory_space<vmem>> -> memref<1x100xi32, #tpu.memory_space<vmem>>
      %dma_start3A_445 = tpu.memref_squeeze %dma_start3A_444 : memref<1x100xi32, #tpu.memory_space<vmem>> -> memref<100xi32, #tpu.memory_space<vmem>>
      %dma_start3A_446 = arith.constant 0 : i32
      %dma_start3A_447 = arith.constant 0 : i32
      %dma_start3A_448 = tpu.memref_slice %arg4[%dma_start3A_446, %dma_start3A_447] : memref<100000x128xf32, #tpu.memory_space<hbm>> -> memref<100000x128xf32, #tpu.memory_space<hbm>>
      tpu.enqueue_indirect_dma source(%dma_start3A_448 : memref<100000x128xf32, #tpu.memory_space<hbm>>) target(%dma_start3A_442 : memref<100x128xf32, #tpu.memory_space<vmem>>) offsets(%dma_start3A_445 : memref<100xi32, #tpu.memory_space<vmem>>) semaphore(%arg16 : memref<!tpu.dma_semaphore, #tpu.memory_space<semaphore_mem>>)
      %dma_wait3A_449 = arith.constant 0 : i32
      %dma_wait3A_450 = arith.constant 0 : i32
      %dma_wait3A_451 = tpu.memref_slice %arg3[%dma_wait3A_449, %dma_wait3A_450] : memref<100000x128xf32, #tpu.memory_space<hbm>> -> memref<200x128xf32, #tpu.memory_space<hbm>>
      %dma_wait3A_452 = arith.constant 0 : i32
      %dma_wait3A_453 = arith.constant 0 : i32
      %dma_wait3A_454 = tpu.memref_slice %arg3[%dma_wait3A_452, %dma_wait3A_453] : memref<100000x128xf32, #tpu.memory_space<hbm>> -> memref<200x128xf32, #tpu.memory_space<hbm>>
      tpu.wait_dma2 semaphore(%arg13 : memref<!tpu.dma_semaphore, #tpu.memory_space<semaphore_mem>>) src(%dma_wait3A_454 : memref<200x128xf32, #tpu.memory_space<hbm>>) dst(%arg9 : memref<200x128xf32, #tpu.memory_space<vmem>>)
      %dma_wait3A_455 = arith.constant 0 : i32
      %dma_wait3A_456 = arith.constant 0 : i32
      %dma_wait3A_457 = tpu.memref_slice %arg4[%dma_wait3A_455, %dma_wait3A_456] : memref<100000x128xf32, #tpu.memory_space<hbm>> -> memref<200x128xf32, #tpu.memory_space<hbm>>
      %dma_wait3A_458 = arith.constant 0 : i32
      %dma_wait3A_459 = arith.constant 0 : i32
      %dma_wait3A_460 = tpu.memref_slice %arg4[%dma_wait3A_458, %dma_wait3A_459] : memref<100000x128xf32, #tpu.memory_space<hbm>> -> memref<200x128xf32, #tpu.memory_space<hbm>>
      tpu.wait_dma2 semaphore(%arg15 : memref<!tpu.dma_semaphore, #tpu.memory_space<semaphore_mem>>) src(%dma_wait3A_460 : memref<200x128xf32, #tpu.memory_space<hbm>>) dst(%arg11 : memref<200x128xf32, #tpu.memory_space<vmem>>)
      %scan3A_461 = arith.constant 0 : i32
      %scan3A_462 = arith.constant 0 : i32
      %scan3A_463 = arith.constant 100 : i32
      %scan3A_464 = arith.addi %scan3A_462, %scan3A_463 : i32
      %scan3A_465 = arith.constant 1 : i32
      scf.for %scan3A_697 = %scan3A_462 to %scan3A_464 step %scan3A_465  : i32 {
        %mul3A_698 = arith.constant 2 : i32
        %mul3A_699 = arith.muli %scan3A_697, %mul3A_698 : i32
        %add3A_700 = arith.constant 0 : i32
        %add3A_701 = arith.addi %mul3A_699, %add3A_700 : i32
        %get3A = arith.index_cast %add3A_701 : i32 to index
        %get3A_702 = arith.constant 0 : index
        %get3A_703 = tpu.vector_load %arg8[%get3A, %get3A_702] {strides = array<i32>} : memref<200x128xf32, #tpu.memory_space<vmem>>, vector<1x16xf32>,
        %get3A_704 = vector.shape_cast %get3A_703 : vector<1x16xf32> to vector<16xf32>
        %get3A_705 = arith.index_cast %add3A_701 : i32 to index
        %get3A_706 = arith.constant 0 : index
        %get3A_707 = tpu.vector_load %arg9[%get3A_705, %get3A_706] {strides = array<i32>} : memref<200x128xf32, #tpu.memory_space<vmem>>, vector<1x16xf32>,
        %get3A_708 = vector.shape_cast %get3A_707 : vector<1x16xf32> to vector<16xf32>
        %add3A_709 = arith.addf %get3A_708, %get3A_704 : vector<16xf32>
        %swap3A = arith.index_cast %add3A_701 : i32 to index
        %swap3A_710 = arith.constant 0 : index
        %swap3A_711 = tpu.vector_load %arg9[%swap3A, %swap3A_710] {strides = array<i32>} : memref<200x128xf32, #tpu.memory_space<vmem>>, vector<1x16xf32>,
        %swap3A_712 = vector.shape_cast %swap3A_711 : vector<1x16xf32> to vector<16xf32>
        %swap3A_713 = vector.shape_cast %add3A_709 : vector<16xf32> to vector<1x16xf32>
        tpu.vector_store %arg9[%swap3A, %swap3A_710], %swap3A_713 {strides = array<i32>} : memref<200x128xf32, #tpu.memory_space<vmem>>, vector<1x16xf32>,
        %get3A_714 = arith.index_cast %add3A_701 : i32 to index
        %get3A_715 = arith.constant 0 : index
        %get3A_716 = tpu.vector_load %arg11[%get3A_714, %get3A_715] {strides = array<i32>} : memref<200x128xf32, #tpu.memory_space<vmem>>, vector<1x16xf32>,
        %get3A_717 = vector.shape_cast %get3A_716 : vector<1x16xf32> to vector<16xf32>
        %add3A_718 = arith.addf %get3A_717, %get3A_704 : vector<16xf32>
        %swap3A_719 = arith.index_cast %add3A_701 : i32 to index
        %swap3A_720 = arith.constant 0 : index
        %swap3A_721 = tpu.vector_load %arg11[%swap3A_719, %swap3A_720] {strides = array<i32>} : memref<200x128xf32, #tpu.memory_space<vmem>>, vector<1x16xf32>,
        %swap3A_722 = vector.shape_cast %swap3A_721 : vector<1x16xf32> to vector<16xf32>
        %swap3A_723 = vector.shape_cast %add3A_718 : vector<16xf32> to vector<1x16xf32>
        tpu.vector_store %arg11[%swap3A_719, %swap3A_720], %swap3A_723 {strides = array<i32>} : memref<200x128xf32, #tpu.memory_space<vmem>>, vector<1x16xf32>,
        %get3A_724 = arith.index_cast %add3A_701 : i32 to index
        %get3A_725 = arith.constant 16 : index
        %get3A_726 = tpu.vector_load %arg8[%get3A_724, %get3A_725] {strides = array<i32>} : memref<200x128xf32, #tpu.memory_space<vmem>>, vector<1x16xf32>,
        %get3A_727 = vector.shape_cast %get3A_726 : vector<1x16xf32> to vector<16xf32>
        %get3A_728 = arith.index_cast %add3A_701 : i32 to index
        %get3A_729 = arith.constant 16 : index
        %get3A_730 = tpu.vector_load %arg9[%get3A_728, %get3A_729] {strides = array<i32>} : memref<200x128xf32, #tpu.memory_space<vmem>>, vector<1x16xf32>,
        %get3A_731 = vector.shape_cast %get3A_730 : vector<1x16xf32> to vector<16xf32>
        %add3A_732 = arith.addf %get3A_731, %get3A_727 : vector<16xf32>
        %swap3A_733 = arith.index_cast %add3A_701 : i32 to index
        %swap3A_734 = arith.constant 16 : index
        %swap3A_735 = tpu.vector_load %arg9[%swap3A_733, %swap3A_734] {strides = array<i32>} : memref<200x128xf32, #tpu.memory_space<vmem>>, vector<1x16xf32>,
        %swap3A_736 = vector.shape_cast %swap3A_735 : vector<1x16xf32> to vector<16xf32>
        %swap3A_737 = vector.shape_cast %add3A_732 : vector<16xf32> to vector<1x16xf32>
        tpu.vector_store %arg9[%swap3A_733, %swap3A_734], %swap3A_737 {strides = array<i32>} : memref<200x128xf32, #tpu.memory_space<vmem>>, vector<1x16xf32>,
        %get3A_738 = arith.index_cast %add3A_701 : i32 to index
        %get3A_739 = arith.constant 16 : index
        %get3A_740 = tpu.vector_load %arg11[%get3A_738, %get3A_739] {strides = array<i32>} : memref<200x128xf32, #tpu.memory_space<vmem>>, vector<1x16xf32>,
        %get3A_741 = vector.shape_cast %get3A_740 : vector<1x16xf32> to vector<16xf32>
        %add3A_742 = arith.addf %get3A_741, %get3A_727 : vector<16xf32>
        %swap3A_743 = arith.index_cast %add3A_701 : i32 to index
        %swap3A_744 = arith.constant 16 : index
        %swap3A_745 = tpu.vector_load %arg11[%swap3A_743, %swap3A_744] {strides = array<i32>} : memref<200x128xf32, #tpu.memory_space<vmem>>, vector<1x16xf32>,
        %swap3A_746 = vector.shape_cast %swap3A_745 : vector<1x16xf32> to vector<16xf32>
        %swap3A_747 = vector.shape_cast %add3A_742 : vector<16xf32> to vector<1x16xf32>
        tpu.vector_store %arg11[%swap3A_743, %swap3A_744], %swap3A_747 {strides = array<i32>} : memref<200x128xf32, #tpu.memory_space<vmem>>, vector<1x16xf32>,
        %get3A_748 = arith.index_cast %add3A_701 : i32 to index
        %get3A_749 = arith.constant 32 : index
        %get3A_750 = tpu.vector_load %arg8[%get3A_748, %get3A_749] {strides = array<i32>} : memref<200x128xf32, #tpu.memory_space<vmem>>, vector<1x16xf32>,
        %get3A_751 = vector.shape_cast %get3A_750 : vector<1x16xf32> to vector<16xf32>
        %get3A_752 = arith.index_cast %add3A_701 : i32 to index
        %get3A_753 = arith.constant 32 : index
        %get3A_754 = tpu.vector_load %arg9[%get3A_752, %get3A_753] {strides = array<i32>} : memref<200x128xf32, #tpu.memory_space<vmem>>, vector<1x16xf32>,
        %get3A_755 = vector.shape_cast %get3A_754 : vector<1x16xf32> to vector<16xf32>
        %add3A_756 = arith.addf %get3A_755, %get3A_751 : vector<16xf32>
        %swap3A_757 = arith.index_cast %add3A_701 : i32 to index
        %swap3A_758 = arith.constant 32 : index
        %swap3A_759 = tpu.vector_load %arg9[%swap3A_757, %swap3A_758] {strides = array<i32>} : memref<200x128xf32, #tpu.memory_space<vmem>>, vector<1x16xf32>,
        %swap3A_760 = vector.shape_cast %swap3A_759 : vector<1x16xf32> to vector<16xf32>
        %swap3A_761 = vector.shape_cast %add3A_756 : vector<16xf32> to vector<1x16xf32>
        tpu.vector_store %arg9[%swap3A_757, %swap3A_758], %swap3A_761 {strides = array<i32>} : memref<200x128xf32, #tpu.memory_space<vmem>>, vector<1x16xf32>,
        %get3A_762 = arith.index_cast %add3A_701 : i32 to index
        %get3A_763 = arith.constant 32 : index
        %get3A_764 = tpu.vector_load %arg11[%get3A_762, %get3A_763] {strides = array<i32>} : memref<200x128xf32, #tpu.memory_space<vmem>>, vector<1x16xf32>,
        %get3A_765 = vector.shape_cast %get3A_764 : vector<1x16xf32> to vector<16xf32>
        %add3A_766 = arith.addf %get3A_765, %get3A_751 : vector<16xf32>
        %swap3A_767 = arith.index_cast %add3A_701 : i32 to index
        %swap3A_768 = arith.constant 32 : index
        %swap3A_769 = tpu.vector_load %arg11[%swap3A_767, %swap3A_768] {strides = array<i32>} : memref<200x128xf32, #tpu.memory_space<vmem>>, vector<1x16xf32>,
        %swap3A_770 = vector.shape_cast %swap3A_769 : vector<1x16xf32> to vector<16xf32>
        %swap3A_771 = vector.shape_cast %add3A_766 : vector<16xf32> to vector<1x16xf32>
        tpu.vector_store %arg11[%swap3A_767, %swap3A_768], %swap3A_771 {strides = array<i32>} : memref<200x128xf32, #tpu.memory_space<vmem>>, vector<1x16xf32>,
        %get3A_772 = arith.index_cast %add3A_701 : i32 to index
        %get3A_773 = arith.constant 48 : index
        %get3A_774 = tpu.vector_load %arg8[%get3A_772, %get3A_773] {strides = array<i32>} : memref<200x128xf32, #tpu.memory_space<vmem>>, vector<1x16xf32>,
        %get3A_775 = vector.shape_cast %get3A_774 : vector<1x16xf32> to vector<16xf32>
        %get3A_776 = arith.index_cast %add3A_701 : i32 to index
        %get3A_777 = arith.constant 48 : index
        %get3A_778 = tpu.vector_load %arg9[%get3A_776, %get3A_777] {strides = array<i32>} : memref<200x128xf32, #tpu.memory_space<vmem>>, vector<1x16xf32>,
        %get3A_779 = vector.shape_cast %get3A_778 : vector<1x16xf32> to vector<16xf32>
        %add3A_780 = arith.addf %get3A_779, %get3A_775 : vector<16xf32>
        %swap3A_781 = arith.index_cast %add3A_701 : i32 to index
        %swap3A_782 = arith.constant 48 : index
        %swap3A_783 = tpu.vector_load %arg9[%swap3A_781, %swap3A_782] {strides = array<i32>} : memref<200x128xf32, #tpu.memory_space<vmem>>, vector<1x16xf32>,
        %swap3A_784 = vector.shape_cast %swap3A_783 : vector<1x16xf32> to vector<16xf32>
        %swap3A_785 = vector.shape_cast %add3A_780 : vector<16xf32> to vector<1x16xf32>
        tpu.vector_store %arg9[%swap3A_781, %swap3A_782], %swap3A_785 {strides = array<i32>} : memref<200x128xf32, #tpu.memory_space<vmem>>, vector<1x16xf32>,
        %get3A_786 = arith.index_cast %add3A_701 : i32 to index
        %get3A_787 = arith.constant 48 : index
        %get3A_788 = tpu.vector_load %arg11[%get3A_786, %get3A_787] {strides = array<i32>} : memref<200x128xf32, #tpu.memory_space<vmem>>, vector<1x16xf32>,
        %get3A_789 = vector.shape_cast %get3A_788 : vector<1x16xf32> to vector<16xf32>
        %add3A_790 = arith.addf %get3A_789, %get3A_775 : vector<16xf32>
        %swap3A_791 = arith.index_cast %add3A_701 : i32 to index
        %swap3A_792 = arith.constant 48 : index
        %swap3A_793 = tpu.vector_load %arg11[%swap3A_791, %swap3A_792] {strides = array<i32>} : memref<200x128xf32, #tpu.memory_space<vmem>>, vector<1x16xf32>,
        %swap3A_794 = vector.shape_cast %swap3A_793 : vector<1x16xf32> to vector<16xf32>
        %swap3A_795 = vector.shape_cast %add3A_790 : vector<16xf32> to vector<1x16xf32>
        tpu.vector_store %arg11[%swap3A_791, %swap3A_792], %swap3A_795 {strides = array<i32>} : memref<200x128xf32, #tpu.memory_space<vmem>>, vector<1x16xf32>,
        %get3A_796 = arith.index_cast %add3A_701 : i32 to index
        %get3A_797 = arith.constant 64 : index
        %get3A_798 = tpu.vector_load %arg8[%get3A_796, %get3A_797] {strides = array<i32>} : memref<200x128xf32, #tpu.memory_space<vmem>>, vector<1x16xf32>,
        %get3A_799 = vector.shape_cast %get3A_798 : vector<1x16xf32> to vector<16xf32>
        %get3A_800 = arith.index_cast %add3A_701 : i32 to index
        %get3A_801 = arith.constant 64 : index
        %get3A_802 = tpu.vector_load %arg9[%get3A_800, %get3A_801] {strides = array<i32>} : memref<200x128xf32, #tpu.memory_space<vmem>>, vector<1x16xf32>,
        %get3A_803 = vector.shape_cast %get3A_802 : vector<1x16xf32> to vector<16xf32>
        %add3A_804 = arith.addf %get3A_803, %get3A_799 : vector<16xf32>
        %swap3A_805 = arith.index_cast %add3A_701 : i32 to index
        %swap3A_806 = arith.constant 64 : index
        %swap3A_807 = tpu.vector_load %arg9[%swap3A_805, %swap3A_806] {strides = array<i32>} : memref<200x128xf32, #tpu.memory_space<vmem>>, vector<1x16xf32>,
        %swap3A_808 = vector.shape_cast %swap3A_807 : vector<1x16xf32> to vector<16xf32>
        %swap3A_809 = vector.shape_cast %add3A_804 : vector<16xf32> to vector<1x16xf32>
        tpu.vector_store %arg9[%swap3A_805, %swap3A_806], %swap3A_809 {strides = array<i32>} : memref<200x128xf32, #tpu.memory_space<vmem>>, vector<1x16xf32>,
        %get3A_810 = arith.index_cast %add3A_701 : i32 to index
        %get3A_811 = arith.constant 64 : index
        %get3A_812 = tpu.vector_load %arg11[%get3A_810, %get3A_811] {strides = array<i32>} : memref<200x128xf32, #tpu.memory_space<vmem>>, vector<1x16xf32>,
        %get3A_813 = vector.shape_cast %get3A_812 : vector<1x16xf32> to vector<16xf32>
        %add3A_814 = arith.addf %get3A_813, %get3A_799 : vector<16xf32>
        %swap3A_815 = arith.index_cast %add3A_701 : i32 to index
        %swap3A_816 = arith.constant 64 : index
        %swap3A_817 = tpu.vector_load %arg11[%swap3A_815, %swap3A_816] {strides = array<i32>} : memref<200x128xf32, #tpu.memory_space<vmem>>, vector<1x16xf32>,
        %swap3A_818 = vector.shape_cast %swap3A_817 : vector<1x16xf32> to vector<16xf32>
        %swap3A_819 = vector.shape_cast %add3A_814 : vector<16xf32> to vector<1x16xf32>
        tpu.vector_store %arg11[%swap3A_815, %swap3A_816], %swap3A_819 {strides = array<i32>} : memref<200x128xf32, #tpu.memory_space<vmem>>, vector<1x16xf32>,
        %get3A_820 = arith.index_cast %add3A_701 : i32 to index
        %get3A_821 = arith.constant 80 : index
        %get3A_822 = tpu.vector_load %arg8[%get3A_820, %get3A_821] {strides = array<i32>} : memref<200x128xf32, #tpu.memory_space<vmem>>, vector<1x16xf32>,
        %get3A_823 = vector.shape_cast %get3A_822 : vector<1x16xf32> to vector<16xf32>
        %get3A_824 = arith.index_cast %add3A_701 : i32 to index
        %get3A_825 = arith.constant 80 : index
        %get3A_826 = tpu.vector_load %arg9[%get3A_824, %get3A_825] {strides = array<i32>} : memref<200x128xf32, #tpu.memory_space<vmem>>, vector<1x16xf32>,
        %get3A_827 = vector.shape_cast %get3A_826 : vector<1x16xf32> to vector<16xf32>
        %add3A_828 = arith.addf %get3A_827, %get3A_823 : vector<16xf32>
        %swap3A_829 = arith.index_cast %add3A_701 : i32 to index
        %swap3A_830 = arith.constant 80 : index
        %swap3A_831 = tpu.vector_load %arg9[%swap3A_829, %swap3A_830] {strides = array<i32>} : memref<200x128xf32, #tpu.memory_space<vmem>>, vector<1x16xf32>,
        %swap3A_832 = vector.shape_cast %swap3A_831 : vector<1x16xf32> to vector<16xf32>
        %swap3A_833 = vector.shape_cast %add3A_828 : vector<16xf32> to vector<1x16xf32>
        tpu.vector_store %arg9[%swap3A_829, %swap3A_830], %swap3A_833 {strides = array<i32>} : memref<200x128xf32, #tpu.memory_space<vmem>>, vector<1x16xf32>,
        %get3A_834 = arith.index_cast %add3A_701 : i32 to index
        %get3A_835 = arith.constant 80 : index
        %get3A_836 = tpu.vector_load %arg11[%get3A_834, %get3A_835] {strides = array<i32>} : memref<200x128xf32, #tpu.memory_space<vmem>>, vector<1x16xf32>,
        %get3A_837 = vector.shape_cast %get3A_836 : vector<1x16xf32> to vector<16xf32>
        %add3A_838 = arith.addf %get3A_837, %get3A_823 : vector<16xf32>
        %swap3A_839 = arith.index_cast %add3A_701 : i32 to index
        %swap3A_840 = arith.constant 80 : index
        %swap3A_841 = tpu.vector_load %arg11[%swap3A_839, %swap3A_840] {strides = array<i32>} : memref<200x128xf32, #tpu.memory_space<vmem>>, vector<1x16xf32>,
        %swap3A_842 = vector.shape_cast %swap3A_841 : vector<1x16xf32> to vector<16xf32>
        %swap3A_843 = vector.shape_cast %add3A_838 : vector<16xf32> to vector<1x16xf32>
        tpu.vector_store %arg11[%swap3A_839, %swap3A_840], %swap3A_843 {strides = array<i32>} : memref<200x128xf32, #tpu.memory_space<vmem>>, vector<1x16xf32>,
        %get3A_844 = arith.index_cast %add3A_701 : i32 to index
        %get3A_845 = arith.constant 96 : index
        %get3A_846 = tpu.vector_load %arg8[%get3A_844, %get3A_845] {strides = array<i32>} : memref<200x128xf32, #tpu.memory_space<vmem>>, vector<1x16xf32>,
        %get3A_847 = vector.shape_cast %get3A_846 : vector<1x16xf32> to vector<16xf32>
        %get3A_848 = arith.index_cast %add3A_701 : i32 to index
        %get3A_849 = arith.constant 96 : index
        %get3A_850 = tpu.vector_load %arg9[%get3A_848, %get3A_849] {strides = array<i32>} : memref<200x128xf32, #tpu.memory_space<vmem>>, vector<1x16xf32>,
        %get3A_851 = vector.shape_cast %get3A_850 : vector<1x16xf32> to vector<16xf32>
        %add3A_852 = arith.addf %get3A_851, %get3A_847 : vector<16xf32>
        %swap3A_853 = arith.index_cast %add3A_701 : i32 to index
        %swap3A_854 = arith.constant 96 : index
        %swap3A_855 = tpu.vector_load %arg9[%swap3A_853, %swap3A_854] {strides = array<i32>} : memref<200x128xf32, #tpu.memory_space<vmem>>, vector<1x16xf32>,
        %swap3A_856 = vector.shape_cast %swap3A_855 : vector<1x16xf32> to vector<16xf32>
        %swap3A_857 = vector.shape_cast %add3A_852 : vector<16xf32> to vector<1x16xf32>
        tpu.vector_store %arg9[%swap3A_853, %swap3A_854], %swap3A_857 {strides = array<i32>} : memref<200x128xf32, #tpu.memory_space<vmem>>, vector<1x16xf32>,
        %get3A_858 = arith.index_cast %add3A_701 : i32 to index
        %get3A_859 = arith.constant 96 : index
        %get3A_860 = tpu.vector_load %arg11[%get3A_858, %get3A_859] {strides = array<i32>} : memref<200x128xf32, #tpu.memory_space<vmem>>, vector<1x16xf32>,
        %get3A_861 = vector.shape_cast %get3A_860 : vector<1x16xf32> to vector<16xf32>
        %add3A_862 = arith.addf %get3A_861, %get3A_847 : vector<16xf32>
        %swap3A_863 = arith.index_cast %add3A_701 : i32 to index
        %swap3A_864 = arith.constant 96 : index
        %swap3A_865 = tpu.vector_load %arg11[%swap3A_863, %swap3A_864] {strides = array<i32>} : memref<200x128xf32, #tpu.memory_space<vmem>>, vector<1x16xf32>,
        %swap3A_866 = vector.shape_cast %swap3A_865 : vector<1x16xf32> to vector<16xf32>
        %swap3A_867 = vector.shape_cast %add3A_862 : vector<16xf32> to vector<1x16xf32>
        tpu.vector_store %arg11[%swap3A_863, %swap3A_864], %swap3A_867 {strides = array<i32>} : memref<200x128xf32, #tpu.memory_space<vmem>>, vector<1x16xf32>,
        %get3A_868 = arith.index_cast %add3A_701 : i32 to index
        %get3A_869 = arith.constant 112 : index
        %get3A_870 = tpu.vector_load %arg8[%get3A_868, %get3A_869] {strides = array<i32>} : memref<200x128xf32, #tpu.memory_space<vmem>>, vector<1x16xf32>,
        %get3A_871 = vector.shape_cast %get3A_870 : vector<1x16xf32> to vector<16xf32>
        %get3A_872 = arith.index_cast %add3A_701 : i32 to index
        %get3A_873 = arith.constant 112 : index
        %get3A_874 = tpu.vector_load %arg9[%get3A_872, %get3A_873] {strides = array<i32>} : memref<200x128xf32, #tpu.memory_space<vmem>>, vector<1x16xf32>,
        %get3A_875 = vector.shape_cast %get3A_874 : vector<1x16xf32> to vector<16xf32>
        %add3A_876 = arith.addf %get3A_875, %get3A_871 : vector<16xf32>
        %swap3A_877 = arith.index_cast %add3A_701 : i32 to index
        %swap3A_878 = arith.constant 112 : index
        %swap3A_879 = tpu.vector_load %arg9[%swap3A_877, %swap3A_878] {strides = array<i32>} : memref<200x128xf32, #tpu.memory_space<vmem>>, vector<1x16xf32>,
        %swap3A_880 = vector.shape_cast %swap3A_879 : vector<1x16xf32> to vector<16xf32>
        %swap3A_881 = vector.shape_cast %add3A_876 : vector<16xf32> to vector<1x16xf32>
        tpu.vector_store %arg9[%swap3A_877, %swap3A_878], %swap3A_881 {strides = array<i32>} : memref<200x128xf32, #tpu.memory_space<vmem>>, vector<1x16xf32>,
        %get3A_882 = arith.index_cast %add3A_701 : i32 to index
        %get3A_883 = arith.constant 112 : index
        %get3A_884 = tpu.vector_load %arg11[%get3A_882, %get3A_883] {strides = array<i32>} : memref<200x128xf32, #tpu.memory_space<vmem>>, vector<1x16xf32>,
        %get3A_885 = vector.shape_cast %get3A_884 : vector<1x16xf32> to vector<16xf32>
        %add3A_886 = arith.addf %get3A_885, %get3A_871 : vector<16xf32>
        %swap3A_887 = arith.index_cast %add3A_701 : i32 to index
        %swap3A_888 = arith.constant 112 : index
        %swap3A_889 = tpu.vector_load %arg11[%swap3A_887, %swap3A_888] {strides = array<i32>} : memref<200x128xf32, #tpu.memory_space<vmem>>, vector<1x16xf32>,
        %swap3A_890 = vector.shape_cast %swap3A_889 : vector<1x16xf32> to vector<16xf32>
        %swap3A_891 = vector.shape_cast %add3A_886 : vector<16xf32> to vector<1x16xf32>
        tpu.vector_store %arg11[%swap3A_887, %swap3A_888], %swap3A_891 {strides = array<i32>} : memref<200x128xf32, #tpu.memory_space<vmem>>, vector<1x16xf32>,
        %mul3A_892 = arith.constant 2 : i32
        %mul3A_893 = arith.muli %scan3A_697, %mul3A_892 : i32
        %add3A_894 = arith.constant 1 : i32
        %add3A_895 = arith.addi %mul3A_893, %add3A_894 : i32
        %get3A_896 = arith.index_cast %add3A_895 : i32 to index
        %get3A_897 = arith.constant 0 : index
        %get3A_898 = tpu.vector_load %arg8[%get3A_896, %get3A_897] {strides = array<i32>} : memref<200x128xf32, #tpu.memory_space<vmem>>, vector<1x16xf32>,
        %get3A_899 = vector.shape_cast %get3A_898 : vector<1x16xf32> to vector<16xf32>
        %get3A_900 = arith.index_cast %add3A_895 : i32 to index
        %get3A_901 = arith.constant 0 : index
        %get3A_902 = tpu.vector_load %arg9[%get3A_900, %get3A_901] {strides = array<i32>} : memref<200x128xf32, #tpu.memory_space<vmem>>, vector<1x16xf32>,
        %get3A_903 = vector.shape_cast %get3A_902 : vector<1x16xf32> to vector<16xf32>
        %add3A_904 = arith.addf %get3A_903, %get3A_899 : vector<16xf32>
        %swap3A_905 = arith.index_cast %add3A_895 : i32 to index
        %swap3A_906 = arith.constant 0 : index
        %swap3A_907 = tpu.vector_load %arg9[%swap3A_905, %swap3A_906] {strides = array<i32>} : memref<200x128xf32, #tpu.memory_space<vmem>>, vector<1x16xf32>,
        %swap3A_908 = vector.shape_cast %swap3A_907 : vector<1x16xf32> to vector<16xf32>
        %swap3A_909 = vector.shape_cast %add3A_904 : vector<16xf32> to vector<1x16xf32>
        tpu.vector_store %arg9[%swap3A_905, %swap3A_906], %swap3A_909 {strides = array<i32>} : memref<200x128xf32, #tpu.memory_space<vmem>>, vector<1x16xf32>,
        %get3A_910 = arith.index_cast %add3A_895 : i32 to index
        %get3A_911 = arith.constant 0 : index
        %get3A_912 = tpu.vector_load %arg11[%get3A_910, %get3A_911] {strides = array<i32>} : memref<200x128xf32, #tpu.memory_space<vmem>>, vector<1x16xf32>,
        %get3A_913 = vector.shape_cast %get3A_912 : vector<1x16xf32> to vector<16xf32>
        %add3A_914 = arith.addf %get3A_913, %get3A_899 : vector<16xf32>
        %swap3A_915 = arith.index_cast %add3A_895 : i32 to index
        %swap3A_916 = arith.constant 0 : index
        %swap3A_917 = tpu.vector_load %arg11[%swap3A_915, %swap3A_916] {strides = array<i32>} : memref<200x128xf32, #tpu.memory_space<vmem>>, vector<1x16xf32>,
        %swap3A_918 = vector.shape_cast %swap3A_917 : vector<1x16xf32> to vector<16xf32>
        %swap3A_919 = vector.shape_cast %add3A_914 : vector<16xf32> to vector<1x16xf32>
        tpu.vector_store %arg11[%swap3A_915, %swap3A_916], %swap3A_919 {strides = array<i32>} : memref<200x128xf32, #tpu.memory_space<vmem>>, vector<1x16xf32>,
        %get3A_920 = arith.index_cast %add3A_895 : i32 to index
        %get3A_921 = arith.constant 16 : index
        %get3A_922 = tpu.vector_load %arg8[%get3A_920, %get3A_921] {strides = array<i32>} : memref<200x128xf32, #tpu.memory_space<vmem>>, vector<1x16xf32>,
        %get3A_923 = vector.shape_cast %get3A_922 : vector<1x16xf32> to vector<16xf32>
        %get3A_924 = arith.index_cast %add3A_895 : i32 to index
        %get3A_925 = arith.constant 16 : index
        %get3A_926 = tpu.vector_load %arg9[%get3A_924, %get3A_925] {strides = array<i32>} : memref<200x128xf32, #tpu.memory_space<vmem>>, vector<1x16xf32>,
        %get3A_927 = vector.shape_cast %get3A_926 : vector<1x16xf32> to vector<16xf32>
        %add3A_928 = arith.addf %get3A_927, %get3A_923 : vector<16xf32>
        %swap3A_929 = arith.index_cast %add3A_895 : i32 to index
        %swap3A_930 = arith.constant 16 : index
        %swap3A_931 = tpu.vector_load %arg9[%swap3A_929, %swap3A_930] {strides = array<i32>} : memref<200x128xf32, #tpu.memory_space<vmem>>, vector<1x16xf32>,
        %swap3A_932 = vector.shape_cast %swap3A_931 : vector<1x16xf32> to vector<16xf32>
        %swap3A_933 = vector.shape_cast %add3A_928 : vector<16xf32> to vector<1x16xf32>
        tpu.vector_store %arg9[%swap3A_929, %swap3A_930], %swap3A_933 {strides = array<i32>} : memref<200x128xf32, #tpu.memory_space<vmem>>, vector<1x16xf32>,
        %get3A_934 = arith.index_cast %add3A_895 : i32 to index
        %get3A_935 = arith.constant 16 : index
        %get3A_936 = tpu.vector_load %arg11[%get3A_934, %get3A_935] {strides = array<i32>} : memref<200x128xf32, #tpu.memory_space<vmem>>, vector<1x16xf32>,
        %get3A_937 = vector.shape_cast %get3A_936 : vector<1x16xf32> to vector<16xf32>
        %add3A_938 = arith.addf %get3A_937, %get3A_923 : vector<16xf32>
        %swap3A_939 = arith.index_cast %add3A_895 : i32 to index
        %swap3A_940 = arith.constant 16 : index
        %swap3A_941 = tpu.vector_load %arg11[%swap3A_939, %swap3A_940] {strides = array<i32>} : memref<200x128xf32, #tpu.memory_space<vmem>>, vector<1x16xf32>,
        %swap3A_942 = vector.shape_cast %swap3A_941 : vector<1x16xf32> to vector<16xf32>
        %swap3A_943 = vector.shape_cast %add3A_938 : vector<16xf32> to vector<1x16xf32>
        tpu.vector_store %arg11[%swap3A_939, %swap3A_940], %swap3A_943 {strides = array<i32>} : memref<200x128xf32, #tpu.memory_space<vmem>>, vector<1x16xf32>,
        %get3A_944 = arith.index_cast %add3A_895 : i32 to index
        %get3A_945 = arith.constant 32 : index
        %get3A_946 = tpu.vector_load %arg8[%get3A_944, %get3A_945] {strides = array<i32>} : memref<200x128xf32, #tpu.memory_space<vmem>>, vector<1x16xf32>,
        %get3A_947 = vector.shape_cast %get3A_946 : vector<1x16xf32> to vector<16xf32>
        %get3A_948 = arith.index_cast %add3A_895 : i32 to index
        %get3A_949 = arith.constant 32 : index
        %get3A_950 = tpu.vector_load %arg9[%get3A_948, %get3A_949] {strides = array<i32>} : memref<200x128xf32, #tpu.memory_space<vmem>>, vector<1x16xf32>,
        %get3A_951 = vector.shape_cast %get3A_950 : vector<1x16xf32> to vector<16xf32>
        %add3A_952 = arith.addf %get3A_951, %get3A_947 : vector<16xf32>
        %swap3A_953 = arith.index_cast %add3A_895 : i32 to index
        %swap3A_954 = arith.constant 32 : index
        %swap3A_955 = tpu.vector_load %arg9[%swap3A_953, %swap3A_954] {strides = array<i32>} : memref<200x128xf32, #tpu.memory_space<vmem>>, vector<1x16xf32>,
        %swap3A_956 = vector.shape_cast %swap3A_955 : vector<1x16xf32> to vector<16xf32>
        %swap3A_957 = vector.shape_cast %add3A_952 : vector<16xf32> to vector<1x16xf32>
        tpu.vector_store %arg9[%swap3A_953, %swap3A_954], %swap3A_957 {strides = array<i32>} : memref<200x128xf32, #tpu.memory_space<vmem>>, vector<1x16xf32>,
        %get3A_958 = arith.index_cast %add3A_895 : i32 to index
        %get3A_959 = arith.constant 32 : index
        %get3A_960 = tpu.vector_load %arg11[%get3A_958, %get3A_959] {strides = array<i32>} : memref<200x128xf32, #tpu.memory_space<vmem>>, vector<1x16xf32>,
        %get3A_961 = vector.shape_cast %get3A_960 : vector<1x16xf32> to vector<16xf32>
        %add3A_962 = arith.addf %get3A_961, %get3A_947 : vector<16xf32>
        %swap3A_963 = arith.index_cast %add3A_895 : i32 to index
        %swap3A_964 = arith.constant 32 : index
        %swap3A_965 = tpu.vector_load %arg11[%swap3A_963, %swap3A_964] {strides = array<i32>} : memref<200x128xf32, #tpu.memory_space<vmem>>, vector<1x16xf32>,
        %swap3A_966 = vector.shape_cast %swap3A_965 : vector<1x16xf32> to vector<16xf32>
        %swap3A_967 = vector.shape_cast %add3A_962 : vector<16xf32> to vector<1x16xf32>
        tpu.vector_store %arg11[%swap3A_963, %swap3A_964], %swap3A_967 {strides = array<i32>} : memref<200x128xf32, #tpu.memory_space<vmem>>, vector<1x16xf32>,
        %get3A_968 = arith.index_cast %add3A_895 : i32 to index
        %get3A_969 = arith.constant 48 : index
        %get3A_970 = tpu.vector_load %arg8[%get3A_968, %get3A_969] {strides = array<i32>} : memref<200x128xf32, #tpu.memory_space<vmem>>, vector<1x16xf32>,
        %get3A_971 = vector.shape_cast %get3A_970 : vector<1x16xf32> to vector<16xf32>
        %get3A_972 = arith.index_cast %add3A_895 : i32 to index
        %get3A_973 = arith.constant 48 : index
        %get3A_974 = tpu.vector_load %arg9[%get3A_972, %get3A_973] {strides = array<i32>} : memref<200x128xf32, #tpu.memory_space<vmem>>, vector<1x16xf32>,
        %get3A_975 = vector.shape_cast %get3A_974 : vector<1x16xf32> to vector<16xf32>
        %add3A_976 = arith.addf %get3A_975, %get3A_971 : vector<16xf32>
        %swap3A_977 = arith.index_cast %add3A_895 : i32 to index
        %swap3A_978 = arith.constant 48 : index
        %swap3A_979 = tpu.vector_load %arg9[%swap3A_977, %swap3A_978] {strides = array<i32>} : memref<200x128xf32, #tpu.memory_space<vmem>>, vector<1x16xf32>,
        %swap3A_980 = vector.shape_cast %swap3A_979 : vector<1x16xf32> to vector<16xf32>
        %swap3A_981 = vector.shape_cast %add3A_976 : vector<16xf32> to vector<1x16xf32>
        tpu.vector_store %arg9[%swap3A_977, %swap3A_978], %swap3A_981 {strides = array<i32>} : memref<200x128xf32, #tpu.memory_space<vmem>>, vector<1x16xf32>,
        %get3A_982 = arith.index_cast %add3A_895 : i32 to index
        %get3A_983 = arith.constant 48 : index
        %get3A_984 = tpu.vector_load %arg11[%get3A_982, %get3A_983] {strides = array<i32>} : memref<200x128xf32, #tpu.memory_space<vmem>>, vector<1x16xf32>,
        %get3A_985 = vector.shape_cast %get3A_984 : vector<1x16xf32> to vector<16xf32>
        %add3A_986 = arith.addf %get3A_985, %get3A_971 : vector<16xf32>
        %swap3A_987 = arith.index_cast %add3A_895 : i32 to index
        %swap3A_988 = arith.constant 48 : index
        %swap3A_989 = tpu.vector_load %arg11[%swap3A_987, %swap3A_988] {strides = array<i32>} : memref<200x128xf32, #tpu.memory_space<vmem>>, vector<1x16xf32>,
        %swap3A_990 = vector.shape_cast %swap3A_989 : vector<1x16xf32> to vector<16xf32>
        %swap3A_991 = vector.shape_cast %add3A_986 : vector<16xf32> to vector<1x16xf32>
        tpu.vector_store %arg11[%swap3A_987, %swap3A_988], %swap3A_991 {strides = array<i32>} : memref<200x128xf32, #tpu.memory_space<vmem>>, vector<1x16xf32>,
        %get3A_992 = arith.index_cast %add3A_895 : i32 to index
        %get3A_993 = arith.constant 64 : index
        %get3A_994 = tpu.vector_load %arg8[%get3A_992, %get3A_993] {strides = array<i32>} : memref<200x128xf32, #tpu.memory_space<vmem>>, vector<1x16xf32>,
        %get3A_995 = vector.shape_cast %get3A_994 : vector<1x16xf32> to vector<16xf32>
        %get3A_996 = arith.index_cast %add3A_895 : i32 to index
        %get3A_997 = arith.constant 64 : index
        %get3A_998 = tpu.vector_load %arg9[%get3A_996, %get3A_997] {strides = array<i32>} : memref<200x128xf32, #tpu.memory_space<vmem>>, vector<1x16xf32>,
        %get3A_999 = vector.shape_cast %get3A_998 : vector<1x16xf32> to vector<16xf32>
        %add3A_1000 = arith.addf %get3A_999, %get3A_995 : vector<16xf32>
        %swap3A_1001 = arith.index_cast %add3A_895 : i32 to index
        %swap3A_1002 = arith.constant 64 : index
        %swap3A_1003 = tpu.vector_load %arg9[%swap3A_1001, %swap3A_1002] {strides = array<i32>} : memref<200x128xf32, #tpu.memory_space<vmem>>, vector<1x16xf32>,
        %swap3A_1004 = vector.shape_cast %swap3A_1003 : vector<1x16xf32> to vector<16xf32>
        %swap3A_1005 = vector.shape_cast %add3A_1000 : vector<16xf32> to vector<1x16xf32>
        tpu.vector_store %arg9[%swap3A_1001, %swap3A_1002], %swap3A_1005 {strides = array<i32>} : memref<200x128xf32, #tpu.memory_space<vmem>>, vector<1x16xf32>,
        %get3A_1006 = arith.index_cast %add3A_895 : i32 to index
        %get3A_1007 = arith.constant 64 : index
        %get3A_1008 = tpu.vector_load %arg11[%get3A_1006, %get3A_1007] {strides = array<i32>} : memref<200x128xf32, #tpu.memory_space<vmem>>, vector<1x16xf32>,
        %get3A_1009 = vector.shape_cast %get3A_1008 : vector<1x16xf32> to vector<16xf32>
        %add3A_1010 = arith.addf %get3A_1009, %get3A_995 : vector<16xf32>
        %swap3A_1011 = arith.index_cast %add3A_895 : i32 to index
        %swap3A_1012 = arith.constant 64 : index
        %swap3A_1013 = tpu.vector_load %arg11[%swap3A_1011, %swap3A_1012] {strides = array<i32>} : memref<200x128xf32, #tpu.memory_space<vmem>>, vector<1x16xf32>,
        %swap3A_1014 = vector.shape_cast %swap3A_1013 : vector<1x16xf32> to vector<16xf32>
        %swap3A_1015 = vector.shape_cast %add3A_1010 : vector<16xf32> to vector<1x16xf32>
        tpu.vector_store %arg11[%swap3A_1011, %swap3A_1012], %swap3A_1015 {strides = array<i32>} : memref<200x128xf32, #tpu.memory_space<vmem>>, vector<1x16xf32>,
        %get3A_1016 = arith.index_cast %add3A_895 : i32 to index
        %get3A_1017 = arith.constant 80 : index
        %get3A_1018 = tpu.vector_load %arg8[%get3A_1016, %get3A_1017] {strides = array<i32>} : memref<200x128xf32, #tpu.memory_space<vmem>>, vector<1x16xf32>,
        %get3A_1019 = vector.shape_cast %get3A_1018 : vector<1x16xf32> to vector<16xf32>
        %get3A_1020 = arith.index_cast %add3A_895 : i32 to index
        %get3A_1021 = arith.constant 80 : index
        %get3A_1022 = tpu.vector_load %arg9[%get3A_1020, %get3A_1021] {strides = array<i32>} : memref<200x128xf32, #tpu.memory_space<vmem>>, vector<1x16xf32>,
        %get3A_1023 = vector.shape_cast %get3A_1022 : vector<1x16xf32> to vector<16xf32>
        %add3A_1024 = arith.addf %get3A_1023, %get3A_1019 : vector<16xf32>
        %swap3A_1025 = arith.index_cast %add3A_895 : i32 to index
        %swap3A_1026 = arith.constant 80 : index
        %swap3A_1027 = tpu.vector_load %arg9[%swap3A_1025, %swap3A_1026] {strides = array<i32>} : memref<200x128xf32, #tpu.memory_space<vmem>>, vector<1x16xf32>,
        %swap3A_1028 = vector.shape_cast %swap3A_1027 : vector<1x16xf32> to vector<16xf32>
        %swap3A_1029 = vector.shape_cast %add3A_1024 : vector<16xf32> to vector<1x16xf32>
        tpu.vector_store %arg9[%swap3A_1025, %swap3A_1026], %swap3A_1029 {strides = array<i32>} : memref<200x128xf32, #tpu.memory_space<vmem>>, vector<1x16xf32>,
        %get3A_1030 = arith.index_cast %add3A_895 : i32 to index
        %get3A_1031 = arith.constant 80 : index
        %get3A_1032 = tpu.vector_load %arg11[%get3A_1030, %get3A_1031] {strides = array<i32>} : memref<200x128xf32, #tpu.memory_space<vmem>>, vector<1x16xf32>,
        %get3A_1033 = vector.shape_cast %get3A_1032 : vector<1x16xf32> to vector<16xf32>
        %add3A_1034 = arith.addf %get3A_1033, %get3A_1019 : vector<16xf32>
        %swap3A_1035 = arith.index_cast %add3A_895 : i32 to index
        %swap3A_1036 = arith.constant 80 : index
        %swap3A_1037 = tpu.vector_load %arg11[%swap3A_1035, %swap3A_1036] {strides = array<i32>} : memref<200x128xf32, #tpu.memory_space<vmem>>, vector<1x16xf32>,
        %swap3A_1038 = vector.shape_cast %swap3A_1037 : vector<1x16xf32> to vector<16xf32>
        %swap3A_1039 = vector.shape_cast %add3A_1034 : vector<16xf32> to vector<1x16xf32>
        tpu.vector_store %arg11[%swap3A_1035, %swap3A_1036], %swap3A_1039 {strides = array<i32>} : memref<200x128xf32, #tpu.memory_space<vmem>>, vector<1x16xf32>,
        %get3A_1040 = arith.index_cast %add3A_895 : i32 to index
        %get3A_1041 = arith.constant 96 : index
        %get3A_1042 = tpu.vector_load %arg8[%get3A_1040, %get3A_1041] {strides = array<i32>} : memref<200x128xf32, #tpu.memory_space<vmem>>, vector<1x16xf32>,
        %get3A_1043 = vector.shape_cast %get3A_1042 : vector<1x16xf32> to vector<16xf32>
        %get3A_1044 = arith.index_cast %add3A_895 : i32 to index
        %get3A_1045 = arith.constant 96 : index
        %get3A_1046 = tpu.vector_load %arg9[%get3A_1044, %get3A_1045] {strides = array<i32>} : memref<200x128xf32, #tpu.memory_space<vmem>>, vector<1x16xf32>,
        %get3A_1047 = vector.shape_cast %get3A_1046 : vector<1x16xf32> to vector<16xf32>
        %add3A_1048 = arith.addf %get3A_1047, %get3A_1043 : vector<16xf32>
        %swap3A_1049 = arith.index_cast %add3A_895 : i32 to index
        %swap3A_1050 = arith.constant 96 : index
        %swap3A_1051 = tpu.vector_load %arg9[%swap3A_1049, %swap3A_1050] {strides = array<i32>} : memref<200x128xf32, #tpu.memory_space<vmem>>, vector<1x16xf32>,
        %swap3A_1052 = vector.shape_cast %swap3A_1051 : vector<1x16xf32> to vector<16xf32>
        %swap3A_1053 = vector.shape_cast %add3A_1048 : vector<16xf32> to vector<1x16xf32>
        tpu.vector_store %arg9[%swap3A_1049, %swap3A_1050], %swap3A_1053 {strides = array<i32>} : memref<200x128xf32, #tpu.memory_space<vmem>>, vector<1x16xf32>,
        %get3A_1054 = arith.index_cast %add3A_895 : i32 to index
        %get3A_1055 = arith.constant 96 : index
        %get3A_1056 = tpu.vector_load %arg11[%get3A_1054, %get3A_1055] {strides = array<i32>} : memref<200x128xf32, #tpu.memory_space<vmem>>, vector<1x16xf32>,
        %get3A_1057 = vector.shape_cast %get3A_1056 : vector<1x16xf32> to vector<16xf32>
        %add3A_1058 = arith.addf %get3A_1057, %get3A_1043 : vector<16xf32>
        %swap3A_1059 = arith.index_cast %add3A_895 : i32 to index
        %swap3A_1060 = arith.constant 96 : index
        %swap3A_1061 = tpu.vector_load %arg11[%swap3A_1059, %swap3A_1060] {strides = array<i32>} : memref<200x128xf32, #tpu.memory_space<vmem>>, vector<1x16xf32>,
        %swap3A_1062 = vector.shape_cast %swap3A_1061 : vector<1x16xf32> to vector<16xf32>
        %swap3A_1063 = vector.shape_cast %add3A_1058 : vector<16xf32> to vector<1x16xf32>
        tpu.vector_store %arg11[%swap3A_1059, %swap3A_1060], %swap3A_1063 {strides = array<i32>} : memref<200x128xf32, #tpu.memory_space<vmem>>, vector<1x16xf32>,
        %get3A_1064 = arith.index_cast %add3A_895 : i32 to index
        %get3A_1065 = arith.constant 112 : index
        %get3A_1066 = tpu.vector_load %arg8[%get3A_1064, %get3A_1065] {strides = array<i32>} : memref<200x128xf32, #tpu.memory_space<vmem>>, vector<1x16xf32>,
        %get3A_1067 = vector.shape_cast %get3A_1066 : vector<1x16xf32> to vector<16xf32>
        %get3A_1068 = arith.index_cast %add3A_895 : i32 to index
        %get3A_1069 = arith.constant 112 : index
        %get3A_1070 = tpu.vector_load %arg9[%get3A_1068, %get3A_1069] {strides = array<i32>} : memref<200x128xf32, #tpu.memory_space<vmem>>, vector<1x16xf32>,
        %get3A_1071 = vector.shape_cast %get3A_1070 : vector<1x16xf32> to vector<16xf32>
        %add3A_1072 = arith.addf %get3A_1071, %get3A_1067 : vector<16xf32>
        %swap3A_1073 = arith.index_cast %add3A_895 : i32 to index
        %swap3A_1074 = arith.constant 112 : index
        %swap3A_1075 = tpu.vector_load %arg9[%swap3A_1073, %swap3A_1074] {strides = array<i32>} : memref<200x128xf32, #tpu.memory_space<vmem>>, vector<1x16xf32>,
        %swap3A_1076 = vector.shape_cast %swap3A_1075 : vector<1x16xf32> to vector<16xf32>
        %swap3A_1077 = vector.shape_cast %add3A_1072 : vector<16xf32> to vector<1x16xf32>
        tpu.vector_store %arg9[%swap3A_1073, %swap3A_1074], %swap3A_1077 {strides = array<i32>} : memref<200x128xf32, #tpu.memory_space<vmem>>, vector<1x16xf32>,
        %get3A_1078 = arith.index_cast %add3A_895 : i32 to index
        %get3A_1079 = arith.constant 112 : index
        %get3A_1080 = tpu.vector_load %arg11[%get3A_1078, %get3A_1079] {strides = array<i32>} : memref<200x128xf32, #tpu.memory_space<vmem>>, vector<1x16xf32>,
        %get3A_1081 = vector.shape_cast %get3A_1080 : vector<1x16xf32> to vector<16xf32>
        %add3A_1082 = arith.addf %get3A_1081, %get3A_1067 : vector<16xf32>
        %swap3A_1083 = arith.index_cast %add3A_895 : i32 to index
        %swap3A_1084 = arith.constant 112 : index
        %swap3A_1085 = tpu.vector_load %arg11[%swap3A_1083, %swap3A_1084] {strides = array<i32>} : memref<200x128xf32, #tpu.memory_space<vmem>>, vector<1x16xf32>,
        %swap3A_1086 = vector.shape_cast %swap3A_1085 : vector<1x16xf32> to vector<16xf32>
        %swap3A_1087 = vector.shape_cast %add3A_1082 : vector<16xf32> to vector<1x16xf32>
        tpu.vector_store %arg11[%swap3A_1083, %swap3A_1084], %swap3A_1087 {strides = array<i32>} : memref<200x128xf32, #tpu.memory_space<vmem>>, vector<1x16xf32>,
      }
      %scan3A_466 = arith.constant 100 : i32
      %mul3A_467 = arith.constant 200 : i32
      %mul3A_468 = arith.muli %add3A_396, %mul3A_467 : i32
      %add3A_469 = arith.addi %mul3A_2, %mul3A_468 : i32
      %dma_start3A_470 = arith.constant 0 : i32
      %dma_start3A_471 = tpu.memref_slice %arg6[%add3A_469, %dma_start3A_470] : memref<204800x256xf32, #tpu.memory_space<hbm>> -> memref<200x128xf32, #tpu.memory_space<hbm>>
      %dma_start3A_472 = arith.constant 0 : i32
      %dma_start3A_473 = tpu.memref_slice %arg6[%add3A_469, %dma_start3A_472] : memref<204800x256xf32, #tpu.memory_space<hbm>> -> memref<200x128xf32, #tpu.memory_space<hbm>>
      tpu.enqueue_dma source(%arg9 : memref<200x128xf32, #tpu.memory_space<vmem>>) target(%dma_start3A_473 : memref<200x128xf32, #tpu.memory_space<hbm>>) target_semaphore(%arg17 : memref<!tpu.dma_semaphore, #tpu.memory_space<semaphore_mem>>)
      %dma_start3A_474 = arith.constant 128 : i32
      %dma_start3A_475 = tpu.memref_slice %arg6[%add3A_469, %dma_start3A_474] : memref<204800x256xf32, #tpu.memory_space<hbm>> -> memref<200x128xf32, #tpu.memory_space<hbm>>
      %dma_start3A_476 = arith.constant 128 : i32
      %dma_start3A_477 = tpu.memref_slice %arg6[%add3A_469, %dma_start3A_476] : memref<204800x256xf32, #tpu.memory_space<hbm>> -> memref<200x128xf32, #tpu.memory_space<hbm>>
      tpu.enqueue_dma source(%arg11 : memref<200x128xf32, #tpu.memory_space<vmem>>) target(%dma_start3A_477 : memref<200x128xf32, #tpu.memory_space<hbm>>) target_semaphore(%arg17 : memref<!tpu.dma_semaphore, #tpu.memory_space<semaphore_mem>>)
      %mul3A_478 = arith.constant 8 : i32
      %mul3A_479 = arith.muli %scan3A_62, %mul3A_478 : i32
      %add3A_480 = arith.constant 5 : i32
      %add3A_481 = arith.addi %mul3A_479, %add3A_480 : i32
      %dma_wait3A_482 = arith.constant 0 : i32
      %dma_wait3A_483 = arith.constant 0 : i32
      %dma_wait3A_484 = tpu.memref_slice %arg6[%dma_wait3A_482, %dma_wait3A_483] : memref<204800x256xf32, #tpu.memory_space<hbm>> -> memref<200x128xf32, #tpu.memory_space<hbm>>
      %dma_wait3A_485 = arith.constant 0 : i32
      %dma_wait3A_486 = arith.constant 0 : i32
      %dma_wait3A_487 = tpu.memref_slice %arg6[%dma_wait3A_485, %dma_wait3A_486] : memref<204800x256xf32, #tpu.memory_space<hbm>> -> memref<200x128xf32, #tpu.memory_space<hbm>>
      tpu.wait_dma2 semaphore(%arg17 : memref<!tpu.dma_semaphore, #tpu.memory_space<semaphore_mem>>) src(%arg9 : memref<200x128xf32, #tpu.memory_space<vmem>>) dst(%dma_wait3A_487 : memref<200x128xf32, #tpu.memory_space<hbm>>)
      %dma_wait3A_488 = arith.constant 0 : i32
      %dma_wait3A_489 = arith.constant 128 : i32
      %dma_wait3A_490 = tpu.memref_slice %arg6[%dma_wait3A_488, %dma_wait3A_489] : memref<204800x256xf32, #tpu.memory_space<hbm>> -> memref<200x128xf32, #tpu.memory_space<hbm>>
      %dma_wait3A_491 = arith.constant 0 : i32
      %dma_wait3A_492 = arith.constant 128 : i32
      %dma_wait3A_493 = tpu.memref_slice %arg6[%dma_wait3A_491, %dma_wait3A_492] : memref<204800x256xf32, #tpu.memory_space<hbm>> -> memref<200x128xf32, #tpu.memory_space<hbm>>
      tpu.wait_dma2 semaphore(%arg17 : memref<!tpu.dma_semaphore, #tpu.memory_space<semaphore_mem>>) src(%arg11 : memref<200x128xf32, #tpu.memory_space<vmem>>) dst(%dma_wait3A_493 : memref<200x128xf32, #tpu.memory_space<hbm>>)
      %dma_start3A_494 = arith.constant 12 : i32
      %dma_start3A_495 = arith.constant 0 : i32
      %dma_start3A_496 = arith.constant 0 : i32
      %dma_start3A_497 = tpu.memref_slice %arg9[%dma_start3A_495, %dma_start3A_496] : memref<200x128xf32, #tpu.memory_space<vmem>> -> memref<100x128xf32, #tpu.memory_space<vmem>>
      %dma_start3A_498 = arith.constant 0 : i32
      %dma_start3A_499 = tpu.memref_slice %arg7[%dma_start3A_494, %dma_start3A_498] : memref<16x100xi32, #tpu.memory_space<vmem>> -> memref<1x100xi32, #tpu.memory_space<vmem>>
      %dma_start3A_500 = tpu.memref_squeeze %dma_start3A_499 : memref<1x100xi32, #tpu.memory_space<vmem>> -> memref<100xi32, #tpu.memory_space<vmem>>
      %dma_start3A_501 = arith.constant 0 : i32
      %dma_start3A_502 = arith.constant 0 : i32
      %dma_start3A_503 = tpu.memref_slice %arg3[%dma_start3A_501, %dma_start3A_502] : memref<100000x128xf32, #tpu.memory_space<hbm>> -> memref<100000x128xf32, #tpu.memory_space<hbm>>
      tpu.enqueue_indirect_dma source(%dma_start3A_503 : memref<100000x128xf32, #tpu.memory_space<hbm>>) target(%dma_start3A_497 : memref<100x128xf32, #tpu.memory_space<vmem>>) offsets(%dma_start3A_500 : memref<100xi32, #tpu.memory_space<vmem>>) semaphore(%arg13 : memref<!tpu.dma_semaphore, #tpu.memory_space<semaphore_mem>>)
      %dma_start3A_504 = arith.constant 13 : i32
      %dma_start3A_505 = arith.constant 100 : i32
      %dma_start3A_506 = arith.constant 0 : i32
      %dma_start3A_507 = tpu.memref_slice %arg9[%dma_start3A_505, %dma_start3A_506] : memref<200x128xf32, #tpu.memory_space<vmem>> -> memref<100x128xf32, #tpu.memory_space<vmem>>
      %dma_start3A_508 = arith.constant 0 : i32
      %dma_start3A_509 = tpu.memref_slice %arg7[%dma_start3A_504, %dma_start3A_508] : memref<16x100xi32, #tpu.memory_space<vmem>> -> memref<1x100xi32, #tpu.memory_space<vmem>>
      %dma_start3A_510 = tpu.memref_squeeze %dma_start3A_509 : memref<1x100xi32, #tpu.memory_space<vmem>> -> memref<100xi32, #tpu.memory_space<vmem>>
      %dma_start3A_511 = arith.constant 0 : i32
      %dma_start3A_512 = arith.constant 0 : i32
      %dma_start3A_513 = tpu.memref_slice %arg3[%dma_start3A_511, %dma_start3A_512] : memref<100000x128xf32, #tpu.memory_space<hbm>> -> memref<100000x128xf32, #tpu.memory_space<hbm>>
      tpu.enqueue_indirect_dma source(%dma_start3A_513 : memref<100000x128xf32, #tpu.memory_space<hbm>>) target(%dma_start3A_507 : memref<100x128xf32, #tpu.memory_space<vmem>>) offsets(%dma_start3A_510 : memref<100xi32, #tpu.memory_space<vmem>>) semaphore(%arg13 : memref<!tpu.dma_semaphore, #tpu.memory_space<semaphore_mem>>)
      %dma_start3A_514 = arith.constant 12 : i32
      %dma_start3A_515 = arith.constant 0 : i32
      %dma_start3A_516 = arith.constant 0 : i32
      %dma_start3A_517 = tpu.memref_slice %arg11[%dma_start3A_515, %dma_start3A_516] : memref<200x128xf32, #tpu.memory_space<vmem>> -> memref<100x128xf32, #tpu.memory_space<vmem>>
      %dma_start3A_518 = arith.constant 0 : i32
      %dma_start3A_519 = tpu.memref_slice %arg7[%dma_start3A_514, %dma_start3A_518] : memref<16x100xi32, #tpu.memory_space<vmem>> -> memref<1x100xi32, #tpu.memory_space<vmem>>
      %dma_start3A_520 = tpu.memref_squeeze %dma_start3A_519 : memref<1x100xi32, #tpu.memory_space<vmem>> -> memref<100xi32, #tpu.memory_space<vmem>>
      %dma_start3A_521 = arith.constant 0 : i32
      %dma_start3A_522 = arith.constant 0 : i32
      %dma_start3A_523 = tpu.memref_slice %arg4[%dma_start3A_521, %dma_start3A_522] : memref<100000x128xf32, #tpu.memory_space<hbm>> -> memref<100000x128xf32, #tpu.memory_space<hbm>>
      tpu.enqueue_indirect_dma source(%dma_start3A_523 : memref<100000x128xf32, #tpu.memory_space<hbm>>) target(%dma_start3A_517 : memref<100x128xf32, #tpu.memory_space<vmem>>) offsets(%dma_start3A_520 : memref<100xi32, #tpu.memory_space<vmem>>) semaphore(%arg15 : memref<!tpu.dma_semaphore, #tpu.memory_space<semaphore_mem>>)
      %dma_start3A_524 = arith.constant 13 : i32
      %dma_start3A_525 = arith.constant 100 : i32
      %dma_start3A_526 = arith.constant 0 : i32
      %dma_start3A_527 = tpu.memref_slice %arg11[%dma_start3A_525, %dma_start3A_526] : memref<200x128xf32, #tpu.memory_space<vmem>> -> memref<100x128xf32, #tpu.memory_space<vmem>>
      %dma_start3A_528 = arith.constant 0 : i32
      %dma_start3A_529 = tpu.memref_slice %arg7[%dma_start3A_524, %dma_start3A_528] : memref<16x100xi32, #tpu.memory_space<vmem>> -> memref<1x100xi32, #tpu.memory_space<vmem>>
      %dma_start3A_530 = tpu.memref_squeeze %dma_start3A_529 : memref<1x100xi32, #tpu.memory_space<vmem>> -> memref<100xi32, #tpu.memory_space<vmem>>
      %dma_start3A_531 = arith.constant 0 : i32
      %dma_start3A_532 = arith.constant 0 : i32
      %dma_start3A_533 = tpu.memref_slice %arg4[%dma_start3A_531, %dma_start3A_532] : memref<100000x128xf32, #tpu.memory_space<hbm>> -> memref<100000x128xf32, #tpu.memory_space<hbm>>
      tpu.enqueue_indirect_dma source(%dma_start3A_533 : memref<100000x128xf32, #tpu.memory_space<hbm>>) target(%dma_start3A_527 : memref<100x128xf32, #tpu.memory_space<vmem>>) offsets(%dma_start3A_530 : memref<100xi32, #tpu.memory_space<vmem>>) semaphore(%arg15 : memref<!tpu.dma_semaphore, #tpu.memory_space<semaphore_mem>>)
      %dma_wait3A_534 = arith.constant 0 : i32
      %dma_wait3A_535 = arith.constant 0 : i32
      %dma_wait3A_536 = tpu.memref_slice %arg3[%dma_wait3A_534, %dma_wait3A_535] : memref<100000x128xf32, #tpu.memory_space<hbm>> -> memref<200x128xf32, #tpu.memory_space<hbm>>
      %dma_wait3A_537 = arith.constant 0 : i32
      %dma_wait3A_538 = arith.constant 0 : i32
      %dma_wait3A_539 = tpu.memref_slice %arg3[%dma_wait3A_537, %dma_wait3A_538] : memref<100000x128xf32, #tpu.memory_space<hbm>> -> memref<200x128xf32, #tpu.memory_space<hbm>>
      tpu.wait_dma2 semaphore(%arg14 : memref<!tpu.dma_semaphore, #tpu.memory_space<semaphore_mem>>) src(%dma_wait3A_539 : memref<200x128xf32, #tpu.memory_space<hbm>>) dst(%arg10 : memref<200x128xf32, #tpu.memory_space<vmem>>)
      %dma_wait3A_540 = arith.constant 0 : i32
      %dma_wait3A_541 = arith.constant 0 : i32
      %dma_wait3A_542 = tpu.memref_slice %arg4[%dma_wait3A_540, %dma_wait3A_541] : memref<100000x128xf32, #tpu.memory_space<hbm>> -> memref<200x128xf32, #tpu.memory_space<hbm>>
      %dma_wait3A_543 = arith.constant 0 : i32
      %dma_wait3A_544 = arith.constant 0 : i32
      %dma_wait3A_545 = tpu.memref_slice %arg4[%dma_wait3A_543, %dma_wait3A_544] : memref<100000x128xf32, #tpu.memory_space<hbm>> -> memref<200x128xf32, #tpu.memory_space<hbm>>
      tpu.wait_dma2 semaphore(%arg16 : memref<!tpu.dma_semaphore, #tpu.memory_space<semaphore_mem>>) src(%dma_wait3A_545 : memref<200x128xf32, #tpu.memory_space<hbm>>) dst(%arg12 : memref<200x128xf32, #tpu.memory_space<vmem>>)
      %scan3A_546 = arith.constant 0 : i32
      %scan3A_547 = arith.constant 0 : i32
      %scan3A_548 = arith.constant 100 : i32
      %scan3A_549 = arith.addi %scan3A_547, %scan3A_548 : i32
      %scan3A_550 = arith.constant 1 : i32
      scf.for %scan3A_697 = %scan3A_547 to %scan3A_549 step %scan3A_550  : i32 {
        %mul3A_698 = arith.constant 2 : i32
        %mul3A_699 = arith.muli %scan3A_697, %mul3A_698 : i32
        %add3A_700 = arith.constant 0 : i32
        %add3A_701 = arith.addi %mul3A_699, %add3A_700 : i32
        %get3A = arith.index_cast %add3A_701 : i32 to index
        %get3A_702 = arith.constant 0 : index
        %get3A_703 = tpu.vector_load %arg8[%get3A, %get3A_702] {strides = array<i32>} : memref<200x128xf32, #tpu.memory_space<vmem>>, vector<1x16xf32>,
        %get3A_704 = vector.shape_cast %get3A_703 : vector<1x16xf32> to vector<16xf32>
        %get3A_705 = arith.index_cast %add3A_701 : i32 to index
        %get3A_706 = arith.constant 0 : index
        %get3A_707 = tpu.vector_load %arg10[%get3A_705, %get3A_706] {strides = array<i32>} : memref<200x128xf32, #tpu.memory_space<vmem>>, vector<1x16xf32>,
        %get3A_708 = vector.shape_cast %get3A_707 : vector<1x16xf32> to vector<16xf32>
        %add3A_709 = arith.addf %get3A_708, %get3A_704 : vector<16xf32>
        %swap3A = arith.index_cast %add3A_701 : i32 to index
        %swap3A_710 = arith.constant 0 : index
        %swap3A_711 = tpu.vector_load %arg10[%swap3A, %swap3A_710] {strides = array<i32>} : memref<200x128xf32, #tpu.memory_space<vmem>>, vector<1x16xf32>,
        %swap3A_712 = vector.shape_cast %swap3A_711 : vector<1x16xf32> to vector<16xf32>
        %swap3A_713 = vector.shape_cast %add3A_709 : vector<16xf32> to vector<1x16xf32>
        tpu.vector_store %arg10[%swap3A, %swap3A_710], %swap3A_713 {strides = array<i32>} : memref<200x128xf32, #tpu.memory_space<vmem>>, vector<1x16xf32>,
        %get3A_714 = arith.index_cast %add3A_701 : i32 to index
        %get3A_715 = arith.constant 0 : index
        %get3A_716 = tpu.vector_load %arg12[%get3A_714, %get3A_715] {strides = array<i32>} : memref<200x128xf32, #tpu.memory_space<vmem>>, vector<1x16xf32>,
        %get3A_717 = vector.shape_cast %get3A_716 : vector<1x16xf32> to vector<16xf32>
        %add3A_718 = arith.addf %get3A_717, %get3A_704 : vector<16xf32>
        %swap3A_719 = arith.index_cast %add3A_701 : i32 to index
        %swap3A_720 = arith.constant 0 : index
        %swap3A_721 = tpu.vector_load %arg12[%swap3A_719, %swap3A_720] {strides = array<i32>} : memref<200x128xf32, #tpu.memory_space<vmem>>, vector<1x16xf32>,
        %swap3A_722 = vector.shape_cast %swap3A_721 : vector<1x16xf32> to vector<16xf32>
        %swap3A_723 = vector.shape_cast %add3A_718 : vector<16xf32> to vector<1x16xf32>
        tpu.vector_store %arg12[%swap3A_719, %swap3A_720], %swap3A_723 {strides = array<i32>} : memref<200x128xf32, #tpu.memory_space<vmem>>, vector<1x16xf32>,
        %get3A_724 = arith.index_cast %add3A_701 : i32 to index
        %get3A_725 = arith.constant 16 : index
        %get3A_726 = tpu.vector_load %arg8[%get3A_724, %get3A_725] {strides = array<i32>} : memref<200x128xf32, #tpu.memory_space<vmem>>, vector<1x16xf32>,
        %get3A_727 = vector.shape_cast %get3A_726 : vector<1x16xf32> to vector<16xf32>
        %get3A_728 = arith.index_cast %add3A_701 : i32 to index
        %get3A_729 = arith.constant 16 : index
        %get3A_730 = tpu.vector_load %arg10[%get3A_728, %get3A_729] {strides = array<i32>} : memref<200x128xf32, #tpu.memory_space<vmem>>, vector<1x16xf32>,
        %get3A_731 = vector.shape_cast %get3A_730 : vector<1x16xf32> to vector<16xf32>
        %add3A_732 = arith.addf %get3A_731, %get3A_727 : vector<16xf32>
        %swap3A_733 = arith.index_cast %add3A_701 : i32 to index
        %swap3A_734 = arith.constant 16 : index
        %swap3A_735 = tpu.vector_load %arg10[%swap3A_733, %swap3A_734] {strides = array<i32>} : memref<200x128xf32, #tpu.memory_space<vmem>>, vector<1x16xf32>,
        %swap3A_736 = vector.shape_cast %swap3A_735 : vector<1x16xf32> to vector<16xf32>
        %swap3A_737 = vector.shape_cast %add3A_732 : vector<16xf32> to vector<1x16xf32>
        tpu.vector_store %arg10[%swap3A_733, %swap3A_734], %swap3A_737 {strides = array<i32>} : memref<200x128xf32, #tpu.memory_space<vmem>>, vector<1x16xf32>,
        %get3A_738 = arith.index_cast %add3A_701 : i32 to index
        %get3A_739 = arith.constant 16 : index
        %get3A_740 = tpu.vector_load %arg12[%get3A_738, %get3A_739] {strides = array<i32>} : memref<200x128xf32, #tpu.memory_space<vmem>>, vector<1x16xf32>,
        %get3A_741 = vector.shape_cast %get3A_740 : vector<1x16xf32> to vector<16xf32>
        %add3A_742 = arith.addf %get3A_741, %get3A_727 : vector<16xf32>
        %swap3A_743 = arith.index_cast %add3A_701 : i32 to index
        %swap3A_744 = arith.constant 16 : index
        %swap3A_745 = tpu.vector_load %arg12[%swap3A_743, %swap3A_744] {strides = array<i32>} : memref<200x128xf32, #tpu.memory_space<vmem>>, vector<1x16xf32>,
        %swap3A_746 = vector.shape_cast %swap3A_745 : vector<1x16xf32> to vector<16xf32>
        %swap3A_747 = vector.shape_cast %add3A_742 : vector<16xf32> to vector<1x16xf32>
        tpu.vector_store %arg12[%swap3A_743, %swap3A_744], %swap3A_747 {strides = array<i32>} : memref<200x128xf32, #tpu.memory_space<vmem>>, vector<1x16xf32>,
        %get3A_748 = arith.index_cast %add3A_701 : i32 to index
        %get3A_749 = arith.constant 32 : index
        %get3A_750 = tpu.vector_load %arg8[%get3A_748, %get3A_749] {strides = array<i32>} : memref<200x128xf32, #tpu.memory_space<vmem>>, vector<1x16xf32>,
        %get3A_751 = vector.shape_cast %get3A_750 : vector<1x16xf32> to vector<16xf32>
        %get3A_752 = arith.index_cast %add3A_701 : i32 to index
        %get3A_753 = arith.constant 32 : index
        %get3A_754 = tpu.vector_load %arg10[%get3A_752, %get3A_753] {strides = array<i32>} : memref<200x128xf32, #tpu.memory_space<vmem>>, vector<1x16xf32>,
        %get3A_755 = vector.shape_cast %get3A_754 : vector<1x16xf32> to vector<16xf32>
        %add3A_756 = arith.addf %get3A_755, %get3A_751 : vector<16xf32>
        %swap3A_757 = arith.index_cast %add3A_701 : i32 to index
        %swap3A_758 = arith.constant 32 : index
        %swap3A_759 = tpu.vector_load %arg10[%swap3A_757, %swap3A_758] {strides = array<i32>} : memref<200x128xf32, #tpu.memory_space<vmem>>, vector<1x16xf32>,
        %swap3A_760 = vector.shape_cast %swap3A_759 : vector<1x16xf32> to vector<16xf32>
        %swap3A_761 = vector.shape_cast %add3A_756 : vector<16xf32> to vector<1x16xf32>
        tpu.vector_store %arg10[%swap3A_757, %swap3A_758], %swap3A_761 {strides = array<i32>} : memref<200x128xf32, #tpu.memory_space<vmem>>, vector<1x16xf32>,
        %get3A_762 = arith.index_cast %add3A_701 : i32 to index
        %get3A_763 = arith.constant 32 : index
        %get3A_764 = tpu.vector_load %arg12[%get3A_762, %get3A_763] {strides = array<i32>} : memref<200x128xf32, #tpu.memory_space<vmem>>, vector<1x16xf32>,
        %get3A_765 = vector.shape_cast %get3A_764 : vector<1x16xf32> to vector<16xf32>
        %add3A_766 = arith.addf %get3A_765, %get3A_751 : vector<16xf32>
        %swap3A_767 = arith.index_cast %add3A_701 : i32 to index
        %swap3A_768 = arith.constant 32 : index
        %swap3A_769 = tpu.vector_load %arg12[%swap3A_767, %swap3A_768] {strides = array<i32>} : memref<200x128xf32, #tpu.memory_space<vmem>>, vector<1x16xf32>,
        %swap3A_770 = vector.shape_cast %swap3A_769 : vector<1x16xf32> to vector<16xf32>
        %swap3A_771 = vector.shape_cast %add3A_766 : vector<16xf32> to vector<1x16xf32>
        tpu.vector_store %arg12[%swap3A_767, %swap3A_768], %swap3A_771 {strides = array<i32>} : memref<200x128xf32, #tpu.memory_space<vmem>>, vector<1x16xf32>,
        %get3A_772 = arith.index_cast %add3A_701 : i32 to index
        %get3A_773 = arith.constant 48 : index
        %get3A_774 = tpu.vector_load %arg8[%get3A_772, %get3A_773] {strides = array<i32>} : memref<200x128xf32, #tpu.memory_space<vmem>>, vector<1x16xf32>,
        %get3A_775 = vector.shape_cast %get3A_774 : vector<1x16xf32> to vector<16xf32>
        %get3A_776 = arith.index_cast %add3A_701 : i32 to index
        %get3A_777 = arith.constant 48 : index
        %get3A_778 = tpu.vector_load %arg10[%get3A_776, %get3A_777] {strides = array<i32>} : memref<200x128xf32, #tpu.memory_space<vmem>>, vector<1x16xf32>,
        %get3A_779 = vector.shape_cast %get3A_778 : vector<1x16xf32> to vector<16xf32>
        %add3A_780 = arith.addf %get3A_779, %get3A_775 : vector<16xf32>
        %swap3A_781 = arith.index_cast %add3A_701 : i32 to index
        %swap3A_782 = arith.constant 48 : index
        %swap3A_783 = tpu.vector_load %arg10[%swap3A_781, %swap3A_782] {strides = array<i32>} : memref<200x128xf32, #tpu.memory_space<vmem>>, vector<1x16xf32>,
        %swap3A_784 = vector.shape_cast %swap3A_783 : vector<1x16xf32> to vector<16xf32>
        %swap3A_785 = vector.shape_cast %add3A_780 : vector<16xf32> to vector<1x16xf32>
        tpu.vector_store %arg10[%swap3A_781, %swap3A_782], %swap3A_785 {strides = array<i32>} : memref<200x128xf32, #tpu.memory_space<vmem>>, vector<1x16xf32>,
        %get3A_786 = arith.index_cast %add3A_701 : i32 to index
        %get3A_787 = arith.constant 48 : index
        %get3A_788 = tpu.vector_load %arg12[%get3A_786, %get3A_787] {strides = array<i32>} : memref<200x128xf32, #tpu.memory_space<vmem>>, vector<1x16xf32>,
        %get3A_789 = vector.shape_cast %get3A_788 : vector<1x16xf32> to vector<16xf32>
        %add3A_790 = arith.addf %get3A_789, %get3A_775 : vector<16xf32>
        %swap3A_791 = arith.index_cast %add3A_701 : i32 to index
        %swap3A_792 = arith.constant 48 : index
        %swap3A_793 = tpu.vector_load %arg12[%swap3A_791, %swap3A_792] {strides = array<i32>} : memref<200x128xf32, #tpu.memory_space<vmem>>, vector<1x16xf32>,
        %swap3A_794 = vector.shape_cast %swap3A_793 : vector<1x16xf32> to vector<16xf32>
        %swap3A_795 = vector.shape_cast %add3A_790 : vector<16xf32> to vector<1x16xf32>
        tpu.vector_store %arg12[%swap3A_791, %swap3A_792], %swap3A_795 {strides = array<i32>} : memref<200x128xf32, #tpu.memory_space<vmem>>, vector<1x16xf32>,
        %get3A_796 = arith.index_cast %add3A_701 : i32 to index
        %get3A_797 = arith.constant 64 : index
        %get3A_798 = tpu.vector_load %arg8[%get3A_796, %get3A_797] {strides = array<i32>} : memref<200x128xf32, #tpu.memory_space<vmem>>, vector<1x16xf32>,
        %get3A_799 = vector.shape_cast %get3A_798 : vector<1x16xf32> to vector<16xf32>
        %get3A_800 = arith.index_cast %add3A_701 : i32 to index
        %get3A_801 = arith.constant 64 : index
        %get3A_802 = tpu.vector_load %arg10[%get3A_800, %get3A_801] {strides = array<i32>} : memref<200x128xf32, #tpu.memory_space<vmem>>, vector<1x16xf32>,
        %get3A_803 = vector.shape_cast %get3A_802 : vector<1x16xf32> to vector<16xf32>
        %add3A_804 = arith.addf %get3A_803, %get3A_799 : vector<16xf32>
        %swap3A_805 = arith.index_cast %add3A_701 : i32 to index
        %swap3A_806 = arith.constant 64 : index
        %swap3A_807 = tpu.vector_load %arg10[%swap3A_805, %swap3A_806] {strides = array<i32>} : memref<200x128xf32, #tpu.memory_space<vmem>>, vector<1x16xf32>,
        %swap3A_808 = vector.shape_cast %swap3A_807 : vector<1x16xf32> to vector<16xf32>
        %swap3A_809 = vector.shape_cast %add3A_804 : vector<16xf32> to vector<1x16xf32>
        tpu.vector_store %arg10[%swap3A_805, %swap3A_806], %swap3A_809 {strides = array<i32>} : memref<200x128xf32, #tpu.memory_space<vmem>>, vector<1x16xf32>,
        %get3A_810 = arith.index_cast %add3A_701 : i32 to index
        %get3A_811 = arith.constant 64 : index
        %get3A_812 = tpu.vector_load %arg12[%get3A_810, %get3A_811] {strides = array<i32>} : memref<200x128xf32, #tpu.memory_space<vmem>>, vector<1x16xf32>,
        %get3A_813 = vector.shape_cast %get3A_812 : vector<1x16xf32> to vector<16xf32>
        %add3A_814 = arith.addf %get3A_813, %get3A_799 : vector<16xf32>
        %swap3A_815 = arith.index_cast %add3A_701 : i32 to index
        %swap3A_816 = arith.constant 64 : index
        %swap3A_817 = tpu.vector_load %arg12[%swap3A_815, %swap3A_816] {strides = array<i32>} : memref<200x128xf32, #tpu.memory_space<vmem>>, vector<1x16xf32>,
        %swap3A_818 = vector.shape_cast %swap3A_817 : vector<1x16xf32> to vector<16xf32>
        %swap3A_819 = vector.shape_cast %add3A_814 : vector<16xf32> to vector<1x16xf32>
        tpu.vector_store %arg12[%swap3A_815, %swap3A_816], %swap3A_819 {strides = array<i32>} : memref<200x128xf32, #tpu.memory_space<vmem>>, vector<1x16xf32>,
        %get3A_820 = arith.index_cast %add3A_701 : i32 to index
        %get3A_821 = arith.constant 80 : index
        %get3A_822 = tpu.vector_load %arg8[%get3A_820, %get3A_821] {strides = array<i32>} : memref<200x128xf32, #tpu.memory_space<vmem>>, vector<1x16xf32>,
        %get3A_823 = vector.shape_cast %get3A_822 : vector<1x16xf32> to vector<16xf32>
        %get3A_824 = arith.index_cast %add3A_701 : i32 to index
        %get3A_825 = arith.constant 80 : index
        %get3A_826 = tpu.vector_load %arg10[%get3A_824, %get3A_825] {strides = array<i32>} : memref<200x128xf32, #tpu.memory_space<vmem>>, vector<1x16xf32>,
        %get3A_827 = vector.shape_cast %get3A_826 : vector<1x16xf32> to vector<16xf32>
        %add3A_828 = arith.addf %get3A_827, %get3A_823 : vector<16xf32>
        %swap3A_829 = arith.index_cast %add3A_701 : i32 to index
        %swap3A_830 = arith.constant 80 : index
        %swap3A_831 = tpu.vector_load %arg10[%swap3A_829, %swap3A_830] {strides = array<i32>} : memref<200x128xf32, #tpu.memory_space<vmem>>, vector<1x16xf32>,
        %swap3A_832 = vector.shape_cast %swap3A_831 : vector<1x16xf32> to vector<16xf32>
        %swap3A_833 = vector.shape_cast %add3A_828 : vector<16xf32> to vector<1x16xf32>
        tpu.vector_store %arg10[%swap3A_829, %swap3A_830], %swap3A_833 {strides = array<i32>} : memref<200x128xf32, #tpu.memory_space<vmem>>, vector<1x16xf32>,
        %get3A_834 = arith.index_cast %add3A_701 : i32 to index
        %get3A_835 = arith.constant 80 : index
        %get3A_836 = tpu.vector_load %arg12[%get3A_834, %get3A_835] {strides = array<i32>} : memref<200x128xf32, #tpu.memory_space<vmem>>, vector<1x16xf32>,
        %get3A_837 = vector.shape_cast %get3A_836 : vector<1x16xf32> to vector<16xf32>
        %add3A_838 = arith.addf %get3A_837, %get3A_823 : vector<16xf32>
        %swap3A_839 = arith.index_cast %add3A_701 : i32 to index
        %swap3A_840 = arith.constant 80 : index
        %swap3A_841 = tpu.vector_load %arg12[%swap3A_839, %swap3A_840] {strides = array<i32>} : memref<200x128xf32, #tpu.memory_space<vmem>>, vector<1x16xf32>,
        %swap3A_842 = vector.shape_cast %swap3A_841 : vector<1x16xf32> to vector<16xf32>
        %swap3A_843 = vector.shape_cast %add3A_838 : vector<16xf32> to vector<1x16xf32>
        tpu.vector_store %arg12[%swap3A_839, %swap3A_840], %swap3A_843 {strides = array<i32>} : memref<200x128xf32, #tpu.memory_space<vmem>>, vector<1x16xf32>,
        %get3A_844 = arith.index_cast %add3A_701 : i32 to index
        %get3A_845 = arith.constant 96 : index
        %get3A_846 = tpu.vector_load %arg8[%get3A_844, %get3A_845] {strides = array<i32>} : memref<200x128xf32, #tpu.memory_space<vmem>>, vector<1x16xf32>,
        %get3A_847 = vector.shape_cast %get3A_846 : vector<1x16xf32> to vector<16xf32>
        %get3A_848 = arith.index_cast %add3A_701 : i32 to index
        %get3A_849 = arith.constant 96 : index
        %get3A_850 = tpu.vector_load %arg10[%get3A_848, %get3A_849] {strides = array<i32>} : memref<200x128xf32, #tpu.memory_space<vmem>>, vector<1x16xf32>,
        %get3A_851 = vector.shape_cast %get3A_850 : vector<1x16xf32> to vector<16xf32>
        %add3A_852 = arith.addf %get3A_851, %get3A_847 : vector<16xf32>
        %swap3A_853 = arith.index_cast %add3A_701 : i32 to index
        %swap3A_854 = arith.constant 96 : index
        %swap3A_855 = tpu.vector_load %arg10[%swap3A_853, %swap3A_854] {strides = array<i32>} : memref<200x128xf32, #tpu.memory_space<vmem>>, vector<1x16xf32>,
        %swap3A_856 = vector.shape_cast %swap3A_855 : vector<1x16xf32> to vector<16xf32>
        %swap3A_857 = vector.shape_cast %add3A_852 : vector<16xf32> to vector<1x16xf32>
        tpu.vector_store %arg10[%swap3A_853, %swap3A_854], %swap3A_857 {strides = array<i32>} : memref<200x128xf32, #tpu.memory_space<vmem>>, vector<1x16xf32>,
        %get3A_858 = arith.index_cast %add3A_701 : i32 to index
        %get3A_859 = arith.constant 96 : index
        %get3A_860 = tpu.vector_load %arg12[%get3A_858, %get3A_859] {strides = array<i32>} : memref<200x128xf32, #tpu.memory_space<vmem>>, vector<1x16xf32>,
        %get3A_861 = vector.shape_cast %get3A_860 : vector<1x16xf32> to vector<16xf32>
        %add3A_862 = arith.addf %get3A_861, %get3A_847 : vector<16xf32>
        %swap3A_863 = arith.index_cast %add3A_701 : i32 to index
        %swap3A_864 = arith.constant 96 : index
        %swap3A_865 = tpu.vector_load %arg12[%swap3A_863, %swap3A_864] {strides = array<i32>} : memref<200x128xf32, #tpu.memory_space<vmem>>, vector<1x16xf32>,
        %swap3A_866 = vector.shape_cast %swap3A_865 : vector<1x16xf32> to vector<16xf32>
        %swap3A_867 = vector.shape_cast %add3A_862 : vector<16xf32> to vector<1x16xf32>
        tpu.vector_store %arg12[%swap3A_863, %swap3A_864], %swap3A_867 {strides = array<i32>} : memref<200x128xf32, #tpu.memory_space<vmem>>, vector<1x16xf32>,
        %get3A_868 = arith.index_cast %add3A_701 : i32 to index
        %get3A_869 = arith.constant 112 : index
        %get3A_870 = tpu.vector_load %arg8[%get3A_868, %get3A_869] {strides = array<i32>} : memref<200x128xf32, #tpu.memory_space<vmem>>, vector<1x16xf32>,
        %get3A_871 = vector.shape_cast %get3A_870 : vector<1x16xf32> to vector<16xf32>
        %get3A_872 = arith.index_cast %add3A_701 : i32 to index
        %get3A_873 = arith.constant 112 : index
        %get3A_874 = tpu.vector_load %arg10[%get3A_872, %get3A_873] {strides = array<i32>} : memref<200x128xf32, #tpu.memory_space<vmem>>, vector<1x16xf32>,
        %get3A_875 = vector.shape_cast %get3A_874 : vector<1x16xf32> to vector<16xf32>
        %add3A_876 = arith.addf %get3A_875, %get3A_871 : vector<16xf32>
        %swap3A_877 = arith.index_cast %add3A_701 : i32 to index
        %swap3A_878 = arith.constant 112 : index
        %swap3A_879 = tpu.vector_load %arg10[%swap3A_877, %swap3A_878] {strides = array<i32>} : memref<200x128xf32, #tpu.memory_space<vmem>>, vector<1x16xf32>,
        %swap3A_880 = vector.shape_cast %swap3A_879 : vector<1x16xf32> to vector<16xf32>
        %swap3A_881 = vector.shape_cast %add3A_876 : vector<16xf32> to vector<1x16xf32>
        tpu.vector_store %arg10[%swap3A_877, %swap3A_878], %swap3A_881 {strides = array<i32>} : memref<200x128xf32, #tpu.memory_space<vmem>>, vector<1x16xf32>,
        %get3A_882 = arith.index_cast %add3A_701 : i32 to index
        %get3A_883 = arith.constant 112 : index
        %get3A_884 = tpu.vector_load %arg12[%get3A_882, %get3A_883] {strides = array<i32>} : memref<200x128xf32, #tpu.memory_space<vmem>>, vector<1x16xf32>,
        %get3A_885 = vector.shape_cast %get3A_884 : vector<1x16xf32> to vector<16xf32>
        %add3A_886 = arith.addf %get3A_885, %get3A_871 : vector<16xf32>
        %swap3A_887 = arith.index_cast %add3A_701 : i32 to index
        %swap3A_888 = arith.constant 112 : index
        %swap3A_889 = tpu.vector_load %arg12[%swap3A_887, %swap3A_888] {strides = array<i32>} : memref<200x128xf32, #tpu.memory_space<vmem>>, vector<1x16xf32>,
        %swap3A_890 = vector.shape_cast %swap3A_889 : vector<1x16xf32> to vector<16xf32>
        %swap3A_891 = vector.shape_cast %add3A_886 : vector<16xf32> to vector<1x16xf32>
        tpu.vector_store %arg12[%swap3A_887, %swap3A_888], %swap3A_891 {strides = array<i32>} : memref<200x128xf32, #tpu.memory_space<vmem>>, vector<1x16xf32>,
        %mul3A_892 = arith.constant 2 : i32
        %mul3A_893 = arith.muli %scan3A_697, %mul3A_892 : i32
        %add3A_894 = arith.constant 1 : i32
        %add3A_895 = arith.addi %mul3A_893, %add3A_894 : i32
        %get3A_896 = arith.index_cast %add3A_895 : i32 to index
        %get3A_897 = arith.constant 0 : index
        %get3A_898 = tpu.vector_load %arg8[%get3A_896, %get3A_897] {strides = array<i32>} : memref<200x128xf32, #tpu.memory_space<vmem>>, vector<1x16xf32>,
        %get3A_899 = vector.shape_cast %get3A_898 : vector<1x16xf32> to vector<16xf32>
        %get3A_900 = arith.index_cast %add3A_895 : i32 to index
        %get3A_901 = arith.constant 0 : index
        %get3A_902 = tpu.vector_load %arg10[%get3A_900, %get3A_901] {strides = array<i32>} : memref<200x128xf32, #tpu.memory_space<vmem>>, vector<1x16xf32>,
        %get3A_903 = vector.shape_cast %get3A_902 : vector<1x16xf32> to vector<16xf32>
        %add3A_904 = arith.addf %get3A_903, %get3A_899 : vector<16xf32>
        %swap3A_905 = arith.index_cast %add3A_895 : i32 to index
        %swap3A_906 = arith.constant 0 : index
        %swap3A_907 = tpu.vector_load %arg10[%swap3A_905, %swap3A_906] {strides = array<i32>} : memref<200x128xf32, #tpu.memory_space<vmem>>, vector<1x16xf32>,
        %swap3A_908 = vector.shape_cast %swap3A_907 : vector<1x16xf32> to vector<16xf32>
        %swap3A_909 = vector.shape_cast %add3A_904 : vector<16xf32> to vector<1x16xf32>
        tpu.vector_store %arg10[%swap3A_905, %swap3A_906], %swap3A_909 {strides = array<i32>} : memref<200x128xf32, #tpu.memory_space<vmem>>, vector<1x16xf32>,
        %get3A_910 = arith.index_cast %add3A_895 : i32 to index
        %get3A_911 = arith.constant 0 : index
        %get3A_912 = tpu.vector_load %arg12[%get3A_910, %get3A_911] {strides = array<i32>} : memref<200x128xf32, #tpu.memory_space<vmem>>, vector<1x16xf32>,
        %get3A_913 = vector.shape_cast %get3A_912 : vector<1x16xf32> to vector<16xf32>
        %add3A_914 = arith.addf %get3A_913, %get3A_899 : vector<16xf32>
        %swap3A_915 = arith.index_cast %add3A_895 : i32 to index
        %swap3A_916 = arith.constant 0 : index
        %swap3A_917 = tpu.vector_load %arg12[%swap3A_915, %swap3A_916] {strides = array<i32>} : memref<200x128xf32, #tpu.memory_space<vmem>>, vector<1x16xf32>,
        %swap3A_918 = vector.shape_cast %swap3A_917 : vector<1x16xf32> to vector<16xf32>
        %swap3A_919 = vector.shape_cast %add3A_914 : vector<16xf32> to vector<1x16xf32>
        tpu.vector_store %arg12[%swap3A_915, %swap3A_916], %swap3A_919 {strides = array<i32>} : memref<200x128xf32, #tpu.memory_space<vmem>>, vector<1x16xf32>,
        %get3A_920 = arith.index_cast %add3A_895 : i32 to index
        %get3A_921 = arith.constant 16 : index
        %get3A_922 = tpu.vector_load %arg8[%get3A_920, %get3A_921] {strides = array<i32>} : memref<200x128xf32, #tpu.memory_space<vmem>>, vector<1x16xf32>,
        %get3A_923 = vector.shape_cast %get3A_922 : vector<1x16xf32> to vector<16xf32>
        %get3A_924 = arith.index_cast %add3A_895 : i32 to index
        %get3A_925 = arith.constant 16 : index
        %get3A_926 = tpu.vector_load %arg10[%get3A_924, %get3A_925] {strides = array<i32>} : memref<200x128xf32, #tpu.memory_space<vmem>>, vector<1x16xf32>,
        %get3A_927 = vector.shape_cast %get3A_926 : vector<1x16xf32> to vector<16xf32>
        %add3A_928 = arith.addf %get3A_927, %get3A_923 : vector<16xf32>
        %swap3A_929 = arith.index_cast %add3A_895 : i32 to index
        %swap3A_930 = arith.constant 16 : index
        %swap3A_931 = tpu.vector_load %arg10[%swap3A_929, %swap3A_930] {strides = array<i32>} : memref<200x128xf32, #tpu.memory_space<vmem>>, vector<1x16xf32>,
        %swap3A_932 = vector.shape_cast %swap3A_931 : vector<1x16xf32> to vector<16xf32>
        %swap3A_933 = vector.shape_cast %add3A_928 : vector<16xf32> to vector<1x16xf32>
        tpu.vector_store %arg10[%swap3A_929, %swap3A_930], %swap3A_933 {strides = array<i32>} : memref<200x128xf32, #tpu.memory_space<vmem>>, vector<1x16xf32>,
        %get3A_934 = arith.index_cast %add3A_895 : i32 to index
        %get3A_935 = arith.constant 16 : index
        %get3A_936 = tpu.vector_load %arg12[%get3A_934, %get3A_935] {strides = array<i32>} : memref<200x128xf32, #tpu.memory_space<vmem>>, vector<1x16xf32>,
        %get3A_937 = vector.shape_cast %get3A_936 : vector<1x16xf32> to vector<16xf32>
        %add3A_938 = arith.addf %get3A_937, %get3A_923 : vector<16xf32>
        %swap3A_939 = arith.index_cast %add3A_895 : i32 to index
        %swap3A_940 = arith.constant 16 : index
        %swap3A_941 = tpu.vector_load %arg12[%swap3A_939, %swap3A_940] {strides = array<i32>} : memref<200x128xf32, #tpu.memory_space<vmem>>, vector<1x16xf32>,
        %swap3A_942 = vector.shape_cast %swap3A_941 : vector<1x16xf32> to vector<16xf32>
        %swap3A_943 = vector.shape_cast %add3A_938 : vector<16xf32> to vector<1x16xf32>
        tpu.vector_store %arg12[%swap3A_939, %swap3A_940], %swap3A_943 {strides = array<i32>} : memref<200x128xf32, #tpu.memory_space<vmem>>, vector<1x16xf32>,
        %get3A_944 = arith.index_cast %add3A_895 : i32 to index
        %get3A_945 = arith.constant 32 : index
        %get3A_946 = tpu.vector_load %arg8[%get3A_944, %get3A_945] {strides = array<i32>} : memref<200x128xf32, #tpu.memory_space<vmem>>, vector<1x16xf32>,
        %get3A_947 = vector.shape_cast %get3A_946 : vector<1x16xf32> to vector<16xf32>
        %get3A_948 = arith.index_cast %add3A_895 : i32 to index
        %get3A_949 = arith.constant 32 : index
        %get3A_950 = tpu.vector_load %arg10[%get3A_948, %get3A_949] {strides = array<i32>} : memref<200x128xf32, #tpu.memory_space<vmem>>, vector<1x16xf32>,
        %get3A_951 = vector.shape_cast %get3A_950 : vector<1x16xf32> to vector<16xf32>
        %add3A_952 = arith.addf %get3A_951, %get3A_947 : vector<16xf32>
        %swap3A_953 = arith.index_cast %add3A_895 : i32 to index
        %swap3A_954 = arith.constant 32 : index
        %swap3A_955 = tpu.vector_load %arg10[%swap3A_953, %swap3A_954] {strides = array<i32>} : memref<200x128xf32, #tpu.memory_space<vmem>>, vector<1x16xf32>,
        %swap3A_956 = vector.shape_cast %swap3A_955 : vector<1x16xf32> to vector<16xf32>
        %swap3A_957 = vector.shape_cast %add3A_952 : vector<16xf32> to vector<1x16xf32>
        tpu.vector_store %arg10[%swap3A_953, %swap3A_954], %swap3A_957 {strides = array<i32>} : memref<200x128xf32, #tpu.memory_space<vmem>>, vector<1x16xf32>,
        %get3A_958 = arith.index_cast %add3A_895 : i32 to index
        %get3A_959 = arith.constant 32 : index
        %get3A_960 = tpu.vector_load %arg12[%get3A_958, %get3A_959] {strides = array<i32>} : memref<200x128xf32, #tpu.memory_space<vmem>>, vector<1x16xf32>,
        %get3A_961 = vector.shape_cast %get3A_960 : vector<1x16xf32> to vector<16xf32>
        %add3A_962 = arith.addf %get3A_961, %get3A_947 : vector<16xf32>
        %swap3A_963 = arith.index_cast %add3A_895 : i32 to index
        %swap3A_964 = arith.constant 32 : index
        %swap3A_965 = tpu.vector_load %arg12[%swap3A_963, %swap3A_964] {strides = array<i32>} : memref<200x128xf32, #tpu.memory_space<vmem>>, vector<1x16xf32>,
        %swap3A_966 = vector.shape_cast %swap3A_965 : vector<1x16xf32> to vector<16xf32>
        %swap3A_967 = vector.shape_cast %add3A_962 : vector<16xf32> to vector<1x16xf32>
        tpu.vector_store %arg12[%swap3A_963, %swap3A_964], %swap3A_967 {strides = array<i32>} : memref<200x128xf32, #tpu.memory_space<vmem>>, vector<1x16xf32>,
        %get3A_968 = arith.index_cast %add3A_895 : i32 to index
        %get3A_969 = arith.constant 48 : index
        %get3A_970 = tpu.vector_load %arg8[%get3A_968, %get3A_969] {strides = array<i32>} : memref<200x128xf32, #tpu.memory_space<vmem>>, vector<1x16xf32>,
        %get3A_971 = vector.shape_cast %get3A_970 : vector<1x16xf32> to vector<16xf32>
        %get3A_972 = arith.index_cast %add3A_895 : i32 to index
        %get3A_973 = arith.constant 48 : index
        %get3A_974 = tpu.vector_load %arg10[%get3A_972, %get3A_973] {strides = array<i32>} : memref<200x128xf32, #tpu.memory_space<vmem>>, vector<1x16xf32>,
        %get3A_975 = vector.shape_cast %get3A_974 : vector<1x16xf32> to vector<16xf32>
        %add3A_976 = arith.addf %get3A_975, %get3A_971 : vector<16xf32>
        %swap3A_977 = arith.index_cast %add3A_895 : i32 to index
        %swap3A_978 = arith.constant 48 : index
        %swap3A_979 = tpu.vector_load %arg10[%swap3A_977, %swap3A_978] {strides = array<i32>} : memref<200x128xf32, #tpu.memory_space<vmem>>, vector<1x16xf32>,
        %swap3A_980 = vector.shape_cast %swap3A_979 : vector<1x16xf32> to vector<16xf32>
        %swap3A_981 = vector.shape_cast %add3A_976 : vector<16xf32> to vector<1x16xf32>
        tpu.vector_store %arg10[%swap3A_977, %swap3A_978], %swap3A_981 {strides = array<i32>} : memref<200x128xf32, #tpu.memory_space<vmem>>, vector<1x16xf32>,
        %get3A_982 = arith.index_cast %add3A_895 : i32 to index
        %get3A_983 = arith.constant 48 : index
        %get3A_984 = tpu.vector_load %arg12[%get3A_982, %get3A_983] {strides = array<i32>} : memref<200x128xf32, #tpu.memory_space<vmem>>, vector<1x16xf32>,
        %get3A_985 = vector.shape_cast %get3A_984 : vector<1x16xf32> to vector<16xf32>
        %add3A_986 = arith.addf %get3A_985, %get3A_971 : vector<16xf32>
        %swap3A_987 = arith.index_cast %add3A_895 : i32 to index
        %swap3A_988 = arith.constant 48 : index
        %swap3A_989 = tpu.vector_load %arg12[%swap3A_987, %swap3A_988] {strides = array<i32>} : memref<200x128xf32, #tpu.memory_space<vmem>>, vector<1x16xf32>,
        %swap3A_990 = vector.shape_cast %swap3A_989 : vector<1x16xf32> to vector<16xf32>
        %swap3A_991 = vector.shape_cast %add3A_986 : vector<16xf32> to vector<1x16xf32>
        tpu.vector_store %arg12[%swap3A_987, %swap3A_988], %swap3A_991 {strides = array<i32>} : memref<200x128xf32, #tpu.memory_space<vmem>>, vector<1x16xf32>,
        %get3A_992 = arith.index_cast %add3A_895 : i32 to index
        %get3A_993 = arith.constant 64 : index
        %get3A_994 = tpu.vector_load %arg8[%get3A_992, %get3A_993] {strides = array<i32>} : memref<200x128xf32, #tpu.memory_space<vmem>>, vector<1x16xf32>,
        %get3A_995 = vector.shape_cast %get3A_994 : vector<1x16xf32> to vector<16xf32>
        %get3A_996 = arith.index_cast %add3A_895 : i32 to index
        %get3A_997 = arith.constant 64 : index
        %get3A_998 = tpu.vector_load %arg10[%get3A_996, %get3A_997] {strides = array<i32>} : memref<200x128xf32, #tpu.memory_space<vmem>>, vector<1x16xf32>,
        %get3A_999 = vector.shape_cast %get3A_998 : vector<1x16xf32> to vector<16xf32>
        %add3A_1000 = arith.addf %get3A_999, %get3A_995 : vector<16xf32>
        %swap3A_1001 = arith.index_cast %add3A_895 : i32 to index
        %swap3A_1002 = arith.constant 64 : index
        %swap3A_1003 = tpu.vector_load %arg10[%swap3A_1001, %swap3A_1002] {strides = array<i32>} : memref<200x128xf32, #tpu.memory_space<vmem>>, vector<1x16xf32>,
        %swap3A_1004 = vector.shape_cast %swap3A_1003 : vector<1x16xf32> to vector<16xf32>
        %swap3A_1005 = vector.shape_cast %add3A_1000 : vector<16xf32> to vector<1x16xf32>
        tpu.vector_store %arg10[%swap3A_1001, %swap3A_1002], %swap3A_1005 {strides = array<i32>} : memref<200x128xf32, #tpu.memory_space<vmem>>, vector<1x16xf32>,
        %get3A_1006 = arith.index_cast %add3A_895 : i32 to index
        %get3A_1007 = arith.constant 64 : index
        %get3A_1008 = tpu.vector_load %arg12[%get3A_1006, %get3A_1007] {strides = array<i32>} : memref<200x128xf32, #tpu.memory_space<vmem>>, vector<1x16xf32>,
        %get3A_1009 = vector.shape_cast %get3A_1008 : vector<1x16xf32> to vector<16xf32>
        %add3A_1010 = arith.addf %get3A_1009, %get3A_995 : vector<16xf32>
        %swap3A_1011 = arith.index_cast %add3A_895 : i32 to index
        %swap3A_1012 = arith.constant 64 : index
        %swap3A_1013 = tpu.vector_load %arg12[%swap3A_1011, %swap3A_1012] {strides = array<i32>} : memref<200x128xf32, #tpu.memory_space<vmem>>, vector<1x16xf32>,
        %swap3A_1014 = vector.shape_cast %swap3A_1013 : vector<1x16xf32> to vector<16xf32>
        %swap3A_1015 = vector.shape_cast %add3A_1010 : vector<16xf32> to vector<1x16xf32>
        tpu.vector_store %arg12[%swap3A_1011, %swap3A_1012], %swap3A_1015 {strides = array<i32>} : memref<200x128xf32, #tpu.memory_space<vmem>>, vector<1x16xf32>,
        %get3A_1016 = arith.index_cast %add3A_895 : i32 to index
        %get3A_1017 = arith.constant 80 : index
        %get3A_1018 = tpu.vector_load %arg8[%get3A_1016, %get3A_1017] {strides = array<i32>} : memref<200x128xf32, #tpu.memory_space<vmem>>, vector<1x16xf32>,
        %get3A_1019 = vector.shape_cast %get3A_1018 : vector<1x16xf32> to vector<16xf32>
        %get3A_1020 = arith.index_cast %add3A_895 : i32 to index
        %get3A_1021 = arith.constant 80 : index
        %get3A_1022 = tpu.vector_load %arg10[%get3A_1020, %get3A_1021] {strides = array<i32>} : memref<200x128xf32, #tpu.memory_space<vmem>>, vector<1x16xf32>,
        %get3A_1023 = vector.shape_cast %get3A_1022 : vector<1x16xf32> to vector<16xf32>
        %add3A_1024 = arith.addf %get3A_1023, %get3A_1019 : vector<16xf32>
        %swap3A_1025 = arith.index_cast %add3A_895 : i32 to index
        %swap3A_1026 = arith.constant 80 : index
        %swap3A_1027 = tpu.vector_load %arg10[%swap3A_1025, %swap3A_1026] {strides = array<i32>} : memref<200x128xf32, #tpu.memory_space<vmem>>, vector<1x16xf32>,
        %swap3A_1028 = vector.shape_cast %swap3A_1027 : vector<1x16xf32> to vector<16xf32>
        %swap3A_1029 = vector.shape_cast %add3A_1024 : vector<16xf32> to vector<1x16xf32>
        tpu.vector_store %arg10[%swap3A_1025, %swap3A_1026], %swap3A_1029 {strides = array<i32>} : memref<200x128xf32, #tpu.memory_space<vmem>>, vector<1x16xf32>,
        %get3A_1030 = arith.index_cast %add3A_895 : i32 to index
        %get3A_1031 = arith.constant 80 : index
        %get3A_1032 = tpu.vector_load %arg12[%get3A_1030, %get3A_1031] {strides = array<i32>} : memref<200x128xf32, #tpu.memory_space<vmem>>, vector<1x16xf32>,
        %get3A_1033 = vector.shape_cast %get3A_1032 : vector<1x16xf32> to vector<16xf32>
        %add3A_1034 = arith.addf %get3A_1033, %get3A_1019 : vector<16xf32>
        %swap3A_1035 = arith.index_cast %add3A_895 : i32 to index
        %swap3A_1036 = arith.constant 80 : index
        %swap3A_1037 = tpu.vector_load %arg12[%swap3A_1035, %swap3A_1036] {strides = array<i32>} : memref<200x128xf32, #tpu.memory_space<vmem>>, vector<1x16xf32>,
        %swap3A_1038 = vector.shape_cast %swap3A_1037 : vector<1x16xf32> to vector<16xf32>
        %swap3A_1039 = vector.shape_cast %add3A_1034 : vector<16xf32> to vector<1x16xf32>
        tpu.vector_store %arg12[%swap3A_1035, %swap3A_1036], %swap3A_1039 {strides = array<i32>} : memref<200x128xf32, #tpu.memory_space<vmem>>, vector<1x16xf32>,
        %get3A_1040 = arith.index_cast %add3A_895 : i32 to index
        %get3A_1041 = arith.constant 96 : index
        %get3A_1042 = tpu.vector_load %arg8[%get3A_1040, %get3A_1041] {strides = array<i32>} : memref<200x128xf32, #tpu.memory_space<vmem>>, vector<1x16xf32>,
        %get3A_1043 = vector.shape_cast %get3A_1042 : vector<1x16xf32> to vector<16xf32>
        %get3A_1044 = arith.index_cast %add3A_895 : i32 to index
        %get3A_1045 = arith.constant 96 : index
        %get3A_1046 = tpu.vector_load %arg10[%get3A_1044, %get3A_1045] {strides = array<i32>} : memref<200x128xf32, #tpu.memory_space<vmem>>, vector<1x16xf32>,
        %get3A_1047 = vector.shape_cast %get3A_1046 : vector<1x16xf32> to vector<16xf32>
        %add3A_1048 = arith.addf %get3A_1047, %get3A_1043 : vector<16xf32>
        %swap3A_1049 = arith.index_cast %add3A_895 : i32 to index
        %swap3A_1050 = arith.constant 96 : index
        %swap3A_1051 = tpu.vector_load %arg10[%swap3A_1049, %swap3A_1050] {strides = array<i32>} : memref<200x128xf32, #tpu.memory_space<vmem>>, vector<1x16xf32>,
        %swap3A_1052 = vector.shape_cast %swap3A_1051 : vector<1x16xf32> to vector<16xf32>
        %swap3A_1053 = vector.shape_cast %add3A_1048 : vector<16xf32> to vector<1x16xf32>
        tpu.vector_store %arg10[%swap3A_1049, %swap3A_1050], %swap3A_1053 {strides = array<i32>} : memref<200x128xf32, #tpu.memory_space<vmem>>, vector<1x16xf32>,
        %get3A_1054 = arith.index_cast %add3A_895 : i32 to index
        %get3A_1055 = arith.constant 96 : index
        %get3A_1056 = tpu.vector_load %arg12[%get3A_1054, %get3A_1055] {strides = array<i32>} : memref<200x128xf32, #tpu.memory_space<vmem>>, vector<1x16xf32>,
        %get3A_1057 = vector.shape_cast %get3A_1056 : vector<1x16xf32> to vector<16xf32>
        %add3A_1058 = arith.addf %get3A_1057, %get3A_1043 : vector<16xf32>
        %swap3A_1059 = arith.index_cast %add3A_895 : i32 to index
        %swap3A_1060 = arith.constant 96 : index
        %swap3A_1061 = tpu.vector_load %arg12[%swap3A_1059, %swap3A_1060] {strides = array<i32>} : memref<200x128xf32, #tpu.memory_space<vmem>>, vector<1x16xf32>,
        %swap3A_1062 = vector.shape_cast %swap3A_1061 : vector<1x16xf32> to vector<16xf32>
        %swap3A_1063 = vector.shape_cast %add3A_1058 : vector<16xf32> to vector<1x16xf32>
        tpu.vector_store %arg12[%swap3A_1059, %swap3A_1060], %swap3A_1063 {strides = array<i32>} : memref<200x128xf32, #tpu.memory_space<vmem>>, vector<1x16xf32>,
        %get3A_1064 = arith.index_cast %add3A_895 : i32 to index
        %get3A_1065 = arith.constant 112 : index
        %get3A_1066 = tpu.vector_load %arg8[%get3A_1064, %get3A_1065] {strides = array<i32>} : memref<200x128xf32, #tpu.memory_space<vmem>>, vector<1x16xf32>,
        %get3A_1067 = vector.shape_cast %get3A_1066 : vector<1x16xf32> to vector<16xf32>
        %get3A_1068 = arith.index_cast %add3A_895 : i32 to index
        %get3A_1069 = arith.constant 112 : index
        %get3A_1070 = tpu.vector_load %arg10[%get3A_1068, %get3A_1069] {strides = array<i32>} : memref<200x128xf32, #tpu.memory_space<vmem>>, vector<1x16xf32>,
        %get3A_1071 = vector.shape_cast %get3A_1070 : vector<1x16xf32> to vector<16xf32>
        %add3A_1072 = arith.addf %get3A_1071, %get3A_1067 : vector<16xf32>
        %swap3A_1073 = arith.index_cast %add3A_895 : i32 to index
        %swap3A_1074 = arith.constant 112 : index
        %swap3A_1075 = tpu.vector_load %arg10[%swap3A_1073, %swap3A_1074] {strides = array<i32>} : memref<200x128xf32, #tpu.memory_space<vmem>>, vector<1x16xf32>,
        %swap3A_1076 = vector.shape_cast %swap3A_1075 : vector<1x16xf32> to vector<16xf32>
        %swap3A_1077 = vector.shape_cast %add3A_1072 : vector<16xf32> to vector<1x16xf32>
        tpu.vector_store %arg10[%swap3A_1073, %swap3A_1074], %swap3A_1077 {strides = array<i32>} : memref<200x128xf32, #tpu.memory_space<vmem>>, vector<1x16xf32>,
        %get3A_1078 = arith.index_cast %add3A_895 : i32 to index
        %get3A_1079 = arith.constant 112 : index
        %get3A_1080 = tpu.vector_load %arg12[%get3A_1078, %get3A_1079] {strides = array<i32>} : memref<200x128xf32, #tpu.memory_space<vmem>>, vector<1x16xf32>,
        %get3A_1081 = vector.shape_cast %get3A_1080 : vector<1x16xf32> to vector<16xf32>
        %add3A_1082 = arith.addf %get3A_1081, %get3A_1067 : vector<16xf32>
        %swap3A_1083 = arith.index_cast %add3A_895 : i32 to index
        %swap3A_1084 = arith.constant 112 : index
        %swap3A_1085 = tpu.vector_load %arg12[%swap3A_1083, %swap3A_1084] {strides = array<i32>} : memref<200x128xf32, #tpu.memory_space<vmem>>, vector<1x16xf32>,
        %swap3A_1086 = vector.shape_cast %swap3A_1085 : vector<1x16xf32> to vector<16xf32>
        %swap3A_1087 = vector.shape_cast %add3A_1082 : vector<16xf32> to vector<1x16xf32>
        tpu.vector_store %arg12[%swap3A_1083, %swap3A_1084], %swap3A_1087 {strides = array<i32>} : memref<200x128xf32, #tpu.memory_space<vmem>>, vector<1x16xf32>,
      }
      %scan3A_551 = arith.constant 100 : i32
      %mul3A_552 = arith.constant 200 : i32
      %mul3A_553 = arith.muli %add3A_481, %mul3A_552 : i32
      %add3A_554 = arith.addi %mul3A_2, %mul3A_553 : i32
      %dma_start3A_555 = arith.constant 0 : i32
      %dma_start3A_556 = tpu.memref_slice %arg6[%add3A_554, %dma_start3A_555] : memref<204800x256xf32, #tpu.memory_space<hbm>> -> memref<200x128xf32, #tpu.memory_space<hbm>>
      %dma_start3A_557 = arith.constant 0 : i32
      %dma_start3A_558 = tpu.memref_slice %arg6[%add3A_554, %dma_start3A_557] : memref<204800x256xf32, #tpu.memory_space<hbm>> -> memref<200x128xf32, #tpu.memory_space<hbm>>
      tpu.enqueue_dma source(%arg10 : memref<200x128xf32, #tpu.memory_space<vmem>>) target(%dma_start3A_558 : memref<200x128xf32, #tpu.memory_space<hbm>>) target_semaphore(%arg17 : memref<!tpu.dma_semaphore, #tpu.memory_space<semaphore_mem>>)
      %dma_start3A_559 = arith.constant 128 : i32
      %dma_start3A_560 = tpu.memref_slice %arg6[%add3A_554, %dma_start3A_559] : memref<204800x256xf32, #tpu.memory_space<hbm>> -> memref<200x128xf32, #tpu.memory_space<hbm>>
      %dma_start3A_561 = arith.constant 128 : i32
      %dma_start3A_562 = tpu.memref_slice %arg6[%add3A_554, %dma_start3A_561] : memref<204800x256xf32, #tpu.memory_space<hbm>> -> memref<200x128xf32, #tpu.memory_space<hbm>>
      tpu.enqueue_dma source(%arg12 : memref<200x128xf32, #tpu.memory_space<vmem>>) target(%dma_start3A_562 : memref<200x128xf32, #tpu.memory_space<hbm>>) target_semaphore(%arg17 : memref<!tpu.dma_semaphore, #tpu.memory_space<semaphore_mem>>)
      %mul3A_563 = arith.constant 8 : i32
      %mul3A_564 = arith.muli %scan3A_62, %mul3A_563 : i32
      %add3A_565 = arith.constant 6 : i32
      %add3A_566 = arith.addi %mul3A_564, %add3A_565 : i32
      %dma_wait3A_567 = arith.constant 0 : i32
      %dma_wait3A_568 = arith.constant 0 : i32
      %dma_wait3A_569 = tpu.memref_slice %arg6[%dma_wait3A_567, %dma_wait3A_568] : memref<204800x256xf32, #tpu.memory_space<hbm>> -> memref<200x128xf32, #tpu.memory_space<hbm>>
      %dma_wait3A_570 = arith.constant 0 : i32
      %dma_wait3A_571 = arith.constant 0 : i32
      %dma_wait3A_572 = tpu.memref_slice %arg6[%dma_wait3A_570, %dma_wait3A_571] : memref<204800x256xf32, #tpu.memory_space<hbm>> -> memref<200x128xf32, #tpu.memory_space<hbm>>
      tpu.wait_dma2 semaphore(%arg17 : memref<!tpu.dma_semaphore, #tpu.memory_space<semaphore_mem>>) src(%arg9 : memref<200x128xf32, #tpu.memory_space<vmem>>) dst(%dma_wait3A_572 : memref<200x128xf32, #tpu.memory_space<hbm>>)
      %dma_wait3A_573 = arith.constant 0 : i32
      %dma_wait3A_574 = arith.constant 128 : i32
      %dma_wait3A_575 = tpu.memref_slice %arg6[%dma_wait3A_573, %dma_wait3A_574] : memref<204800x256xf32, #tpu.memory_space<hbm>> -> memref<200x128xf32, #tpu.memory_space<hbm>>
      %dma_wait3A_576 = arith.constant 0 : i32
      %dma_wait3A_577 = arith.constant 128 : i32
      %dma_wait3A_578 = tpu.memref_slice %arg6[%dma_wait3A_576, %dma_wait3A_577] : memref<204800x256xf32, #tpu.memory_space<hbm>> -> memref<200x128xf32, #tpu.memory_space<hbm>>
      tpu.wait_dma2 semaphore(%arg17 : memref<!tpu.dma_semaphore, #tpu.memory_space<semaphore_mem>>) src(%arg11 : memref<200x128xf32, #tpu.memory_space<vmem>>) dst(%dma_wait3A_578 : memref<200x128xf32, #tpu.memory_space<hbm>>)
      %dma_start3A_579 = arith.constant 14 : i32
      %dma_start3A_580 = arith.constant 0 : i32
      %dma_start3A_581 = arith.constant 0 : i32
      %dma_start3A_582 = tpu.memref_slice %arg10[%dma_start3A_580, %dma_start3A_581] : memref<200x128xf32, #tpu.memory_space<vmem>> -> memref<100x128xf32, #tpu.memory_space<vmem>>
      %dma_start3A_583 = arith.constant 0 : i32
      %dma_start3A_584 = tpu.memref_slice %arg7[%dma_start3A_579, %dma_start3A_583] : memref<16x100xi32, #tpu.memory_space<vmem>> -> memref<1x100xi32, #tpu.memory_space<vmem>>
      %dma_start3A_585 = tpu.memref_squeeze %dma_start3A_584 : memref<1x100xi32, #tpu.memory_space<vmem>> -> memref<100xi32, #tpu.memory_space<vmem>>
      %dma_start3A_586 = arith.constant 0 : i32
      %dma_start3A_587 = arith.constant 0 : i32
      %dma_start3A_588 = tpu.memref_slice %arg3[%dma_start3A_586, %dma_start3A_587] : memref<100000x128xf32, #tpu.memory_space<hbm>> -> memref<100000x128xf32, #tpu.memory_space<hbm>>
      tpu.enqueue_indirect_dma source(%dma_start3A_588 : memref<100000x128xf32, #tpu.memory_space<hbm>>) target(%dma_start3A_582 : memref<100x128xf32, #tpu.memory_space<vmem>>) offsets(%dma_start3A_585 : memref<100xi32, #tpu.memory_space<vmem>>) semaphore(%arg14 : memref<!tpu.dma_semaphore, #tpu.memory_space<semaphore_mem>>)
      %dma_start3A_589 = arith.constant 15 : i32
      %dma_start3A_590 = arith.constant 100 : i32
      %dma_start3A_591 = arith.constant 0 : i32
      %dma_start3A_592 = tpu.memref_slice %arg10[%dma_start3A_590, %dma_start3A_591] : memref<200x128xf32, #tpu.memory_space<vmem>> -> memref<100x128xf32, #tpu.memory_space<vmem>>
      %dma_start3A_593 = arith.constant 0 : i32
      %dma_start3A_594 = tpu.memref_slice %arg7[%dma_start3A_589, %dma_start3A_593] : memref<16x100xi32, #tpu.memory_space<vmem>> -> memref<1x100xi32, #tpu.memory_space<vmem>>
      %dma_start3A_595 = tpu.memref_squeeze %dma_start3A_594 : memref<1x100xi32, #tpu.memory_space<vmem>> -> memref<100xi32, #tpu.memory_space<vmem>>
      %dma_start3A_596 = arith.constant 0 : i32
      %dma_start3A_597 = arith.constant 0 : i32
      %dma_start3A_598 = tpu.memref_slice %arg3[%dma_start3A_596, %dma_start3A_597] : memref<100000x128xf32, #tpu.memory_space<hbm>> -> memref<100000x128xf32, #tpu.memory_space<hbm>>
      tpu.enqueue_indirect_dma source(%dma_start3A_598 : memref<100000x128xf32, #tpu.memory_space<hbm>>) target(%dma_start3A_592 : memref<100x128xf32, #tpu.memory_space<vmem>>) offsets(%dma_start3A_595 : memref<100xi32, #tpu.memory_space<vmem>>) semaphore(%arg14 : memref<!tpu.dma_semaphore, #tpu.memory_space<semaphore_mem>>)
      %dma_start3A_599 = arith.constant 14 : i32
      %dma_start3A_600 = arith.constant 0 : i32
      %dma_start3A_601 = arith.constant 0 : i32
      %dma_start3A_602 = tpu.memref_slice %arg12[%dma_start3A_600, %dma_start3A_601] : memref<200x128xf32, #tpu.memory_space<vmem>> -> memref<100x128xf32, #tpu.memory_space<vmem>>
      %dma_start3A_603 = arith.constant 0 : i32
      %dma_start3A_604 = tpu.memref_slice %arg7[%dma_start3A_599, %dma_start3A_603] : memref<16x100xi32, #tpu.memory_space<vmem>> -> memref<1x100xi32, #tpu.memory_space<vmem>>
      %dma_start3A_605 = tpu.memref_squeeze %dma_start3A_604 : memref<1x100xi32, #tpu.memory_space<vmem>> -> memref<100xi32, #tpu.memory_space<vmem>>
      %dma_start3A_606 = arith.constant 0 : i32
      %dma_start3A_607 = arith.constant 0 : i32
      %dma_start3A_608 = tpu.memref_slice %arg4[%dma_start3A_606, %dma_start3A_607] : memref<100000x128xf32, #tpu.memory_space<hbm>> -> memref<100000x128xf32, #tpu.memory_space<hbm>>
      tpu.enqueue_indirect_dma source(%dma_start3A_608 : memref<100000x128xf32, #tpu.memory_space<hbm>>) target(%dma_start3A_602 : memref<100x128xf32, #tpu.memory_space<vmem>>) offsets(%dma_start3A_605 : memref<100xi32, #tpu.memory_space<vmem>>) semaphore(%arg16 : memref<!tpu.dma_semaphore, #tpu.memory_space<semaphore_mem>>)
      %dma_start3A_609 = arith.constant 15 : i32
      %dma_start3A_610 = arith.constant 100 : i32
      %dma_start3A_611 = arith.constant 0 : i32
      %dma_start3A_612 = tpu.memref_slice %arg12[%dma_start3A_610, %dma_start3A_611] : memref<200x128xf32, #tpu.memory_space<vmem>> -> memref<100x128xf32, #tpu.memory_space<vmem>>
      %dma_start3A_613 = arith.constant 0 : i32
      %dma_start3A_614 = tpu.memref_slice %arg7[%dma_start3A_609, %dma_start3A_613] : memref<16x100xi32, #tpu.memory_space<vmem>> -> memref<1x100xi32, #tpu.memory_space<vmem>>
      %dma_start3A_615 = tpu.memref_squeeze %dma_start3A_614 : memref<1x100xi32, #tpu.memory_space<vmem>> -> memref<100xi32, #tpu.memory_space<vmem>>
      %dma_start3A_616 = arith.constant 0 : i32
      %dma_start3A_617 = arith.constant 0 : i32
      %dma_start3A_618 = tpu.memref_slice %arg4[%dma_start3A_616, %dma_start3A_617] : memref<100000x128xf32, #tpu.memory_space<hbm>> -> memref<100000x128xf32, #tpu.memory_space<hbm>>
      tpu.enqueue_indirect_dma source(%dma_start3A_618 : memref<100000x128xf32, #tpu.memory_space<hbm>>) target(%dma_start3A_612 : memref<100x128xf32, #tpu.memory_space<vmem>>) offsets(%dma_start3A_615 : memref<100xi32, #tpu.memory_space<vmem>>) semaphore(%arg16 : memref<!tpu.dma_semaphore, #tpu.memory_space<semaphore_mem>>)
      %dma_wait3A_619 = arith.constant 0 : i32
      %dma_wait3A_620 = arith.constant 0 : i32
      %dma_wait3A_621 = tpu.memref_slice %arg3[%dma_wait3A_619, %dma_wait3A_620] : memref<100000x128xf32, #tpu.memory_space<hbm>> -> memref<200x128xf32, #tpu.memory_space<hbm>>
      %dma_wait3A_622 = arith.constant 0 : i32
      %dma_wait3A_623 = arith.constant 0 : i32
      %dma_wait3A_624 = tpu.memref_slice %arg3[%dma_wait3A_622, %dma_wait3A_623] : memref<100000x128xf32, #tpu.memory_space<hbm>> -> memref<200x128xf32, #tpu.memory_space<hbm>>
      tpu.wait_dma2 semaphore(%arg13 : memref<!tpu.dma_semaphore, #tpu.memory_space<semaphore_mem>>) src(%dma_wait3A_624 : memref<200x128xf32, #tpu.memory_space<hbm>>) dst(%arg9 : memref<200x128xf32, #tpu.memory_space<vmem>>)
      %dma_wait3A_625 = arith.constant 0 : i32
      %dma_wait3A_626 = arith.constant 0 : i32
      %dma_wait3A_627 = tpu.memref_slice %arg4[%dma_wait3A_625, %dma_wait3A_626] : memref<100000x128xf32, #tpu.memory_space<hbm>> -> memref<200x128xf32, #tpu.memory_space<hbm>>
      %dma_wait3A_628 = arith.constant 0 : i32
      %dma_wait3A_629 = arith.constant 0 : i32
      %dma_wait3A_630 = tpu.memref_slice %arg4[%dma_wait3A_628, %dma_wait3A_629] : memref<100000x128xf32, #tpu.memory_space<hbm>> -> memref<200x128xf32, #tpu.memory_space<hbm>>
      tpu.wait_dma2 semaphore(%arg15 : memref<!tpu.dma_semaphore, #tpu.memory_space<semaphore_mem>>) src(%dma_wait3A_630 : memref<200x128xf32, #tpu.memory_space<hbm>>) dst(%arg11 : memref<200x128xf32, #tpu.memory_space<vmem>>)
      %scan3A_631 = arith.constant 0 : i32
      %scan3A_632 = arith.constant 0 : i32
      %scan3A_633 = arith.constant 100 : i32
      %scan3A_634 = arith.addi %scan3A_632, %scan3A_633 : i32
      %scan3A_635 = arith.constant 1 : i32
      scf.for %scan3A_697 = %scan3A_632 to %scan3A_634 step %scan3A_635  : i32 {
        %mul3A_698 = arith.constant 2 : i32
        %mul3A_699 = arith.muli %scan3A_697, %mul3A_698 : i32
        %add3A_700 = arith.constant 0 : i32
        %add3A_701 = arith.addi %mul3A_699, %add3A_700 : i32
        %get3A = arith.index_cast %add3A_701 : i32 to index
        %get3A_702 = arith.constant 0 : index
        %get3A_703 = tpu.vector_load %arg8[%get3A, %get3A_702] {strides = array<i32>} : memref<200x128xf32, #tpu.memory_space<vmem>>, vector<1x16xf32>,
        %get3A_704 = vector.shape_cast %get3A_703 : vector<1x16xf32> to vector<16xf32>
        %get3A_705 = arith.index_cast %add3A_701 : i32 to index
        %get3A_706 = arith.constant 0 : index
        %get3A_707 = tpu.vector_load %arg9[%get3A_705, %get3A_706] {strides = array<i32>} : memref<200x128xf32, #tpu.memory_space<vmem>>, vector<1x16xf32>,
        %get3A_708 = vector.shape_cast %get3A_707 : vector<1x16xf32> to vector<16xf32>
        %add3A_709 = arith.addf %get3A_708, %get3A_704 : vector<16xf32>
        %swap3A = arith.index_cast %add3A_701 : i32 to index
        %swap3A_710 = arith.constant 0 : index
        %swap3A_711 = tpu.vector_load %arg9[%swap3A, %swap3A_710] {strides = array<i32>} : memref<200x128xf32, #tpu.memory_space<vmem>>, vector<1x16xf32>,
        %swap3A_712 = vector.shape_cast %swap3A_711 : vector<1x16xf32> to vector<16xf32>
        %swap3A_713 = vector.shape_cast %add3A_709 : vector<16xf32> to vector<1x16xf32>
        tpu.vector_store %arg9[%swap3A, %swap3A_710], %swap3A_713 {strides = array<i32>} : memref<200x128xf32, #tpu.memory_space<vmem>>, vector<1x16xf32>,
        %get3A_714 = arith.index_cast %add3A_701 : i32 to index
        %get3A_715 = arith.constant 0 : index
        %get3A_716 = tpu.vector_load %arg11[%get3A_714, %get3A_715] {strides = array<i32>} : memref<200x128xf32, #tpu.memory_space<vmem>>, vector<1x16xf32>,
        %get3A_717 = vector.shape_cast %get3A_716 : vector<1x16xf32> to vector<16xf32>
        %add3A_718 = arith.addf %get3A_717, %get3A_704 : vector<16xf32>
        %swap3A_719 = arith.index_cast %add3A_701 : i32 to index
        %swap3A_720 = arith.constant 0 : index
        %swap3A_721 = tpu.vector_load %arg11[%swap3A_719, %swap3A_720] {strides = array<i32>} : memref<200x128xf32, #tpu.memory_space<vmem>>, vector<1x16xf32>,
        %swap3A_722 = vector.shape_cast %swap3A_721 : vector<1x16xf32> to vector<16xf32>
        %swap3A_723 = vector.shape_cast %add3A_718 : vector<16xf32> to vector<1x16xf32>
        tpu.vector_store %arg11[%swap3A_719, %swap3A_720], %swap3A_723 {strides = array<i32>} : memref<200x128xf32, #tpu.memory_space<vmem>>, vector<1x16xf32>,
        %get3A_724 = arith.index_cast %add3A_701 : i32 to index
        %get3A_725 = arith.constant 16 : index
        %get3A_726 = tpu.vector_load %arg8[%get3A_724, %get3A_725] {strides = array<i32>} : memref<200x128xf32, #tpu.memory_space<vmem>>, vector<1x16xf32>,
        %get3A_727 = vector.shape_cast %get3A_726 : vector<1x16xf32> to vector<16xf32>
        %get3A_728 = arith.index_cast %add3A_701 : i32 to index
        %get3A_729 = arith.constant 16 : index
        %get3A_730 = tpu.vector_load %arg9[%get3A_728, %get3A_729] {strides = array<i32>} : memref<200x128xf32, #tpu.memory_space<vmem>>, vector<1x16xf32>,
        %get3A_731 = vector.shape_cast %get3A_730 : vector<1x16xf32> to vector<16xf32>
        %add3A_732 = arith.addf %get3A_731, %get3A_727 : vector<16xf32>
        %swap3A_733 = arith.index_cast %add3A_701 : i32 to index
        %swap3A_734 = arith.constant 16 : index
        %swap3A_735 = tpu.vector_load %arg9[%swap3A_733, %swap3A_734] {strides = array<i32>} : memref<200x128xf32, #tpu.memory_space<vmem>>, vector<1x16xf32>,
        %swap3A_736 = vector.shape_cast %swap3A_735 : vector<1x16xf32> to vector<16xf32>
        %swap3A_737 = vector.shape_cast %add3A_732 : vector<16xf32> to vector<1x16xf32>
        tpu.vector_store %arg9[%swap3A_733, %swap3A_734], %swap3A_737 {strides = array<i32>} : memref<200x128xf32, #tpu.memory_space<vmem>>, vector<1x16xf32>,
        %get3A_738 = arith.index_cast %add3A_701 : i32 to index
        %get3A_739 = arith.constant 16 : index
        %get3A_740 = tpu.vector_load %arg11[%get3A_738, %get3A_739] {strides = array<i32>} : memref<200x128xf32, #tpu.memory_space<vmem>>, vector<1x16xf32>,
        %get3A_741 = vector.shape_cast %get3A_740 : vector<1x16xf32> to vector<16xf32>
        %add3A_742 = arith.addf %get3A_741, %get3A_727 : vector<16xf32>
        %swap3A_743 = arith.index_cast %add3A_701 : i32 to index
        %swap3A_744 = arith.constant 16 : index
        %swap3A_745 = tpu.vector_load %arg11[%swap3A_743, %swap3A_744] {strides = array<i32>} : memref<200x128xf32, #tpu.memory_space<vmem>>, vector<1x16xf32>,
        %swap3A_746 = vector.shape_cast %swap3A_745 : vector<1x16xf32> to vector<16xf32>
        %swap3A_747 = vector.shape_cast %add3A_742 : vector<16xf32> to vector<1x16xf32>
        tpu.vector_store %arg11[%swap3A_743, %swap3A_744], %swap3A_747 {strides = array<i32>} : memref<200x128xf32, #tpu.memory_space<vmem>>, vector<1x16xf32>,
        %get3A_748 = arith.index_cast %add3A_701 : i32 to index
        %get3A_749 = arith.constant 32 : index
        %get3A_750 = tpu.vector_load %arg8[%get3A_748, %get3A_749] {strides = array<i32>} : memref<200x128xf32, #tpu.memory_space<vmem>>, vector<1x16xf32>,
        %get3A_751 = vector.shape_cast %get3A_750 : vector<1x16xf32> to vector<16xf32>
        %get3A_752 = arith.index_cast %add3A_701 : i32 to index
        %get3A_753 = arith.constant 32 : index
        %get3A_754 = tpu.vector_load %arg9[%get3A_752, %get3A_753] {strides = array<i32>} : memref<200x128xf32, #tpu.memory_space<vmem>>, vector<1x16xf32>,
        %get3A_755 = vector.shape_cast %get3A_754 : vector<1x16xf32> to vector<16xf32>
        %add3A_756 = arith.addf %get3A_755, %get3A_751 : vector<16xf32>
        %swap3A_757 = arith.index_cast %add3A_701 : i32 to index
        %swap3A_758 = arith.constant 32 : index
        %swap3A_759 = tpu.vector_load %arg9[%swap3A_757, %swap3A_758] {strides = array<i32>} : memref<200x128xf32, #tpu.memory_space<vmem>>, vector<1x16xf32>,
        %swap3A_760 = vector.shape_cast %swap3A_759 : vector<1x16xf32> to vector<16xf32>
        %swap3A_761 = vector.shape_cast %add3A_756 : vector<16xf32> to vector<1x16xf32>
        tpu.vector_store %arg9[%swap3A_757, %swap3A_758], %swap3A_761 {strides = array<i32>} : memref<200x128xf32, #tpu.memory_space<vmem>>, vector<1x16xf32>,
        %get3A_762 = arith.index_cast %add3A_701 : i32 to index
        %get3A_763 = arith.constant 32 : index
        %get3A_764 = tpu.vector_load %arg11[%get3A_762, %get3A_763] {strides = array<i32>} : memref<200x128xf32, #tpu.memory_space<vmem>>, vector<1x16xf32>,
        %get3A_765 = vector.shape_cast %get3A_764 : vector<1x16xf32> to vector<16xf32>
        %add3A_766 = arith.addf %get3A_765, %get3A_751 : vector<16xf32>
        %swap3A_767 = arith.index_cast %add3A_701 : i32 to index
        %swap3A_768 = arith.constant 32 : index
        %swap3A_769 = tpu.vector_load %arg11[%swap3A_767, %swap3A_768] {strides = array<i32>} : memref<200x128xf32, #tpu.memory_space<vmem>>, vector<1x16xf32>,
        %swap3A_770 = vector.shape_cast %swap3A_769 : vector<1x16xf32> to vector<16xf32>
        %swap3A_771 = vector.shape_cast %add3A_766 : vector<16xf32> to vector<1x16xf32>
        tpu.vector_store %arg11[%swap3A_767, %swap3A_768], %swap3A_771 {strides = array<i32>} : memref<200x128xf32, #tpu.memory_space<vmem>>, vector<1x16xf32>,
        %get3A_772 = arith.index_cast %add3A_701 : i32 to index
        %get3A_773 = arith.constant 48 : index
        %get3A_774 = tpu.vector_load %arg8[%get3A_772, %get3A_773] {strides = array<i32>} : memref<200x128xf32, #tpu.memory_space<vmem>>, vector<1x16xf32>,
        %get3A_775 = vector.shape_cast %get3A_774 : vector<1x16xf32> to vector<16xf32>
        %get3A_776 = arith.index_cast %add3A_701 : i32 to index
        %get3A_777 = arith.constant 48 : index
        %get3A_778 = tpu.vector_load %arg9[%get3A_776, %get3A_777] {strides = array<i32>} : memref<200x128xf32, #tpu.memory_space<vmem>>, vector<1x16xf32>,
        %get3A_779 = vector.shape_cast %get3A_778 : vector<1x16xf32> to vector<16xf32>
        %add3A_780 = arith.addf %get3A_779, %get3A_775 : vector<16xf32>
        %swap3A_781 = arith.index_cast %add3A_701 : i32 to index
        %swap3A_782 = arith.constant 48 : index
        %swap3A_783 = tpu.vector_load %arg9[%swap3A_781, %swap3A_782] {strides = array<i32>} : memref<200x128xf32, #tpu.memory_space<vmem>>, vector<1x16xf32>,
        %swap3A_784 = vector.shape_cast %swap3A_783 : vector<1x16xf32> to vector<16xf32>
        %swap3A_785 = vector.shape_cast %add3A_780 : vector<16xf32> to vector<1x16xf32>
        tpu.vector_store %arg9[%swap3A_781, %swap3A_782], %swap3A_785 {strides = array<i32>} : memref<200x128xf32, #tpu.memory_space<vmem>>, vector<1x16xf32>,
        %get3A_786 = arith.index_cast %add3A_701 : i32 to index
        %get3A_787 = arith.constant 48 : index
        %get3A_788 = tpu.vector_load %arg11[%get3A_786, %get3A_787] {strides = array<i32>} : memref<200x128xf32, #tpu.memory_space<vmem>>, vector<1x16xf32>,
        %get3A_789 = vector.shape_cast %get3A_788 : vector<1x16xf32> to vector<16xf32>
        %add3A_790 = arith.addf %get3A_789, %get3A_775 : vector<16xf32>
        %swap3A_791 = arith.index_cast %add3A_701 : i32 to index
        %swap3A_792 = arith.constant 48 : index
        %swap3A_793 = tpu.vector_load %arg11[%swap3A_791, %swap3A_792] {strides = array<i32>} : memref<200x128xf32, #tpu.memory_space<vmem>>, vector<1x16xf32>,
        %swap3A_794 = vector.shape_cast %swap3A_793 : vector<1x16xf32> to vector<16xf32>
        %swap3A_795 = vector.shape_cast %add3A_790 : vector<16xf32> to vector<1x16xf32>
        tpu.vector_store %arg11[%swap3A_791, %swap3A_792], %swap3A_795 {strides = array<i32>} : memref<200x128xf32, #tpu.memory_space<vmem>>, vector<1x16xf32>,
        %get3A_796 = arith.index_cast %add3A_701 : i32 to index
        %get3A_797 = arith.constant 64 : index
        %get3A_798 = tpu.vector_load %arg8[%get3A_796, %get3A_797] {strides = array<i32>} : memref<200x128xf32, #tpu.memory_space<vmem>>, vector<1x16xf32>,
        %get3A_799 = vector.shape_cast %get3A_798 : vector<1x16xf32> to vector<16xf32>
        %get3A_800 = arith.index_cast %add3A_701 : i32 to index
        %get3A_801 = arith.constant 64 : index
        %get3A_802 = tpu.vector_load %arg9[%get3A_800, %get3A_801] {strides = array<i32>} : memref<200x128xf32, #tpu.memory_space<vmem>>, vector<1x16xf32>,
        %get3A_803 = vector.shape_cast %get3A_802 : vector<1x16xf32> to vector<16xf32>
        %add3A_804 = arith.addf %get3A_803, %get3A_799 : vector<16xf32>
        %swap3A_805 = arith.index_cast %add3A_701 : i32 to index
        %swap3A_806 = arith.constant 64 : index
        %swap3A_807 = tpu.vector_load %arg9[%swap3A_805, %swap3A_806] {strides = array<i32>} : memref<200x128xf32, #tpu.memory_space<vmem>>, vector<1x16xf32>,
        %swap3A_808 = vector.shape_cast %swap3A_807 : vector<1x16xf32> to vector<16xf32>
        %swap3A_809 = vector.shape_cast %add3A_804 : vector<16xf32> to vector<1x16xf32>
        tpu.vector_store %arg9[%swap3A_805, %swap3A_806], %swap3A_809 {strides = array<i32>} : memref<200x128xf32, #tpu.memory_space<vmem>>, vector<1x16xf32>,
        %get3A_810 = arith.index_cast %add3A_701 : i32 to index
        %get3A_811 = arith.constant 64 : index
        %get3A_812 = tpu.vector_load %arg11[%get3A_810, %get3A_811] {strides = array<i32>} : memref<200x128xf32, #tpu.memory_space<vmem>>, vector<1x16xf32>,
        %get3A_813 = vector.shape_cast %get3A_812 : vector<1x16xf32> to vector<16xf32>
        %add3A_814 = arith.addf %get3A_813, %get3A_799 : vector<16xf32>
        %swap3A_815 = arith.index_cast %add3A_701 : i32 to index
        %swap3A_816 = arith.constant 64 : index
        %swap3A_817 = tpu.vector_load %arg11[%swap3A_815, %swap3A_816] {strides = array<i32>} : memref<200x128xf32, #tpu.memory_space<vmem>>, vector<1x16xf32>,
        %swap3A_818 = vector.shape_cast %swap3A_817 : vector<1x16xf32> to vector<16xf32>
        %swap3A_819 = vector.shape_cast %add3A_814 : vector<16xf32> to vector<1x16xf32>
        tpu.vector_store %arg11[%swap3A_815, %swap3A_816], %swap3A_819 {strides = array<i32>} : memref<200x128xf32, #tpu.memory_space<vmem>>, vector<1x16xf32>,
        %get3A_820 = arith.index_cast %add3A_701 : i32 to index
        %get3A_821 = arith.constant 80 : index
        %get3A_822 = tpu.vector_load %arg8[%get3A_820, %get3A_821] {strides = array<i32>} : memref<200x128xf32, #tpu.memory_space<vmem>>, vector<1x16xf32>,
        %get3A_823 = vector.shape_cast %get3A_822 : vector<1x16xf32> to vector<16xf32>
        %get3A_824 = arith.index_cast %add3A_701 : i32 to index
        %get3A_825 = arith.constant 80 : index
        %get3A_826 = tpu.vector_load %arg9[%get3A_824, %get3A_825] {strides = array<i32>} : memref<200x128xf32, #tpu.memory_space<vmem>>, vector<1x16xf32>,
        %get3A_827 = vector.shape_cast %get3A_826 : vector<1x16xf32> to vector<16xf32>
        %add3A_828 = arith.addf %get3A_827, %get3A_823 : vector<16xf32>
        %swap3A_829 = arith.index_cast %add3A_701 : i32 to index
        %swap3A_830 = arith.constant 80 : index
        %swap3A_831 = tpu.vector_load %arg9[%swap3A_829, %swap3A_830] {strides = array<i32>} : memref<200x128xf32, #tpu.memory_space<vmem>>, vector<1x16xf32>,
        %swap3A_832 = vector.shape_cast %swap3A_831 : vector<1x16xf32> to vector<16xf32>
        %swap3A_833 = vector.shape_cast %add3A_828 : vector<16xf32> to vector<1x16xf32>
        tpu.vector_store %arg9[%swap3A_829, %swap3A_830], %swap3A_833 {strides = array<i32>} : memref<200x128xf32, #tpu.memory_space<vmem>>, vector<1x16xf32>,
        %get3A_834 = arith.index_cast %add3A_701 : i32 to index
        %get3A_835 = arith.constant 80 : index
        %get3A_836 = tpu.vector_load %arg11[%get3A_834, %get3A_835] {strides = array<i32>} : memref<200x128xf32, #tpu.memory_space<vmem>>, vector<1x16xf32>,
        %get3A_837 = vector.shape_cast %get3A_836 : vector<1x16xf32> to vector<16xf32>
        %add3A_838 = arith.addf %get3A_837, %get3A_823 : vector<16xf32>
        %swap3A_839 = arith.index_cast %add3A_701 : i32 to index
        %swap3A_840 = arith.constant 80 : index
        %swap3A_841 = tpu.vector_load %arg11[%swap3A_839, %swap3A_840] {strides = array<i32>} : memref<200x128xf32, #tpu.memory_space<vmem>>, vector<1x16xf32>,
        %swap3A_842 = vector.shape_cast %swap3A_841 : vector<1x16xf32> to vector<16xf32>
        %swap3A_843 = vector.shape_cast %add3A_838 : vector<16xf32> to vector<1x16xf32>
        tpu.vector_store %arg11[%swap3A_839, %swap3A_840], %swap3A_843 {strides = array<i32>} : memref<200x128xf32, #tpu.memory_space<vmem>>, vector<1x16xf32>,
        %get3A_844 = arith.index_cast %add3A_701 : i32 to index
        %get3A_845 = arith.constant 96 : index
        %get3A_846 = tpu.vector_load %arg8[%get3A_844, %get3A_845] {strides = array<i32>} : memref<200x128xf32, #tpu.memory_space<vmem>>, vector<1x16xf32>,
        %get3A_847 = vector.shape_cast %get3A_846 : vector<1x16xf32> to vector<16xf32>
        %get3A_848 = arith.index_cast %add3A_701 : i32 to index
        %get3A_849 = arith.constant 96 : index
        %get3A_850 = tpu.vector_load %arg9[%get3A_848, %get3A_849] {strides = array<i32>} : memref<200x128xf32, #tpu.memory_space<vmem>>, vector<1x16xf32>,
        %get3A_851 = vector.shape_cast %get3A_850 : vector<1x16xf32> to vector<16xf32>
        %add3A_852 = arith.addf %get3A_851, %get3A_847 : vector<16xf32>
        %swap3A_853 = arith.index_cast %add3A_701 : i32 to index
        %swap3A_854 = arith.constant 96 : index
        %swap3A_855 = tpu.vector_load %arg9[%swap3A_853, %swap3A_854] {strides = array<i32>} : memref<200x128xf32, #tpu.memory_space<vmem>>, vector<1x16xf32>,
        %swap3A_856 = vector.shape_cast %swap3A_855 : vector<1x16xf32> to vector<16xf32>
        %swap3A_857 = vector.shape_cast %add3A_852 : vector<16xf32> to vector<1x16xf32>
        tpu.vector_store %arg9[%swap3A_853, %swap3A_854], %swap3A_857 {strides = array<i32>} : memref<200x128xf32, #tpu.memory_space<vmem>>, vector<1x16xf32>,
        %get3A_858 = arith.index_cast %add3A_701 : i32 to index
        %get3A_859 = arith.constant 96 : index
        %get3A_860 = tpu.vector_load %arg11[%get3A_858, %get3A_859] {strides = array<i32>} : memref<200x128xf32, #tpu.memory_space<vmem>>, vector<1x16xf32>,
        %get3A_861 = vector.shape_cast %get3A_860 : vector<1x16xf32> to vector<16xf32>
        %add3A_862 = arith.addf %get3A_861, %get3A_847 : vector<16xf32>
        %swap3A_863 = arith.index_cast %add3A_701 : i32 to index
        %swap3A_864 = arith.constant 96 : index
        %swap3A_865 = tpu.vector_load %arg11[%swap3A_863, %swap3A_864] {strides = array<i32>} : memref<200x128xf32, #tpu.memory_space<vmem>>, vector<1x16xf32>,
        %swap3A_866 = vector.shape_cast %swap3A_865 : vector<1x16xf32> to vector<16xf32>
        %swap3A_867 = vector.shape_cast %add3A_862 : vector<16xf32> to vector<1x16xf32>
        tpu.vector_store %arg11[%swap3A_863, %swap3A_864], %swap3A_867 {strides = array<i32>} : memref<200x128xf32, #tpu.memory_space<vmem>>, vector<1x16xf32>,
        %get3A_868 = arith.index_cast %add3A_701 : i32 to index
        %get3A_869 = arith.constant 112 : index
        %get3A_870 = tpu.vector_load %arg8[%get3A_868, %get3A_869] {strides = array<i32>} : memref<200x128xf32, #tpu.memory_space<vmem>>, vector<1x16xf32>,
        %get3A_871 = vector.shape_cast %get3A_870 : vector<1x16xf32> to vector<16xf32>
        %get3A_872 = arith.index_cast %add3A_701 : i32 to index
        %get3A_873 = arith.constant 112 : index
        %get3A_874 = tpu.vector_load %arg9[%get3A_872, %get3A_873] {strides = array<i32>} : memref<200x128xf32, #tpu.memory_space<vmem>>, vector<1x16xf32>,
        %get3A_875 = vector.shape_cast %get3A_874 : vector<1x16xf32> to vector<16xf32>
        %add3A_876 = arith.addf %get3A_875, %get3A_871 : vector<16xf32>
        %swap3A_877 = arith.index_cast %add3A_701 : i32 to index
        %swap3A_878 = arith.constant 112 : index
        %swap3A_879 = tpu.vector_load %arg9[%swap3A_877, %swap3A_878] {strides = array<i32>} : memref<200x128xf32, #tpu.memory_space<vmem>>, vector<1x16xf32>,
        %swap3A_880 = vector.shape_cast %swap3A_879 : vector<1x16xf32> to vector<16xf32>
        %swap3A_881 = vector.shape_cast %add3A_876 : vector<16xf32> to vector<1x16xf32>
        tpu.vector_store %arg9[%swap3A_877, %swap3A_878], %swap3A_881 {strides = array<i32>} : memref<200x128xf32, #tpu.memory_space<vmem>>, vector<1x16xf32>,
        %get3A_882 = arith.index_cast %add3A_701 : i32 to index
        %get3A_883 = arith.constant 112 : index
        %get3A_884 = tpu.vector_load %arg11[%get3A_882, %get3A_883] {strides = array<i32>} : memref<200x128xf32, #tpu.memory_space<vmem>>, vector<1x16xf32>,
        %get3A_885 = vector.shape_cast %get3A_884 : vector<1x16xf32> to vector<16xf32>
        %add3A_886 = arith.addf %get3A_885, %get3A_871 : vector<16xf32>
        %swap3A_887 = arith.index_cast %add3A_701 : i32 to index
        %swap3A_888 = arith.constant 112 : index
        %swap3A_889 = tpu.vector_load %arg11[%swap3A_887, %swap3A_888] {strides = array<i32>} : memref<200x128xf32, #tpu.memory_space<vmem>>, vector<1x16xf32>,
        %swap3A_890 = vector.shape_cast %swap3A_889 : vector<1x16xf32> to vector<16xf32>
        %swap3A_891 = vector.shape_cast %add3A_886 : vector<16xf32> to vector<1x16xf32>
        tpu.vector_store %arg11[%swap3A_887, %swap3A_888], %swap3A_891 {strides = array<i32>} : memref<200x128xf32, #tpu.memory_space<vmem>>, vector<1x16xf32>,
        %mul3A_892 = arith.constant 2 : i32
        %mul3A_893 = arith.muli %scan3A_697, %mul3A_892 : i32
        %add3A_894 = arith.constant 1 : i32
        %add3A_895 = arith.addi %mul3A_893, %add3A_894 : i32
        %get3A_896 = arith.index_cast %add3A_895 : i32 to index
        %get3A_897 = arith.constant 0 : index
        %get3A_898 = tpu.vector_load %arg8[%get3A_896, %get3A_897] {strides = array<i32>} : memref<200x128xf32, #tpu.memory_space<vmem>>, vector<1x16xf32>,
        %get3A_899 = vector.shape_cast %get3A_898 : vector<1x16xf32> to vector<16xf32>
        %get3A_900 = arith.index_cast %add3A_895 : i32 to index
        %get3A_901 = arith.constant 0 : index
        %get3A_902 = tpu.vector_load %arg9[%get3A_900, %get3A_901] {strides = array<i32>} : memref<200x128xf32, #tpu.memory_space<vmem>>, vector<1x16xf32>,
        %get3A_903 = vector.shape_cast %get3A_902 : vector<1x16xf32> to vector<16xf32>
        %add3A_904 = arith.addf %get3A_903, %get3A_899 : vector<16xf32>
        %swap3A_905 = arith.index_cast %add3A_895 : i32 to index
        %swap3A_906 = arith.constant 0 : index
        %swap3A_907 = tpu.vector_load %arg9[%swap3A_905, %swap3A_906] {strides = array<i32>} : memref<200x128xf32, #tpu.memory_space<vmem>>, vector<1x16xf32>,
        %swap3A_908 = vector.shape_cast %swap3A_907 : vector<1x16xf32> to vector<16xf32>
        %swap3A_909 = vector.shape_cast %add3A_904 : vector<16xf32> to vector<1x16xf32>
        tpu.vector_store %arg9[%swap3A_905, %swap3A_906], %swap3A_909 {strides = array<i32>} : memref<200x128xf32, #tpu.memory_space<vmem>>, vector<1x16xf32>,
        %get3A_910 = arith.index_cast %add3A_895 : i32 to index
        %get3A_911 = arith.constant 0 : index
        %get3A_912 = tpu.vector_load %arg11[%get3A_910, %get3A_911] {strides = array<i32>} : memref<200x128xf32, #tpu.memory_space<vmem>>, vector<1x16xf32>,
        %get3A_913 = vector.shape_cast %get3A_912 : vector<1x16xf32> to vector<16xf32>
        %add3A_914 = arith.addf %get3A_913, %get3A_899 : vector<16xf32>
        %swap3A_915 = arith.index_cast %add3A_895 : i32 to index
        %swap3A_916 = arith.constant 0 : index
        %swap3A_917 = tpu.vector_load %arg11[%swap3A_915, %swap3A_916] {strides = array<i32>} : memref<200x128xf32, #tpu.memory_space<vmem>>, vector<1x16xf32>,
        %swap3A_918 = vector.shape_cast %swap3A_917 : vector<1x16xf32> to vector<16xf32>
        %swap3A_919 = vector.shape_cast %add3A_914 : vector<16xf32> to vector<1x16xf32>
        tpu.vector_store %arg11[%swap3A_915, %swap3A_916], %swap3A_919 {strides = array<i32>} : memref<200x128xf32, #tpu.memory_space<vmem>>, vector<1x16xf32>,
        %get3A_920 = arith.index_cast %add3A_895 : i32 to index
        %get3A_921 = arith.constant 16 : index
        %get3A_922 = tpu.vector_load %arg8[%get3A_920, %get3A_921] {strides = array<i32>} : memref<200x128xf32, #tpu.memory_space<vmem>>, vector<1x16xf32>,
        %get3A_923 = vector.shape_cast %get3A_922 : vector<1x16xf32> to vector<16xf32>
        %get3A_924 = arith.index_cast %add3A_895 : i32 to index
        %get3A_925 = arith.constant 16 : index
        %get3A_926 = tpu.vector_load %arg9[%get3A_924, %get3A_925] {strides = array<i32>} : memref<200x128xf32, #tpu.memory_space<vmem>>, vector<1x16xf32>,
        %get3A_927 = vector.shape_cast %get3A_926 : vector<1x16xf32> to vector<16xf32>
        %add3A_928 = arith.addf %get3A_927, %get3A_923 : vector<16xf32>
        %swap3A_929 = arith.index_cast %add3A_895 : i32 to index
        %swap3A_930 = arith.constant 16 : index
        %swap3A_931 = tpu.vector_load %arg9[%swap3A_929, %swap3A_930] {strides = array<i32>} : memref<200x128xf32, #tpu.memory_space<vmem>>, vector<1x16xf32>,
        %swap3A_932 = vector.shape_cast %swap3A_931 : vector<1x16xf32> to vector<16xf32>
        %swap3A_933 = vector.shape_cast %add3A_928 : vector<16xf32> to vector<1x16xf32>
        tpu.vector_store %arg9[%swap3A_929, %swap3A_930], %swap3A_933 {strides = array<i32>} : memref<200x128xf32, #tpu.memory_space<vmem>>, vector<1x16xf32>,
        %get3A_934 = arith.index_cast %add3A_895 : i32 to index
        %get3A_935 = arith.constant 16 : index
        %get3A_936 = tpu.vector_load %arg11[%get3A_934, %get3A_935] {strides = array<i32>} : memref<200x128xf32, #tpu.memory_space<vmem>>, vector<1x16xf32>,
        %get3A_937 = vector.shape_cast %get3A_936 : vector<1x16xf32> to vector<16xf32>
        %add3A_938 = arith.addf %get3A_937, %get3A_923 : vector<16xf32>
        %swap3A_939 = arith.index_cast %add3A_895 : i32 to index
        %swap3A_940 = arith.constant 16 : index
        %swap3A_941 = tpu.vector_load %arg11[%swap3A_939, %swap3A_940] {strides = array<i32>} : memref<200x128xf32, #tpu.memory_space<vmem>>, vector<1x16xf32>,
        %swap3A_942 = vector.shape_cast %swap3A_941 : vector<1x16xf32> to vector<16xf32>
        %swap3A_943 = vector.shape_cast %add3A_938 : vector<16xf32> to vector<1x16xf32>
        tpu.vector_store %arg11[%swap3A_939, %swap3A_940], %swap3A_943 {strides = array<i32>} : memref<200x128xf32, #tpu.memory_space<vmem>>, vector<1x16xf32>,
        %get3A_944 = arith.index_cast %add3A_895 : i32 to index
        %get3A_945 = arith.constant 32 : index
        %get3A_946 = tpu.vector_load %arg8[%get3A_944, %get3A_945] {strides = array<i32>} : memref<200x128xf32, #tpu.memory_space<vmem>>, vector<1x16xf32>,
        %get3A_947 = vector.shape_cast %get3A_946 : vector<1x16xf32> to vector<16xf32>
        %get3A_948 = arith.index_cast %add3A_895 : i32 to index
        %get3A_949 = arith.constant 32 : index
        %get3A_950 = tpu.vector_load %arg9[%get3A_948, %get3A_949] {strides = array<i32>} : memref<200x128xf32, #tpu.memory_space<vmem>>, vector<1x16xf32>,
        %get3A_951 = vector.shape_cast %get3A_950 : vector<1x16xf32> to vector<16xf32>
        %add3A_952 = arith.addf %get3A_951, %get3A_947 : vector<16xf32>
        %swap3A_953 = arith.index_cast %add3A_895 : i32 to index
        %swap3A_954 = arith.constant 32 : index
        %swap3A_955 = tpu.vector_load %arg9[%swap3A_953, %swap3A_954] {strides = array<i32>} : memref<200x128xf32, #tpu.memory_space<vmem>>, vector<1x16xf32>,
        %swap3A_956 = vector.shape_cast %swap3A_955 : vector<1x16xf32> to vector<16xf32>
        %swap3A_957 = vector.shape_cast %add3A_952 : vector<16xf32> to vector<1x16xf32>
        tpu.vector_store %arg9[%swap3A_953, %swap3A_954], %swap3A_957 {strides = array<i32>} : memref<200x128xf32, #tpu.memory_space<vmem>>, vector<1x16xf32>,
        %get3A_958 = arith.index_cast %add3A_895 : i32 to index
        %get3A_959 = arith.constant 32 : index
        %get3A_960 = tpu.vector_load %arg11[%get3A_958, %get3A_959] {strides = array<i32>} : memref<200x128xf32, #tpu.memory_space<vmem>>, vector<1x16xf32>,
        %get3A_961 = vector.shape_cast %get3A_960 : vector<1x16xf32> to vector<16xf32>
        %add3A_962 = arith.addf %get3A_961, %get3A_947 : vector<16xf32>
        %swap3A_963 = arith.index_cast %add3A_895 : i32 to index
        %swap3A_964 = arith.constant 32 : index
        %swap3A_965 = tpu.vector_load %arg11[%swap3A_963, %swap3A_964] {strides = array<i32>} : memref<200x128xf32, #tpu.memory_space<vmem>>, vector<1x16xf32>,
        %swap3A_966 = vector.shape_cast %swap3A_965 : vector<1x16xf32> to vector<16xf32>
        %swap3A_967 = vector.shape_cast %add3A_962 : vector<16xf32> to vector<1x16xf32>
        tpu.vector_store %arg11[%swap3A_963, %swap3A_964], %swap3A_967 {strides = array<i32>} : memref<200x128xf32, #tpu.memory_space<vmem>>, vector<1x16xf32>,
        %get3A_968 = arith.index_cast %add3A_895 : i32 to index
        %get3A_969 = arith.constant 48 : index
        %get3A_970 = tpu.vector_load %arg8[%get3A_968, %get3A_969] {strides = array<i32>} : memref<200x128xf32, #tpu.memory_space<vmem>>, vector<1x16xf32>,
        %get3A_971 = vector.shape_cast %get3A_970 : vector<1x16xf32> to vector<16xf32>
        %get3A_972 = arith.index_cast %add3A_895 : i32 to index
        %get3A_973 = arith.constant 48 : index
        %get3A_974 = tpu.vector_load %arg9[%get3A_972, %get3A_973] {strides = array<i32>} : memref<200x128xf32, #tpu.memory_space<vmem>>, vector<1x16xf32>,
        %get3A_975 = vector.shape_cast %get3A_974 : vector<1x16xf32> to vector<16xf32>
        %add3A_976 = arith.addf %get3A_975, %get3A_971 : vector<16xf32>
        %swap3A_977 = arith.index_cast %add3A_895 : i32 to index
        %swap3A_978 = arith.constant 48 : index
        %swap3A_979 = tpu.vector_load %arg9[%swap3A_977, %swap3A_978] {strides = array<i32>} : memref<200x128xf32, #tpu.memory_space<vmem>>, vector<1x16xf32>,
        %swap3A_980 = vector.shape_cast %swap3A_979 : vector<1x16xf32> to vector<16xf32>
        %swap3A_981 = vector.shape_cast %add3A_976 : vector<16xf32> to vector<1x16xf32>
        tpu.vector_store %arg9[%swap3A_977, %swap3A_978], %swap3A_981 {strides = array<i32>} : memref<200x128xf32, #tpu.memory_space<vmem>>, vector<1x16xf32>,
        %get3A_982 = arith.index_cast %add3A_895 : i32 to index
        %get3A_983 = arith.constant 48 : index
        %get3A_984 = tpu.vector_load %arg11[%get3A_982, %get3A_983] {strides = array<i32>} : memref<200x128xf32, #tpu.memory_space<vmem>>, vector<1x16xf32>,
        %get3A_985 = vector.shape_cast %get3A_984 : vector<1x16xf32> to vector<16xf32>
        %add3A_986 = arith.addf %get3A_985, %get3A_971 : vector<16xf32>
        %swap3A_987 = arith.index_cast %add3A_895 : i32 to index
        %swap3A_988 = arith.constant 48 : index
        %swap3A_989 = tpu.vector_load %arg11[%swap3A_987, %swap3A_988] {strides = array<i32>} : memref<200x128xf32, #tpu.memory_space<vmem>>, vector<1x16xf32>,
        %swap3A_990 = vector.shape_cast %swap3A_989 : vector<1x16xf32> to vector<16xf32>
        %swap3A_991 = vector.shape_cast %add3A_986 : vector<16xf32> to vector<1x16xf32>
        tpu.vector_store %arg11[%swap3A_987, %swap3A_988], %swap3A_991 {strides = array<i32>} : memref<200x128xf32, #tpu.memory_space<vmem>>, vector<1x16xf32>,
        %get3A_992 = arith.index_cast %add3A_895 : i32 to index
        %get3A_993 = arith.constant 64 : index
        %get3A_994 = tpu.vector_load %arg8[%get3A_992, %get3A_993] {strides = array<i32>} : memref<200x128xf32, #tpu.memory_space<vmem>>, vector<1x16xf32>,
        %get3A_995 = vector.shape_cast %get3A_994 : vector<1x16xf32> to vector<16xf32>
        %get3A_996 = arith.index_cast %add3A_895 : i32 to index
        %get3A_997 = arith.constant 64 : index
        %get3A_998 = tpu.vector_load %arg9[%get3A_996, %get3A_997] {strides = array<i32>} : memref<200x128xf32, #tpu.memory_space<vmem>>, vector<1x16xf32>,
        %get3A_999 = vector.shape_cast %get3A_998 : vector<1x16xf32> to vector<16xf32>
        %add3A_1000 = arith.addf %get3A_999, %get3A_995 : vector<16xf32>
        %swap3A_1001 = arith.index_cast %add3A_895 : i32 to index
        %swap3A_1002 = arith.constant 64 : index
        %swap3A_1003 = tpu.vector_load %arg9[%swap3A_1001, %swap3A_1002] {strides = array<i32>} : memref<200x128xf32, #tpu.memory_space<vmem>>, vector<1x16xf32>,
        %swap3A_1004 = vector.shape_cast %swap3A_1003 : vector<1x16xf32> to vector<16xf32>
        %swap3A_1005 = vector.shape_cast %add3A_1000 : vector<16xf32> to vector<1x16xf32>
        tpu.vector_store %arg9[%swap3A_1001, %swap3A_1002], %swap3A_1005 {strides = array<i32>} : memref<200x128xf32, #tpu.memory_space<vmem>>, vector<1x16xf32>,
        %get3A_1006 = arith.index_cast %add3A_895 : i32 to index
        %get3A_1007 = arith.constant 64 : index
        %get3A_1008 = tpu.vector_load %arg11[%get3A_1006, %get3A_1007] {strides = array<i32>} : memref<200x128xf32, #tpu.memory_space<vmem>>, vector<1x16xf32>,
        %get3A_1009 = vector.shape_cast %get3A_1008 : vector<1x16xf32> to vector<16xf32>
        %add3A_1010 = arith.addf %get3A_1009, %get3A_995 : vector<16xf32>
        %swap3A_1011 = arith.index_cast %add3A_895 : i32 to index
        %swap3A_1012 = arith.constant 64 : index
        %swap3A_1013 = tpu.vector_load %arg11[%swap3A_1011, %swap3A_1012] {strides = array<i32>} : memref<200x128xf32, #tpu.memory_space<vmem>>, vector<1x16xf32>,
        %swap3A_1014 = vector.shape_cast %swap3A_1013 : vector<1x16xf32> to vector<16xf32>
        %swap3A_1015 = vector.shape_cast %add3A_1010 : vector<16xf32> to vector<1x16xf32>
        tpu.vector_store %arg11[%swap3A_1011, %swap3A_1012], %swap3A_1015 {strides = array<i32>} : memref<200x128xf32, #tpu.memory_space<vmem>>, vector<1x16xf32>,
        %get3A_1016 = arith.index_cast %add3A_895 : i32 to index
        %get3A_1017 = arith.constant 80 : index
        %get3A_1018 = tpu.vector_load %arg8[%get3A_1016, %get3A_1017] {strides = array<i32>} : memref<200x128xf32, #tpu.memory_space<vmem>>, vector<1x16xf32>,
        %get3A_1019 = vector.shape_cast %get3A_1018 : vector<1x16xf32> to vector<16xf32>
        %get3A_1020 = arith.index_cast %add3A_895 : i32 to index
        %get3A_1021 = arith.constant 80 : index
        %get3A_1022 = tpu.vector_load %arg9[%get3A_1020, %get3A_1021] {strides = array<i32>} : memref<200x128xf32, #tpu.memory_space<vmem>>, vector<1x16xf32>,
        %get3A_1023 = vector.shape_cast %get3A_1022 : vector<1x16xf32> to vector<16xf32>
        %add3A_1024 = arith.addf %get3A_1023, %get3A_1019 : vector<16xf32>
        %swap3A_1025 = arith.index_cast %add3A_895 : i32 to index
        %swap3A_1026 = arith.constant 80 : index
        %swap3A_1027 = tpu.vector_load %arg9[%swap3A_1025, %swap3A_1026] {strides = array<i32>} : memref<200x128xf32, #tpu.memory_space<vmem>>, vector<1x16xf32>,
        %swap3A_1028 = vector.shape_cast %swap3A_1027 : vector<1x16xf32> to vector<16xf32>
        %swap3A_1029 = vector.shape_cast %add3A_1024 : vector<16xf32> to vector<1x16xf32>
        tpu.vector_store %arg9[%swap3A_1025, %swap3A_1026], %swap3A_1029 {strides = array<i32>} : memref<200x128xf32, #tpu.memory_space<vmem>>, vector<1x16xf32>,
        %get3A_1030 = arith.index_cast %add3A_895 : i32 to index
        %get3A_1031 = arith.constant 80 : index
        %get3A_1032 = tpu.vector_load %arg11[%get3A_1030, %get3A_1031] {strides = array<i32>} : memref<200x128xf32, #tpu.memory_space<vmem>>, vector<1x16xf32>,
        %get3A_1033 = vector.shape_cast %get3A_1032 : vector<1x16xf32> to vector<16xf32>
        %add3A_1034 = arith.addf %get3A_1033, %get3A_1019 : vector<16xf32>
        %swap3A_1035 = arith.index_cast %add3A_895 : i32 to index
        %swap3A_1036 = arith.constant 80 : index
        %swap3A_1037 = tpu.vector_load %arg11[%swap3A_1035, %swap3A_1036] {strides = array<i32>} : memref<200x128xf32, #tpu.memory_space<vmem>>, vector<1x16xf32>,
        %swap3A_1038 = vector.shape_cast %swap3A_1037 : vector<1x16xf32> to vector<16xf32>
        %swap3A_1039 = vector.shape_cast %add3A_1034 : vector<16xf32> to vector<1x16xf32>
        tpu.vector_store %arg11[%swap3A_1035, %swap3A_1036], %swap3A_1039 {strides = array<i32>} : memref<200x128xf32, #tpu.memory_space<vmem>>, vector<1x16xf32>,
        %get3A_1040 = arith.index_cast %add3A_895 : i32 to index
        %get3A_1041 = arith.constant 96 : index
        %get3A_1042 = tpu.vector_load %arg8[%get3A_1040, %get3A_1041] {strides = array<i32>} : memref<200x128xf32, #tpu.memory_space<vmem>>, vector<1x16xf32>,
        %get3A_1043 = vector.shape_cast %get3A_1042 : vector<1x16xf32> to vector<16xf32>
        %get3A_1044 = arith.index_cast %add3A_895 : i32 to index
        %get3A_1045 = arith.constant 96 : index
        %get3A_1046 = tpu.vector_load %arg9[%get3A_1044, %get3A_1045] {strides = array<i32>} : memref<200x128xf32, #tpu.memory_space<vmem>>, vector<1x16xf32>,
        %get3A_1047 = vector.shape_cast %get3A_1046 : vector<1x16xf32> to vector<16xf32>
        %add3A_1048 = arith.addf %get3A_1047, %get3A_1043 : vector<16xf32>
        %swap3A_1049 = arith.index_cast %add3A_895 : i32 to index
        %swap3A_1050 = arith.constant 96 : index
        %swap3A_1051 = tpu.vector_load %arg9[%swap3A_1049, %swap3A_1050] {strides = array<i32>} : memref<200x128xf32, #tpu.memory_space<vmem>>, vector<1x16xf32>,
        %swap3A_1052 = vector.shape_cast %swap3A_1051 : vector<1x16xf32> to vector<16xf32>
        %swap3A_1053 = vector.shape_cast %add3A_1048 : vector<16xf32> to vector<1x16xf32>
        tpu.vector_store %arg9[%swap3A_1049, %swap3A_1050], %swap3A_1053 {strides = array<i32>} : memref<200x128xf32, #tpu.memory_space<vmem>>, vector<1x16xf32>,
        %get3A_1054 = arith.index_cast %add3A_895 : i32 to index
        %get3A_1055 = arith.constant 96 : index
        %get3A_1056 = tpu.vector_load %arg11[%get3A_1054, %get3A_1055] {strides = array<i32>} : memref<200x128xf32, #tpu.memory_space<vmem>>, vector<1x16xf32>,
        %get3A_1057 = vector.shape_cast %get3A_1056 : vector<1x16xf32> to vector<16xf32>
        %add3A_1058 = arith.addf %get3A_1057, %get3A_1043 : vector<16xf32>
        %swap3A_1059 = arith.index_cast %add3A_895 : i32 to index
        %swap3A_1060 = arith.constant 96 : index
        %swap3A_1061 = tpu.vector_load %arg11[%swap3A_1059, %swap3A_1060] {strides = array<i32>} : memref<200x128xf32, #tpu.memory_space<vmem>>, vector<1x16xf32>,
        %swap3A_1062 = vector.shape_cast %swap3A_1061 : vector<1x16xf32> to vector<16xf32>
        %swap3A_1063 = vector.shape_cast %add3A_1058 : vector<16xf32> to vector<1x16xf32>
        tpu.vector_store %arg11[%swap3A_1059, %swap3A_1060], %swap3A_1063 {strides = array<i32>} : memref<200x128xf32, #tpu.memory_space<vmem>>, vector<1x16xf32>,
        %get3A_1064 = arith.index_cast %add3A_895 : i32 to index
        %get3A_1065 = arith.constant 112 : index
        %get3A_1066 = tpu.vector_load %arg8[%get3A_1064, %get3A_1065] {strides = array<i32>} : memref<200x128xf32, #tpu.memory_space<vmem>>, vector<1x16xf32>,
        %get3A_1067 = vector.shape_cast %get3A_1066 : vector<1x16xf32> to vector<16xf32>
        %get3A_1068 = arith.index_cast %add3A_895 : i32 to index
        %get3A_1069 = arith.constant 112 : index
        %get3A_1070 = tpu.vector_load %arg9[%get3A_1068, %get3A_1069] {strides = array<i32>} : memref<200x128xf32, #tpu.memory_space<vmem>>, vector<1x16xf32>,
        %get3A_1071 = vector.shape_cast %get3A_1070 : vector<1x16xf32> to vector<16xf32>
        %add3A_1072 = arith.addf %get3A_1071, %get3A_1067 : vector<16xf32>
        %swap3A_1073 = arith.index_cast %add3A_895 : i32 to index
        %swap3A_1074 = arith.constant 112 : index
        %swap3A_1075 = tpu.vector_load %arg9[%swap3A_1073, %swap3A_1074] {strides = array<i32>} : memref<200x128xf32, #tpu.memory_space<vmem>>, vector<1x16xf32>,
        %swap3A_1076 = vector.shape_cast %swap3A_1075 : vector<1x16xf32> to vector<16xf32>
        %swap3A_1077 = vector.shape_cast %add3A_1072 : vector<16xf32> to vector<1x16xf32>
        tpu.vector_store %arg9[%swap3A_1073, %swap3A_1074], %swap3A_1077 {strides = array<i32>} : memref<200x128xf32, #tpu.memory_space<vmem>>, vector<1x16xf32>,
        %get3A_1078 = arith.index_cast %add3A_895 : i32 to index
        %get3A_1079 = arith.constant 112 : index
        %get3A_1080 = tpu.vector_load %arg11[%get3A_1078, %get3A_1079] {strides = array<i32>} : memref<200x128xf32, #tpu.memory_space<vmem>>, vector<1x16xf32>,
        %get3A_1081 = vector.shape_cast %get3A_1080 : vector<1x16xf32> to vector<16xf32>
        %add3A_1082 = arith.addf %get3A_1081, %get3A_1067 : vector<16xf32>
        %swap3A_1083 = arith.index_cast %add3A_895 : i32 to index
        %swap3A_1084 = arith.constant 112 : index
        %swap3A_1085 = tpu.vector_load %arg11[%swap3A_1083, %swap3A_1084] {strides = array<i32>} : memref<200x128xf32, #tpu.memory_space<vmem>>, vector<1x16xf32>,
        %swap3A_1086 = vector.shape_cast %swap3A_1085 : vector<1x16xf32> to vector<16xf32>
        %swap3A_1087 = vector.shape_cast %add3A_1082 : vector<16xf32> to vector<1x16xf32>
        tpu.vector_store %arg11[%swap3A_1083, %swap3A_1084], %swap3A_1087 {strides = array<i32>} : memref<200x128xf32, #tpu.memory_space<vmem>>, vector<1x16xf32>,
      }
      %scan3A_636 = arith.constant 100 : i32
      %mul3A_637 = arith.constant 200 : i32
      %mul3A_638 = arith.muli %add3A_566, %mul3A_637 : i32
      %add3A_639 = arith.addi %mul3A_2, %mul3A_638 : i32
      %dma_start3A_640 = arith.constant 0 : i32
      %dma_start3A_641 = tpu.memref_slice %arg6[%add3A_639, %dma_start3A_640] : memref<204800x256xf32, #tpu.memory_space<hbm>> -> memref<200x128xf32, #tpu.memory_space<hbm>>
      %dma_start3A_642 = arith.constant 0 : i32
      %dma_start3A_643 = tpu.memref_slice %arg6[%add3A_639, %dma_start3A_642] : memref<204800x256xf32, #tpu.memory_space<hbm>> -> memref<200x128xf32, #tpu.memory_space<hbm>>
      tpu.enqueue_dma source(%arg9 : memref<200x128xf32, #tpu.memory_space<vmem>>) target(%dma_start3A_643 : memref<200x128xf32, #tpu.memory_space<hbm>>) target_semaphore(%arg17 : memref<!tpu.dma_semaphore, #tpu.memory_space<semaphore_mem>>)
      %dma_start3A_644 = arith.constant 128 : i32
      %dma_start3A_645 = tpu.memref_slice %arg6[%add3A_639, %dma_start3A_644] : memref<204800x256xf32, #tpu.memory_space<hbm>> -> memref<200x128xf32, #tpu.memory_space<hbm>>
      %dma_start3A_646 = arith.constant 128 : i32
      %dma_start3A_647 = tpu.memref_slice %arg6[%add3A_639, %dma_start3A_646] : memref<204800x256xf32, #tpu.memory_space<hbm>> -> memref<200x128xf32, #tpu.memory_space<hbm>>
      tpu.enqueue_dma source(%arg11 : memref<200x128xf32, #tpu.memory_space<vmem>>) target(%dma_start3A_647 : memref<200x128xf32, #tpu.memory_space<hbm>>) target_semaphore(%arg17 : memref<!tpu.dma_semaphore, #tpu.memory_space<semaphore_mem>>)
      %mul3A_648 = arith.constant 8 : i32
      %mul3A_649 = arith.muli %scan3A_62, %mul3A_648 : i32
      %add3A_650 = arith.constant 7 : i32
      %add3A_651 = arith.addi %mul3A_649, %add3A_650 : i32
      %dma_wait3A_652 = arith.constant 0 : i32
      %dma_wait3A_653 = arith.constant 0 : i32
      %dma_wait3A_654 = tpu.memref_slice %arg6[%dma_wait3A_652, %dma_wait3A_653] : memref<204800x256xf32, #tpu.memory_space<hbm>> -> memref<200x128xf32, #tpu.memory_space<hbm>>
      %dma_wait3A_655 = arith.constant 0 : i32
      %dma_wait3A_656 = arith.constant 0 : i32
      %dma_wait3A_657 = tpu.memref_slice %arg6[%dma_wait3A_655, %dma_wait3A_656] : memref<204800x256xf32, #tpu.memory_space<hbm>> -> memref<200x128xf32, #tpu.memory_space<hbm>>
      tpu.wait_dma2 semaphore(%arg17 : memref<!tpu.dma_semaphore, #tpu.memory_space<semaphore_mem>>) src(%arg9 : memref<200x128xf32, #tpu.memory_space<vmem>>) dst(%dma_wait3A_657 : memref<200x128xf32, #tpu.memory_space<hbm>>)
      %dma_wait3A_658 = arith.constant 0 : i32
      %dma_wait3A_659 = arith.constant 128 : i32
      %dma_wait3A_660 = tpu.memref_slice %arg6[%dma_wait3A_658, %dma_wait3A_659] : memref<204800x256xf32, #tpu.memory_space<hbm>> -> memref<200x128xf32, #tpu.memory_space<hbm>>
      %dma_wait3A_661 = arith.constant 0 : i32
      %dma_wait3A_662 = arith.constant 128 : i32
      %dma_wait3A_663 = tpu.memref_slice %arg6[%dma_wait3A_661, %dma_wait3A_662] : memref<204800x256xf32, #tpu.memory_space<hbm>> -> memref<200x128xf32, #tpu.memory_space<hbm>>
      tpu.wait_dma2 semaphore(%arg17 : memref<!tpu.dma_semaphore, #tpu.memory_space<semaphore_mem>>) src(%arg11 : memref<200x128xf32, #tpu.memory_space<vmem>>) dst(%dma_wait3A_663 : memref<200x128xf32, #tpu.memory_space<hbm>>)
      %dma_wait3A_664 = arith.constant 0 : i32
      %dma_wait3A_665 = arith.constant 0 : i32
      %dma_wait3A_666 = tpu.memref_slice %arg3[%dma_wait3A_664, %dma_wait3A_665] : memref<100000x128xf32, #tpu.memory_space<hbm>> -> memref<200x128xf32, #tpu.memory_space<hbm>>
      %dma_wait3A_667 = arith.constant 0 : i32
      %dma_wait3A_668 = arith.constant 0 : i32
      %dma_wait3A_669 = tpu.memref_slice %arg3[%dma_wait3A_667, %dma_wait3A_668] : memref<100000x128xf32, #tpu.memory_space<hbm>> -> memref<200x128xf32, #tpu.memory_space<hbm>>
      tpu.wait_dma2 semaphore(%arg14 : memref<!tpu.dma_semaphore, #tpu.memory_space<semaphore_mem>>) src(%dma_wait3A_669 : memref<200x128xf32, #tpu.memory_space<hbm>>) dst(%arg10 : memref<200x128xf32, #tpu.memory_space<vmem>>)
      %dma_wait3A_670 = arith.constant 0 : i32
      %dma_wait3A_671 = arith.constant 0 : i32
      %dma_wait3A_672 = tpu.memref_slice %arg4[%dma_wait3A_670, %dma_wait3A_671] : memref<100000x128xf32, #tpu.memory_space<hbm>> -> memref<200x128xf32, #tpu.memory_space<hbm>>
      %dma_wait3A_673 = arith.constant 0 : i32
      %dma_wait3A_674 = arith.constant 0 : i32
      %dma_wait3A_675 = tpu.memref_slice %arg4[%dma_wait3A_673, %dma_wait3A_674] : memref<100000x128xf32, #tpu.memory_space<hbm>> -> memref<200x128xf32, #tpu.memory_space<hbm>>
      tpu.wait_dma2 semaphore(%arg16 : memref<!tpu.dma_semaphore, #tpu.memory_space<semaphore_mem>>) src(%dma_wait3A_675 : memref<200x128xf32, #tpu.memory_space<hbm>>) dst(%arg12 : memref<200x128xf32, #tpu.memory_space<vmem>>)
      %lt3A = arith.constant 3 : i32
      %lt3A_676 = arith.cmpi slt, %scan3A_62, %lt3A : i32
      %convert_element_type3A_677 = arith.extui %lt3A_676 : i1 to i32
      %cond3A_678 = arith.constant 0 : i32
      %cond3A_679 = arith.cmpi ne, %convert_element_type3A_677, %cond3A_678 : i32
      scf.if %cond3A_679 {
        %add3A_697 = arith.constant 1 : i32
        %add3A_698 = arith.addi %scan3A_62, %add3A_697 : i32
        %mul3A_699 = arith.constant 64 : i32
        %mul3A_700 = arith.muli %add3A, %mul3A_699 : i32
        %mul3A_701 = arith.constant 16 : i32
        %mul3A_702 = arith.muli %add3A_698, %mul3A_701 : i32
        %add3A_703 = arith.addi %mul3A_700, %mul3A_702 : i32
        "tpu.region"() ({
          %run_scoped3A = tpu.sem_alloc : memref<!tpu.dma_semaphore, #tpu.memory_space<semaphore_mem>>
          %dma_start3A_744 = arith.constant 0 : i32
          %dma_start3A_745 = tpu.memref_slice %arg2[%add3A_703, %dma_start3A_744] : memref<2048x100xi32, #tpu.memory_space<hbm>> -> memref<16x100xi32, #tpu.memory_space<hbm>>
          %dma_start3A_746 = arith.constant 0 : i32
          %dma_start3A_747 = tpu.memref_slice %arg2[%add3A_703, %dma_start3A_746] : memref<2048x100xi32, #tpu.memory_space<hbm>> -> memref<16x100xi32, #tpu.memory_space<hbm>>
          tpu.enqueue_dma source(%dma_start3A_747 : memref<16x100xi32, #tpu.memory_space<hbm>>) target(%arg7 : memref<16x100xi32, #tpu.memory_space<vmem>>) target_semaphore(%run_scoped3A : memref<!tpu.dma_semaphore, #tpu.memory_space<semaphore_mem>>)
          %dma_wait3A_748 = arith.constant 0 : i32
          %dma_wait3A_749 = tpu.memref_slice %arg2[%add3A_703, %dma_wait3A_748] : memref<2048x100xi32, #tpu.memory_space<hbm>> -> memref<16x100xi32, #tpu.memory_space<hbm>>
          %dma_wait3A_750 = arith.constant 0 : i32
          %dma_wait3A_751 = tpu.memref_slice %arg2[%add3A_703, %dma_wait3A_750] : memref<2048x100xi32, #tpu.memory_space<hbm>> -> memref<16x100xi32, #tpu.memory_space<hbm>>
          tpu.wait_dma2 semaphore(%run_scoped3A : memref<!tpu.dma_semaphore, #tpu.memory_space<semaphore_mem>>) src(%dma_wait3A_751 : memref<16x100xi32, #tpu.memory_space<hbm>>) dst(%arg7 : memref<16x100xi32, #tpu.memory_space<vmem>>)
          tpu.yield
        }) : () -> ()
        %dma_start3A_704 = arith.constant 0 : i32
        %dma_start3A_705 = arith.constant 0 : i32
        %dma_start3A_706 = arith.constant 0 : i32
        %dma_start3A_707 = tpu.memref_slice %arg9[%dma_start3A_705, %dma_start3A_706] : memref<200x128xf32, #tpu.memory_space<vmem>> -> memref<100x128xf32, #tpu.memory_space<vmem>>
        %dma_start3A_708 = arith.constant 0 : i32
        %dma_start3A_709 = tpu.memref_slice %arg7[%dma_start3A_704, %dma_start3A_708] : memref<16x100xi32, #tpu.memory_space<vmem>> -> memref<1x100xi32, #tpu.memory_space<vmem>>
        %dma_start3A_710 = tpu.memref_squeeze %dma_start3A_709 : memref<1x100xi32, #tpu.memory_space<vmem>> -> memref<100xi32, #tpu.memory_space<vmem>>
        %dma_start3A_711 = arith.constant 0 : i32
        %dma_start3A_712 = arith.constant 0 : i32
        %dma_start3A_713 = tpu.memref_slice %arg3[%dma_start3A_711, %dma_start3A_712] : memref<100000x128xf32, #tpu.memory_space<hbm>> -> memref<100000x128xf32, #tpu.memory_space<hbm>>
        tpu.enqueue_indirect_dma source(%dma_start3A_713 : memref<100000x128xf32, #tpu.memory_space<hbm>>) target(%dma_start3A_707 : memref<100x128xf32, #tpu.memory_space<vmem>>) offsets(%dma_start3A_710 : memref<100xi32, #tpu.memory_space<vmem>>) semaphore(%arg13 : memref<!tpu.dma_semaphore, #tpu.memory_space<semaphore_mem>>)
        %dma_start3A_714 = arith.constant 1 : i32
        %dma_start3A_715 = arith.constant 100 : i32
        %dma_start3A_716 = arith.constant 0 : i32
        %dma_start3A_717 = tpu.memref_slice %arg9[%dma_start3A_715, %dma_start3A_716] : memref<200x128xf32, #tpu.memory_space<vmem>> -> memref<100x128xf32, #tpu.memory_space<vmem>>
        %dma_start3A_718 = arith.constant 0 : i32
        %dma_start3A_719 = tpu.memref_slice %arg7[%dma_start3A_714, %dma_start3A_718] : memref<16x100xi32, #tpu.memory_space<vmem>> -> memref<1x100xi32, #tpu.memory_space<vmem>>
        %dma_start3A_720 = tpu.memref_squeeze %dma_start3A_719 : memref<1x100xi32, #tpu.memory_space<vmem>> -> memref<100xi32, #tpu.memory_space<vmem>>
        %dma_start3A_721 = arith.constant 0 : i32
        %dma_start3A_722 = arith.constant 0 : i32
        %dma_start3A_723 = tpu.memref_slice %arg3[%dma_start3A_721, %dma_start3A_722] : memref<100000x128xf32, #tpu.memory_space<hbm>> -> memref<100000x128xf32, #tpu.memory_space<hbm>>
        tpu.enqueue_indirect_dma source(%dma_start3A_723 : memref<100000x128xf32, #tpu.memory_space<hbm>>) target(%dma_start3A_717 : memref<100x128xf32, #tpu.memory_space<vmem>>) offsets(%dma_start3A_720 : memref<100xi32, #tpu.memory_space<vmem>>) semaphore(%arg13 : memref<!tpu.dma_semaphore, #tpu.memory_space<semaphore_mem>>)
        %dma_start3A_724 = arith.constant 0 : i32
        %dma_start3A_725 = arith.constant 0 : i32
        %dma_start3A_726 = arith.constant 0 : i32
        %dma_start3A_727 = tpu.memref_slice %arg11[%dma_start3A_725, %dma_start3A_726] : memref<200x128xf32, #tpu.memory_space<vmem>> -> memref<100x128xf32, #tpu.memory_space<vmem>>
        %dma_start3A_728 = arith.constant 0 : i32
        %dma_start3A_729 = tpu.memref_slice %arg7[%dma_start3A_724, %dma_start3A_728] : memref<16x100xi32, #tpu.memory_space<vmem>> -> memref<1x100xi32, #tpu.memory_space<vmem>>
        %dma_start3A_730 = tpu.memref_squeeze %dma_start3A_729 : memref<1x100xi32, #tpu.memory_space<vmem>> -> memref<100xi32, #tpu.memory_space<vmem>>
        %dma_start3A_731 = arith.constant 0 : i32
        %dma_start3A_732 = arith.constant 0 : i32
        %dma_start3A_733 = tpu.memref_slice %arg4[%dma_start3A_731, %dma_start3A_732] : memref<100000x128xf32, #tpu.memory_space<hbm>> -> memref<100000x128xf32, #tpu.memory_space<hbm>>
        tpu.enqueue_indirect_dma source(%dma_start3A_733 : memref<100000x128xf32, #tpu.memory_space<hbm>>) target(%dma_start3A_727 : memref<100x128xf32, #tpu.memory_space<vmem>>) offsets(%dma_start3A_730 : memref<100xi32, #tpu.memory_space<vmem>>) semaphore(%arg15 : memref<!tpu.dma_semaphore, #tpu.memory_space<semaphore_mem>>)
        %dma_start3A_734 = arith.constant 1 : i32
        %dma_start3A_735 = arith.constant 100 : i32
        %dma_start3A_736 = arith.constant 0 : i32
        %dma_start3A_737 = tpu.memref_slice %arg11[%dma_start3A_735, %dma_start3A_736] : memref<200x128xf32, #tpu.memory_space<vmem>> -> memref<100x128xf32, #tpu.memory_space<vmem>>
        %dma_start3A_738 = arith.constant 0 : i32
        %dma_start3A_739 = tpu.memref_slice %arg7[%dma_start3A_734, %dma_start3A_738] : memref<16x100xi32, #tpu.memory_space<vmem>> -> memref<1x100xi32, #tpu.memory_space<vmem>>
        %dma_start3A_740 = tpu.memref_squeeze %dma_start3A_739 : memref<1x100xi32, #tpu.memory_space<vmem>> -> memref<100xi32, #tpu.memory_space<vmem>>
        %dma_start3A_741 = arith.constant 0 : i32
        %dma_start3A_742 = arith.constant 0 : i32
        %dma_start3A_743 = tpu.memref_slice %arg4[%dma_start3A_741, %dma_start3A_742] : memref<100000x128xf32, #tpu.memory_space<hbm>> -> memref<100000x128xf32, #tpu.memory_space<hbm>>
        tpu.enqueue_indirect_dma source(%dma_start3A_743 : memref<100000x128xf32, #tpu.memory_space<hbm>>) target(%dma_start3A_737 : memref<100x128xf32, #tpu.memory_space<vmem>>) offsets(%dma_start3A_740 : memref<100xi32, #tpu.memory_space<vmem>>) semaphore(%arg15 : memref<!tpu.dma_semaphore, #tpu.memory_space<semaphore_mem>>)
      } else {
      }
      %scan3A_680 = arith.constant 0 : i32
      %scan3A_681 = arith.constant 0 : i32
      %scan3A_682 = arith.constant 100 : i32
      %scan3A_683 = arith.addi %scan3A_681, %scan3A_682 : i32
      %scan3A_684 = arith.constant 1 : i32
      scf.for %scan3A_697 = %scan3A_681 to %scan3A_683 step %scan3A_684  : i32 {
        %mul3A_698 = arith.constant 2 : i32
        %mul3A_699 = arith.muli %scan3A_697, %mul3A_698 : i32
        %add3A_700 = arith.constant 0 : i32
        %add3A_701 = arith.addi %mul3A_699, %add3A_700 : i32
        %get3A = arith.index_cast %add3A_701 : i32 to index
        %get3A_702 = arith.constant 0 : index
        %get3A_703 = tpu.vector_load %arg8[%get3A, %get3A_702] {strides = array<i32>} : memref<200x128xf32, #tpu.memory_space<vmem>>, vector<1x16xf32>,
        %get3A_704 = vector.shape_cast %get3A_703 : vector<1x16xf32> to vector<16xf32>
        %get3A_705 = arith.index_cast %add3A_701 : i32 to index
        %get3A_706 = arith.constant 0 : index
        %get3A_707 = tpu.vector_load %arg10[%get3A_705, %get3A_706] {strides = array<i32>} : memref<200x128xf32, #tpu.memory_space<vmem>>, vector<1x16xf32>,
        %get3A_708 = vector.shape_cast %get3A_707 : vector<1x16xf32> to vector<16xf32>
        %add3A_709 = arith.addf %get3A_708, %get3A_704 : vector<16xf32>
        %swap3A = arith.index_cast %add3A_701 : i32 to index
        %swap3A_710 = arith.constant 0 : index
        %swap3A_711 = tpu.vector_load %arg10[%swap3A, %swap3A_710] {strides = array<i32>} : memref<200x128xf32, #tpu.memory_space<vmem>>, vector<1x16xf32>,
        %swap3A_712 = vector.shape_cast %swap3A_711 : vector<1x16xf32> to vector<16xf32>
        %swap3A_713 = vector.shape_cast %add3A_709 : vector<16xf32> to vector<1x16xf32>
        tpu.vector_store %arg10[%swap3A, %swap3A_710], %swap3A_713 {strides = array<i32>} : memref<200x128xf32, #tpu.memory_space<vmem>>, vector<1x16xf32>,
        %get3A_714 = arith.index_cast %add3A_701 : i32 to index
        %get3A_715 = arith.constant 0 : index
        %get3A_716 = tpu.vector_load %arg12[%get3A_714, %get3A_715] {strides = array<i32>} : memref<200x128xf32, #tpu.memory_space<vmem>>, vector<1x16xf32>,
        %get3A_717 = vector.shape_cast %get3A_716 : vector<1x16xf32> to vector<16xf32>
        %add3A_718 = arith.addf %get3A_717, %get3A_704 : vector<16xf32>
        %swap3A_719 = arith.index_cast %add3A_701 : i32 to index
        %swap3A_720 = arith.constant 0 : index
        %swap3A_721 = tpu.vector_load %arg12[%swap3A_719, %swap3A_720] {strides = array<i32>} : memref<200x128xf32, #tpu.memory_space<vmem>>, vector<1x16xf32>,
        %swap3A_722 = vector.shape_cast %swap3A_721 : vector<1x16xf32> to vector<16xf32>
        %swap3A_723 = vector.shape_cast %add3A_718 : vector<16xf32> to vector<1x16xf32>
        tpu.vector_store %arg12[%swap3A_719, %swap3A_720], %swap3A_723 {strides = array<i32>} : memref<200x128xf32, #tpu.memory_space<vmem>>, vector<1x16xf32>,
        %get3A_724 = arith.index_cast %add3A_701 : i32 to index
        %get3A_725 = arith.constant 16 : index
        %get3A_726 = tpu.vector_load %arg8[%get3A_724, %get3A_725] {strides = array<i32>} : memref<200x128xf32, #tpu.memory_space<vmem>>, vector<1x16xf32>,
        %get3A_727 = vector.shape_cast %get3A_726 : vector<1x16xf32> to vector<16xf32>
        %get3A_728 = arith.index_cast %add3A_701 : i32 to index
        %get3A_729 = arith.constant 16 : index
        %get3A_730 = tpu.vector_load %arg10[%get3A_728, %get3A_729] {strides = array<i32>} : memref<200x128xf32, #tpu.memory_space<vmem>>, vector<1x16xf32>,
        %get3A_731 = vector.shape_cast %get3A_730 : vector<1x16xf32> to vector<16xf32>
        %add3A_732 = arith.addf %get3A_731, %get3A_727 : vector<16xf32>
        %swap3A_733 = arith.index_cast %add3A_701 : i32 to index
        %swap3A_734 = arith.constant 16 : index
        %swap3A_735 = tpu.vector_load %arg10[%swap3A_733, %swap3A_734] {strides = array<i32>} : memref<200x128xf32, #tpu.memory_space<vmem>>, vector<1x16xf32>,
        %swap3A_736 = vector.shape_cast %swap3A_735 : vector<1x16xf32> to vector<16xf32>
        %swap3A_737 = vector.shape_cast %add3A_732 : vector<16xf32> to vector<1x16xf32>
        tpu.vector_store %arg10[%swap3A_733, %swap3A_734], %swap3A_737 {strides = array<i32>} : memref<200x128xf32, #tpu.memory_space<vmem>>, vector<1x16xf32>,
        %get3A_738 = arith.index_cast %add3A_701 : i32 to index
        %get3A_739 = arith.constant 16 : index
        %get3A_740 = tpu.vector_load %arg12[%get3A_738, %get3A_739] {strides = array<i32>} : memref<200x128xf32, #tpu.memory_space<vmem>>, vector<1x16xf32>,
        %get3A_741 = vector.shape_cast %get3A_740 : vector<1x16xf32> to vector<16xf32>
        %add3A_742 = arith.addf %get3A_741, %get3A_727 : vector<16xf32>
        %swap3A_743 = arith.index_cast %add3A_701 : i32 to index
        %swap3A_744 = arith.constant 16 : index
        %swap3A_745 = tpu.vector_load %arg12[%swap3A_743, %swap3A_744] {strides = array<i32>} : memref<200x128xf32, #tpu.memory_space<vmem>>, vector<1x16xf32>,
        %swap3A_746 = vector.shape_cast %swap3A_745 : vector<1x16xf32> to vector<16xf32>
        %swap3A_747 = vector.shape_cast %add3A_742 : vector<16xf32> to vector<1x16xf32>
        tpu.vector_store %arg12[%swap3A_743, %swap3A_744], %swap3A_747 {strides = array<i32>} : memref<200x128xf32, #tpu.memory_space<vmem>>, vector<1x16xf32>,
        %get3A_748 = arith.index_cast %add3A_701 : i32 to index
        %get3A_749 = arith.constant 32 : index
        %get3A_750 = tpu.vector_load %arg8[%get3A_748, %get3A_749] {strides = array<i32>} : memref<200x128xf32, #tpu.memory_space<vmem>>, vector<1x16xf32>,
        %get3A_751 = vector.shape_cast %get3A_750 : vector<1x16xf32> to vector<16xf32>
        %get3A_752 = arith.index_cast %add3A_701 : i32 to index
        %get3A_753 = arith.constant 32 : index
        %get3A_754 = tpu.vector_load %arg10[%get3A_752, %get3A_753] {strides = array<i32>} : memref<200x128xf32, #tpu.memory_space<vmem>>, vector<1x16xf32>,
        %get3A_755 = vector.shape_cast %get3A_754 : vector<1x16xf32> to vector<16xf32>
        %add3A_756 = arith.addf %get3A_755, %get3A_751 : vector<16xf32>
        %swap3A_757 = arith.index_cast %add3A_701 : i32 to index
        %swap3A_758 = arith.constant 32 : index
        %swap3A_759 = tpu.vector_load %arg10[%swap3A_757, %swap3A_758] {strides = array<i32>} : memref<200x128xf32, #tpu.memory_space<vmem>>, vector<1x16xf32>,
        %swap3A_760 = vector.shape_cast %swap3A_759 : vector<1x16xf32> to vector<16xf32>
        %swap3A_761 = vector.shape_cast %add3A_756 : vector<16xf32> to vector<1x16xf32>
        tpu.vector_store %arg10[%swap3A_757, %swap3A_758], %swap3A_761 {strides = array<i32>} : memref<200x128xf32, #tpu.memory_space<vmem>>, vector<1x16xf32>,
        %get3A_762 = arith.index_cast %add3A_701 : i32 to index
        %get3A_763 = arith.constant 32 : index
        %get3A_764 = tpu.vector_load %arg12[%get3A_762, %get3A_763] {strides = array<i32>} : memref<200x128xf32, #tpu.memory_space<vmem>>, vector<1x16xf32>,
        %get3A_765 = vector.shape_cast %get3A_764 : vector<1x16xf32> to vector<16xf32>
        %add3A_766 = arith.addf %get3A_765, %get3A_751 : vector<16xf32>
        %swap3A_767 = arith.index_cast %add3A_701 : i32 to index
        %swap3A_768 = arith.constant 32 : index
        %swap3A_769 = tpu.vector_load %arg12[%swap3A_767, %swap3A_768] {strides = array<i32>} : memref<200x128xf32, #tpu.memory_space<vmem>>, vector<1x16xf32>,
        %swap3A_770 = vector.shape_cast %swap3A_769 : vector<1x16xf32> to vector<16xf32>
        %swap3A_771 = vector.shape_cast %add3A_766 : vector<16xf32> to vector<1x16xf32>
        tpu.vector_store %arg12[%swap3A_767, %swap3A_768], %swap3A_771 {strides = array<i32>} : memref<200x128xf32, #tpu.memory_space<vmem>>, vector<1x16xf32>,
        %get3A_772 = arith.index_cast %add3A_701 : i32 to index
        %get3A_773 = arith.constant 48 : index
        %get3A_774 = tpu.vector_load %arg8[%get3A_772, %get3A_773] {strides = array<i32>} : memref<200x128xf32, #tpu.memory_space<vmem>>, vector<1x16xf32>,
        %get3A_775 = vector.shape_cast %get3A_774 : vector<1x16xf32> to vector<16xf32>
        %get3A_776 = arith.index_cast %add3A_701 : i32 to index
        %get3A_777 = arith.constant 48 : index
        %get3A_778 = tpu.vector_load %arg10[%get3A_776, %get3A_777] {strides = array<i32>} : memref<200x128xf32, #tpu.memory_space<vmem>>, vector<1x16xf32>,
        %get3A_779 = vector.shape_cast %get3A_778 : vector<1x16xf32> to vector<16xf32>
        %add3A_780 = arith.addf %get3A_779, %get3A_775 : vector<16xf32>
        %swap3A_781 = arith.index_cast %add3A_701 : i32 to index
        %swap3A_782 = arith.constant 48 : index
        %swap3A_783 = tpu.vector_load %arg10[%swap3A_781, %swap3A_782] {strides = array<i32>} : memref<200x128xf32, #tpu.memory_space<vmem>>, vector<1x16xf32>,
        %swap3A_784 = vector.shape_cast %swap3A_783 : vector<1x16xf32> to vector<16xf32>
        %swap3A_785 = vector.shape_cast %add3A_780 : vector<16xf32> to vector<1x16xf32>
        tpu.vector_store %arg10[%swap3A_781, %swap3A_782], %swap3A_785 {strides = array<i32>} : memref<200x128xf32, #tpu.memory_space<vmem>>, vector<1x16xf32>,
        %get3A_786 = arith.index_cast %add3A_701 : i32 to index
        %get3A_787 = arith.constant 48 : index
        %get3A_788 = tpu.vector_load %arg12[%get3A_786, %get3A_787] {strides = array<i32>} : memref<200x128xf32, #tpu.memory_space<vmem>>, vector<1x16xf32>,
        %get3A_789 = vector.shape_cast %get3A_788 : vector<1x16xf32> to vector<16xf32>
        %add3A_790 = arith.addf %get3A_789, %get3A_775 : vector<16xf32>
        %swap3A_791 = arith.index_cast %add3A_701 : i32 to index
        %swap3A_792 = arith.constant 48 : index
        %swap3A_793 = tpu.vector_load %arg12[%swap3A_791, %swap3A_792] {strides = array<i32>} : memref<200x128xf32, #tpu.memory_space<vmem>>, vector<1x16xf32>,
        %swap3A_794 = vector.shape_cast %swap3A_793 : vector<1x16xf32> to vector<16xf32>
        %swap3A_795 = vector.shape_cast %add3A_790 : vector<16xf32> to vector<1x16xf32>
        tpu.vector_store %arg12[%swap3A_791, %swap3A_792], %swap3A_795 {strides = array<i32>} : memref<200x128xf32, #tpu.memory_space<vmem>>, vector<1x16xf32>,
        %get3A_796 = arith.index_cast %add3A_701 : i32 to index
        %get3A_797 = arith.constant 64 : index
        %get3A_798 = tpu.vector_load %arg8[%get3A_796, %get3A_797] {strides = array<i32>} : memref<200x128xf32, #tpu.memory_space<vmem>>, vector<1x16xf32>,
        %get3A_799 = vector.shape_cast %get3A_798 : vector<1x16xf32> to vector<16xf32>
        %get3A_800 = arith.index_cast %add3A_701 : i32 to index
        %get3A_801 = arith.constant 64 : index
        %get3A_802 = tpu.vector_load %arg10[%get3A_800, %get3A_801] {strides = array<i32>} : memref<200x128xf32, #tpu.memory_space<vmem>>, vector<1x16xf32>,
        %get3A_803 = vector.shape_cast %get3A_802 : vector<1x16xf32> to vector<16xf32>
        %add3A_804 = arith.addf %get3A_803, %get3A_799 : vector<16xf32>
        %swap3A_805 = arith.index_cast %add3A_701 : i32 to index
        %swap3A_806 = arith.constant 64 : index
        %swap3A_807 = tpu.vector_load %arg10[%swap3A_805, %swap3A_806] {strides = array<i32>} : memref<200x128xf32, #tpu.memory_space<vmem>>, vector<1x16xf32>,
        %swap3A_808 = vector.shape_cast %swap3A_807 : vector<1x16xf32> to vector<16xf32>
        %swap3A_809 = vector.shape_cast %add3A_804 : vector<16xf32> to vector<1x16xf32>
        tpu.vector_store %arg10[%swap3A_805, %swap3A_806], %swap3A_809 {strides = array<i32>} : memref<200x128xf32, #tpu.memory_space<vmem>>, vector<1x16xf32>,
        %get3A_810 = arith.index_cast %add3A_701 : i32 to index
        %get3A_811 = arith.constant 64 : index
        %get3A_812 = tpu.vector_load %arg12[%get3A_810, %get3A_811] {strides = array<i32>} : memref<200x128xf32, #tpu.memory_space<vmem>>, vector<1x16xf32>,
        %get3A_813 = vector.shape_cast %get3A_812 : vector<1x16xf32> to vector<16xf32>
        %add3A_814 = arith.addf %get3A_813, %get3A_799 : vector<16xf32>
        %swap3A_815 = arith.index_cast %add3A_701 : i32 to index
        %swap3A_816 = arith.constant 64 : index
        %swap3A_817 = tpu.vector_load %arg12[%swap3A_815, %swap3A_816] {strides = array<i32>} : memref<200x128xf32, #tpu.memory_space<vmem>>, vector<1x16xf32>,
        %swap3A_818 = vector.shape_cast %swap3A_817 : vector<1x16xf32> to vector<16xf32>
        %swap3A_819 = vector.shape_cast %add3A_814 : vector<16xf32> to vector<1x16xf32>
        tpu.vector_store %arg12[%swap3A_815, %swap3A_816], %swap3A_819 {strides = array<i32>} : memref<200x128xf32, #tpu.memory_space<vmem>>, vector<1x16xf32>,
        %get3A_820 = arith.index_cast %add3A_701 : i32 to index
        %get3A_821 = arith.constant 80 : index
        %get3A_822 = tpu.vector_load %arg8[%get3A_820, %get3A_821] {strides = array<i32>} : memref<200x128xf32, #tpu.memory_space<vmem>>, vector<1x16xf32>,
        %get3A_823 = vector.shape_cast %get3A_822 : vector<1x16xf32> to vector<16xf32>
        %get3A_824 = arith.index_cast %add3A_701 : i32 to index
        %get3A_825 = arith.constant 80 : index
        %get3A_826 = tpu.vector_load %arg10[%get3A_824, %get3A_825] {strides = array<i32>} : memref<200x128xf32, #tpu.memory_space<vmem>>, vector<1x16xf32>,
        %get3A_827 = vector.shape_cast %get3A_826 : vector<1x16xf32> to vector<16xf32>
        %add3A_828 = arith.addf %get3A_827, %get3A_823 : vector<16xf32>
        %swap3A_829 = arith.index_cast %add3A_701 : i32 to index
        %swap3A_830 = arith.constant 80 : index
        %swap3A_831 = tpu.vector_load %arg10[%swap3A_829, %swap3A_830] {strides = array<i32>} : memref<200x128xf32, #tpu.memory_space<vmem>>, vector<1x16xf32>,
        %swap3A_832 = vector.shape_cast %swap3A_831 : vector<1x16xf32> to vector<16xf32>
        %swap3A_833 = vector.shape_cast %add3A_828 : vector<16xf32> to vector<1x16xf32>
        tpu.vector_store %arg10[%swap3A_829, %swap3A_830], %swap3A_833 {strides = array<i32>} : memref<200x128xf32, #tpu.memory_space<vmem>>, vector<1x16xf32>,
        %get3A_834 = arith.index_cast %add3A_701 : i32 to index
        %get3A_835 = arith.constant 80 : index
        %get3A_836 = tpu.vector_load %arg12[%get3A_834, %get3A_835] {strides = array<i32>} : memref<200x128xf32, #tpu.memory_space<vmem>>, vector<1x16xf32>,
        %get3A_837 = vector.shape_cast %get3A_836 : vector<1x16xf32> to vector<16xf32>
        %add3A_838 = arith.addf %get3A_837, %get3A_823 : vector<16xf32>
        %swap3A_839 = arith.index_cast %add3A_701 : i32 to index
        %swap3A_840 = arith.constant 80 : index
        %swap3A_841 = tpu.vector_load %arg12[%swap3A_839, %swap3A_840] {strides = array<i32>} : memref<200x128xf32, #tpu.memory_space<vmem>>, vector<1x16xf32>,
        %swap3A_842 = vector.shape_cast %swap3A_841 : vector<1x16xf32> to vector<16xf32>
        %swap3A_843 = vector.shape_cast %add3A_838 : vector<16xf32> to vector<1x16xf32>
        tpu.vector_store %arg12[%swap3A_839, %swap3A_840], %swap3A_843 {strides = array<i32>} : memref<200x128xf32, #tpu.memory_space<vmem>>, vector<1x16xf32>,
        %get3A_844 = arith.index_cast %add3A_701 : i32 to index
        %get3A_845 = arith.constant 96 : index
        %get3A_846 = tpu.vector_load %arg8[%get3A_844, %get3A_845] {strides = array<i32>} : memref<200x128xf32, #tpu.memory_space<vmem>>, vector<1x16xf32>,
        %get3A_847 = vector.shape_cast %get3A_846 : vector<1x16xf32> to vector<16xf32>
        %get3A_848 = arith.index_cast %add3A_701 : i32 to index
        %get3A_849 = arith.constant 96 : index
        %get3A_850 = tpu.vector_load %arg10[%get3A_848, %get3A_849] {strides = array<i32>} : memref<200x128xf32, #tpu.memory_space<vmem>>, vector<1x16xf32>,
        %get3A_851 = vector.shape_cast %get3A_850 : vector<1x16xf32> to vector<16xf32>
        %add3A_852 = arith.addf %get3A_851, %get3A_847 : vector<16xf32>
        %swap3A_853 = arith.index_cast %add3A_701 : i32 to index
        %swap3A_854 = arith.constant 96 : index
        %swap3A_855 = tpu.vector_load %arg10[%swap3A_853, %swap3A_854] {strides = array<i32>} : memref<200x128xf32, #tpu.memory_space<vmem>>, vector<1x16xf32>,
        %swap3A_856 = vector.shape_cast %swap3A_855 : vector<1x16xf32> to vector<16xf32>
        %swap3A_857 = vector.shape_cast %add3A_852 : vector<16xf32> to vector<1x16xf32>
        tpu.vector_store %arg10[%swap3A_853, %swap3A_854], %swap3A_857 {strides = array<i32>} : memref<200x128xf32, #tpu.memory_space<vmem>>, vector<1x16xf32>,
        %get3A_858 = arith.index_cast %add3A_701 : i32 to index
        %get3A_859 = arith.constant 96 : index
        %get3A_860 = tpu.vector_load %arg12[%get3A_858, %get3A_859] {strides = array<i32>} : memref<200x128xf32, #tpu.memory_space<vmem>>, vector<1x16xf32>,
        %get3A_861 = vector.shape_cast %get3A_860 : vector<1x16xf32> to vector<16xf32>
        %add3A_862 = arith.addf %get3A_861, %get3A_847 : vector<16xf32>
        %swap3A_863 = arith.index_cast %add3A_701 : i32 to index
        %swap3A_864 = arith.constant 96 : index
        %swap3A_865 = tpu.vector_load %arg12[%swap3A_863, %swap3A_864] {strides = array<i32>} : memref<200x128xf32, #tpu.memory_space<vmem>>, vector<1x16xf32>,
        %swap3A_866 = vector.shape_cast %swap3A_865 : vector<1x16xf32> to vector<16xf32>
        %swap3A_867 = vector.shape_cast %add3A_862 : vector<16xf32> to vector<1x16xf32>
        tpu.vector_store %arg12[%swap3A_863, %swap3A_864], %swap3A_867 {strides = array<i32>} : memref<200x128xf32, #tpu.memory_space<vmem>>, vector<1x16xf32>,
        %get3A_868 = arith.index_cast %add3A_701 : i32 to index
        %get3A_869 = arith.constant 112 : index
        %get3A_870 = tpu.vector_load %arg8[%get3A_868, %get3A_869] {strides = array<i32>} : memref<200x128xf32, #tpu.memory_space<vmem>>, vector<1x16xf32>,
        %get3A_871 = vector.shape_cast %get3A_870 : vector<1x16xf32> to vector<16xf32>
        %get3A_872 = arith.index_cast %add3A_701 : i32 to index
        %get3A_873 = arith.constant 112 : index
        %get3A_874 = tpu.vector_load %arg10[%get3A_872, %get3A_873] {strides = array<i32>} : memref<200x128xf32, #tpu.memory_space<vmem>>, vector<1x16xf32>,
        %get3A_875 = vector.shape_cast %get3A_874 : vector<1x16xf32> to vector<16xf32>
        %add3A_876 = arith.addf %get3A_875, %get3A_871 : vector<16xf32>
        %swap3A_877 = arith.index_cast %add3A_701 : i32 to index
        %swap3A_878 = arith.constant 112 : index
        %swap3A_879 = tpu.vector_load %arg10[%swap3A_877, %swap3A_878] {strides = array<i32>} : memref<200x128xf32, #tpu.memory_space<vmem>>, vector<1x16xf32>,
        %swap3A_880 = vector.shape_cast %swap3A_879 : vector<1x16xf32> to vector<16xf32>
        %swap3A_881 = vector.shape_cast %add3A_876 : vector<16xf32> to vector<1x16xf32>
        tpu.vector_store %arg10[%swap3A_877, %swap3A_878], %swap3A_881 {strides = array<i32>} : memref<200x128xf32, #tpu.memory_space<vmem>>, vector<1x16xf32>,
        %get3A_882 = arith.index_cast %add3A_701 : i32 to index
        %get3A_883 = arith.constant 112 : index
        %get3A_884 = tpu.vector_load %arg12[%get3A_882, %get3A_883] {strides = array<i32>} : memref<200x128xf32, #tpu.memory_space<vmem>>, vector<1x16xf32>,
        %get3A_885 = vector.shape_cast %get3A_884 : vector<1x16xf32> to vector<16xf32>
        %add3A_886 = arith.addf %get3A_885, %get3A_871 : vector<16xf32>
        %swap3A_887 = arith.index_cast %add3A_701 : i32 to index
        %swap3A_888 = arith.constant 112 : index
        %swap3A_889 = tpu.vector_load %arg12[%swap3A_887, %swap3A_888] {strides = array<i32>} : memref<200x128xf32, #tpu.memory_space<vmem>>, vector<1x16xf32>,
        %swap3A_890 = vector.shape_cast %swap3A_889 : vector<1x16xf32> to vector<16xf32>
        %swap3A_891 = vector.shape_cast %add3A_886 : vector<16xf32> to vector<1x16xf32>
        tpu.vector_store %arg12[%swap3A_887, %swap3A_888], %swap3A_891 {strides = array<i32>} : memref<200x128xf32, #tpu.memory_space<vmem>>, vector<1x16xf32>,
        %mul3A_892 = arith.constant 2 : i32
        %mul3A_893 = arith.muli %scan3A_697, %mul3A_892 : i32
        %add3A_894 = arith.constant 1 : i32
        %add3A_895 = arith.addi %mul3A_893, %add3A_894 : i32
        %get3A_896 = arith.index_cast %add3A_895 : i32 to index
        %get3A_897 = arith.constant 0 : index
        %get3A_898 = tpu.vector_load %arg8[%get3A_896, %get3A_897] {strides = array<i32>} : memref<200x128xf32, #tpu.memory_space<vmem>>, vector<1x16xf32>,
        %get3A_899 = vector.shape_cast %get3A_898 : vector<1x16xf32> to vector<16xf32>
        %get3A_900 = arith.index_cast %add3A_895 : i32 to index
        %get3A_901 = arith.constant 0 : index
        %get3A_902 = tpu.vector_load %arg10[%get3A_900, %get3A_901] {strides = array<i32>} : memref<200x128xf32, #tpu.memory_space<vmem>>, vector<1x16xf32>,
        %get3A_903 = vector.shape_cast %get3A_902 : vector<1x16xf32> to vector<16xf32>
        %add3A_904 = arith.addf %get3A_903, %get3A_899 : vector<16xf32>
        %swap3A_905 = arith.index_cast %add3A_895 : i32 to index
        %swap3A_906 = arith.constant 0 : index
        %swap3A_907 = tpu.vector_load %arg10[%swap3A_905, %swap3A_906] {strides = array<i32>} : memref<200x128xf32, #tpu.memory_space<vmem>>, vector<1x16xf32>,
        %swap3A_908 = vector.shape_cast %swap3A_907 : vector<1x16xf32> to vector<16xf32>
        %swap3A_909 = vector.shape_cast %add3A_904 : vector<16xf32> to vector<1x16xf32>
        tpu.vector_store %arg10[%swap3A_905, %swap3A_906], %swap3A_909 {strides = array<i32>} : memref<200x128xf32, #tpu.memory_space<vmem>>, vector<1x16xf32>,
        %get3A_910 = arith.index_cast %add3A_895 : i32 to index
        %get3A_911 = arith.constant 0 : index
        %get3A_912 = tpu.vector_load %arg12[%get3A_910, %get3A_911] {strides = array<i32>} : memref<200x128xf32, #tpu.memory_space<vmem>>, vector<1x16xf32>,
        %get3A_913 = vector.shape_cast %get3A_912 : vector<1x16xf32> to vector<16xf32>
        %add3A_914 = arith.addf %get3A_913, %get3A_899 : vector<16xf32>
        %swap3A_915 = arith.index_cast %add3A_895 : i32 to index
        %swap3A_916 = arith.constant 0 : index
        %swap3A_917 = tpu.vector_load %arg12[%swap3A_915, %swap3A_916] {strides = array<i32>} : memref<200x128xf32, #tpu.memory_space<vmem>>, vector<1x16xf32>,
        %swap3A_918 = vector.shape_cast %swap3A_917 : vector<1x16xf32> to vector<16xf32>
        %swap3A_919 = vector.shape_cast %add3A_914 : vector<16xf32> to vector<1x16xf32>
        tpu.vector_store %arg12[%swap3A_915, %swap3A_916], %swap3A_919 {strides = array<i32>} : memref<200x128xf32, #tpu.memory_space<vmem>>, vector<1x16xf32>,
        %get3A_920 = arith.index_cast %add3A_895 : i32 to index
        %get3A_921 = arith.constant 16 : index
        %get3A_922 = tpu.vector_load %arg8[%get3A_920, %get3A_921] {strides = array<i32>} : memref<200x128xf32, #tpu.memory_space<vmem>>, vector<1x16xf32>,
        %get3A_923 = vector.shape_cast %get3A_922 : vector<1x16xf32> to vector<16xf32>
        %get3A_924 = arith.index_cast %add3A_895 : i32 to index
        %get3A_925 = arith.constant 16 : index
        %get3A_926 = tpu.vector_load %arg10[%get3A_924, %get3A_925] {strides = array<i32>} : memref<200x128xf32, #tpu.memory_space<vmem>>, vector<1x16xf32>,
        %get3A_927 = vector.shape_cast %get3A_926 : vector<1x16xf32> to vector<16xf32>
        %add3A_928 = arith.addf %get3A_927, %get3A_923 : vector<16xf32>
        %swap3A_929 = arith.index_cast %add3A_895 : i32 to index
        %swap3A_930 = arith.constant 16 : index
        %swap3A_931 = tpu.vector_load %arg10[%swap3A_929, %swap3A_930] {strides = array<i32>} : memref<200x128xf32, #tpu.memory_space<vmem>>, vector<1x16xf32>,
        %swap3A_932 = vector.shape_cast %swap3A_931 : vector<1x16xf32> to vector<16xf32>
        %swap3A_933 = vector.shape_cast %add3A_928 : vector<16xf32> to vector<1x16xf32>
        tpu.vector_store %arg10[%swap3A_929, %swap3A_930], %swap3A_933 {strides = array<i32>} : memref<200x128xf32, #tpu.memory_space<vmem>>, vector<1x16xf32>,
        %get3A_934 = arith.index_cast %add3A_895 : i32 to index
        %get3A_935 = arith.constant 16 : index
        %get3A_936 = tpu.vector_load %arg12[%get3A_934, %get3A_935] {strides = array<i32>} : memref<200x128xf32, #tpu.memory_space<vmem>>, vector<1x16xf32>,
        %get3A_937 = vector.shape_cast %get3A_936 : vector<1x16xf32> to vector<16xf32>
        %add3A_938 = arith.addf %get3A_937, %get3A_923 : vector<16xf32>
        %swap3A_939 = arith.index_cast %add3A_895 : i32 to index
        %swap3A_940 = arith.constant 16 : index
        %swap3A_941 = tpu.vector_load %arg12[%swap3A_939, %swap3A_940] {strides = array<i32>} : memref<200x128xf32, #tpu.memory_space<vmem>>, vector<1x16xf32>,
        %swap3A_942 = vector.shape_cast %swap3A_941 : vector<1x16xf32> to vector<16xf32>
        %swap3A_943 = vector.shape_cast %add3A_938 : vector<16xf32> to vector<1x16xf32>
        tpu.vector_store %arg12[%swap3A_939, %swap3A_940], %swap3A_943 {strides = array<i32>} : memref<200x128xf32, #tpu.memory_space<vmem>>, vector<1x16xf32>,
        %get3A_944 = arith.index_cast %add3A_895 : i32 to index
        %get3A_945 = arith.constant 32 : index
        %get3A_946 = tpu.vector_load %arg8[%get3A_944, %get3A_945] {strides = array<i32>} : memref<200x128xf32, #tpu.memory_space<vmem>>, vector<1x16xf32>,
        %get3A_947 = vector.shape_cast %get3A_946 : vector<1x16xf32> to vector<16xf32>
        %get3A_948 = arith.index_cast %add3A_895 : i32 to index
        %get3A_949 = arith.constant 32 : index
        %get3A_950 = tpu.vector_load %arg10[%get3A_948, %get3A_949] {strides = array<i32>} : memref<200x128xf32, #tpu.memory_space<vmem>>, vector<1x16xf32>,
        %get3A_951 = vector.shape_cast %get3A_950 : vector<1x16xf32> to vector<16xf32>
        %add3A_952 = arith.addf %get3A_951, %get3A_947 : vector<16xf32>
        %swap3A_953 = arith.index_cast %add3A_895 : i32 to index
        %swap3A_954 = arith.constant 32 : index
        %swap3A_955 = tpu.vector_load %arg10[%swap3A_953, %swap3A_954] {strides = array<i32>} : memref<200x128xf32, #tpu.memory_space<vmem>>, vector<1x16xf32>,
        %swap3A_956 = vector.shape_cast %swap3A_955 : vector<1x16xf32> to vector<16xf32>
        %swap3A_957 = vector.shape_cast %add3A_952 : vector<16xf32> to vector<1x16xf32>
        tpu.vector_store %arg10[%swap3A_953, %swap3A_954], %swap3A_957 {strides = array<i32>} : memref<200x128xf32, #tpu.memory_space<vmem>>, vector<1x16xf32>,
        %get3A_958 = arith.index_cast %add3A_895 : i32 to index
        %get3A_959 = arith.constant 32 : index
        %get3A_960 = tpu.vector_load %arg12[%get3A_958, %get3A_959] {strides = array<i32>} : memref<200x128xf32, #tpu.memory_space<vmem>>, vector<1x16xf32>,
        %get3A_961 = vector.shape_cast %get3A_960 : vector<1x16xf32> to vector<16xf32>
        %add3A_962 = arith.addf %get3A_961, %get3A_947 : vector<16xf32>
        %swap3A_963 = arith.index_cast %add3A_895 : i32 to index
        %swap3A_964 = arith.constant 32 : index
        %swap3A_965 = tpu.vector_load %arg12[%swap3A_963, %swap3A_964] {strides = array<i32>} : memref<200x128xf32, #tpu.memory_space<vmem>>, vector<1x16xf32>,
        %swap3A_966 = vector.shape_cast %swap3A_965 : vector<1x16xf32> to vector<16xf32>
        %swap3A_967 = vector.shape_cast %add3A_962 : vector<16xf32> to vector<1x16xf32>
        tpu.vector_store %arg12[%swap3A_963, %swap3A_964], %swap3A_967 {strides = array<i32>} : memref<200x128xf32, #tpu.memory_space<vmem>>, vector<1x16xf32>,
        %get3A_968 = arith.index_cast %add3A_895 : i32 to index
        %get3A_969 = arith.constant 48 : index
        %get3A_970 = tpu.vector_load %arg8[%get3A_968, %get3A_969] {strides = array<i32>} : memref<200x128xf32, #tpu.memory_space<vmem>>, vector<1x16xf32>,
        %get3A_971 = vector.shape_cast %get3A_970 : vector<1x16xf32> to vector<16xf32>
        %get3A_972 = arith.index_cast %add3A_895 : i32 to index
        %get3A_973 = arith.constant 48 : index
        %get3A_974 = tpu.vector_load %arg10[%get3A_972, %get3A_973] {strides = array<i32>} : memref<200x128xf32, #tpu.memory_space<vmem>>, vector<1x16xf32>,
        %get3A_975 = vector.shape_cast %get3A_974 : vector<1x16xf32> to vector<16xf32>
        %add3A_976 = arith.addf %get3A_975, %get3A_971 : vector<16xf32>
        %swap3A_977 = arith.index_cast %add3A_895 : i32 to index
        %swap3A_978 = arith.constant 48 : index
        %swap3A_979 = tpu.vector_load %arg10[%swap3A_977, %swap3A_978] {strides = array<i32>} : memref<200x128xf32, #tpu.memory_space<vmem>>, vector<1x16xf32>,
        %swap3A_980 = vector.shape_cast %swap3A_979 : vector<1x16xf32> to vector<16xf32>
        %swap3A_981 = vector.shape_cast %add3A_976 : vector<16xf32> to vector<1x16xf32>
        tpu.vector_store %arg10[%swap3A_977, %swap3A_978], %swap3A_981 {strides = array<i32>} : memref<200x128xf32, #tpu.memory_space<vmem>>, vector<1x16xf32>,
        %get3A_982 = arith.index_cast %add3A_895 : i32 to index
        %get3A_983 = arith.constant 48 : index
        %get3A_984 = tpu.vector_load %arg12[%get3A_982, %get3A_983] {strides = array<i32>} : memref<200x128xf32, #tpu.memory_space<vmem>>, vector<1x16xf32>,
        %get3A_985 = vector.shape_cast %get3A_984 : vector<1x16xf32> to vector<16xf32>
        %add3A_986 = arith.addf %get3A_985, %get3A_971 : vector<16xf32>
        %swap3A_987 = arith.index_cast %add3A_895 : i32 to index
        %swap3A_988 = arith.constant 48 : index
        %swap3A_989 = tpu.vector_load %arg12[%swap3A_987, %swap3A_988] {strides = array<i32>} : memref<200x128xf32, #tpu.memory_space<vmem>>, vector<1x16xf32>,
        %swap3A_990 = vector.shape_cast %swap3A_989 : vector<1x16xf32> to vector<16xf32>
        %swap3A_991 = vector.shape_cast %add3A_986 : vector<16xf32> to vector<1x16xf32>
        tpu.vector_store %arg12[%swap3A_987, %swap3A_988], %swap3A_991 {strides = array<i32>} : memref<200x128xf32, #tpu.memory_space<vmem>>, vector<1x16xf32>,
        %get3A_992 = arith.index_cast %add3A_895 : i32 to index
        %get3A_993 = arith.constant 64 : index
        %get3A_994 = tpu.vector_load %arg8[%get3A_992, %get3A_993] {strides = array<i32>} : memref<200x128xf32, #tpu.memory_space<vmem>>, vector<1x16xf32>,
        %get3A_995 = vector.shape_cast %get3A_994 : vector<1x16xf32> to vector<16xf32>
        %get3A_996 = arith.index_cast %add3A_895 : i32 to index
        %get3A_997 = arith.constant 64 : index
        %get3A_998 = tpu.vector_load %arg10[%get3A_996, %get3A_997] {strides = array<i32>} : memref<200x128xf32, #tpu.memory_space<vmem>>, vector<1x16xf32>,
        %get3A_999 = vector.shape_cast %get3A_998 : vector<1x16xf32> to vector<16xf32>
        %add3A_1000 = arith.addf %get3A_999, %get3A_995 : vector<16xf32>
        %swap3A_1001 = arith.index_cast %add3A_895 : i32 to index
        %swap3A_1002 = arith.constant 64 : index
        %swap3A_1003 = tpu.vector_load %arg10[%swap3A_1001, %swap3A_1002] {strides = array<i32>} : memref<200x128xf32, #tpu.memory_space<vmem>>, vector<1x16xf32>,
        %swap3A_1004 = vector.shape_cast %swap3A_1003 : vector<1x16xf32> to vector<16xf32>
        %swap3A_1005 = vector.shape_cast %add3A_1000 : vector<16xf32> to vector<1x16xf32>
        tpu.vector_store %arg10[%swap3A_1001, %swap3A_1002], %swap3A_1005 {strides = array<i32>} : memref<200x128xf32, #tpu.memory_space<vmem>>, vector<1x16xf32>,
        %get3A_1006 = arith.index_cast %add3A_895 : i32 to index
        %get3A_1007 = arith.constant 64 : index
        %get3A_1008 = tpu.vector_load %arg12[%get3A_1006, %get3A_1007] {strides = array<i32>} : memref<200x128xf32, #tpu.memory_space<vmem>>, vector<1x16xf32>,
        %get3A_1009 = vector.shape_cast %get3A_1008 : vector<1x16xf32> to vector<16xf32>
        %add3A_1010 = arith.addf %get3A_1009, %get3A_995 : vector<16xf32>
        %swap3A_1011 = arith.index_cast %add3A_895 : i32 to index
        %swap3A_1012 = arith.constant 64 : index
        %swap3A_1013 = tpu.vector_load %arg12[%swap3A_1011, %swap3A_1012] {strides = array<i32>} : memref<200x128xf32, #tpu.memory_space<vmem>>, vector<1x16xf32>,
        %swap3A_1014 = vector.shape_cast %swap3A_1013 : vector<1x16xf32> to vector<16xf32>
        %swap3A_1015 = vector.shape_cast %add3A_1010 : vector<16xf32> to vector<1x16xf32>
        tpu.vector_store %arg12[%swap3A_1011, %swap3A_1012], %swap3A_1015 {strides = array<i32>} : memref<200x128xf32, #tpu.memory_space<vmem>>, vector<1x16xf32>,
        %get3A_1016 = arith.index_cast %add3A_895 : i32 to index
        %get3A_1017 = arith.constant 80 : index
        %get3A_1018 = tpu.vector_load %arg8[%get3A_1016, %get3A_1017] {strides = array<i32>} : memref<200x128xf32, #tpu.memory_space<vmem>>, vector<1x16xf32>,
        %get3A_1019 = vector.shape_cast %get3A_1018 : vector<1x16xf32> to vector<16xf32>
        %get3A_1020 = arith.index_cast %add3A_895 : i32 to index
        %get3A_1021 = arith.constant 80 : index
        %get3A_1022 = tpu.vector_load %arg10[%get3A_1020, %get3A_1021] {strides = array<i32>} : memref<200x128xf32, #tpu.memory_space<vmem>>, vector<1x16xf32>,
        %get3A_1023 = vector.shape_cast %get3A_1022 : vector<1x16xf32> to vector<16xf32>
        %add3A_1024 = arith.addf %get3A_1023, %get3A_1019 : vector<16xf32>
        %swap3A_1025 = arith.index_cast %add3A_895 : i32 to index
        %swap3A_1026 = arith.constant 80 : index
        %swap3A_1027 = tpu.vector_load %arg10[%swap3A_1025, %swap3A_1026] {strides = array<i32>} : memref<200x128xf32, #tpu.memory_space<vmem>>, vector<1x16xf32>,
        %swap3A_1028 = vector.shape_cast %swap3A_1027 : vector<1x16xf32> to vector<16xf32>
        %swap3A_1029 = vector.shape_cast %add3A_1024 : vector<16xf32> to vector<1x16xf32>
        tpu.vector_store %arg10[%swap3A_1025, %swap3A_1026], %swap3A_1029 {strides = array<i32>} : memref<200x128xf32, #tpu.memory_space<vmem>>, vector<1x16xf32>,
        %get3A_1030 = arith.index_cast %add3A_895 : i32 to index
        %get3A_1031 = arith.constant 80 : index
        %get3A_1032 = tpu.vector_load %arg12[%get3A_1030, %get3A_1031] {strides = array<i32>} : memref<200x128xf32, #tpu.memory_space<vmem>>, vector<1x16xf32>,
        %get3A_1033 = vector.shape_cast %get3A_1032 : vector<1x16xf32> to vector<16xf32>
        %add3A_1034 = arith.addf %get3A_1033, %get3A_1019 : vector<16xf32>
        %swap3A_1035 = arith.index_cast %add3A_895 : i32 to index
        %swap3A_1036 = arith.constant 80 : index
        %swap3A_1037 = tpu.vector_load %arg12[%swap3A_1035, %swap3A_1036] {strides = array<i32>} : memref<200x128xf32, #tpu.memory_space<vmem>>, vector<1x16xf32>,
        %swap3A_1038 = vector.shape_cast %swap3A_1037 : vector<1x16xf32> to vector<16xf32>
        %swap3A_1039 = vector.shape_cast %add3A_1034 : vector<16xf32> to vector<1x16xf32>
        tpu.vector_store %arg12[%swap3A_1035, %swap3A_1036], %swap3A_1039 {strides = array<i32>} : memref<200x128xf32, #tpu.memory_space<vmem>>, vector<1x16xf32>,
        %get3A_1040 = arith.index_cast %add3A_895 : i32 to index
        %get3A_1041 = arith.constant 96 : index
        %get3A_1042 = tpu.vector_load %arg8[%get3A_1040, %get3A_1041] {strides = array<i32>} : memref<200x128xf32, #tpu.memory_space<vmem>>, vector<1x16xf32>,
        %get3A_1043 = vector.shape_cast %get3A_1042 : vector<1x16xf32> to vector<16xf32>
        %get3A_1044 = arith.index_cast %add3A_895 : i32 to index
        %get3A_1045 = arith.constant 96 : index
        %get3A_1046 = tpu.vector_load %arg10[%get3A_1044, %get3A_1045] {strides = array<i32>} : memref<200x128xf32, #tpu.memory_space<vmem>>, vector<1x16xf32>,
        %get3A_1047 = vector.shape_cast %get3A_1046 : vector<1x16xf32> to vector<16xf32>
        %add3A_1048 = arith.addf %get3A_1047, %get3A_1043 : vector<16xf32>
        %swap3A_1049 = arith.index_cast %add3A_895 : i32 to index
        %swap3A_1050 = arith.constant 96 : index
        %swap3A_1051 = tpu.vector_load %arg10[%swap3A_1049, %swap3A_1050] {strides = array<i32>} : memref<200x128xf32, #tpu.memory_space<vmem>>, vector<1x16xf32>,
        %swap3A_1052 = vector.shape_cast %swap3A_1051 : vector<1x16xf32> to vector<16xf32>
        %swap3A_1053 = vector.shape_cast %add3A_1048 : vector<16xf32> to vector<1x16xf32>
        tpu.vector_store %arg10[%swap3A_1049, %swap3A_1050], %swap3A_1053 {strides = array<i32>} : memref<200x128xf32, #tpu.memory_space<vmem>>, vector<1x16xf32>,
        %get3A_1054 = arith.index_cast %add3A_895 : i32 to index
        %get3A_1055 = arith.constant 96 : index
        %get3A_1056 = tpu.vector_load %arg12[%get3A_1054, %get3A_1055] {strides = array<i32>} : memref<200x128xf32, #tpu.memory_space<vmem>>, vector<1x16xf32>,
        %get3A_1057 = vector.shape_cast %get3A_1056 : vector<1x16xf32> to vector<16xf32>
        %add3A_1058 = arith.addf %get3A_1057, %get3A_1043 : vector<16xf32>
        %swap3A_1059 = arith.index_cast %add3A_895 : i32 to index
        %swap3A_1060 = arith.constant 96 : index
        %swap3A_1061 = tpu.vector_load %arg12[%swap3A_1059, %swap3A_1060] {strides = array<i32>} : memref<200x128xf32, #tpu.memory_space<vmem>>, vector<1x16xf32>,
        %swap3A_1062 = vector.shape_cast %swap3A_1061 : vector<1x16xf32> to vector<16xf32>
        %swap3A_1063 = vector.shape_cast %add3A_1058 : vector<16xf32> to vector<1x16xf32>
        tpu.vector_store %arg12[%swap3A_1059, %swap3A_1060], %swap3A_1063 {strides = array<i32>} : memref<200x128xf32, #tpu.memory_space<vmem>>, vector<1x16xf32>,
        %get3A_1064 = arith.index_cast %add3A_895 : i32 to index
        %get3A_1065 = arith.constant 112 : index
        %get3A_1066 = tpu.vector_load %arg8[%get3A_1064, %get3A_1065] {strides = array<i32>} : memref<200x128xf32, #tpu.memory_space<vmem>>, vector<1x16xf32>,
        %get3A_1067 = vector.shape_cast %get3A_1066 : vector<1x16xf32> to vector<16xf32>
        %get3A_1068 = arith.index_cast %add3A_895 : i32 to index
        %get3A_1069 = arith.constant 112 : index
        %get3A_1070 = tpu.vector_load %arg10[%get3A_1068, %get3A_1069] {strides = array<i32>} : memref<200x128xf32, #tpu.memory_space<vmem>>, vector<1x16xf32>,
        %get3A_1071 = vector.shape_cast %get3A_1070 : vector<1x16xf32> to vector<16xf32>
        %add3A_1072 = arith.addf %get3A_1071, %get3A_1067 : vector<16xf32>
        %swap3A_1073 = arith.index_cast %add3A_895 : i32 to index
        %swap3A_1074 = arith.constant 112 : index
        %swap3A_1075 = tpu.vector_load %arg10[%swap3A_1073, %swap3A_1074] {strides = array<i32>} : memref<200x128xf32, #tpu.memory_space<vmem>>, vector<1x16xf32>,
        %swap3A_1076 = vector.shape_cast %swap3A_1075 : vector<1x16xf32> to vector<16xf32>
        %swap3A_1077 = vector.shape_cast %add3A_1072 : vector<16xf32> to vector<1x16xf32>
        tpu.vector_store %arg10[%swap3A_1073, %swap3A_1074], %swap3A_1077 {strides = array<i32>} : memref<200x128xf32, #tpu.memory_space<vmem>>, vector<1x16xf32>,
        %get3A_1078 = arith.index_cast %add3A_895 : i32 to index
        %get3A_1079 = arith.constant 112 : index
        %get3A_1080 = tpu.vector_load %arg12[%get3A_1078, %get3A_1079] {strides = array<i32>} : memref<200x128xf32, #tpu.memory_space<vmem>>, vector<1x16xf32>,
        %get3A_1081 = vector.shape_cast %get3A_1080 : vector<1x16xf32> to vector<16xf32>
        %add3A_1082 = arith.addf %get3A_1081, %get3A_1067 : vector<16xf32>
        %swap3A_1083 = arith.index_cast %add3A_895 : i32 to index
        %swap3A_1084 = arith.constant 112 : index
        %swap3A_1085 = tpu.vector_load %arg12[%swap3A_1083, %swap3A_1084] {strides = array<i32>} : memref<200x128xf32, #tpu.memory_space<vmem>>, vector<1x16xf32>,
        %swap3A_1086 = vector.shape_cast %swap3A_1085 : vector<1x16xf32> to vector<16xf32>
        %swap3A_1087 = vector.shape_cast %add3A_1082 : vector<16xf32> to vector<1x16xf32>
        tpu.vector_store %arg12[%swap3A_1083, %swap3A_1084], %swap3A_1087 {strides = array<i32>} : memref<200x128xf32, #tpu.memory_space<vmem>>, vector<1x16xf32>,
      }
      %scan3A_685 = arith.constant 100 : i32
      %mul3A_686 = arith.constant 200 : i32
      %mul3A_687 = arith.muli %add3A_651, %mul3A_686 : i32
      %add3A_688 = arith.addi %mul3A_2, %mul3A_687 : i32
      %dma_start3A_689 = arith.constant 0 : i32
      %dma_start3A_690 = tpu.memref_slice %arg6[%add3A_688, %dma_start3A_689] : memref<204800x256xf32, #tpu.memory_space<hbm>> -> memref<200x128xf32, #tpu.memory_space<hbm>>
      %dma_start3A_691 = arith.constant 0 : i32
      %dma_start3A_692 = tpu.memref_slice %arg6[%add3A_688, %dma_start3A_691] : memref<204800x256xf32, #tpu.memory_space<hbm>> -> memref<200x128xf32, #tpu.memory_space<hbm>>
      tpu.enqueue_dma source(%arg10 : memref<200x128xf32, #tpu.memory_space<vmem>>) target(%dma_start3A_692 : memref<200x128xf32, #tpu.memory_space<hbm>>) target_semaphore(%arg17 : memref<!tpu.dma_semaphore, #tpu.memory_space<semaphore_mem>>)
      %dma_start3A_693 = arith.constant 128 : i32
      %dma_start3A_694 = tpu.memref_slice %arg6[%add3A_688, %dma_start3A_693] : memref<204800x256xf32, #tpu.memory_space<hbm>> -> memref<200x128xf32, #tpu.memory_space<hbm>>
      %dma_start3A_695 = arith.constant 128 : i32
      %dma_start3A_696 = tpu.memref_slice %arg6[%add3A_688, %dma_start3A_695] : memref<204800x256xf32, #tpu.memory_space<hbm>> -> memref<200x128xf32, #tpu.memory_space<hbm>>
      tpu.enqueue_dma source(%arg12 : memref<200x128xf32, #tpu.memory_space<vmem>>) target(%dma_start3A_696 : memref<200x128xf32, #tpu.memory_space<hbm>>) target_semaphore(%arg17 : memref<!tpu.dma_semaphore, #tpu.memory_space<semaphore_mem>>)
    }
    %scan3A_50 = arith.constant 4 : i32
    %dma_wait3A = arith.constant 0 : i32
    %dma_wait3A_51 = arith.constant 0 : i32
    %dma_wait3A_52 = tpu.memref_slice %arg6[%dma_wait3A, %dma_wait3A_51] : memref<204800x256xf32, #tpu.memory_space<hbm>> -> memref<200x128xf32, #tpu.memory_space<hbm>>
    %dma_wait3A_53 = arith.constant 0 : i32
    %dma_wait3A_54 = arith.constant 0 : i32
    %dma_wait3A_55 = tpu.memref_slice %arg6[%dma_wait3A_53, %dma_wait3A_54] : memref<204800x256xf32, #tpu.memory_space<hbm>> -> memref<200x128xf32, #tpu.memory_space<hbm>>
    tpu.wait_dma2 semaphore(%arg17 : memref<!tpu.dma_semaphore, #tpu.memory_space<semaphore_mem>>) src(%arg9 : memref<200x128xf32, #tpu.memory_space<vmem>>) dst(%dma_wait3A_55 : memref<200x128xf32, #tpu.memory_space<hbm>>)
    %dma_wait3A_56 = arith.constant 0 : i32
    %dma_wait3A_57 = arith.constant 128 : i32
    %dma_wait3A_58 = tpu.memref_slice %arg6[%dma_wait3A_56, %dma_wait3A_57] : memref<204800x256xf32, #tpu.memory_space<hbm>> -> memref<200x128xf32, #tpu.memory_space<hbm>>
    %dma_wait3A_59 = arith.constant 0 : i32
    %dma_wait3A_60 = arith.constant 128 : i32
    %dma_wait3A_61 = tpu.memref_slice %arg6[%dma_wait3A_59, %dma_wait3A_60] : memref<204800x256xf32, #tpu.memory_space<hbm>> -> memref<200x128xf32, #tpu.memory_space<hbm>>
    tpu.wait_dma2 semaphore(%arg17 : memref<!tpu.dma_semaphore, #tpu.memory_space<semaphore_mem>>) src(%arg11 : memref<200x128xf32, #tpu.memory_space<vmem>>) dst(%dma_wait3A_61 : memref<200x128xf32, #tpu.memory_space<hbm>>)
    return
  }
}

</mosaic_0001>

<sc_bundles>
// kernel: kernel.3.cloned.1.call-start
scs
__scs_entry_jumppad:
0x0: {  	(pc) =	sbr.rel $0x88, $3  }
0x1: {  	(tag) =	ssettag $0x0;
	lr =	simm.s32 $0x1  }
0x2: {  	[smem:$0x3F9E] =	sst lr;
	_ =	strace $0xD0000000  }
0x3: {  	_ = 	snop  }
0x4: {  	_ = 	snop  }
0x5: {  	_ = 	snop  }
0x6: {  	_ = 	snop  }
0x7: {  	_ = 	snop  }
__scs_overlays_trampoline_lowered:
0x8: {  	[smem:$0x3FAD] =	sst s0  }
0x9: {  	[smem:$0x3FAE] =	sst s1  }
0xa: {  	[smem:$0x3FAF] =	sst s2  }
0xb: {  	[smem:$0x3FB0] =	sst s3  }
0xc: {  	[smem:$0x3FB1] =	sst s4  }
0xd: {  	[smem:$0x3FB2] =	sst s5  }
0xe: {  	[smem:$0x3FB3] =	sst s6  }
0xf: {  	[smem:$0x3FB4] =	sst s7  }
0x10: {  	[smem:$0x3FB5] =	sst s8  }
0x11: {  	[smem:$0x3FB6] =	sst s9;
	s0 =	simm.s32 @!p0 $0x0  }
0x12: {  	s1 =	sld [smem:$0x3F9C];
	s0 =	simm.s32 @p0 $0x1  }
0x13: {  	[smem:$0x3FB7] =	sst s0;
	s0 =	simm.s32 @!p1 $0x0  }
0x14: {  	s2 =	sld [smem:$0x3F9B];
	s0 =	simm.s32 @p1 $0x1  }
0x15: {  	[smem:$0x3FB8] =	sst s0;
	s0 =	simm.s32 @!p2 $0x0  }
0x16: {  	s3 =	sld [smem:$0x3FDB];
	s0 =	simm.s32 @p2 $0x1  }
0x17: {  	s4 =	simm.s32 $0x1BF5;
	[smem:$0x3FBA] =	sst s0  }
0x18: {  	s0 =	sld [smem:$0x3F9D];
	_ =	swait.ge [sflag:s4], $0x0  }
0x19: {  	s7 =	sld [smem:$0x3F9E]  }
0x1a: {  	s8 =	sadd.s32 $0xFFFFE003, lr  }
0x1b: {  	s9 =	sadd.s32 $0xFFFFFEF7, lr;
	s5 =	simm.s32 $0xFFFFFFFF;
	p2 =	slt.u32 s8, $0xFFFFF086  }
0x1c: {  	p1 =	slt.u32 s9, $0xF7A;
	s5 =	simm.s32 @!p2 $0x0  }
0x1d: {  	s5 =	simm.s32 @p1 $0x1;
	p0 =	seq.s32 s7, s2  }
0x1e: {  	s7 =	smul.u32 @!p0 $0xF7A, s2;
	p2 =	seq.s32 @!p0 s5, $0x0  }
0x1f: {  	s9 =	smul.u32 $0xF7A, s1;
	s8 =	simm.s32 @!p0 $0x1BF5;
	p2 =	por !p2, p0  }
0x20: {  	[sflag:s8] =	ssyncset.s32 @!p0 $0xFFFFF086;
	s6 =	sadd.s32 @!p0 s3, s7;
	s7 =	simm.s32 @!p0 $0x108  }
0x21: {  	s3 =	sadd.s32 s3, s9;
	s6 =	sadd.s32 @!p0 $0x88, s6;
	s7 =	simm.s32 @p2 $0x1082  }
0x22: {  	[simem:s7], [sflag:s8] =	dma.local @!p0 [hbm:s6], $0xF7A  }
0x23: {  	s9 =	sor.u32 $0xD0000000, s2;
	s6 =	simm.s32 $0x108;
	_ =	swait.ge @!p0 [sflag:s8], $0x0  }
0x24: {  	s3 =	sadd.s32 $0x88, s3;
	s6 =	simm.s32 @!p1 $0x1082;
	[sflag:s4] =	ssyncset.s32 $0xFFFFF086  }
0x25: {  	[simem:s6], [sflag:s4] =	dma.local [hbm:s3], $0xF7A  }
0x26: {  	[smem:$0x3F9E] =	sst s1;
	(tag) =	ssettag s2;
	_ =	strace s9  }
0x27: {  	s1 =	sld [smem:$0x3FAE]  }
0x28: {  	s2 =	sld [smem:$0x3FAF]  }
0x29: {  	s4 =	sld [smem:$0x3FB1]  }
0x2a: {  	p0 =	seq.s32 s5, $0x0;
	s5 =	sld [smem:$0x3FB2]  }
0x2b: {  	s6 =	sld [smem:$0x3FB3]  }
0x2c: {  	s7 =	sld [smem:$0x3FB4]  }
0x2d: {  	s3 =	simm.s32 $0x108;
	s8 =	sld [smem:$0x3FB5]  }
0x2e: {  	s3 =	simm.s32 @!p0 $0x1082;
	s9 =	sld [smem:$0x3FB6]  }
0x2f: {  	lr =	sadd.s32 s0, s3;
	s0 =	sld [smem:$0x3FAD]  }
0x30: {  	s3 =	sld [smem:$0x3FB0]  }
0x31: {  	[smem:$0x3FB9] =	sst s10  }
0x32: {  	s10 =	sld [smem:$0x3FB7];
	_ =	sdelay $0x3  }
0x33: {  	p0 =	seq.s32 s10, $0x1;
	s10 =	sld [smem:$0x3FB9];
	_ =	sdelay $0x3  }
0x34: {  	[smem:$0x3FB9] =	sst s10  }
0x35: {  	s10 =	sld [smem:$0x3FB8];
	_ =	sdelay $0x3  }
0x36: {  	p1 =	seq.s32 s10, $0x1;
	s10 =	sld [smem:$0x3FB9];
	_ =	sdelay $0x3  }
0x37: {  	[smem:$0x3FB9] =	sst s10  }
0x38: {  	s10 =	sld [smem:$0x3FBA]  }
0x39: {  	_ = 	snop;
	(pc) =	sbr.ind lr, $3  }
0x3a: {  	_ = 	snop  }
0x3b: {  	_ = 	snop  }
0x3c: {  	p2 =	seq.s32 s10, $0x1;
	s10 =	sld [smem:$0x3FB9]  }
0x3d: {  	_ =	shalt  }
0x3e: {  	_ =	shalt  }
0x3f: {  	_ =	shalt  }
0x40: {  	_ =	shalt  }
0x41: {  	_ =	shalt  }
0x42: {  	_ =	shalt  }
0x43: {  	_ =	shalt  }
0x44: {  	_ =	shalt  }
0x45: {  	_ =	shalt  }
0x46: {  	_ =	shalt  }
0x47: {  	_ =	shalt  }
0x48: {  	_ =	shalt  }
0x49: {  	_ =	shalt  }
0x4a: {  	_ =	shalt  }
0x4b: {  	_ =	shalt  }
0x4c: {  	_ =	shalt  }
0x4d: {  	_ =	shalt  }
0x4e: {  	_ =	shalt  }
0x4f: {  	_ =	shalt  }
0x50: {  	_ =	shalt  }
0x51: {  	_ =	shalt  }
0x52: {  	_ =	shalt  }
0x53: {  	_ =	shalt  }
0x54: {  	_ =	shalt  }
0x55: {  	_ =	shalt  }
0x56: {  	_ =	shalt  }
0x57: {  	_ =	shalt  }
0x58: {  	_ =	shalt  }
0x59: {  	_ =	shalt  }
0x5a: {  	_ =	shalt  }
0x5b: {  	_ =	shalt  }
0x5c: {  	_ =	shalt  }
0x5d: {  	_ =	shalt  }
0x5e: {  	_ =	shalt  }
0x5f: {  	_ =	shalt  }
0x60: {  	_ =	shalt  }
0x61: {  	_ =	shalt  }
0x62: {  	_ =	shalt  }
0x63: {  	_ =	shalt  }
0x64: {  	_ =	shalt  }
0x65: {  	_ =	shalt  }
0x66: {  	_ =	shalt  }
0x67: {  	_ =	shalt  }
0x68: {  	_ =	shalt  }
0x69: {  	_ =	shalt  }
0x6a: {  	_ =	shalt  }
0x6b: {  	_ =	shalt  }
0x6c: {  	_ =	shalt  }
0x6d: {  	_ =	shalt  }
0x6e: {  	_ =	shalt  }
0x6f: {  	_ =	shalt  }
0x70: {  	_ =	shalt  }
0x71: {  	_ =	shalt  }
0x72: {  	_ =	shalt  }
0x73: {  	_ =	shalt  }
0x74: {  	_ =	shalt  }
0x75: {  	_ =	shalt  }
0x76: {  	_ =	shalt  }
0x77: {  	_ =	shalt  }
0x78: {  	_ =	shalt  }
0x79: {  	_ =	shalt  }
0x7a: {  	_ =	shalt  }
0x7b: {  	_ =	shalt  }
0x7c: {  	_ =	shalt  }
0x7d: {  	_ =	shalt  }
0x7e: {  	_ =	shalt  }
0x7f: {  	_ =	shalt  }
0x80: {  	_ =	shalt  }
0x81: {  	_ =	shalt  }
0x82: {  	_ =	shalt  }
0x83: {  	_ =	shalt  }
0x84: {  	_ =	shalt  }
0x85: {  	_ =	shalt  }
0x86: {  	_ =	shalt  }
0x87: {  	_ =	shalt  }
.Lfunc_end0:
.L_simem_size_0:
called_computation_lowered:
.L_overlay_start_0:
0x88: {  	s2 =	sld [smem:$0x3FD9]  }
0x89: {  	s3 =	sld [smem:$0x3FFE];
	_ =	sdelay $0x1  }
0x8a: {  	s1 =	srdreg.scid  }
0x8b: {  	s0 =	sand.u32 $0x1, s1  }
0x8c: {  	s17 =	sshll.u32 s0, $0xA;
	s2 =	sadd.s32 s3, s2  }
0x8d: {  	s2 =	sadd.s32 s2, s17  }
0x8e: {  	[smem:$0x3FC5] =	sst s2  }
0x8f: {  	_ = 	snop  }
0x90: {  	s2 =	sld [smem:$0x3FC8]  }
0x91: {  	s18 =	sld [smem:$0x3FC7]  }
0x92: {  	s4 =	sld [smem:$0x3FD0];
	(tm) =	ssettm $0x1  }
0x93: {  	s5 =	sld [smem:$0x3FFB];
	_ =	sdelay $0x3  }
0x94: {  	_ =	strace s5  }
0x95: {  	s5 =	sld [smem:$0x3FFC];
	_ =	sdelay $0x3  }
0x96: {  	_ =	strace s5  }
0x97: {  	s5 =	sld [smem:$0x3FFD];
	_ =	sdelay $0x3  }
0x98: {  	_ =	strace s5  }
0x99: {  	_ =	strace $0x8FFFFFFF  }
0x9a: {  	s19 =	sld [smem:$0x3FDB];
	_ =	sdelay $0x1  }
0x9b: {  	s6 =	simm.s32 $_scs_section_size  }
0x9c: {  	s7 =	simm.s32 $_size__tile_overlayer_lowered;
	s8 =	simm.s32 $_tile_overlayer_lowered  }
0x9d: {  	s22 =	simm.s32 $0x1BFF;
	s21 =	sshll.u32 s8, $0x1;
	s5 =	sadd.s32 s6, s19  }
0x9e: {  	s9 =	simm.s32 $0x0;
	s20 =	sshll.u32 s7, $0x1;
	s7 =	sadd.s32 s21, s5  }
0x9f: {  	[timem:s9], [sflag:s22] =	dma.local [hbm:s7], s20  }
0xa0: {  	_ =	swait.ge [sflag:s22], s20  }
0xa1: {  	s6 =	ssub.s32 $0x0, s20;
	[sflag:s22] =	ssyncset.done $0x0  }
0xa2: {  	[sflag:s22] =	ssyncadd.s32 s6;
	_ =	sdelay $0x1  }
0xa3: {  	s23 =	simm.s32 $0x1B8B  }
0xa4: {  	_ =	swait.ge [sflag:s23], $0x1  }
0xa5: {  	[sflag:s23] =	ssyncset.done $0x0  }
0xa6: {  	s25 =	simm.s32 $0x1B8E;
	s24 =	sld [smem:$0x3FFE];
	[sflag:s23] =	ssyncadd.s32 $0xFFFFFFFF  }
0xa7: {  	s26 =	simm.s32 $execute0_lowered;
	[smem:$0x3FD2] =	sst s25  }
0xa8: {  	s7 =	sshll.u32 s26, $0x1;
	_ =	strace $0x80000046;
	[dreg:$0x1] =	wrdreg $0xFFFFFFFF  }
0xa9: {  	s28 =	simm.s32 $_size_execute0_lowered;
	s5 =	sadd.s32 s5, s7;
	[dreg:$0x0] =	wrdreg $0x0  }
0xaa: {  	s7 =	sshll.u32 s28, $0x1;
	[dreg:$0x2] =	wrdreg s5  }
0xab: {  	[dreg:$0x3] =	wrdreg s7  }
0xac: {  	[dreg:$0x4] =	wrdreg $0xC0  }
0xad: {  	_ =	task [dreg:s9], $0x5FFFF  }
0xae: {  	[dreg:$0x1] =	wrdreg $0xFFFFFFFF  }
0xaf: {  	[dreg:$0x0] =	wrdreg $0x60  }
0xb0: {  	[dreg:$0x2] =	wrdreg s24  }
0xb1: {  	[dreg:$0x3] =	wrdreg s2  }
0xb2: {  	[dreg:$0x4] =	wrdreg s18  }
0xb3: {  	[dreg:$0x5] =	wrdreg s4  }
0xb4: {  	[dreg:$0x6] =	wrdreg $0x9  }
0xb5: {  	_ =	task.clear_ibuf [dreg:s9], $0x7FFFF;
	_ =	strace $0x90000046  }
0xb6: {  	s29 =	simm.s32 $0x9;
	_ =	strace $0x80000048  }
0xb7: {  	_ =	swait.ge [sflag:s29], $0x1  }
0xb8: {  	[sflag:s29] =	ssyncadd.s32 $0xFFFFFFFF  }
0xb9: {  	_ =	strace $0x90000048  }
0xba: {  	_ =	sfence  }
0xbb: {  	s30 =	sld [smem:$0x0];
	_ =	sdelay $0x2  }
0xbc: {  	s31 =	sshll.u32 s1, $0xD;
	s1 =	sshrl.u32 s1, $0x2  }
0xbd: {  	s3 =	sand.u32 $0x4000, s31;
	s1 =	sadd.s32 s1, s30  }
0xbe: {  	s0 =	sor.u32 s3, s0;
	s1 =	sshll.u32 s1, $0x11  }
0xbf: {  	s0 =	sor.u32 s1, s0  }
0xc0: {  	s0 =	sadd.s32 $0x8F2B, s0  }
0xc1: {  	[sflag:s0] =	ssyncadd.remote.s32 $0x1  }
0xc2: {  	_ =	sfence.sel $0xFFFF  }
0xc3: {  	[dreg:$0x0] =	wrdreg $0xFFFFFFFF;
	(pc) =	sbr.abs _section_cstart, $3  }
0xc4: {  	[dreg:$0x1] =	wrdreg $0xFFFFFFFF  }
0xc5: {  	_ =	task.clear_ibuf [dreg:s9], $0x2FFFF;
	_ =	strace $0x9FFFFFFF  }
0xc6: {  	(tm) =	ssettm $0x7FFFFFFF  }
0xc7: {  	_ =	shalt  }
tec
execute0_lowered:
.L_overlay_start_1:
0x0: {  	(tag) =	ssettag $0x1  }
0x1: {  	s0 =	rddreg [dreg:$0x0]  }
0x2: {  	s1 =	rddreg [dreg:$0x1]  }
0x3: {  	s2 =	rddreg [dreg:$0x2]  }
0x4: {  	s4 =	rddreg [dreg:$0x3];
	s6 =	simm.s32 $0x0;
	s3 =	srdreg.scid  }
0x5: {  	s5 =	stileid.u32;
	s29 =	simm.s32 $0xD000;
	s31 =	simm.s32 $0x10200  }
0x6: {  	s10 =	simm.s32 $0x2;
	s11 =	simm.s32 $0x4;
	s16 =	simm.s32 $0x580  }
0x7: {  	s28 =	simm.s32 $0x700;
	s3 =	sand.u32 $0x1, s3;
	s5 =	sshll.u32 s5, $0x1  }
0x8: {  	[smem:$0x7FF] =	sst s6;
	s17 =	ssub.s32 $0x2, s3;
	s3 =	sor.u32 s3, s5  }
0x9: {  	s8 =	sadd.s32 $0x8000, s0;
	s7 =	smul.u32 $0x1900, s3;
	s3 =	sshll.u32 s3, $0xA  }
0xa: {  	_ =	strace $0x80000047;
	[dreg:$0x6] =	wrdreg s8;
	s0 =	sadd.s32 s0, s3  }
0xb: {  	s30 =	simm.s32 $0x780;
	s12 =	simm.s32 $0x0;
	[dreg:$0x7] =	wrdreg s0  }
0xc: {  	s9 =	sadd.s32 $0x80, s4;
	s19 =	sor.u32 $0xC8, s7;
	[dreg:$0x5] =	wrdreg s7  }
0xd: {  	s6 =	simm.s32 $0x680;
	s20 =	sadd.s32 $0x190, s7;
	[dreg:$0x8] =	wrdreg s19  }
0xe: {  	s8 =	simm.s32 $0x5;
	s21 =	sadd.s32 $0x258, s7;
	[dreg:$0x9] =	wrdreg s20  }
0xf: {  	s18 =	sshrl.u32 s17, $0x1;
	s22 =	sadd.s32 $0x320, s7;
	[dreg:$0xa] =	wrdreg s21  }
0x10: {  	s5 =	ssub.s32 s17, s18;
	s23 =	sadd.s32 $0x3E8, s7;
	[dreg:$0xb] =	wrdreg s22  }
0x11: {  	s3 =	simm.s32 $0x1CA00;
	s24 =	sadd.s32 $0x4B0, s7;
	[dreg:$0xc] =	wrdreg s23  }
0x12: {  	s18 =	simm.s32 $0x400;
	s0 =	sadd.s32 $0x100, s0;
	[dreg:$0xd] =	wrdreg s24  }
0x13: {  	s17 =	simm.s32 $0x600;
	s25 =	sadd.s32 $0x578, s7;
	[dreg:$0xe] =	wrdreg s0  }
0x14: {  	s26 =	smax.u32 s5, $0x1;
	s7 =	simm.s32 $0x3;
	[dreg:$0xf] =	wrdreg s25  }
0x15: {  	[dreg:$0x10] =	wrdreg s26;
	s19 =	simm.s32 $0x800;
	s21 =	simm.s32 $0x64  }
0x16: {  	s22 =	simm.s32 $0x6C00;
	s24 =	simm.s32 $0x9E00;
	s25 =	simm.s32 $0x13400  }
0x17: {  	s26 =	simm.s32 $0x16600;
	s0 =	simm.s32 $0x19800;
	s23 =	simm.s32 $0x1  }
.LBB2_1:
0x18: {  	[dreg:$0x11] =	wrdreg s12  }
0x19: {  	s5 =	simm.s32 $0x0;
	s14 =	rddreg [dreg:$0x6];
	s13 =	simm.s32 $0x6  }
0x1a: {  	[tilespmem:s19], [sflag:$0x6] =	stream.linear.gather [hbm4b:s14+s5], $0x6400, $0x38;
	[tilespmem:$0x1FC00] =	vst v63  }
0x1b: {  	_ =	swait.ge [sflag:s13], $0x6400  }
0x1c: {  	[sflag:s13] =	ssyncset.done $0x0  }
0x1d: {  	s15 =	rddreg [dreg:$0x7];
	[sflag:s13] =	ssyncadd.s32 $0xFFFF9C00  }
0x1e: {  	[tilespmem:s5], [sflag:$0x6] =	stream.linear.gather [hbm4b:s15+s5], $0x800, $0x38;
	[tilespmem:$0x1FC00] =	vst v63  }
0x1f: {  	_ =	swait.ge [sflag:s13], $0x800  }
0x20: {  	[sflag:s13] =	ssyncset.done $0x0  }
0x21: {  	[sflag:s13] =	ssyncadd.s32 $0xFFFFF800  }
0x22: {  	[tilespmem:s22], [sflag:$0x1] =	stream.indirect.gather [hbm4b:s1+s21], $0x80, s5, s21, $0xb8;
	[tilespmem:$0x1FC00] =	vst v63  }
0x23: {  	s20 =	simm.s32 $0x80  }
0x24: {  	[tilespmem:s24], [sflag:$0x1] =	stream.indirect.gather [hbm4b:s1+s21], $0x80, s20, s21, $0xb8;
	[tilespmem:$0x1FC00] =	vst v63  }
0x25: {  	_ = 	snop  }
0x26: {  	[tilespmem:s25], [sflag:$0x3] =	stream.indirect.gather [hbm4b:s2+s21], $0x80, s5, s21, $0xb8;
	[tilespmem:$0x1FC00] =	vst v63  }
0x27: {  	s5 =	simm.s32 $0x0  }
0x28: {  	[tilespmem:s26], [sflag:$0x3] =	stream.indirect.gather [hbm4b:s2+s21], $0x80, s20, s21, $0xb8;
	[tilespmem:$0x1FC00] =	vst v63  }
.LBB2_2:
0x29: {  	p0 =	seq.s32 s5, $0x0  }
0x2a: {  	s12 =	simm.s32 @!p0 $0x5  }
0x2b: {  	_ =	swait.ge @!p0 [sflag:s12], $0x6400  }
0x2c: {  	[sflag:s12] =	ssyncset.done @!p0 $0x0  }
0x2d: {  	[sflag:s12] =	ssyncadd.s32 @!p0 $0xFFFF9C00  }
0x2e: {  	_ =	swait.ge @!p0 [sflag:s12], $0x6400  }
0x2f: {  	[sflag:s12] =	ssyncset.done @!p0 $0x0  }
0x30: {  	s20 =	simm.s32 $0x100;
	[sflag:s12] =	ssyncadd.s32 @!p0 $0xFFFF9C00  }
0x31: {  	[tilespmem:s29], [sflag:$0x2] =	stream.indirect.gather [hbm4b:s1+s21], $0x80, s20, s21, $0xb8;
	[tilespmem:$0x1FC00] =	vst v63  }
0x32: {  	s13 =	simm.s32 $0x180  }
0x33: {  	[tilespmem:s31], [sflag:$0x2] =	stream.indirect.gather [hbm4b:s1+s21], $0x80, s13, s21, $0xb8;
	[tilespmem:$0x1FC00] =	vst v63  }
0x34: {  	_ = 	snop  }
0x35: {  	[tilespmem:s0], [sflag:$0x4] =	stream.indirect.gather [hbm4b:s2+s21], $0x80, s20, s21, $0xb8;
	[tilespmem:$0x1FC00] =	vst v63  }
0x36: {  	_ = 	snop  }
0x37: {  	[tilespmem:s3], [sflag:$0x4] =	stream.indirect.gather [hbm4b:s2+s21], $0x80, s13, s21, $0xb8;
	[tilespmem:$0x1FC00] =	vst v63  }
0x38: {  	_ =	swait.ge [sflag:s23], $0x6400  }
0x39: {  	[sflag:s23] =	ssyncset.done $0x0  }
0x3a: {  	[sflag:s23] =	ssyncadd.s32 $0xFFFF9C00  }
0x3b: {  	_ =	swait.ge [sflag:s7], $0x6400  }
0x3c: {  	[sflag:s7] =	ssyncset.done $0x0  }
0x3d: {  	s12 =	simm.s32 $0xF0;
	[sflag:s7] =	ssyncadd.s32 $0xFFFF9C00  }
0x3e: {  	v3 =	vld [tilespmem:s12+$0x710]  }
0x3f: {  	v4 =	vld [tilespmem:s12+$0x720]  }
0x40: {  	v5 =	vld [tilespmem:s12+$0x730]  }
0x41: {  	v6 =	vld [tilespmem:s12+$0x740]  }
0x42: {  	v7 =	vld [tilespmem:s12+$0x750]  }
0x43: {  	v8 =	vld [tilespmem:s12+$0x760]  }
0x44: {  	v9 =	vld [tilespmem:s12+$0x770]  }
0x45: {  	v10 =	vld [tilespmem:s12+$0x780]  }
0x46: {  	v11 =	vld [tilespmem:s12+$0x790]  }
0x47: {  	v12 =	vld [tilespmem:s12+$0x7A0]  }
0x48: {  	v13 =	vld [tilespmem:s12+$0x7B0]  }
0x49: {  	v14 =	vld [tilespmem:s12+$0x7C0]  }
0x4a: {  	v15 =	vld [tilespmem:s12+$0x7D0]  }
0x4b: {  	v2 =	vld [tilespmem:s12+$0x7E0]  }
0x4c: {  	v1 =	vld [tilespmem:s12+$0x7F0]  }
0x4d: {  	v16 =	vld [tilespmem:s12+$0x6B10]  }
0x4e: {  	v17 =	vld [tilespmem:s12+$0x13310]  }
0x4f: {  	v18 =	vld [tilespmem:s12+$0x6B20]  }
0x50: {  	v22 =	vld [tilespmem:s12+$0x6B40]  }
0x51: {  	v57 =	vld [tilespmem:s12+$0x13340]  }
0x52: {  	v19 =	vld [tilespmem:s12+$0x13320]  }
0x53: {  	v20 =	vld [tilespmem:s12+$0x6B30];
	v16 =	vadd.f32 v16, v3  }
0x54: {  	v21 =	vld [tilespmem:s12+$0x13330];
	v3 =	vadd.f32 v17, v3  }
0x55: {  	v0 =	vld [tilespmem:s12+$0x800];
	v58 =	vadd.f32 v18, v4;
	[tilespmem:s12+$0x6B10] =	vst v16  }
0x56: {  	v62 =	vadd.f32 v22, v6;
	v6 =	vadd.f32 v57, v6;
	[tilespmem:s12+$0x13310] =	vst v3;
	v3 =	vld [tilespmem:s12+$0x6B50]  }
0x57: {  	v59 =	vld [tilespmem:s12+$0x13350];
	v4 =	vadd.f32 v19, v4;
	[tilespmem:s12+$0x6B20] =	vst v58  }
0x58: {  	v60 =	vadd.f32 v20, v5;
	[tilespmem:s12+$0x13340] =	vst v6;
	v6 =	vld [tilespmem:s12+$0x6B80]  }
0x59: {  	v5 =	vadd.f32 v21, v5;
	[tilespmem:s12+$0x13320] =	vst v4;
	v4 =	vld [tilespmem:s12+$0x6B60]  }
0x5a: {  	v61 =	vld [tilespmem:s12+$0x13360];
	[tilespmem:s12+$0x6B30] =	vst v60  }
0x5b: {  	[tilespmem:s12+$0x13330] =	vst v5;
	v5 =	vld [tilespmem:s12+$0x6B70];
	v3 =	vadd.f32 v3, v7  }
0x5c: {  	v63 =	vld [tilespmem:s12+$0x13370];
	[tilespmem:s12+$0x6B40] =	vst v62;
	v7 =	vadd.f32 v59, v7  }
0x5d: {  	v6 =	vadd.f32 v6, v10;
	[tilespmem:s12+$0x6B50] =	vst v3;
	v3 =	vld [tilespmem:s12+$0x13380]  }
0x5e: {  	v4 =	vadd.f32 v4, v8;
	[tilespmem:s12+$0x13350] =	vst v7;
	v7 =	vld [tilespmem:s12+$0x6B90]  }
0x5f: {  	v8 =	vadd.f32 v61, v8;
	[tilespmem:s12+$0x6B80] =	vst v6;
	v6 =	vld [tilespmem:s12+$0x133B0]  }
0x60: {  	v5 =	vadd.f32 v5, v9;
	[tilespmem:s12+$0x6B60] =	vst v4;
	v4 =	vld [tilespmem:s12+$0x13390]  }
0x61: {  	v9 =	vadd.f32 v63, v9;
	[tilespmem:s12+$0x13360] =	vst v8;
	v8 =	vld [tilespmem:s12+$0x6BA0]  }
0x62: {  	[tilespmem:s12+$0x6B70] =	vst v5;
	v5 =	vld [tilespmem:s12+$0x133A0];
	v3 =	vadd.f32 v3, v10  }
0x63: {  	[tilespmem:s12+$0x13370] =	vst v9;
	v9 =	vld [tilespmem:s12+$0x6BB0];
	v7 =	vadd.f32 v7, v11  }
0x64: {  	v10 =	vld [tilespmem:s12+$0x6BC0];
	v6 =	vadd.f32 v6, v13;
	[tilespmem:s12+$0x13380] =	vst v3  }
0x65: {  	v3 =	vadd.f32 v4, v11;
	[tilespmem:s12+$0x6B90] =	vst v7;
	v7 =	vld [tilespmem:s12+$0x133C0]  }
0x66: {  	v4 =	vadd.f32 v8, v12;
	v8 =	vld [tilespmem:s12+$0x6BD0];
	[tilespmem:s12+$0x133B0] =	vst v6  }
0x67: {  	v11 =	vld [tilespmem:s12+$0x133D0];
	[tilespmem:s12+$0x13390] =	vst v3;
	v3 =	vadd.f32 v5, v12  }
0x68: {  	[tilespmem:s12+$0x6BA0] =	vst v4;
	v5 =	vadd.f32 v9, v13;
	v4 =	vld [tilespmem:s12+$0x6BE0]  }
0x69: {  	v9 =	vadd.f32 v10, v14;
	[tilespmem:s12+$0x133A0] =	vst v3;
	v3 =	vld [tilespmem:s12+$0x133E0]  }
0x6a: {  	[tilespmem:s12+$0x6BB0] =	vst v5;
	v5 =	vld [tilespmem:s12+$0x6BF0];
	v7 =	vadd.f32 v7, v14  }
0x6b: {  	v6 =	vld [tilespmem:s12+$0x133F0];
	[tilespmem:s12+$0x6BC0] =	vst v9;
	v9 =	vadd.f32 v8, v15  }
0x6c: {  	s20 =	simm.s32 $0x7C0;
	v8 =	vadd.f32 v11, v15;
	[tilespmem:s12+$0x133C0] =	vst v7;
	v7 =	vld [tilespmem:s12+$0x6C00]  }
.LBB2_3:
0x6d: {  	s13 =	sshra.s32 s20, $0x2;
	p0 =	sne.s32 s20, $0x18FC0;
	[tilespmem:s12+$0x6BD0] =	vst v9;
	v4 =	vadd.f32 v4, v2;
	v9 =	vld [tilespmem:s12+$0x13400]  }
0x6e: {  	v10 =	vld [tilespmem:s13+$0x710];
	[tilespmem:s12+$0x133D0] =	vst v8;
	v2 =	vadd.f32 v3, v2  }
0x6f: {  	v3 =	vld [tilespmem:s13+$0x720];
	[tilespmem:s12+$0x6BE0] =	vst v4;
	v4 =	vadd.f32 v5, v1  }
0x70: {  	v5 =	vld [tilespmem:s13+$0x730];
	[tilespmem:s12+$0x133E0] =	vst v2;
	v1 =	vadd.f32 v6, v1  }
0x71: {  	v6 =	vld [tilespmem:s13+$0x740];
	[tilespmem:s12+$0x6BF0] =	vst v4;
	v2 =	vadd.f32 v7, v0  }
0x72: {  	v4 =	vld [tilespmem:s13+$0x750];
	[tilespmem:s12+$0x133F0] =	vst v1;
	v0 =	vadd.f32 v9, v0  }
0x73: {  	v7 =	vld [tilespmem:s13+$0x760];
	[tilespmem:s12+$0x6C00] =	vst v2  }
0x74: {  	v8 =	vld [tilespmem:s13+$0x770];
	[tilespmem:s12+$0x13400] =	vst v0;
	s12 =	smov.u32 s13  }
0x75: {  	v9 =	vld [tilespmem:s12+$0x780]  }
0x76: {  	v11 =	vld [tilespmem:s12+$0x790]  }
0x77: {  	v12 =	vld [tilespmem:s12+$0x7A0]  }
0x78: {  	v13 =	vld [tilespmem:s12+$0x7B0]  }
0x79: {  	v14 =	vld [tilespmem:s12+$0x7C0]  }
0x7a: {  	v15 =	vld [tilespmem:s12+$0x7D0]  }
0x7b: {  	v2 =	vld [tilespmem:s12+$0x7E0]  }
0x7c: {  	v1 =	vld [tilespmem:s12+$0x7F0]  }
0x7d: {  	v0 =	vld [tilespmem:s12+$0x800]  }
0x7e: {  	v16 =	vld [tilespmem:s12+$0x6B10]  }
0x7f: {  	v17 =	vld [tilespmem:s12+$0x13310]  }
0x80: {  	v18 =	vld [tilespmem:s12+$0x6B20]  }
0x81: {  	v19 =	vld [tilespmem:s12+$0x13320]  }
0x82: {  	v20 =	vld [tilespmem:s12+$0x6B30]  }
0x83: {  	v16 =	vadd.f32 v16, v10;
	v21 =	vld [tilespmem:s12+$0x13330]  }
0x84: {  	v10 =	vadd.f32 v17, v10;
	v17 =	vld [tilespmem:s12+$0x6B40]  }
0x85: {  	[tilespmem:s12+$0x6B10] =	vst v16;
	v16 =	vadd.f32 v18, v3;
	v18 =	vld [tilespmem:s12+$0x13340]  }
0x86: {  	[tilespmem:s12+$0x13310] =	vst v10;
	v3 =	vadd.f32 v19, v3;
	v10 =	vld [tilespmem:s12+$0x6B50]  }
0x87: {  	[tilespmem:s12+$0x6B20] =	vst v16;
	v16 =	vadd.f32 v20, v5;
	v19 =	vld [tilespmem:s12+$0x13350]  }
0x88: {  	[tilespmem:s12+$0x13320] =	vst v3;
	v3 =	vadd.f32 v21, v5;
	v5 =	vld [tilespmem:s12+$0x6B60]  }
0x89: {  	[tilespmem:s12+$0x6B30] =	vst v16;
	v16 =	vadd.f32 v17, v6;
	v17 =	vld [tilespmem:s12+$0x13360]  }
0x8a: {  	[tilespmem:s12+$0x13330] =	vst v3;
	v3 =	vadd.f32 v18, v6;
	v6 =	vld [tilespmem:s12+$0x6B70]  }
0x8b: {  	[tilespmem:s12+$0x6B40] =	vst v16;
	v10 =	vadd.f32 v10, v4;
	v16 =	vld [tilespmem:s12+$0x13370]  }
0x8c: {  	[tilespmem:s12+$0x13340] =	vst v3;
	v3 =	vadd.f32 v19, v4;
	v4 =	vld [tilespmem:s12+$0x6B80]  }
0x8d: {  	[tilespmem:s12+$0x6B50] =	vst v10;
	v5 =	vadd.f32 v5, v7;
	v10 =	vld [tilespmem:s12+$0x13380]  }
0x8e: {  	[tilespmem:s12+$0x13350] =	vst v3;
	v3 =	vadd.f32 v17, v7;
	v7 =	vld [tilespmem:s12+$0x6B90]  }
0x8f: {  	[tilespmem:s12+$0x6B60] =	vst v5;
	v5 =	vadd.f32 v6, v8;
	v6 =	vld [tilespmem:s12+$0x13390]  }
0x90: {  	[tilespmem:s12+$0x13360] =	vst v3;
	v3 =	vadd.f32 v16, v8;
	v8 =	vld [tilespmem:s12+$0x6BA0]  }
0x91: {  	[tilespmem:s12+$0x6B70] =	vst v5;
	v4 =	vadd.f32 v4, v9;
	v5 =	vld [tilespmem:s12+$0x133A0]  }
0x92: {  	[tilespmem:s12+$0x13370] =	vst v3;
	v3 =	vadd.f32 v10, v9;
	v9 =	vld [tilespmem:s12+$0x6BB0]  }
0x93: {  	[tilespmem:s12+$0x6B80] =	vst v4;
	v4 =	vadd.f32 v7, v11;
	v7 =	vld [tilespmem:s12+$0x133B0]  }
0x94: {  	[tilespmem:s12+$0x13380] =	vst v3;
	v3 =	vadd.f32 v6, v11;
	v6 =	vld [tilespmem:s12+$0x6BC0]  }
0x95: {  	[tilespmem:s12+$0x6B90] =	vst v4;
	v4 =	vadd.f32 v8, v12;
	v8 =	vld [tilespmem:s12+$0x133C0]  }
0x96: {  	[tilespmem:s12+$0x13390] =	vst v3;
	v3 =	vadd.f32 v5, v12;
	v10 =	vld [tilespmem:s12+$0x6BD0]  }
0x97: {  	[tilespmem:s12+$0x6BA0] =	vst v4;
	v5 =	vadd.f32 v9, v13;
	v11 =	vld [tilespmem:s12+$0x133D0]  }
.Ltmp0:
0x98: {  	[tilespmem:s12+$0x133A0] =	vst v3;
	v7 =	vadd.f32 v7, v13;
	v4 =	vld [tilespmem:s12+$0x6BE0];
	(pc) =	sbr.rel @p0 .LBB2_3-.Ltmp0, $4  }
0x99: {  	[tilespmem:s12+$0x6BB0] =	vst v5;
	v6 =	vadd.f32 v6, v14;
	v3 =	vld [tilespmem:s12+$0x133E0]  }
0x9a: {  	[tilespmem:s12+$0x133B0] =	vst v7;
	v7 =	vadd.f32 v8, v14;
	v5 =	vld [tilespmem:s12+$0x6BF0]  }
0x9b: {  	[tilespmem:s12+$0x6BC0] =	vst v6;
	v9 =	vadd.f32 v10, v15;
	v6 =	vld [tilespmem:s12+$0x133F0]  }
0x9c: {  	s20 =	sadd.s32 $0x400, s20;
	[tilespmem:s12+$0x133C0] =	vst v7;
	v8 =	vadd.f32 v11, v15;
	v7 =	vld [tilespmem:s12+$0x6C00]  }
0x9d: {  	[tilespmem:s12+$0x6BD0] =	vst v9;
	v4 =	vadd.f32 v4, v2;
	v9 =	vld [tilespmem:s12+$0x13400]  }
0x9e: {  	[tilespmem:s12+$0x133D0] =	vst v8;
	v2 =	vadd.f32 v3, v2  }
0x9f: {  	[tilespmem:s12+$0x6BE0] =	vst v4;
	v3 =	vadd.f32 v5, v1  }
0xa0: {  	s20 =	smul.u32 $0x640, s5;
	[tilespmem:s12+$0x133E0] =	vst v2;
	v1 =	vadd.f32 v6, v1  }
0xa1: {  	s13 =	rddreg [dreg:$0x5];
	[tilespmem:s12+$0x6BF0] =	vst v3;
	v2 =	vadd.f32 v7, v0  }
0xa2: {  	s13 =	sadd.s32 s13, s20;
	[tilespmem:s12+$0x133F0] =	vst v1;
	v0 =	vadd.f32 v9, v0  }
0xa3: {  	s13 =	sshll.u32 s13, $0x5;
	[tilespmem:s12+$0x6C00] =	vst v2  }
0xa4: {  	s15 =	sadd.s32 s4, s13;
	[tilespmem:s12+$0x13400] =	vst v0  }
0xa5: {  	[hbm4b:s15+s18] =	stream.strided.scatter [tilespmem:s22], [sflag:$0x5], $0x6400, s19, s18, $0x38;
	[tilespmem:$0x1FC00] =	vst v63  }
0xa6: {  	s13 =	sadd.s32 s13, s9  }
0xa7: {  	[hbm4b:s13+s18] =	stream.strided.scatter [tilespmem:s25], [sflag:$0x5], $0x6400, s19, s18, $0x38;
	[tilespmem:$0x1FC00] =	vst v63  }
0xa8: {  	_ =	swait.ge [sflag:s8], $0x6400  }
0xa9: {  	[sflag:s8] =	ssyncset.done $0x0  }
0xaa: {  	[sflag:s8] =	ssyncadd.s32 $0xFFFF9C00  }
0xab: {  	_ =	swait.ge [sflag:s8], $0x6400  }
0xac: {  	[sflag:s8] =	ssyncset.done $0x0  }
0xad: {  	s14 =	simm.s32 $0x200;
	[sflag:s8] =	ssyncadd.s32 $0xFFFF9C00  }
0xae: {  	[tilespmem:s22], [sflag:$0x1] =	stream.indirect.gather [hbm4b:s1+s21], $0x80, s14, s21, $0xb8;
	[tilespmem:$0x1FC00] =	vst v63  }
0xaf: {  	s15 =	simm.s32 $0x280  }
0xb0: {  	[tilespmem:s24], [sflag:$0x1] =	stream.indirect.gather [hbm4b:s1+s21], $0x80, s15, s21, $0xb8;
	[tilespmem:$0x1FC00] =	vst v63  }
0xb1: {  	_ = 	snop  }
0xb2: {  	[tilespmem:s25], [sflag:$0x3] =	stream.indirect.gather [hbm4b:s2+s21], $0x80, s14, s21, $0xb8;
	[tilespmem:$0x1FC00] =	vst v63  }
0xb3: {  	_ = 	snop  }
0xb4: {  	[tilespmem:s26], [sflag:$0x3] =	stream.indirect.gather [hbm4b:s2+s21], $0x80, s15, s21, $0xb8;
	[tilespmem:$0x1FC00] =	vst v63  }
0xb5: {  	_ =	swait.ge [sflag:s10], $0x6400  }
0xb6: {  	[sflag:s10] =	ssyncset.done $0x0  }
0xb7: {  	[sflag:s10] =	ssyncadd.s32 $0xFFFF9C00  }
0xb8: {  	_ =	swait.ge [sflag:s11], $0x6400  }
0xb9: {  	[sflag:s11] =	ssyncset.done $0x0  }
0xba: {  	s12 =	simm.s32 $0xF0;
	[sflag:s11] =	ssyncadd.s32 $0xFFFF9C00  }
0xbb: {  	v3 =	vld [tilespmem:s12+$0x710]  }
0xbc: {  	v4 =	vld [tilespmem:s12+$0x720]  }
0xbd: {  	v5 =	vld [tilespmem:s12+$0x730]  }
0xbe: {  	v6 =	vld [tilespmem:s12+$0x740]  }
0xbf: {  	v7 =	vld [tilespmem:s12+$0x750]  }
0xc0: {  	v8 =	vld [tilespmem:s12+$0x760]  }
0xc1: {  	v9 =	vld [tilespmem:s12+$0x770]  }
0xc2: {  	v10 =	vld [tilespmem:s12+$0x780]  }
0xc3: {  	v11 =	vld [tilespmem:s12+$0x790]  }
0xc4: {  	v12 =	vld [tilespmem:s12+$0x7A0]  }
0xc5: {  	v13 =	vld [tilespmem:s12+$0x7B0]  }
0xc6: {  	v14 =	vld [tilespmem:s12+$0x7C0]  }
0xc7: {  	v15 =	vld [tilespmem:s12+$0x7D0]  }
0xc8: {  	v2 =	vld [tilespmem:s12+$0x7E0]  }
0xc9: {  	v1 =	vld [tilespmem:s12+$0x7F0]  }
0xca: {  	v16 =	vld [tilespmem:s12+$0xCF10]  }
0xcb: {  	v17 =	vld [tilespmem:s12+$0x19710]  }
0xcc: {  	v18 =	vld [tilespmem:s12+$0xCF20]  }
0xcd: {  	v22 =	vld [tilespmem:s12+$0xCF40]  }
0xce: {  	v57 =	vld [tilespmem:s12+$0x19740]  }
0xcf: {  	v19 =	vld [tilespmem:s12+$0x19720]  }
0xd0: {  	v20 =	vld [tilespmem:s12+$0xCF30];
	v16 =	vadd.f32 v16, v3  }
0xd1: {  	v21 =	vld [tilespmem:s12+$0x19730];
	v3 =	vadd.f32 v17, v3  }
0xd2: {  	v0 =	vld [tilespmem:s12+$0x800];
	v58 =	vadd.f32 v18, v4;
	[tilespmem:s12+$0xCF10] =	vst v16  }
0xd3: {  	v62 =	vadd.f32 v22, v6;
	v6 =	vadd.f32 v57, v6;
	[tilespmem:s12+$0x19710] =	vst v3;
	v3 =	vld [tilespmem:s12+$0xCF50]  }
0xd4: {  	v59 =	vld [tilespmem:s12+$0x19750];
	v4 =	vadd.f32 v19, v4;
	[tilespmem:s12+$0xCF20] =	vst v58  }
0xd5: {  	v60 =	vadd.f32 v20, v5;
	[tilespmem:s12+$0x19740] =	vst v6;
	v6 =	vld [tilespmem:s12+$0xCF80]  }
0xd6: {  	v5 =	vadd.f32 v21, v5;
	[tilespmem:s12+$0x19720] =	vst v4;
	v4 =	vld [tilespmem:s12+$0xCF60]  }
0xd7: {  	v61 =	vld [tilespmem:s12+$0x19760];
	[tilespmem:s12+$0xCF30] =	vst v60  }
0xd8: {  	[tilespmem:s12+$0x19730] =	vst v5;
	v5 =	vld [tilespmem:s12+$0xCF70];
	v3 =	vadd.f32 v3, v7  }
0xd9: {  	v63 =	vld [tilespmem:s12+$0x19770];
	[tilespmem:s12+$0xCF40] =	vst v62;
	v7 =	vadd.f32 v59, v7  }
0xda: {  	v6 =	vadd.f32 v6, v10;
	[tilespmem:s12+$0xCF50] =	vst v3;
	v3 =	vld [tilespmem:s12+$0x19780]  }
0xdb: {  	v4 =	vadd.f32 v4, v8;
	[tilespmem:s12+$0x19750] =	vst v7;
	v7 =	vld [tilespmem:s12+$0xCF90]  }
0xdc: {  	v8 =	vadd.f32 v61, v8;
	[tilespmem:s12+$0xCF80] =	vst v6;
	v6 =	vld [tilespmem:s12+$0x197B0]  }
0xdd: {  	v5 =	vadd.f32 v5, v9;
	[tilespmem:s12+$0xCF60] =	vst v4;
	v4 =	vld [tilespmem:s12+$0x19790]  }
0xde: {  	v9 =	vadd.f32 v63, v9;
	[tilespmem:s12+$0x19760] =	vst v8;
	v8 =	vld [tilespmem:s12+$0xCFA0]  }
0xdf: {  	[tilespmem:s12+$0xCF70] =	vst v5;
	v5 =	vld [tilespmem:s12+$0x197A0];
	v3 =	vadd.f32 v3, v10  }
0xe0: {  	[tilespmem:s12+$0x19770] =	vst v9;
	v9 =	vld [tilespmem:s12+$0xCFB0];
	v7 =	vadd.f32 v7, v11  }
0xe1: {  	v10 =	vld [tilespmem:s12+$0xCFC0];
	v6 =	vadd.f32 v6, v13;
	[tilespmem:s12+$0x19780] =	vst v3  }
0xe2: {  	v3 =	vadd.f32 v4, v11;
	[tilespmem:s12+$0xCF90] =	vst v7;
	v7 =	vld [tilespmem:s12+$0x197C0]  }
0xe3: {  	v4 =	vadd.f32 v8, v12;
	v8 =	vld [tilespmem:s12+$0xCFD0];
	[tilespmem:s12+$0x197B0] =	vst v6  }
0xe4: {  	v11 =	vld [tilespmem:s12+$0x197D0];
	[tilespmem:s12+$0x19790] =	vst v3;
	v3 =	vadd.f32 v5, v12  }
0xe5: {  	[tilespmem:s12+$0xCFA0] =	vst v4;
	v5 =	vadd.f32 v9, v13;
	v4 =	vld [tilespmem:s12+$0xCFE0]  }
0xe6: {  	v9 =	vadd.f32 v10, v14;
	[tilespmem:s12+$0x197A0] =	vst v3;
	v3 =	vld [tilespmem:s12+$0x197E0]  }
0xe7: {  	[tilespmem:s12+$0xCFB0] =	vst v5;
	v5 =	vld [tilespmem:s12+$0xCFF0];
	v7 =	vadd.f32 v7, v14  }
0xe8: {  	v6 =	vld [tilespmem:s12+$0x197F0];
	[tilespmem:s12+$0xCFC0] =	vst v9;
	v9 =	vadd.f32 v8, v15  }
0xe9: {  	s13 =	simm.s32 $0x7C0;
	v8 =	vadd.f32 v11, v15;
	[tilespmem:s12+$0x197C0] =	vst v7;
	v7 =	vld [tilespmem:s12+$0xD000]  }
.LBB2_5:
0xea: {  	s14 =	sshra.s32 s13, $0x2;
	p0 =	sne.s32 s13, $0x18FC0;
	[tilespmem:s12+$0xCFD0] =	vst v9;
	v4 =	vadd.f32 v4, v2;
	v9 =	vld [tilespmem:s12+$0x19800]  }
0xeb: {  	v10 =	vld [tilespmem:s14+$0x710];
	[tilespmem:s12+$0x197D0] =	vst v8;
	v2 =	vadd.f32 v3, v2  }
0xec: {  	v3 =	vld [tilespmem:s14+$0x720];
	[tilespmem:s12+$0xCFE0] =	vst v4;
	v4 =	vadd.f32 v5, v1  }
0xed: {  	v5 =	vld [tilespmem:s14+$0x730];
	[tilespmem:s12+$0x197E0] =	vst v2;
	v1 =	vadd.f32 v6, v1  }
0xee: {  	v6 =	vld [tilespmem:s14+$0x740];
	[tilespmem:s12+$0xCFF0] =	vst v4;
	v2 =	vadd.f32 v7, v0  }
0xef: {  	v4 =	vld [tilespmem:s14+$0x750];
	[tilespmem:s12+$0x197F0] =	vst v1;
	v0 =	vadd.f32 v9, v0  }
0xf0: {  	v7 =	vld [tilespmem:s14+$0x760];
	[tilespmem:s12+$0xD000] =	vst v2  }
0xf1: {  	v8 =	vld [tilespmem:s14+$0x770];
	[tilespmem:s12+$0x19800] =	vst v0;
	s12 =	smov.u32 s14  }
0xf2: {  	v9 =	vld [tilespmem:s12+$0x780]  }
0xf3: {  	v11 =	vld [tilespmem:s12+$0x790]  }
0xf4: {  	v12 =	vld [tilespmem:s12+$0x7A0]  }
0xf5: {  	v13 =	vld [tilespmem:s12+$0x7B0]  }
0xf6: {  	v14 =	vld [tilespmem:s12+$0x7C0]  }
0xf7: {  	v15 =	vld [tilespmem:s12+$0x7D0]  }
0xf8: {  	v2 =	vld [tilespmem:s12+$0x7E0]  }
0xf9: {  	v1 =	vld [tilespmem:s12+$0x7F0]  }
0xfa: {  	v0 =	vld [tilespmem:s12+$0x800]  }
0xfb: {  	v16 =	vld [tilespmem:s12+$0xCF10]  }
0xfc: {  	v17 =	vld [tilespmem:s12+$0x19710]  }
0xfd: {  	v18 =	vld [tilespmem:s12+$0xCF20]  }
0xfe: {  	v19 =	vld [tilespmem:s12+$0x19720]  }
0xff: {  	v20 =	vld [tilespmem:s12+$0xCF30]  }
0x100: {  	v16 =	vadd.f32 v16, v10;
	v21 =	vld [tilespmem:s12+$0x19730]  }
0x101: {  	v10 =	vadd.f32 v17, v10;
	v17 =	vld [tilespmem:s12+$0xCF40]  }
0x102: {  	[tilespmem:s12+$0xCF10] =	vst v16;
	v16 =	vadd.f32 v18, v3;
	v18 =	vld [tilespmem:s12+$0x19740]  }
0x103: {  	[tilespmem:s12+$0x19710] =	vst v10;
	v3 =	vadd.f32 v19, v3;
	v10 =	vld [tilespmem:s12+$0xCF50]  }
0x104: {  	[tilespmem:s12+$0xCF20] =	vst v16;
	v16 =	vadd.f32 v20, v5;
	v19 =	vld [tilespmem:s12+$0x19750]  }
0x105: {  	[tilespmem:s12+$0x19720] =	vst v3;
	v3 =	vadd.f32 v21, v5;
	v5 =	vld [tilespmem:s12+$0xCF60]  }
0x106: {  	[tilespmem:s12+$0xCF30] =	vst v16;
	v16 =	vadd.f32 v17, v6;
	v17 =	vld [tilespmem:s12+$0x19760]  }
0x107: {  	[tilespmem:s12+$0x19730] =	vst v3;
	v3 =	vadd.f32 v18, v6;
	v6 =	vld [tilespmem:s12+$0xCF70]  }
0x108: {  	[tilespmem:s12+$0xCF40] =	vst v16;
	v10 =	vadd.f32 v10, v4;
	v16 =	vld [tilespmem:s12+$0x19770]  }
0x109: {  	[tilespmem:s12+$0x19740] =	vst v3;
	v3 =	vadd.f32 v19, v4;
	v4 =	vld [tilespmem:s12+$0xCF80]  }
0x10a: {  	[tilespmem:s12+$0xCF50] =	vst v10;
	v5 =	vadd.f32 v5, v7;
	v10 =	vld [tilespmem:s12+$0x19780]  }
0x10b: {  	[tilespmem:s12+$0x19750] =	vst v3;
	v3 =	vadd.f32 v17, v7;
	v7 =	vld [tilespmem:s12+$0xCF90]  }
0x10c: {  	[tilespmem:s12+$0xCF60] =	vst v5;
	v5 =	vadd.f32 v6, v8;
	v6 =	vld [tilespmem:s12+$0x19790]  }
0x10d: {  	[tilespmem:s12+$0x19760] =	vst v3;
	v3 =	vadd.f32 v16, v8;
	v8 =	vld [tilespmem:s12+$0xCFA0]  }
0x10e: {  	[tilespmem:s12+$0xCF70] =	vst v5;
	v4 =	vadd.f32 v4, v9;
	v5 =	vld [tilespmem:s12+$0x197A0]  }
0x10f: {  	[tilespmem:s12+$0x19770] =	vst v3;
	v3 =	vadd.f32 v10, v9;
	v9 =	vld [tilespmem:s12+$0xCFB0]  }
0x110: {  	[tilespmem:s12+$0xCF80] =	vst v4;
	v4 =	vadd.f32 v7, v11;
	v7 =	vld [tilespmem:s12+$0x197B0]  }
0x111: {  	[tilespmem:s12+$0x19780] =	vst v3;
	v3 =	vadd.f32 v6, v11;
	v6 =	vld [tilespmem:s12+$0xCFC0]  }
0x112: {  	[tilespmem:s12+$0xCF90] =	vst v4;
	v4 =	vadd.f32 v8, v12;
	v8 =	vld [tilespmem:s12+$0x197C0]  }
0x113: {  	[tilespmem:s12+$0x19790] =	vst v3;
	v3 =	vadd.f32 v5, v12;
	v10 =	vld [tilespmem:s12+$0xCFD0]  }
0x114: {  	[tilespmem:s12+$0xCFA0] =	vst v4;
	v5 =	vadd.f32 v9, v13;
	v11 =	vld [tilespmem:s12+$0x197D0]  }
.Ltmp1:
0x115: {  	[tilespmem:s12+$0x197A0] =	vst v3;
	v7 =	vadd.f32 v7, v13;
	v4 =	vld [tilespmem:s12+$0xCFE0];
	(pc) =	sbr.rel @p0 .LBB2_5-.Ltmp1, $4  }
0x116: {  	[tilespmem:s12+$0xCFB0] =	vst v5;
	v6 =	vadd.f32 v6, v14;
	v3 =	vld [tilespmem:s12+$0x197E0]  }
0x117: {  	[tilespmem:s12+$0x197B0] =	vst v7;
	v7 =	vadd.f32 v8, v14;
	v5 =	vld [tilespmem:s12+$0xCFF0]  }
0x118: {  	[tilespmem:s12+$0xCFC0] =	vst v6;
	v9 =	vadd.f32 v10, v15;
	v6 =	vld [tilespmem:s12+$0x197F0]  }
0x119: {  	s13 =	sadd.s32 $0x400, s13;
	[tilespmem:s12+$0x197C0] =	vst v7;
	v8 =	vadd.f32 v11, v15;
	v7 =	vld [tilespmem:s12+$0xD000]  }
0x11a: {  	[tilespmem:s12+$0xCFD0] =	vst v9;
	v4 =	vadd.f32 v4, v2;
	v9 =	vld [tilespmem:s12+$0x19800]  }
0x11b: {  	[tilespmem:s12+$0x197D0] =	vst v8;
	v2 =	vadd.f32 v3, v2  }
0x11c: {  	[tilespmem:s12+$0xCFE0] =	vst v4;
	v3 =	vadd.f32 v5, v1  }
0x11d: {  	[tilespmem:s12+$0x197E0] =	vst v2;
	v1 =	vadd.f32 v6, v1  }
0x11e: {  	s13 =	rddreg [dreg:$0x8];
	[tilespmem:s12+$0xCFF0] =	vst v3;
	v2 =	vadd.f32 v7, v0  }
0x11f: {  	s13 =	sadd.s32 s20, s13;
	[tilespmem:s12+$0x197F0] =	vst v1;
	v0 =	vadd.f32 v9, v0  }
0x120: {  	s13 =	sshll.u32 s13, $0x5;
	[tilespmem:s12+$0xD000] =	vst v2  }
0x121: {  	s15 =	sadd.s32 s4, s13;
	[tilespmem:s12+$0x19800] =	vst v0  }
0x122: {  	[hbm4b:s15+s18] =	stream.strided.scatter [tilespmem:s29], [sflag:$0x5], $0x6400, s19, s18, $0x38;
	[tilespmem:$0x1FC00] =	vst v63  }
0x123: {  	s13 =	sadd.s32 s13, s9  }
0x124: {  	[hbm4b:s13+s18] =	stream.strided.scatter [tilespmem:s0], [sflag:$0x5], $0x6400, s19, s18, $0x38;
	[tilespmem:$0x1FC00] =	vst v63  }
0x125: {  	_ =	swait.ge [sflag:s8], $0x6400  }
0x126: {  	[sflag:s8] =	ssyncset.done $0x0  }
0x127: {  	[sflag:s8] =	ssyncadd.s32 $0xFFFF9C00  }
0x128: {  	_ =	swait.ge [sflag:s8], $0x6400  }
0x129: {  	[sflag:s8] =	ssyncset.done $0x0  }
0x12a: {  	s14 =	simm.s32 $0x300;
	[sflag:s8] =	ssyncadd.s32 $0xFFFF9C00  }
0x12b: {  	[tilespmem:s29], [sflag:$0x2] =	stream.indirect.gather [hbm4b:s1+s21], $0x80, s14, s21, $0xb8;
	[tilespmem:$0x1FC00] =	vst v63  }
0x12c: {  	s15 =	simm.s32 $0x380  }
0x12d: {  	[tilespmem:s31], [sflag:$0x2] =	stream.indirect.gather [hbm4b:s1+s21], $0x80, s15, s21, $0xb8;
	[tilespmem:$0x1FC00] =	vst v63  }
0x12e: {  	_ = 	snop  }
0x12f: {  	[tilespmem:s0], [sflag:$0x4] =	stream.indirect.gather [hbm4b:s2+s21], $0x80, s14, s21, $0xb8;
	[tilespmem:$0x1FC00] =	vst v63  }
0x130: {  	_ = 	snop  }
0x131: {  	[tilespmem:s3], [sflag:$0x4] =	stream.indirect.gather [hbm4b:s2+s21], $0x80, s15, s21, $0xb8;
	[tilespmem:$0x1FC00] =	vst v63  }
0x132: {  	_ =	swait.ge [sflag:s23], $0x6400  }
0x133: {  	[sflag:s23] =	ssyncset.done $0x0  }
0x134: {  	[sflag:s23] =	ssyncadd.s32 $0xFFFF9C00  }
0x135: {  	_ =	swait.ge [sflag:s7], $0x6400  }
0x136: {  	[sflag:s7] =	ssyncset.done $0x0  }
0x137: {  	s12 =	simm.s32 $0xF0;
	[sflag:s7] =	ssyncadd.s32 $0xFFFF9C00  }
0x138: {  	v3 =	vld [tilespmem:s12+$0x710]  }
0x139: {  	v4 =	vld [tilespmem:s12+$0x720]  }
0x13a: {  	v5 =	vld [tilespmem:s12+$0x730]  }
0x13b: {  	v6 =	vld [tilespmem:s12+$0x740]  }
0x13c: {  	v7 =	vld [tilespmem:s12+$0x750]  }
0x13d: {  	v8 =	vld [tilespmem:s12+$0x760]  }
0x13e: {  	v9 =	vld [tilespmem:s12+$0x770]  }
0x13f: {  	v10 =	vld [tilespmem:s12+$0x780]  }
0x140: {  	v11 =	vld [tilespmem:s12+$0x790]  }
0x141: {  	v12 =	vld [tilespmem:s12+$0x7A0]  }
0x142: {  	v13 =	vld [tilespmem:s12+$0x7B0]  }
0x143: {  	v14 =	vld [tilespmem:s12+$0x7C0]  }
0x144: {  	v15 =	vld [tilespmem:s12+$0x7D0]  }
0x145: {  	v2 =	vld [tilespmem:s12+$0x7E0]  }
0x146: {  	v1 =	vld [tilespmem:s12+$0x7F0]  }
0x147: {  	v16 =	vld [tilespmem:s12+$0x6B10]  }
0x148: {  	v17 =	vld [tilespmem:s12+$0x13310]  }
0x149: {  	v18 =	vld [tilespmem:s12+$0x6B20]  }
0x14a: {  	v22 =	vld [tilespmem:s12+$0x6B40]  }
0x14b: {  	v57 =	vld [tilespmem:s12+$0x13340]  }
0x14c: {  	v19 =	vld [tilespmem:s12+$0x13320]  }
0x14d: {  	v20 =	vld [tilespmem:s12+$0x6B30];
	v16 =	vadd.f32 v16, v3  }
0x14e: {  	v21 =	vld [tilespmem:s12+$0x13330];
	v3 =	vadd.f32 v17, v3  }
0x14f: {  	v0 =	vld [tilespmem:s12+$0x800];
	v58 =	vadd.f32 v18, v4;
	[tilespmem:s12+$0x6B10] =	vst v16  }
0x150: {  	v62 =	vadd.f32 v22, v6;
	v6 =	vadd.f32 v57, v6;
	[tilespmem:s12+$0x13310] =	vst v3;
	v3 =	vld [tilespmem:s12+$0x6B50]  }
0x151: {  	v59 =	vld [tilespmem:s12+$0x13350];
	v4 =	vadd.f32 v19, v4;
	[tilespmem:s12+$0x6B20] =	vst v58  }
0x152: {  	v60 =	vadd.f32 v20, v5;
	[tilespmem:s12+$0x13340] =	vst v6;
	v6 =	vld [tilespmem:s12+$0x6B80]  }
0x153: {  	v5 =	vadd.f32 v21, v5;
	[tilespmem:s12+$0x13320] =	vst v4;
	v4 =	vld [tilespmem:s12+$0x6B60]  }
0x154: {  	v61 =	vld [tilespmem:s12+$0x13360];
	[tilespmem:s12+$0x6B30] =	vst v60  }
0x155: {  	[tilespmem:s12+$0x13330] =	vst v5;
	v5 =	vld [tilespmem:s12+$0x6B70];
	v3 =	vadd.f32 v3, v7  }
0x156: {  	v63 =	vld [tilespmem:s12+$0x13370];
	[tilespmem:s12+$0x6B40] =	vst v62;
	v7 =	vadd.f32 v59, v7  }
0x157: {  	v6 =	vadd.f32 v6, v10;
	[tilespmem:s12+$0x6B50] =	vst v3;
	v3 =	vld [tilespmem:s12+$0x13380]  }
0x158: {  	v4 =	vadd.f32 v4, v8;
	[tilespmem:s12+$0x13350] =	vst v7;
	v7 =	vld [tilespmem:s12+$0x6B90]  }
0x159: {  	v8 =	vadd.f32 v61, v8;
	[tilespmem:s12+$0x6B80] =	vst v6;
	v6 =	vld [tilespmem:s12+$0x133B0]  }
0x15a: {  	v5 =	vadd.f32 v5, v9;
	[tilespmem:s12+$0x6B60] =	vst v4;
	v4 =	vld [tilespmem:s12+$0x13390]  }
0x15b: {  	v9 =	vadd.f32 v63, v9;
	[tilespmem:s12+$0x13360] =	vst v8;
	v8 =	vld [tilespmem:s12+$0x6BA0]  }
0x15c: {  	[tilespmem:s12+$0x6B70] =	vst v5;
	v5 =	vld [tilespmem:s12+$0x133A0];
	v3 =	vadd.f32 v3, v10  }
0x15d: {  	[tilespmem:s12+$0x13370] =	vst v9;
	v9 =	vld [tilespmem:s12+$0x6BB0];
	v7 =	vadd.f32 v7, v11  }
0x15e: {  	v10 =	vld [tilespmem:s12+$0x6BC0];
	v6 =	vadd.f32 v6, v13;
	[tilespmem:s12+$0x13380] =	vst v3  }
0x15f: {  	v3 =	vadd.f32 v4, v11;
	[tilespmem:s12+$0x6B90] =	vst v7;
	v7 =	vld [tilespmem:s12+$0x133C0]  }
0x160: {  	v4 =	vadd.f32 v8, v12;
	v8 =	vld [tilespmem:s12+$0x6BD0];
	[tilespmem:s12+$0x133B0] =	vst v6  }
0x161: {  	v11 =	vld [tilespmem:s12+$0x133D0];
	[tilespmem:s12+$0x13390] =	vst v3;
	v3 =	vadd.f32 v5, v12  }
0x162: {  	[tilespmem:s12+$0x6BA0] =	vst v4;
	v5 =	vadd.f32 v9, v13;
	v4 =	vld [tilespmem:s12+$0x6BE0]  }
0x163: {  	v9 =	vadd.f32 v10, v14;
	[tilespmem:s12+$0x133A0] =	vst v3;
	v3 =	vld [tilespmem:s12+$0x133E0]  }
0x164: {  	[tilespmem:s12+$0x6BB0] =	vst v5;
	v5 =	vld [tilespmem:s12+$0x6BF0];
	v7 =	vadd.f32 v7, v14  }
0x165: {  	v6 =	vld [tilespmem:s12+$0x133F0];
	[tilespmem:s12+$0x6BC0] =	vst v9;
	v9 =	vadd.f32 v8, v15  }
0x166: {  	s13 =	simm.s32 $0x7C0;
	v8 =	vadd.f32 v11, v15;
	[tilespmem:s12+$0x133C0] =	vst v7;
	v7 =	vld [tilespmem:s12+$0x6C00]  }
.LBB2_7:
0x167: {  	s14 =	sshra.s32 s13, $0x2;
	p0 =	sne.s32 s13, $0x18FC0;
	[tilespmem:s12+$0x6BD0] =	vst v9;
	v4 =	vadd.f32 v4, v2;
	v9 =	vld [tilespmem:s12+$0x13400]  }
0x168: {  	v10 =	vld [tilespmem:s14+$0x710];
	[tilespmem:s12+$0x133D0] =	vst v8;
	v2 =	vadd.f32 v3, v2  }
0x169: {  	v3 =	vld [tilespmem:s14+$0x720];
	[tilespmem:s12+$0x6BE0] =	vst v4;
	v4 =	vadd.f32 v5, v1  }
0x16a: {  	v5 =	vld [tilespmem:s14+$0x730];
	[tilespmem:s12+$0x133E0] =	vst v2;
	v1 =	vadd.f32 v6, v1  }
0x16b: {  	v6 =	vld [tilespmem:s14+$0x740];
	[tilespmem:s12+$0x6BF0] =	vst v4;
	v2 =	vadd.f32 v7, v0  }
0x16c: {  	v4 =	vld [tilespmem:s14+$0x750];
	[tilespmem:s12+$0x133F0] =	vst v1;
	v0 =	vadd.f32 v9, v0  }
0x16d: {  	v7 =	vld [tilespmem:s14+$0x760];
	[tilespmem:s12+$0x6C00] =	vst v2  }
0x16e: {  	v8 =	vld [tilespmem:s14+$0x770];
	[tilespmem:s12+$0x13400] =	vst v0;
	s12 =	smov.u32 s14  }
0x16f: {  	v9 =	vld [tilespmem:s12+$0x780]  }
0x170: {  	v11 =	vld [tilespmem:s12+$0x790]  }
0x171: {  	v12 =	vld [tilespmem:s12+$0x7A0]  }
0x172: {  	v13 =	vld [tilespmem:s12+$0x7B0]  }
0x173: {  	v14 =	vld [tilespmem:s12+$0x7C0]  }
0x174: {  	v15 =	vld [tilespmem:s12+$0x7D0]  }
0x175: {  	v2 =	vld [tilespmem:s12+$0x7E0]  }
0x176: {  	v1 =	vld [tilespmem:s12+$0x7F0]  }
0x177: {  	v0 =	vld [tilespmem:s12+$0x800]  }
0x178: {  	v16 =	vld [tilespmem:s12+$0x6B10]  }
0x179: {  	v17 =	vld [tilespmem:s12+$0x13310]  }
0x17a: {  	v18 =	vld [tilespmem:s12+$0x6B20]  }
0x17b: {  	v19 =	vld [tilespmem:s12+$0x13320]  }
0x17c: {  	v20 =	vld [tilespmem:s12+$0x6B30]  }
0x17d: {  	v16 =	vadd.f32 v16, v10;
	v21 =	vld [tilespmem:s12+$0x13330]  }
0x17e: {  	v10 =	vadd.f32 v17, v10;
	v17 =	vld [tilespmem:s12+$0x6B40]  }
0x17f: {  	[tilespmem:s12+$0x6B10] =	vst v16;
	v16 =	vadd.f32 v18, v3;
	v18 =	vld [tilespmem:s12+$0x13340]  }
0x180: {  	[tilespmem:s12+$0x13310] =	vst v10;
	v3 =	vadd.f32 v19, v3;
	v10 =	vld [tilespmem:s12+$0x6B50]  }
0x181: {  	[tilespmem:s12+$0x6B20] =	vst v16;
	v16 =	vadd.f32 v20, v5;
	v19 =	vld [tilespmem:s12+$0x13350]  }
0x182: {  	[tilespmem:s12+$0x13320] =	vst v3;
	v3 =	vadd.f32 v21, v5;
	v5 =	vld [tilespmem:s12+$0x6B60]  }
0x183: {  	[tilespmem:s12+$0x6B30] =	vst v16;
	v16 =	vadd.f32 v17, v6;
	v17 =	vld [tilespmem:s12+$0x13360]  }
0x184: {  	[tilespmem:s12+$0x13330] =	vst v3;
	v3 =	vadd.f32 v18, v6;
	v6 =	vld [tilespmem:s12+$0x6B70]  }
0x185: {  	[tilespmem:s12+$0x6B40] =	vst v16;
	v10 =	vadd.f32 v10, v4;
	v16 =	vld [tilespmem:s12+$0x13370]  }
0x186: {  	[tilespmem:s12+$0x13340] =	vst v3;
	v3 =	vadd.f32 v19, v4;
	v4 =	vld [tilespmem:s12+$0x6B80]  }
0x187: {  	[tilespmem:s12+$0x6B50] =	vst v10;
	v5 =	vadd.f32 v5, v7;
	v10 =	vld [tilespmem:s12+$0x13380]  }
0x188: {  	[tilespmem:s12+$0x13350] =	vst v3;
	v3 =	vadd.f32 v17, v7;
	v7 =	vld [tilespmem:s12+$0x6B90]  }
0x189: {  	[tilespmem:s12+$0x6B60] =	vst v5;
	v5 =	vadd.f32 v6, v8;
	v6 =	vld [tilespmem:s12+$0x13390]  }
0x18a: {  	[tilespmem:s12+$0x13360] =	vst v3;
	v3 =	vadd.f32 v16, v8;
	v8 =	vld [tilespmem:s12+$0x6BA0]  }
0x18b: {  	[tilespmem:s12+$0x6B70] =	vst v5;
	v4 =	vadd.f32 v4, v9;
	v5 =	vld [tilespmem:s12+$0x133A0]  }
0x18c: {  	[tilespmem:s12+$0x13370] =	vst v3;
	v3 =	vadd.f32 v10, v9;
	v9 =	vld [tilespmem:s12+$0x6BB0]  }
0x18d: {  	[tilespmem:s12+$0x6B80] =	vst v4;
	v4 =	vadd.f32 v7, v11;
	v7 =	vld [tilespmem:s12+$0x133B0]  }
0x18e: {  	[tilespmem:s12+$0x13380] =	vst v3;
	v3 =	vadd.f32 v6, v11;
	v6 =	vld [tilespmem:s12+$0x6BC0]  }
0x18f: {  	[tilespmem:s12+$0x6B90] =	vst v4;
	v4 =	vadd.f32 v8, v12;
	v8 =	vld [tilespmem:s12+$0x133C0]  }
0x190: {  	[tilespmem:s12+$0x13390] =	vst v3;
	v3 =	vadd.f32 v5, v12;
	v10 =	vld [tilespmem:s12+$0x6BD0]  }
0x191: {  	[tilespmem:s12+$0x6BA0] =	vst v4;
	v5 =	vadd.f32 v9, v13;
	v11 =	vld [tilespmem:s12+$0x133D0]  }
.Ltmp2:
0x192: {  	[tilespmem:s12+$0x133A0] =	vst v3;
	v7 =	vadd.f32 v7, v13;
	v4 =	vld [tilespmem:s12+$0x6BE0];
	(pc) =	sbr.rel @p0 .LBB2_7-.Ltmp2, $4  }
0x193: {  	[tilespmem:s12+$0x6BB0] =	vst v5;
	v6 =	vadd.f32 v6, v14;
	v3 =	vld [tilespmem:s12+$0x133E0]  }
0x194: {  	[tilespmem:s12+$0x133B0] =	vst v7;
	v7 =	vadd.f32 v8, v14;
	v5 =	vld [tilespmem:s12+$0x6BF0]  }
0x195: {  	[tilespmem:s12+$0x6BC0] =	vst v6;
	v9 =	vadd.f32 v10, v15;
	v6 =	vld [tilespmem:s12+$0x133F0]  }
0x196: {  	s13 =	sadd.s32 $0x400, s13;
	[tilespmem:s12+$0x133C0] =	vst v7;
	v8 =	vadd.f32 v11, v15;
	v7 =	vld [tilespmem:s12+$0x6C00]  }
0x197: {  	[tilespmem:s12+$0x6BD0] =	vst v9;
	v4 =	vadd.f32 v4, v2;
	v9 =	vld [tilespmem:s12+$0x13400]  }
0x198: {  	[tilespmem:s12+$0x133D0] =	vst v8;
	v2 =	vadd.f32 v3, v2  }
0x199: {  	[tilespmem:s12+$0x6BE0] =	vst v4;
	v3 =	vadd.f32 v5, v1  }
0x19a: {  	[tilespmem:s12+$0x133E0] =	vst v2;
	v1 =	vadd.f32 v6, v1  }
0x19b: {  	s13 =	rddreg [dreg:$0x9];
	[tilespmem:s12+$0x6BF0] =	vst v3;
	v2 =	vadd.f32 v7, v0  }
0x19c: {  	s13 =	sadd.s32 s20, s13;
	[tilespmem:s12+$0x133F0] =	vst v1;
	v0 =	vadd.f32 v9, v0  }
0x19d: {  	s13 =	sshll.u32 s13, $0x5;
	[tilespmem:s12+$0x6C00] =	vst v2  }
0x19e: {  	s15 =	sadd.s32 s4, s13;
	[tilespmem:s12+$0x13400] =	vst v0  }
0x19f: {  	[hbm4b:s15+s18] =	stream.strided.scatter [tilespmem:s22], [sflag:$0x5], $0x6400, s19, s18, $0x38;
	[tilespmem:$0x1FC00] =	vst v63  }
0x1a0: {  	s14 =	sadd.s32 s13, s9  }
0x1a1: {  	[hbm4b:s14+s18] =	stream.strided.scatter [tilespmem:s25], [sflag:$0x5], $0x6400, s19, s18, $0x38;
	[tilespmem:$0x1FC00] =	vst v63  }
0x1a2: {  	_ =	swait.ge [sflag:s8], $0x6400  }
0x1a3: {  	[sflag:s8] =	ssyncset.done $0x0  }
0x1a4: {  	[sflag:s8] =	ssyncadd.s32 $0xFFFF9C00  }
0x1a5: {  	_ =	swait.ge [sflag:s8], $0x6400  }
0x1a6: {  	[sflag:s8] =	ssyncset.done $0x0  }
0x1a7: {  	[sflag:s8] =	ssyncadd.s32 $0xFFFF9C00  }
0x1a8: {  	[tilespmem:s22], [sflag:$0x1] =	stream.indirect.gather [hbm4b:s1+s21], $0x80, s18, s21, $0xb8;
	[tilespmem:$0x1FC00] =	vst v63  }
0x1a9: {  	s15 =	simm.s32 $0x480  }
0x1aa: {  	[tilespmem:s24], [sflag:$0x1] =	stream.indirect.gather [hbm4b:s1+s21], $0x80, s15, s21, $0xb8;
	[tilespmem:$0x1FC00] =	vst v63  }
0x1ab: {  	_ = 	snop  }
0x1ac: {  	[tilespmem:s25], [sflag:$0x3] =	stream.indirect.gather [hbm4b:s2+s21], $0x80, s18, s21, $0xb8;
	[tilespmem:$0x1FC00] =	vst v63  }
0x1ad: {  	_ = 	snop  }
0x1ae: {  	[tilespmem:s26], [sflag:$0x3] =	stream.indirect.gather [hbm4b:s2+s21], $0x80, s15, s21, $0xb8;
	[tilespmem:$0x1FC00] =	vst v63  }
0x1af: {  	_ =	swait.ge [sflag:s10], $0x6400  }
0x1b0: {  	[sflag:s10] =	ssyncset.done $0x0  }
0x1b1: {  	[sflag:s10] =	ssyncadd.s32 $0xFFFF9C00  }
0x1b2: {  	_ =	swait.ge [sflag:s11], $0x6400  }
0x1b3: {  	[sflag:s11] =	ssyncset.done $0x0  }
0x1b4: {  	s12 =	simm.s32 $0xF0;
	[sflag:s11] =	ssyncadd.s32 $0xFFFF9C00  }
0x1b5: {  	v3 =	vld [tilespmem:s12+$0x710]  }
0x1b6: {  	v4 =	vld [tilespmem:s12+$0x720]  }
0x1b7: {  	v5 =	vld [tilespmem:s12+$0x730]  }
0x1b8: {  	v6 =	vld [tilespmem:s12+$0x740]  }
0x1b9: {  	v7 =	vld [tilespmem:s12+$0x750]  }
0x1ba: {  	v8 =	vld [tilespmem:s12+$0x760]  }
0x1bb: {  	v9 =	vld [tilespmem:s12+$0x770]  }
0x1bc: {  	v10 =	vld [tilespmem:s12+$0x780]  }
0x1bd: {  	v11 =	vld [tilespmem:s12+$0x790]  }
0x1be: {  	v12 =	vld [tilespmem:s12+$0x7A0]  }
0x1bf: {  	v13 =	vld [tilespmem:s12+$0x7B0]  }
0x1c0: {  	v14 =	vld [tilespmem:s12+$0x7C0]  }
0x1c1: {  	v15 =	vld [tilespmem:s12+$0x7D0]  }
0x1c2: {  	v2 =	vld [tilespmem:s12+$0x7E0]  }
0x1c3: {  	v1 =	vld [tilespmem:s12+$0x7F0]  }
0x1c4: {  	v16 =	vld [tilespmem:s12+$0xCF10]  }
0x1c5: {  	v17 =	vld [tilespmem:s12+$0x19710]  }
0x1c6: {  	v18 =	vld [tilespmem:s12+$0xCF20]  }
0x1c7: {  	v22 =	vld [tilespmem:s12+$0xCF40]  }
0x1c8: {  	v57 =	vld [tilespmem:s12+$0x19740]  }
0x1c9: {  	v19 =	vld [tilespmem:s12+$0x19720]  }
0x1ca: {  	v20 =	vld [tilespmem:s12+$0xCF30];
	v16 =	vadd.f32 v16, v3  }
0x1cb: {  	v21 =	vld [tilespmem:s12+$0x19730];
	v3 =	vadd.f32 v17, v3  }
0x1cc: {  	v0 =	vld [tilespmem:s12+$0x800];
	v58 =	vadd.f32 v18, v4;
	[tilespmem:s12+$0xCF10] =	vst v16  }
0x1cd: {  	v62 =	vadd.f32 v22, v6;
	v6 =	vadd.f32 v57, v6;
	[tilespmem:s12+$0x19710] =	vst v3;
	v3 =	vld [tilespmem:s12+$0xCF50]  }
0x1ce: {  	v59 =	vld [tilespmem:s12+$0x19750];
	v4 =	vadd.f32 v19, v4;
	[tilespmem:s12+$0xCF20] =	vst v58  }
0x1cf: {  	v60 =	vadd.f32 v20, v5;
	[tilespmem:s12+$0x19740] =	vst v6;
	v6 =	vld [tilespmem:s12+$0xCF80]  }
0x1d0: {  	v5 =	vadd.f32 v21, v5;
	[tilespmem:s12+$0x19720] =	vst v4;
	v4 =	vld [tilespmem:s12+$0xCF60]  }
0x1d1: {  	v61 =	vld [tilespmem:s12+$0x19760];
	[tilespmem:s12+$0xCF30] =	vst v60  }
0x1d2: {  	[tilespmem:s12+$0x19730] =	vst v5;
	v5 =	vld [tilespmem:s12+$0xCF70];
	v3 =	vadd.f32 v3, v7  }
0x1d3: {  	v63 =	vld [tilespmem:s12+$0x19770];
	[tilespmem:s12+$0xCF40] =	vst v62;
	v7 =	vadd.f32 v59, v7  }
0x1d4: {  	v6 =	vadd.f32 v6, v10;
	[tilespmem:s12+$0xCF50] =	vst v3;
	v3 =	vld [tilespmem:s12+$0x19780]  }
0x1d5: {  	v4 =	vadd.f32 v4, v8;
	[tilespmem:s12+$0x19750] =	vst v7;
	v7 =	vld [tilespmem:s12+$0xCF90]  }
0x1d6: {  	v8 =	vadd.f32 v61, v8;
	[tilespmem:s12+$0xCF80] =	vst v6;
	v6 =	vld [tilespmem:s12+$0x197B0]  }
0x1d7: {  	v5 =	vadd.f32 v5, v9;
	[tilespmem:s12+$0xCF60] =	vst v4;
	v4 =	vld [tilespmem:s12+$0x19790]  }
0x1d8: {  	v9 =	vadd.f32 v63, v9;
	[tilespmem:s12+$0x19760] =	vst v8;
	v8 =	vld [tilespmem:s12+$0xCFA0]  }
0x1d9: {  	[tilespmem:s12+$0xCF70] =	vst v5;
	v5 =	vld [tilespmem:s12+$0x197A0];
	v3 =	vadd.f32 v3, v10  }
0x1da: {  	[tilespmem:s12+$0x19770] =	vst v9;
	v9 =	vld [tilespmem:s12+$0xCFB0];
	v7 =	vadd.f32 v7, v11  }
0x1db: {  	v10 =	vld [tilespmem:s12+$0xCFC0];
	v6 =	vadd.f32 v6, v13;
	[tilespmem:s12+$0x19780] =	vst v3  }
0x1dc: {  	v3 =	vadd.f32 v4, v11;
	[tilespmem:s12+$0xCF90] =	vst v7;
	v7 =	vld [tilespmem:s12+$0x197C0]  }
0x1dd: {  	v4 =	vadd.f32 v8, v12;
	v8 =	vld [tilespmem:s12+$0xCFD0];
	[tilespmem:s12+$0x197B0] =	vst v6  }
0x1de: {  	v11 =	vld [tilespmem:s12+$0x197D0];
	[tilespmem:s12+$0x19790] =	vst v3;
	v3 =	vadd.f32 v5, v12  }
0x1df: {  	[tilespmem:s12+$0xCFA0] =	vst v4;
	v5 =	vadd.f32 v9, v13;
	v4 =	vld [tilespmem:s12+$0xCFE0]  }
0x1e0: {  	v9 =	vadd.f32 v10, v14;
	[tilespmem:s12+$0x197A0] =	vst v3;
	v3 =	vld [tilespmem:s12+$0x197E0]  }
0x1e1: {  	[tilespmem:s12+$0xCFB0] =	vst v5;
	v5 =	vld [tilespmem:s12+$0xCFF0];
	v7 =	vadd.f32 v7, v14  }
0x1e2: {  	v6 =	vld [tilespmem:s12+$0x197F0];
	[tilespmem:s12+$0xCFC0] =	vst v9;
	v9 =	vadd.f32 v8, v15  }
0x1e3: {  	s13 =	simm.s32 $0x7C0;
	v8 =	vadd.f32 v11, v15;
	[tilespmem:s12+$0x197C0] =	vst v7;
	v7 =	vld [tilespmem:s12+$0xD000]  }
.LBB2_9:
0x1e4: {  	s14 =	sshra.s32 s13, $0x2;
	p0 =	sne.s32 s13, $0x18FC0;
	[tilespmem:s12+$0xCFD0] =	vst v9;
	v4 =	vadd.f32 v4, v2;
	v9 =	vld [tilespmem:s12+$0x19800]  }
0x1e5: {  	v10 =	vld [tilespmem:s14+$0x710];
	[tilespmem:s12+$0x197D0] =	vst v8;
	v2 =	vadd.f32 v3, v2  }
0x1e6: {  	v3 =	vld [tilespmem:s14+$0x720];
	[tilespmem:s12+$0xCFE0] =	vst v4;
	v4 =	vadd.f32 v5, v1  }
0x1e7: {  	v5 =	vld [tilespmem:s14+$0x730];
	[tilespmem:s12+$0x197E0] =	vst v2;
	v1 =	vadd.f32 v6, v1  }
0x1e8: {  	v6 =	vld [tilespmem:s14+$0x740];
	[tilespmem:s12+$0xCFF0] =	vst v4;
	v2 =	vadd.f32 v7, v0  }
0x1e9: {  	v4 =	vld [tilespmem:s14+$0x750];
	[tilespmem:s12+$0x197F0] =	vst v1;
	v0 =	vadd.f32 v9, v0  }
0x1ea: {  	v7 =	vld [tilespmem:s14+$0x760];
	[tilespmem:s12+$0xD000] =	vst v2  }
0x1eb: {  	v8 =	vld [tilespmem:s14+$0x770];
	[tilespmem:s12+$0x19800] =	vst v0;
	s12 =	smov.u32 s14  }
0x1ec: {  	v9 =	vld [tilespmem:s12+$0x780]  }
0x1ed: {  	v11 =	vld [tilespmem:s12+$0x790]  }
0x1ee: {  	v12 =	vld [tilespmem:s12+$0x7A0]  }
0x1ef: {  	v13 =	vld [tilespmem:s12+$0x7B0]  }
0x1f0: {  	v14 =	vld [tilespmem:s12+$0x7C0]  }
0x1f1: {  	v15 =	vld [tilespmem:s12+$0x7D0]  }
0x1f2: {  	v2 =	vld [tilespmem:s12+$0x7E0]  }
0x1f3: {  	v1 =	vld [tilespmem:s12+$0x7F0]  }
0x1f4: {  	v0 =	vld [tilespmem:s12+$0x800]  }
0x1f5: {  	v16 =	vld [tilespmem:s12+$0xCF10]  }
0x1f6: {  	v17 =	vld [tilespmem:s12+$0x19710]  }
0x1f7: {  	v18 =	vld [tilespmem:s12+$0xCF20]  }
0x1f8: {  	v19 =	vld [tilespmem:s12+$0x19720]  }
0x1f9: {  	v20 =	vld [tilespmem:s12+$0xCF30]  }
0x1fa: {  	v16 =	vadd.f32 v16, v10;
	v21 =	vld [tilespmem:s12+$0x19730]  }
0x1fb: {  	v10 =	vadd.f32 v17, v10;
	v17 =	vld [tilespmem:s12+$0xCF40]  }
0x1fc: {  	[tilespmem:s12+$0xCF10] =	vst v16;
	v16 =	vadd.f32 v18, v3;
	v18 =	vld [tilespmem:s12+$0x19740]  }
0x1fd: {  	[tilespmem:s12+$0x19710] =	vst v10;
	v3 =	vadd.f32 v19, v3;
	v10 =	vld [tilespmem:s12+$0xCF50]  }
0x1fe: {  	[tilespmem:s12+$0xCF20] =	vst v16;
	v16 =	vadd.f32 v20, v5;
	v19 =	vld [tilespmem:s12+$0x19750]  }
0x1ff: {  	[tilespmem:s12+$0x19720] =	vst v3;
	v3 =	vadd.f32 v21, v5;
	v5 =	vld [tilespmem:s12+$0xCF60]  }
0x200: {  	[tilespmem:s12+$0xCF30] =	vst v16;
	v16 =	vadd.f32 v17, v6;
	v17 =	vld [tilespmem:s12+$0x19760]  }
0x201: {  	[tilespmem:s12+$0x19730] =	vst v3;
	v3 =	vadd.f32 v18, v6;
	v6 =	vld [tilespmem:s12+$0xCF70]  }
0x202: {  	[tilespmem:s12+$0xCF40] =	vst v16;
	v10 =	vadd.f32 v10, v4;
	v16 =	vld [tilespmem:s12+$0x19770]  }
0x203: {  	[tilespmem:s12+$0x19740] =	vst v3;
	v3 =	vadd.f32 v19, v4;
	v4 =	vld [tilespmem:s12+$0xCF80]  }
0x204: {  	[tilespmem:s12+$0xCF50] =	vst v10;
	v5 =	vadd.f32 v5, v7;
	v10 =	vld [tilespmem:s12+$0x19780]  }
0x205: {  	[tilespmem:s12+$0x19750] =	vst v3;
	v3 =	vadd.f32 v17, v7;
	v7 =	vld [tilespmem:s12+$0xCF90]  }
0x206: {  	[tilespmem:s12+$0xCF60] =	vst v5;
	v5 =	vadd.f32 v6, v8;
	v6 =	vld [tilespmem:s12+$0x19790]  }
0x207: {  	[tilespmem:s12+$0x19760] =	vst v3;
	v3 =	vadd.f32 v16, v8;
	v8 =	vld [tilespmem:s12+$0xCFA0]  }
0x208: {  	[tilespmem:s12+$0xCF70] =	vst v5;
	v4 =	vadd.f32 v4, v9;
	v5 =	vld [tilespmem:s12+$0x197A0]  }
0x209: {  	[tilespmem:s12+$0x19770] =	vst v3;
	v3 =	vadd.f32 v10, v9;
	v9 =	vld [tilespmem:s12+$0xCFB0]  }
0x20a: {  	[tilespmem:s12+$0xCF80] =	vst v4;
	v4 =	vadd.f32 v7, v11;
	v7 =	vld [tilespmem:s12+$0x197B0]  }
0x20b: {  	[tilespmem:s12+$0x19780] =	vst v3;
	v3 =	vadd.f32 v6, v11;
	v6 =	vld [tilespmem:s12+$0xCFC0]  }
0x20c: {  	[tilespmem:s12+$0xCF90] =	vst v4;
	v4 =	vadd.f32 v8, v12;
	v8 =	vld [tilespmem:s12+$0x197C0]  }
0x20d: {  	[tilespmem:s12+$0x19790] =	vst v3;
	v3 =	vadd.f32 v5, v12;
	v10 =	vld [tilespmem:s12+$0xCFD0]  }
0x20e: {  	[tilespmem:s12+$0xCFA0] =	vst v4;
	v5 =	vadd.f32 v9, v13;
	v11 =	vld [tilespmem:s12+$0x197D0]  }
.Ltmp3:
0x20f: {  	[tilespmem:s12+$0x197A0] =	vst v3;
	v7 =	vadd.f32 v7, v13;
	v4 =	vld [tilespmem:s12+$0xCFE0];
	(pc) =	sbr.rel @p0 .LBB2_9-.Ltmp3, $4  }
0x210: {  	[tilespmem:s12+$0xCFB0] =	vst v5;
	v6 =	vadd.f32 v6, v14;
	v3 =	vld [tilespmem:s12+$0x197E0]  }
0x211: {  	[tilespmem:s12+$0x197B0] =	vst v7;
	v7 =	vadd.f32 v8, v14;
	v5 =	vld [tilespmem:s12+$0xCFF0]  }
0x212: {  	[tilespmem:s12+$0xCFC0] =	vst v6;
	v9 =	vadd.f32 v10, v15;
	v6 =	vld [tilespmem:s12+$0x197F0]  }
0x213: {  	s13 =	sadd.s32 $0x400, s13;
	[tilespmem:s12+$0x197C0] =	vst v7;
	v8 =	vadd.f32 v11, v15;
	v7 =	vld [tilespmem:s12+$0xD000]  }
0x214: {  	[tilespmem:s12+$0xCFD0] =	vst v9;
	v4 =	vadd.f32 v4, v2;
	v9 =	vld [tilespmem:s12+$0x19800]  }
0x215: {  	[tilespmem:s12+$0x197D0] =	vst v8;
	v2 =	vadd.f32 v3, v2  }
0x216: {  	[tilespmem:s12+$0xCFE0] =	vst v4;
	v3 =	vadd.f32 v5, v1  }
0x217: {  	[tilespmem:s12+$0x197E0] =	vst v2;
	v1 =	vadd.f32 v6, v1  }
0x218: {  	s13 =	rddreg [dreg:$0xa];
	[tilespmem:s12+$0xCFF0] =	vst v3;
	v2 =	vadd.f32 v7, v0  }
0x219: {  	s13 =	sadd.s32 s20, s13;
	[tilespmem:s12+$0x197F0] =	vst v1;
	v0 =	vadd.f32 v9, v0  }
0x21a: {  	s13 =	sshll.u32 s13, $0x5;
	[tilespmem:s12+$0xD000] =	vst v2  }
0x21b: {  	s15 =	sadd.s32 s4, s13;
	[tilespmem:s12+$0x19800] =	vst v0  }
0x21c: {  	[hbm4b:s15+s18] =	stream.strided.scatter [tilespmem:s29], [sflag:$0x5], $0x6400, s19, s18, $0x38;
	[tilespmem:$0x1FC00] =	vst v63  }
0x21d: {  	s14 =	sadd.s32 s13, s9  }
0x21e: {  	[hbm4b:s14+s18] =	stream.strided.scatter [tilespmem:s0], [sflag:$0x5], $0x6400, s19, s18, $0x38;
	[tilespmem:$0x1FC00] =	vst v63  }
0x21f: {  	_ =	swait.ge [sflag:s8], $0x6400  }
0x220: {  	[sflag:s8] =	ssyncset.done $0x0  }
0x221: {  	[sflag:s8] =	ssyncadd.s32 $0xFFFF9C00  }
0x222: {  	_ =	swait.ge [sflag:s8], $0x6400  }
0x223: {  	[sflag:s8] =	ssyncset.done $0x0  }
0x224: {  	s15 =	simm.s32 $0x500;
	[sflag:s8] =	ssyncadd.s32 $0xFFFF9C00  }
0x225: {  	[tilespmem:s29], [sflag:$0x2] =	stream.indirect.gather [hbm4b:s1+s21], $0x80, s15, s21, $0xb8;
	[tilespmem:$0x1FC00] =	vst v63  }
0x226: {  	_ = 	snop  }
0x227: {  	[tilespmem:s31], [sflag:$0x2] =	stream.indirect.gather [hbm4b:s1+s21], $0x80, s16, s21, $0xb8;
	[tilespmem:$0x1FC00] =	vst v63  }
0x228: {  	_ = 	snop  }
0x229: {  	[tilespmem:s0], [sflag:$0x4] =	stream.indirect.gather [hbm4b:s2+s21], $0x80, s15, s21, $0xb8;
	[tilespmem:$0x1FC00] =	vst v63  }
0x22a: {  	_ = 	snop  }
0x22b: {  	[tilespmem:s3], [sflag:$0x4] =	stream.indirect.gather [hbm4b:s2+s21], $0x80, s16, s21, $0xb8;
	[tilespmem:$0x1FC00] =	vst v63  }
0x22c: {  	_ =	swait.ge [sflag:s23], $0x6400  }
0x22d: {  	[sflag:s23] =	ssyncset.done $0x0  }
0x22e: {  	[sflag:s23] =	ssyncadd.s32 $0xFFFF9C00  }
0x22f: {  	_ =	swait.ge [sflag:s7], $0x6400  }
0x230: {  	[sflag:s7] =	ssyncset.done $0x0  }
0x231: {  	s12 =	simm.s32 $0xF0;
	[sflag:s7] =	ssyncadd.s32 $0xFFFF9C00  }
0x232: {  	v3 =	vld [tilespmem:s12+$0x710]  }
0x233: {  	v4 =	vld [tilespmem:s12+$0x720]  }
0x234: {  	v5 =	vld [tilespmem:s12+$0x730]  }
0x235: {  	v6 =	vld [tilespmem:s12+$0x740]  }
0x236: {  	v7 =	vld [tilespmem:s12+$0x750]  }
0x237: {  	v8 =	vld [tilespmem:s12+$0x760]  }
0x238: {  	v9 =	vld [tilespmem:s12+$0x770]  }
0x239: {  	v10 =	vld [tilespmem:s12+$0x780]  }
0x23a: {  	v11 =	vld [tilespmem:s12+$0x790]  }
0x23b: {  	v12 =	vld [tilespmem:s12+$0x7A0]  }
0x23c: {  	v13 =	vld [tilespmem:s12+$0x7B0]  }
0x23d: {  	v14 =	vld [tilespmem:s12+$0x7C0]  }
0x23e: {  	v15 =	vld [tilespmem:s12+$0x7D0]  }
0x23f: {  	v2 =	vld [tilespmem:s12+$0x7E0]  }
0x240: {  	v1 =	vld [tilespmem:s12+$0x7F0]  }
0x241: {  	v16 =	vld [tilespmem:s12+$0x6B10]  }
0x242: {  	v17 =	vld [tilespmem:s12+$0x13310]  }
0x243: {  	v18 =	vld [tilespmem:s12+$0x6B20]  }
0x244: {  	v22 =	vld [tilespmem:s12+$0x6B40]  }
0x245: {  	v57 =	vld [tilespmem:s12+$0x13340]  }
0x246: {  	v19 =	vld [tilespmem:s12+$0x13320]  }
0x247: {  	v20 =	vld [tilespmem:s12+$0x6B30];
	v16 =	vadd.f32 v16, v3  }
0x248: {  	v21 =	vld [tilespmem:s12+$0x13330];
	v3 =	vadd.f32 v17, v3  }
0x249: {  	v0 =	vld [tilespmem:s12+$0x800];
	v58 =	vadd.f32 v18, v4;
	[tilespmem:s12+$0x6B10] =	vst v16  }
0x24a: {  	v62 =	vadd.f32 v22, v6;
	v6 =	vadd.f32 v57, v6;
	[tilespmem:s12+$0x13310] =	vst v3;
	v3 =	vld [tilespmem:s12+$0x6B50]  }
0x24b: {  	v59 =	vld [tilespmem:s12+$0x13350];
	v4 =	vadd.f32 v19, v4;
	[tilespmem:s12+$0x6B20] =	vst v58  }
0x24c: {  	v60 =	vadd.f32 v20, v5;
	[tilespmem:s12+$0x13340] =	vst v6;
	v6 =	vld [tilespmem:s12+$0x6B80]  }
0x24d: {  	v5 =	vadd.f32 v21, v5;
	[tilespmem:s12+$0x13320] =	vst v4;
	v4 =	vld [tilespmem:s12+$0x6B60]  }
0x24e: {  	v61 =	vld [tilespmem:s12+$0x13360];
	[tilespmem:s12+$0x6B30] =	vst v60  }
0x24f: {  	[tilespmem:s12+$0x13330] =	vst v5;
	v5 =	vld [tilespmem:s12+$0x6B70];
	v3 =	vadd.f32 v3, v7  }
0x250: {  	v63 =	vld [tilespmem:s12+$0x13370];
	[tilespmem:s12+$0x6B40] =	vst v62;
	v7 =	vadd.f32 v59, v7  }
0x251: {  	v6 =	vadd.f32 v6, v10;
	[tilespmem:s12+$0x6B50] =	vst v3;
	v3 =	vld [tilespmem:s12+$0x13380]  }
0x252: {  	v4 =	vadd.f32 v4, v8;
	[tilespmem:s12+$0x13350] =	vst v7;
	v7 =	vld [tilespmem:s12+$0x6B90]  }
0x253: {  	v8 =	vadd.f32 v61, v8;
	[tilespmem:s12+$0x6B80] =	vst v6;
	v6 =	vld [tilespmem:s12+$0x133B0]  }
0x254: {  	v5 =	vadd.f32 v5, v9;
	[tilespmem:s12+$0x6B60] =	vst v4;
	v4 =	vld [tilespmem:s12+$0x13390]  }
0x255: {  	v9 =	vadd.f32 v63, v9;
	[tilespmem:s12+$0x13360] =	vst v8;
	v8 =	vld [tilespmem:s12+$0x6BA0]  }
0x256: {  	[tilespmem:s12+$0x6B70] =	vst v5;
	v5 =	vld [tilespmem:s12+$0x133A0];
	v3 =	vadd.f32 v3, v10  }
0x257: {  	[tilespmem:s12+$0x13370] =	vst v9;
	v9 =	vld [tilespmem:s12+$0x6BB0];
	v7 =	vadd.f32 v7, v11  }
0x258: {  	v10 =	vld [tilespmem:s12+$0x6BC0];
	v6 =	vadd.f32 v6, v13;
	[tilespmem:s12+$0x13380] =	vst v3  }
0x259: {  	v3 =	vadd.f32 v4, v11;
	[tilespmem:s12+$0x6B90] =	vst v7;
	v7 =	vld [tilespmem:s12+$0x133C0]  }
0x25a: {  	v4 =	vadd.f32 v8, v12;
	v8 =	vld [tilespmem:s12+$0x6BD0];
	[tilespmem:s12+$0x133B0] =	vst v6  }
0x25b: {  	v11 =	vld [tilespmem:s12+$0x133D0];
	[tilespmem:s12+$0x13390] =	vst v3;
	v3 =	vadd.f32 v5, v12  }
0x25c: {  	[tilespmem:s12+$0x6BA0] =	vst v4;
	v5 =	vadd.f32 v9, v13;
	v4 =	vld [tilespmem:s12+$0x6BE0]  }
0x25d: {  	v9 =	vadd.f32 v10, v14;
	[tilespmem:s12+$0x133A0] =	vst v3;
	v3 =	vld [tilespmem:s12+$0x133E0]  }
0x25e: {  	[tilespmem:s12+$0x6BB0] =	vst v5;
	v5 =	vld [tilespmem:s12+$0x6BF0];
	v7 =	vadd.f32 v7, v14  }
0x25f: {  	v6 =	vld [tilespmem:s12+$0x133F0];
	[tilespmem:s12+$0x6BC0] =	vst v9;
	v9 =	vadd.f32 v8, v15  }
0x260: {  	s13 =	simm.s32 $0x7C0;
	v8 =	vadd.f32 v11, v15;
	[tilespmem:s12+$0x133C0] =	vst v7;
	v7 =	vld [tilespmem:s12+$0x6C00]  }
.LBB2_11:
0x261: {  	s14 =	sshra.s32 s13, $0x2;
	p0 =	sne.s32 s13, $0x18FC0;
	[tilespmem:s12+$0x6BD0] =	vst v9;
	v4 =	vadd.f32 v4, v2;
	v9 =	vld [tilespmem:s12+$0x13400]  }
0x262: {  	v10 =	vld [tilespmem:s14+$0x710];
	[tilespmem:s12+$0x133D0] =	vst v8;
	v2 =	vadd.f32 v3, v2  }
0x263: {  	v3 =	vld [tilespmem:s14+$0x720];
	[tilespmem:s12+$0x6BE0] =	vst v4;
	v4 =	vadd.f32 v5, v1  }
0x264: {  	v5 =	vld [tilespmem:s14+$0x730];
	[tilespmem:s12+$0x133E0] =	vst v2;
	v1 =	vadd.f32 v6, v1  }
0x265: {  	v6 =	vld [tilespmem:s14+$0x740];
	[tilespmem:s12+$0x6BF0] =	vst v4;
	v2 =	vadd.f32 v7, v0  }
0x266: {  	v4 =	vld [tilespmem:s14+$0x750];
	[tilespmem:s12+$0x133F0] =	vst v1;
	v0 =	vadd.f32 v9, v0  }
0x267: {  	v7 =	vld [tilespmem:s14+$0x760];
	[tilespmem:s12+$0x6C00] =	vst v2  }
0x268: {  	v8 =	vld [tilespmem:s14+$0x770];
	[tilespmem:s12+$0x13400] =	vst v0;
	s12 =	smov.u32 s14  }
0x269: {  	v9 =	vld [tilespmem:s12+$0x780]  }
0x26a: {  	v11 =	vld [tilespmem:s12+$0x790]  }
0x26b: {  	v12 =	vld [tilespmem:s12+$0x7A0]  }
0x26c: {  	v13 =	vld [tilespmem:s12+$0x7B0]  }
0x26d: {  	v14 =	vld [tilespmem:s12+$0x7C0]  }
0x26e: {  	v15 =	vld [tilespmem:s12+$0x7D0]  }
0x26f: {  	v2 =	vld [tilespmem:s12+$0x7E0]  }
0x270: {  	v1 =	vld [tilespmem:s12+$0x7F0]  }
0x271: {  	v0 =	vld [tilespmem:s12+$0x800]  }
0x272: {  	v16 =	vld [tilespmem:s12+$0x6B10]  }
0x273: {  	v17 =	vld [tilespmem:s12+$0x13310]  }
0x274: {  	v18 =	vld [tilespmem:s12+$0x6B20]  }
0x275: {  	v19 =	vld [tilespmem:s12+$0x13320]  }
0x276: {  	v20 =	vld [tilespmem:s12+$0x6B30]  }
0x277: {  	v16 =	vadd.f32 v16, v10;
	v21 =	vld [tilespmem:s12+$0x13330]  }
0x278: {  	v10 =	vadd.f32 v17, v10;
	v17 =	vld [tilespmem:s12+$0x6B40]  }
0x279: {  	[tilespmem:s12+$0x6B10] =	vst v16;
	v16 =	vadd.f32 v18, v3;
	v18 =	vld [tilespmem:s12+$0x13340]  }
0x27a: {  	[tilespmem:s12+$0x13310] =	vst v10;
	v3 =	vadd.f32 v19, v3;
	v10 =	vld [tilespmem:s12+$0x6B50]  }
0x27b: {  	[tilespmem:s12+$0x6B20] =	vst v16;
	v16 =	vadd.f32 v20, v5;
	v19 =	vld [tilespmem:s12+$0x13350]  }
0x27c: {  	[tilespmem:s12+$0x13320] =	vst v3;
	v3 =	vadd.f32 v21, v5;
	v5 =	vld [tilespmem:s12+$0x6B60]  }
0x27d: {  	[tilespmem:s12+$0x6B30] =	vst v16;
	v16 =	vadd.f32 v17, v6;
	v17 =	vld [tilespmem:s12+$0x13360]  }
0x27e: {  	[tilespmem:s12+$0x13330] =	vst v3;
	v3 =	vadd.f32 v18, v6;
	v6 =	vld [tilespmem:s12+$0x6B70]  }
0x27f: {  	[tilespmem:s12+$0x6B40] =	vst v16;
	v10 =	vadd.f32 v10, v4;
	v16 =	vld [tilespmem:s12+$0x13370]  }
0x280: {  	[tilespmem:s12+$0x13340] =	vst v3;
	v3 =	vadd.f32 v19, v4;
	v4 =	vld [tilespmem:s12+$0x6B80]  }
0x281: {  	[tilespmem:s12+$0x6B50] =	vst v10;
	v5 =	vadd.f32 v5, v7;
	v10 =	vld [tilespmem:s12+$0x13380]  }
0x282: {  	[tilespmem:s12+$0x13350] =	vst v3;
	v3 =	vadd.f32 v17, v7;
	v7 =	vld [tilespmem:s12+$0x6B90]  }
0x283: {  	[tilespmem:s12+$0x6B60] =	vst v5;
	v5 =	vadd.f32 v6, v8;
	v6 =	vld [tilespmem:s12+$0x13390]  }
0x284: {  	[tilespmem:s12+$0x13360] =	vst v3;
	v3 =	vadd.f32 v16, v8;
	v8 =	vld [tilespmem:s12+$0x6BA0]  }
0x285: {  	[tilespmem:s12+$0x6B70] =	vst v5;
	v4 =	vadd.f32 v4, v9;
	v5 =	vld [tilespmem:s12+$0x133A0]  }
0x286: {  	[tilespmem:s12+$0x13370] =	vst v3;
	v3 =	vadd.f32 v10, v9;
	v9 =	vld [tilespmem:s12+$0x6BB0]  }
0x287: {  	[tilespmem:s12+$0x6B80] =	vst v4;
	v4 =	vadd.f32 v7, v11;
	v7 =	vld [tilespmem:s12+$0x133B0]  }
0x288: {  	[tilespmem:s12+$0x13380] =	vst v3;
	v3 =	vadd.f32 v6, v11;
	v6 =	vld [tilespmem:s12+$0x6BC0]  }
0x289: {  	[tilespmem:s12+$0x6B90] =	vst v4;
	v4 =	vadd.f32 v8, v12;
	v8 =	vld [tilespmem:s12+$0x133C0]  }
0x28a: {  	[tilespmem:s12+$0x13390] =	vst v3;
	v3 =	vadd.f32 v5, v12;
	v10 =	vld [tilespmem:s12+$0x6BD0]  }
0x28b: {  	[tilespmem:s12+$0x6BA0] =	vst v4;
	v5 =	vadd.f32 v9, v13;
	v11 =	vld [tilespmem:s12+$0x133D0]  }
.Ltmp4:
0x28c: {  	[tilespmem:s12+$0x133A0] =	vst v3;
	v7 =	vadd.f32 v7, v13;
	v4 =	vld [tilespmem:s12+$0x6BE0];
	(pc) =	sbr.rel @p0 .LBB2_11-.Ltmp4, $4  }
0x28d: {  	[tilespmem:s12+$0x6BB0] =	vst v5;
	v6 =	vadd.f32 v6, v14;
	v3 =	vld [tilespmem:s12+$0x133E0]  }
0x28e: {  	[tilespmem:s12+$0x133B0] =	vst v7;
	v7 =	vadd.f32 v8, v14;
	v5 =	vld [tilespmem:s12+$0x6BF0]  }
0x28f: {  	[tilespmem:s12+$0x6BC0] =	vst v6;
	v9 =	vadd.f32 v10, v15;
	v6 =	vld [tilespmem:s12+$0x133F0]  }
0x290: {  	s13 =	sadd.s32 $0x400, s13;
	[tilespmem:s12+$0x133C0] =	vst v7;
	v8 =	vadd.f32 v11, v15;
	v7 =	vld [tilespmem:s12+$0x6C00]  }
0x291: {  	[tilespmem:s12+$0x6BD0] =	vst v9;
	v4 =	vadd.f32 v4, v2;
	v9 =	vld [tilespmem:s12+$0x13400]  }
0x292: {  	[tilespmem:s12+$0x133D0] =	vst v8;
	v2 =	vadd.f32 v3, v2  }
0x293: {  	[tilespmem:s12+$0x6BE0] =	vst v4;
	v3 =	vadd.f32 v5, v1  }
0x294: {  	[tilespmem:s12+$0x133E0] =	vst v2;
	v1 =	vadd.f32 v6, v1  }
0x295: {  	s13 =	rddreg [dreg:$0xb];
	[tilespmem:s12+$0x6BF0] =	vst v3;
	v2 =	vadd.f32 v7, v0  }
0x296: {  	s13 =	sadd.s32 s20, s13;
	[tilespmem:s12+$0x133F0] =	vst v1;
	v0 =	vadd.f32 v9, v0  }
0x297: {  	s13 =	sshll.u32 s13, $0x5;
	[tilespmem:s12+$0x6C00] =	vst v2  }
0x298: {  	s14 =	sadd.s32 s4, s13;
	[tilespmem:s12+$0x13400] =	vst v0  }
0x299: {  	[hbm4b:s14+s18] =	stream.strided.scatter [tilespmem:s22], [sflag:$0x5], $0x6400, s19, s18, $0x38;
	[tilespmem:$0x1FC00] =	vst v63  }
0x29a: {  	s15 =	sadd.s32 s13, s9  }
0x29b: {  	[hbm4b:s15+s18] =	stream.strided.scatter [tilespmem:s25], [sflag:$0x5], $0x6400, s19, s18, $0x38;
	[tilespmem:$0x1FC00] =	vst v63  }
0x29c: {  	_ =	swait.ge [sflag:s8], $0x6400  }
0x29d: {  	[sflag:s8] =	ssyncset.done $0x0  }
0x29e: {  	[sflag:s8] =	ssyncadd.s32 $0xFFFF9C00  }
0x29f: {  	_ =	swait.ge [sflag:s8], $0x6400  }
0x2a0: {  	[sflag:s8] =	ssyncset.done $0x0  }
0x2a1: {  	[sflag:s8] =	ssyncadd.s32 $0xFFFF9C00  }
0x2a2: {  	[tilespmem:s22], [sflag:$0x1] =	stream.indirect.gather [hbm4b:s1+s21], $0x80, s17, s21, $0xb8;
	[tilespmem:$0x1FC00] =	vst v63  }
0x2a3: {  	_ = 	snop  }
0x2a4: {  	[tilespmem:s24], [sflag:$0x1] =	stream.indirect.gather [hbm4b:s1+s21], $0x80, s6, s21, $0xb8;
	[tilespmem:$0x1FC00] =	vst v63  }
0x2a5: {  	_ = 	snop  }
0x2a6: {  	[tilespmem:s25], [sflag:$0x3] =	stream.indirect.gather [hbm4b:s2+s21], $0x80, s17, s21, $0xb8;
	[tilespmem:$0x1FC00] =	vst v63  }
0x2a7: {  	_ = 	snop  }
0x2a8: {  	[tilespmem:s26], [sflag:$0x3] =	stream.indirect.gather [hbm4b:s2+s21], $0x80, s6, s21, $0xb8;
	[tilespmem:$0x1FC00] =	vst v63  }
0x2a9: {  	_ =	swait.ge [sflag:s10], $0x6400  }
0x2aa: {  	[sflag:s10] =	ssyncset.done $0x0  }
0x2ab: {  	[sflag:s10] =	ssyncadd.s32 $0xFFFF9C00  }
0x2ac: {  	_ =	swait.ge [sflag:s11], $0x6400  }
0x2ad: {  	[sflag:s11] =	ssyncset.done $0x0  }
0x2ae: {  	s12 =	simm.s32 $0xF0;
	[sflag:s11] =	ssyncadd.s32 $0xFFFF9C00  }
0x2af: {  	v3 =	vld [tilespmem:s12+$0x710]  }
0x2b0: {  	v4 =	vld [tilespmem:s12+$0x720]  }
0x2b1: {  	v5 =	vld [tilespmem:s12+$0x730]  }
0x2b2: {  	v6 =	vld [tilespmem:s12+$0x740]  }
0x2b3: {  	v7 =	vld [tilespmem:s12+$0x750]  }
0x2b4: {  	v8 =	vld [tilespmem:s12+$0x760]  }
0x2b5: {  	v9 =	vld [tilespmem:s12+$0x770]  }
0x2b6: {  	v10 =	vld [tilespmem:s12+$0x780]  }
0x2b7: {  	v11 =	vld [tilespmem:s12+$0x790]  }
0x2b8: {  	v12 =	vld [tilespmem:s12+$0x7A0]  }
0x2b9: {  	v13 =	vld [tilespmem:s12+$0x7B0]  }
0x2ba: {  	v14 =	vld [tilespmem:s12+$0x7C0]  }
0x2bb: {  	v15 =	vld [tilespmem:s12+$0x7D0]  }
0x2bc: {  	v2 =	vld [tilespmem:s12+$0x7E0]  }
0x2bd: {  	v1 =	vld [tilespmem:s12+$0x7F0]  }
0x2be: {  	v16 =	vld [tilespmem:s12+$0xCF10]  }
0x2bf: {  	v17 =	vld [tilespmem:s12+$0x19710]  }
0x2c0: {  	v18 =	vld [tilespmem:s12+$0xCF20]  }
0x2c1: {  	v22 =	vld [tilespmem:s12+$0xCF40]  }
0x2c2: {  	v57 =	vld [tilespmem:s12+$0x19740]  }
0x2c3: {  	v19 =	vld [tilespmem:s12+$0x19720]  }
0x2c4: {  	v20 =	vld [tilespmem:s12+$0xCF30];
	v16 =	vadd.f32 v16, v3  }
0x2c5: {  	v21 =	vld [tilespmem:s12+$0x19730];
	v3 =	vadd.f32 v17, v3  }
0x2c6: {  	v0 =	vld [tilespmem:s12+$0x800];
	v58 =	vadd.f32 v18, v4;
	[tilespmem:s12+$0xCF10] =	vst v16  }
0x2c7: {  	v62 =	vadd.f32 v22, v6;
	v6 =	vadd.f32 v57, v6;
	[tilespmem:s12+$0x19710] =	vst v3;
	v3 =	vld [tilespmem:s12+$0xCF50]  }
0x2c8: {  	v59 =	vld [tilespmem:s12+$0x19750];
	v4 =	vadd.f32 v19, v4;
	[tilespmem:s12+$0xCF20] =	vst v58  }
0x2c9: {  	v60 =	vadd.f32 v20, v5;
	[tilespmem:s12+$0x19740] =	vst v6;
	v6 =	vld [tilespmem:s12+$0xCF80]  }
0x2ca: {  	v5 =	vadd.f32 v21, v5;
	[tilespmem:s12+$0x19720] =	vst v4;
	v4 =	vld [tilespmem:s12+$0xCF60]  }
0x2cb: {  	v61 =	vld [tilespmem:s12+$0x19760];
	[tilespmem:s12+$0xCF30] =	vst v60  }
0x2cc: {  	[tilespmem:s12+$0x19730] =	vst v5;
	v5 =	vld [tilespmem:s12+$0xCF70];
	v3 =	vadd.f32 v3, v7  }
0x2cd: {  	v63 =	vld [tilespmem:s12+$0x19770];
	[tilespmem:s12+$0xCF40] =	vst v62;
	v7 =	vadd.f32 v59, v7  }
0x2ce: {  	v6 =	vadd.f32 v6, v10;
	[tilespmem:s12+$0xCF50] =	vst v3;
	v3 =	vld [tilespmem:s12+$0x19780]  }
0x2cf: {  	v4 =	vadd.f32 v4, v8;
	[tilespmem:s12+$0x19750] =	vst v7;
	v7 =	vld [tilespmem:s12+$0xCF90]  }
0x2d0: {  	v8 =	vadd.f32 v61, v8;
	[tilespmem:s12+$0xCF80] =	vst v6;
	v6 =	vld [tilespmem:s12+$0x197B0]  }
0x2d1: {  	v5 =	vadd.f32 v5, v9;
	[tilespmem:s12+$0xCF60] =	vst v4;
	v4 =	vld [tilespmem:s12+$0x19790]  }
0x2d2: {  	v9 =	vadd.f32 v63, v9;
	[tilespmem:s12+$0x19760] =	vst v8;
	v8 =	vld [tilespmem:s12+$0xCFA0]  }
0x2d3: {  	[tilespmem:s12+$0xCF70] =	vst v5;
	v5 =	vld [tilespmem:s12+$0x197A0];
	v3 =	vadd.f32 v3, v10  }
0x2d4: {  	[tilespmem:s12+$0x19770] =	vst v9;
	v9 =	vld [tilespmem:s12+$0xCFB0];
	v7 =	vadd.f32 v7, v11  }
0x2d5: {  	v10 =	vld [tilespmem:s12+$0xCFC0];
	v6 =	vadd.f32 v6, v13;
	[tilespmem:s12+$0x19780] =	vst v3  }
0x2d6: {  	v3 =	vadd.f32 v4, v11;
	[tilespmem:s12+$0xCF90] =	vst v7;
	v7 =	vld [tilespmem:s12+$0x197C0]  }
0x2d7: {  	v4 =	vadd.f32 v8, v12;
	v8 =	vld [tilespmem:s12+$0xCFD0];
	[tilespmem:s12+$0x197B0] =	vst v6  }
0x2d8: {  	v11 =	vld [tilespmem:s12+$0x197D0];
	[tilespmem:s12+$0x19790] =	vst v3;
	v3 =	vadd.f32 v5, v12  }
0x2d9: {  	[tilespmem:s12+$0xCFA0] =	vst v4;
	v5 =	vadd.f32 v9, v13;
	v4 =	vld [tilespmem:s12+$0xCFE0]  }
0x2da: {  	v9 =	vadd.f32 v10, v14;
	[tilespmem:s12+$0x197A0] =	vst v3;
	v3 =	vld [tilespmem:s12+$0x197E0]  }
0x2db: {  	[tilespmem:s12+$0xCFB0] =	vst v5;
	v5 =	vld [tilespmem:s12+$0xCFF0];
	v7 =	vadd.f32 v7, v14  }
0x2dc: {  	v6 =	vld [tilespmem:s12+$0x197F0];
	[tilespmem:s12+$0xCFC0] =	vst v9;
	v9 =	vadd.f32 v8, v15  }
0x2dd: {  	s13 =	simm.s32 $0x7C0;
	v8 =	vadd.f32 v11, v15;
	[tilespmem:s12+$0x197C0] =	vst v7;
	v7 =	vld [tilespmem:s12+$0xD000]  }
.LBB2_13:
0x2de: {  	s14 =	sshra.s32 s13, $0x2;
	p0 =	sne.s32 s13, $0x18FC0;
	[tilespmem:s12+$0xCFD0] =	vst v9;
	v4 =	vadd.f32 v4, v2;
	v9 =	vld [tilespmem:s12+$0x19800]  }
0x2df: {  	v10 =	vld [tilespmem:s14+$0x710];
	[tilespmem:s12+$0x197D0] =	vst v8;
	v2 =	vadd.f32 v3, v2  }
0x2e0: {  	v3 =	vld [tilespmem:s14+$0x720];
	[tilespmem:s12+$0xCFE0] =	vst v4;
	v4 =	vadd.f32 v5, v1  }
0x2e1: {  	v5 =	vld [tilespmem:s14+$0x730];
	[tilespmem:s12+$0x197E0] =	vst v2;
	v1 =	vadd.f32 v6, v1  }
0x2e2: {  	v6 =	vld [tilespmem:s14+$0x740];
	[tilespmem:s12+$0xCFF0] =	vst v4;
	v2 =	vadd.f32 v7, v0  }
0x2e3: {  	v4 =	vld [tilespmem:s14+$0x750];
	[tilespmem:s12+$0x197F0] =	vst v1;
	v0 =	vadd.f32 v9, v0  }
0x2e4: {  	v7 =	vld [tilespmem:s14+$0x760];
	[tilespmem:s12+$0xD000] =	vst v2  }
0x2e5: {  	v8 =	vld [tilespmem:s14+$0x770];
	[tilespmem:s12+$0x19800] =	vst v0;
	s12 =	smov.u32 s14  }
0x2e6: {  	v9 =	vld [tilespmem:s12+$0x780]  }
0x2e7: {  	v11 =	vld [tilespmem:s12+$0x790]  }
0x2e8: {  	v12 =	vld [tilespmem:s12+$0x7A0]  }
0x2e9: {  	v13 =	vld [tilespmem:s12+$0x7B0]  }
0x2ea: {  	v14 =	vld [tilespmem:s12+$0x7C0]  }
0x2eb: {  	v15 =	vld [tilespmem:s12+$0x7D0]  }
0x2ec: {  	v2 =	vld [tilespmem:s12+$0x7E0]  }
0x2ed: {  	v1 =	vld [tilespmem:s12+$0x7F0]  }
0x2ee: {  	v0 =	vld [tilespmem:s12+$0x800]  }
0x2ef: {  	v16 =	vld [tilespmem:s12+$0xCF10]  }
0x2f0: {  	v17 =	vld [tilespmem:s12+$0x19710]  }
0x2f1: {  	v18 =	vld [tilespmem:s12+$0xCF20]  }
0x2f2: {  	v19 =	vld [tilespmem:s12+$0x19720]  }
0x2f3: {  	v20 =	vld [tilespmem:s12+$0xCF30]  }
0x2f4: {  	v16 =	vadd.f32 v16, v10;
	v21 =	vld [tilespmem:s12+$0x19730]  }
0x2f5: {  	v10 =	vadd.f32 v17, v10;
	v17 =	vld [tilespmem:s12+$0xCF40]  }
0x2f6: {  	[tilespmem:s12+$0xCF10] =	vst v16;
	v16 =	vadd.f32 v18, v3;
	v18 =	vld [tilespmem:s12+$0x19740]  }
0x2f7: {  	[tilespmem:s12+$0x19710] =	vst v10;
	v3 =	vadd.f32 v19, v3;
	v10 =	vld [tilespmem:s12+$0xCF50]  }
0x2f8: {  	[tilespmem:s12+$0xCF20] =	vst v16;
	v16 =	vadd.f32 v20, v5;
	v19 =	vld [tilespmem:s12+$0x19750]  }
0x2f9: {  	[tilespmem:s12+$0x19720] =	vst v3;
	v3 =	vadd.f32 v21, v5;
	v5 =	vld [tilespmem:s12+$0xCF60]  }
0x2fa: {  	[tilespmem:s12+$0xCF30] =	vst v16;
	v16 =	vadd.f32 v17, v6;
	v17 =	vld [tilespmem:s12+$0x19760]  }
0x2fb: {  	[tilespmem:s12+$0x19730] =	vst v3;
	v3 =	vadd.f32 v18, v6;
	v6 =	vld [tilespmem:s12+$0xCF70]  }
0x2fc: {  	[tilespmem:s12+$0xCF40] =	vst v16;
	v10 =	vadd.f32 v10, v4;
	v16 =	vld [tilespmem:s12+$0x19770]  }
0x2fd: {  	[tilespmem:s12+$0x19740] =	vst v3;
	v3 =	vadd.f32 v19, v4;
	v4 =	vld [tilespmem:s12+$0xCF80]  }
0x2fe: {  	[tilespmem:s12+$0xCF50] =	vst v10;
	v5 =	vadd.f32 v5, v7;
	v10 =	vld [tilespmem:s12+$0x19780]  }
0x2ff: {  	[tilespmem:s12+$0x19750] =	vst v3;
	v3 =	vadd.f32 v17, v7;
	v7 =	vld [tilespmem:s12+$0xCF90]  }
0x300: {  	[tilespmem:s12+$0xCF60] =	vst v5;
	v5 =	vadd.f32 v6, v8;
	v6 =	vld [tilespmem:s12+$0x19790]  }
0x301: {  	[tilespmem:s12+$0x19760] =	vst v3;
	v3 =	vadd.f32 v16, v8;
	v8 =	vld [tilespmem:s12+$0xCFA0]  }
0x302: {  	[tilespmem:s12+$0xCF70] =	vst v5;
	v4 =	vadd.f32 v4, v9;
	v5 =	vld [tilespmem:s12+$0x197A0]  }
0x303: {  	[tilespmem:s12+$0x19770] =	vst v3;
	v3 =	vadd.f32 v10, v9;
	v9 =	vld [tilespmem:s12+$0xCFB0]  }
0x304: {  	[tilespmem:s12+$0xCF80] =	vst v4;
	v4 =	vadd.f32 v7, v11;
	v7 =	vld [tilespmem:s12+$0x197B0]  }
0x305: {  	[tilespmem:s12+$0x19780] =	vst v3;
	v3 =	vadd.f32 v6, v11;
	v6 =	vld [tilespmem:s12+$0xCFC0]  }
0x306: {  	[tilespmem:s12+$0xCF90] =	vst v4;
	v4 =	vadd.f32 v8, v12;
	v8 =	vld [tilespmem:s12+$0x197C0]  }
0x307: {  	[tilespmem:s12+$0x19790] =	vst v3;
	v3 =	vadd.f32 v5, v12;
	v10 =	vld [tilespmem:s12+$0xCFD0]  }
0x308: {  	[tilespmem:s12+$0xCFA0] =	vst v4;
	v5 =	vadd.f32 v9, v13;
	v11 =	vld [tilespmem:s12+$0x197D0]  }
.Ltmp5:
0x309: {  	[tilespmem:s12+$0x197A0] =	vst v3;
	v7 =	vadd.f32 v7, v13;
	v4 =	vld [tilespmem:s12+$0xCFE0];
	(pc) =	sbr.rel @p0 .LBB2_13-.Ltmp5, $4  }
0x30a: {  	[tilespmem:s12+$0xCFB0] =	vst v5;
	v6 =	vadd.f32 v6, v14;
	v3 =	vld [tilespmem:s12+$0x197E0]  }
0x30b: {  	[tilespmem:s12+$0x197B0] =	vst v7;
	v7 =	vadd.f32 v8, v14;
	v5 =	vld [tilespmem:s12+$0xCFF0]  }
0x30c: {  	[tilespmem:s12+$0xCFC0] =	vst v6;
	v9 =	vadd.f32 v10, v15;
	v6 =	vld [tilespmem:s12+$0x197F0]  }
0x30d: {  	s13 =	sadd.s32 $0x400, s13;
	[tilespmem:s12+$0x197C0] =	vst v7;
	v8 =	vadd.f32 v11, v15;
	v7 =	vld [tilespmem:s12+$0xD000]  }
0x30e: {  	[tilespmem:s12+$0xCFD0] =	vst v9;
	v4 =	vadd.f32 v4, v2;
	v9 =	vld [tilespmem:s12+$0x19800]  }
0x30f: {  	[tilespmem:s12+$0x197D0] =	vst v8;
	v2 =	vadd.f32 v3, v2  }
0x310: {  	[tilespmem:s12+$0xCFE0] =	vst v4;
	v3 =	vadd.f32 v5, v1  }
0x311: {  	[tilespmem:s12+$0x197E0] =	vst v2;
	v1 =	vadd.f32 v6, v1  }
0x312: {  	s13 =	rddreg [dreg:$0xc];
	[tilespmem:s12+$0xCFF0] =	vst v3;
	v2 =	vadd.f32 v7, v0  }
0x313: {  	s13 =	sadd.s32 s20, s13;
	[tilespmem:s12+$0x197F0] =	vst v1;
	v0 =	vadd.f32 v9, v0  }
0x314: {  	s13 =	sshll.u32 s13, $0x5;
	[tilespmem:s12+$0xD000] =	vst v2  }
0x315: {  	s14 =	sadd.s32 s4, s13;
	[tilespmem:s12+$0x19800] =	vst v0  }
0x316: {  	[hbm4b:s14+s18] =	stream.strided.scatter [tilespmem:s29], [sflag:$0x5], $0x6400, s19, s18, $0x38;
	[tilespmem:$0x1FC00] =	vst v63  }
0x317: {  	s15 =	sadd.s32 s13, s9  }
0x318: {  	[hbm4b:s15+s18] =	stream.strided.scatter [tilespmem:s0], [sflag:$0x5], $0x6400, s19, s18, $0x38;
	[tilespmem:$0x1FC00] =	vst v63  }
0x319: {  	_ =	swait.ge [sflag:s8], $0x6400  }
0x31a: {  	[sflag:s8] =	ssyncset.done $0x0  }
0x31b: {  	[sflag:s8] =	ssyncadd.s32 $0xFFFF9C00  }
0x31c: {  	_ =	swait.ge [sflag:s8], $0x6400  }
0x31d: {  	[sflag:s8] =	ssyncset.done $0x0  }
0x31e: {  	[sflag:s8] =	ssyncadd.s32 $0xFFFF9C00  }
0x31f: {  	[tilespmem:s29], [sflag:$0x2] =	stream.indirect.gather [hbm4b:s1+s21], $0x80, s28, s21, $0xb8;
	[tilespmem:$0x1FC00] =	vst v63  }
0x320: {  	_ = 	snop  }
0x321: {  	[tilespmem:s31], [sflag:$0x2] =	stream.indirect.gather [hbm4b:s1+s21], $0x80, s30, s21, $0xb8;
	[tilespmem:$0x1FC00] =	vst v63  }
0x322: {  	_ = 	snop  }
0x323: {  	[tilespmem:s0], [sflag:$0x4] =	stream.indirect.gather [hbm4b:s2+s21], $0x80, s28, s21, $0xb8;
	[tilespmem:$0x1FC00] =	vst v63  }
0x324: {  	_ = 	snop  }
0x325: {  	[tilespmem:s3], [sflag:$0x4] =	stream.indirect.gather [hbm4b:s2+s21], $0x80, s30, s21, $0xb8;
	[tilespmem:$0x1FC00] =	vst v63  }
0x326: {  	_ =	swait.ge [sflag:s23], $0x6400  }
0x327: {  	[sflag:s23] =	ssyncset.done $0x0  }
0x328: {  	[sflag:s23] =	ssyncadd.s32 $0xFFFF9C00  }
0x329: {  	_ =	swait.ge [sflag:s7], $0x6400  }
0x32a: {  	[sflag:s7] =	ssyncset.done $0x0  }
0x32b: {  	s12 =	simm.s32 $0xF0;
	[sflag:s7] =	ssyncadd.s32 $0xFFFF9C00  }
0x32c: {  	v3 =	vld [tilespmem:s12+$0x710]  }
0x32d: {  	v4 =	vld [tilespmem:s12+$0x720]  }
0x32e: {  	v5 =	vld [tilespmem:s12+$0x730]  }
0x32f: {  	v6 =	vld [tilespmem:s12+$0x740]  }
0x330: {  	v7 =	vld [tilespmem:s12+$0x750]  }
0x331: {  	v8 =	vld [tilespmem:s12+$0x760]  }
0x332: {  	v9 =	vld [tilespmem:s12+$0x770]  }
0x333: {  	v10 =	vld [tilespmem:s12+$0x780]  }
0x334: {  	v11 =	vld [tilespmem:s12+$0x790]  }
0x335: {  	v12 =	vld [tilespmem:s12+$0x7A0]  }
0x336: {  	v13 =	vld [tilespmem:s12+$0x7B0]  }
0x337: {  	v14 =	vld [tilespmem:s12+$0x7C0]  }
0x338: {  	v15 =	vld [tilespmem:s12+$0x7D0]  }
0x339: {  	v2 =	vld [tilespmem:s12+$0x7E0]  }
0x33a: {  	v1 =	vld [tilespmem:s12+$0x7F0]  }
0x33b: {  	v16 =	vld [tilespmem:s12+$0x6B10]  }
0x33c: {  	v17 =	vld [tilespmem:s12+$0x13310]  }
0x33d: {  	v18 =	vld [tilespmem:s12+$0x6B20]  }
0x33e: {  	v22 =	vld [tilespmem:s12+$0x6B40]  }
0x33f: {  	v57 =	vld [tilespmem:s12+$0x13340]  }
0x340: {  	v19 =	vld [tilespmem:s12+$0x13320]  }
0x341: {  	v20 =	vld [tilespmem:s12+$0x6B30];
	v16 =	vadd.f32 v16, v3  }
0x342: {  	v21 =	vld [tilespmem:s12+$0x13330];
	v3 =	vadd.f32 v17, v3  }
0x343: {  	v0 =	vld [tilespmem:s12+$0x800];
	v58 =	vadd.f32 v18, v4;
	[tilespmem:s12+$0x6B10] =	vst v16  }
0x344: {  	v62 =	vadd.f32 v22, v6;
	v6 =	vadd.f32 v57, v6;
	[tilespmem:s12+$0x13310] =	vst v3;
	v3 =	vld [tilespmem:s12+$0x6B50]  }
0x345: {  	v59 =	vld [tilespmem:s12+$0x13350];
	v4 =	vadd.f32 v19, v4;
	[tilespmem:s12+$0x6B20] =	vst v58  }
0x346: {  	v60 =	vadd.f32 v20, v5;
	[tilespmem:s12+$0x13340] =	vst v6;
	v6 =	vld [tilespmem:s12+$0x6B80]  }
0x347: {  	v5 =	vadd.f32 v21, v5;
	[tilespmem:s12+$0x13320] =	vst v4;
	v4 =	vld [tilespmem:s12+$0x6B60]  }
0x348: {  	v61 =	vld [tilespmem:s12+$0x13360];
	[tilespmem:s12+$0x6B30] =	vst v60  }
0x349: {  	[tilespmem:s12+$0x13330] =	vst v5;
	v5 =	vld [tilespmem:s12+$0x6B70];
	v3 =	vadd.f32 v3, v7  }
0x34a: {  	v63 =	vld [tilespmem:s12+$0x13370];
	[tilespmem:s12+$0x6B40] =	vst v62;
	v7 =	vadd.f32 v59, v7  }
0x34b: {  	v6 =	vadd.f32 v6, v10;
	[tilespmem:s12+$0x6B50] =	vst v3;
	v3 =	vld [tilespmem:s12+$0x13380]  }
0x34c: {  	v4 =	vadd.f32 v4, v8;
	[tilespmem:s12+$0x13350] =	vst v7;
	v7 =	vld [tilespmem:s12+$0x6B90]  }
0x34d: {  	v8 =	vadd.f32 v61, v8;
	[tilespmem:s12+$0x6B80] =	vst v6;
	v6 =	vld [tilespmem:s12+$0x133B0]  }
0x34e: {  	v5 =	vadd.f32 v5, v9;
	[tilespmem:s12+$0x6B60] =	vst v4;
	v4 =	vld [tilespmem:s12+$0x13390]  }
0x34f: {  	v9 =	vadd.f32 v63, v9;
	[tilespmem:s12+$0x13360] =	vst v8;
	v8 =	vld [tilespmem:s12+$0x6BA0]  }
0x350: {  	[tilespmem:s12+$0x6B70] =	vst v5;
	v5 =	vld [tilespmem:s12+$0x133A0];
	v3 =	vadd.f32 v3, v10  }
0x351: {  	[tilespmem:s12+$0x13370] =	vst v9;
	v9 =	vld [tilespmem:s12+$0x6BB0];
	v7 =	vadd.f32 v7, v11  }
0x352: {  	v10 =	vld [tilespmem:s12+$0x6BC0];
	v6 =	vadd.f32 v6, v13;
	[tilespmem:s12+$0x13380] =	vst v3  }
0x353: {  	v3 =	vadd.f32 v4, v11;
	[tilespmem:s12+$0x6B90] =	vst v7;
	v7 =	vld [tilespmem:s12+$0x133C0]  }
0x354: {  	v4 =	vadd.f32 v8, v12;
	v8 =	vld [tilespmem:s12+$0x6BD0];
	[tilespmem:s12+$0x133B0] =	vst v6  }
0x355: {  	v11 =	vld [tilespmem:s12+$0x133D0];
	[tilespmem:s12+$0x13390] =	vst v3;
	v3 =	vadd.f32 v5, v12  }
0x356: {  	[tilespmem:s12+$0x6BA0] =	vst v4;
	v5 =	vadd.f32 v9, v13;
	v4 =	vld [tilespmem:s12+$0x6BE0]  }
0x357: {  	v9 =	vadd.f32 v10, v14;
	[tilespmem:s12+$0x133A0] =	vst v3;
	v3 =	vld [tilespmem:s12+$0x133E0]  }
0x358: {  	[tilespmem:s12+$0x6BB0] =	vst v5;
	v5 =	vld [tilespmem:s12+$0x6BF0];
	v7 =	vadd.f32 v7, v14  }
0x359: {  	v6 =	vld [tilespmem:s12+$0x133F0];
	[tilespmem:s12+$0x6BC0] =	vst v9;
	v9 =	vadd.f32 v8, v15  }
0x35a: {  	s13 =	simm.s32 $0x7C0;
	v8 =	vadd.f32 v11, v15;
	[tilespmem:s12+$0x133C0] =	vst v7;
	v7 =	vld [tilespmem:s12+$0x6C00]  }
.LBB2_15:
0x35b: {  	s14 =	sshra.s32 s13, $0x2;
	p0 =	sne.s32 s13, $0x18FC0;
	[tilespmem:s12+$0x6BD0] =	vst v9;
	v4 =	vadd.f32 v4, v2;
	v9 =	vld [tilespmem:s12+$0x13400]  }
0x35c: {  	v10 =	vld [tilespmem:s14+$0x710];
	[tilespmem:s12+$0x133D0] =	vst v8;
	v2 =	vadd.f32 v3, v2  }
0x35d: {  	v3 =	vld [tilespmem:s14+$0x720];
	[tilespmem:s12+$0x6BE0] =	vst v4;
	v4 =	vadd.f32 v5, v1  }
0x35e: {  	v5 =	vld [tilespmem:s14+$0x730];
	[tilespmem:s12+$0x133E0] =	vst v2;
	v1 =	vadd.f32 v6, v1  }
0x35f: {  	v6 =	vld [tilespmem:s14+$0x740];
	[tilespmem:s12+$0x6BF0] =	vst v4;
	v2 =	vadd.f32 v7, v0  }
0x360: {  	v4 =	vld [tilespmem:s14+$0x750];
	[tilespmem:s12+$0x133F0] =	vst v1;
	v0 =	vadd.f32 v9, v0  }
0x361: {  	v7 =	vld [tilespmem:s14+$0x760];
	[tilespmem:s12+$0x6C00] =	vst v2  }
0x362: {  	v8 =	vld [tilespmem:s14+$0x770];
	[tilespmem:s12+$0x13400] =	vst v0;
	s12 =	smov.u32 s14  }
0x363: {  	v9 =	vld [tilespmem:s12+$0x780]  }
0x364: {  	v11 =	vld [tilespmem:s12+$0x790]  }
0x365: {  	v12 =	vld [tilespmem:s12+$0x7A0]  }
0x366: {  	v13 =	vld [tilespmem:s12+$0x7B0]  }
0x367: {  	v14 =	vld [tilespmem:s12+$0x7C0]  }
0x368: {  	v15 =	vld [tilespmem:s12+$0x7D0]  }
0x369: {  	v2 =	vld [tilespmem:s12+$0x7E0]  }
0x36a: {  	v1 =	vld [tilespmem:s12+$0x7F0]  }
0x36b: {  	v0 =	vld [tilespmem:s12+$0x800]  }
0x36c: {  	v16 =	vld [tilespmem:s12+$0x6B10]  }
0x36d: {  	v17 =	vld [tilespmem:s12+$0x13310]  }
0x36e: {  	v18 =	vld [tilespmem:s12+$0x6B20]  }
0x36f: {  	v19 =	vld [tilespmem:s12+$0x13320]  }
0x370: {  	v20 =	vld [tilespmem:s12+$0x6B30]  }
0x371: {  	v16 =	vadd.f32 v16, v10;
	v21 =	vld [tilespmem:s12+$0x13330]  }
0x372: {  	v10 =	vadd.f32 v17, v10;
	v17 =	vld [tilespmem:s12+$0x6B40]  }
0x373: {  	[tilespmem:s12+$0x6B10] =	vst v16;
	v16 =	vadd.f32 v18, v3;
	v18 =	vld [tilespmem:s12+$0x13340]  }
0x374: {  	[tilespmem:s12+$0x13310] =	vst v10;
	v3 =	vadd.f32 v19, v3;
	v10 =	vld [tilespmem:s12+$0x6B50]  }
0x375: {  	[tilespmem:s12+$0x6B20] =	vst v16;
	v16 =	vadd.f32 v20, v5;
	v19 =	vld [tilespmem:s12+$0x13350]  }
0x376: {  	[tilespmem:s12+$0x13320] =	vst v3;
	v3 =	vadd.f32 v21, v5;
	v5 =	vld [tilespmem:s12+$0x6B60]  }
0x377: {  	[tilespmem:s12+$0x6B30] =	vst v16;
	v16 =	vadd.f32 v17, v6;
	v17 =	vld [tilespmem:s12+$0x13360]  }
0x378: {  	[tilespmem:s12+$0x13330] =	vst v3;
	v3 =	vadd.f32 v18, v6;
	v6 =	vld [tilespmem:s12+$0x6B70]  }
0x379: {  	[tilespmem:s12+$0x6B40] =	vst v16;
	v10 =	vadd.f32 v10, v4;
	v16 =	vld [tilespmem:s12+$0x13370]  }
0x37a: {  	[tilespmem:s12+$0x13340] =	vst v3;
	v3 =	vadd.f32 v19, v4;
	v4 =	vld [tilespmem:s12+$0x6B80]  }
0x37b: {  	[tilespmem:s12+$0x6B50] =	vst v10;
	v5 =	vadd.f32 v5, v7;
	v10 =	vld [tilespmem:s12+$0x13380]  }
0x37c: {  	[tilespmem:s12+$0x13350] =	vst v3;
	v3 =	vadd.f32 v17, v7;
	v7 =	vld [tilespmem:s12+$0x6B90]  }
0x37d: {  	[tilespmem:s12+$0x6B60] =	vst v5;
	v5 =	vadd.f32 v6, v8;
	v6 =	vld [tilespmem:s12+$0x13390]  }
0x37e: {  	[tilespmem:s12+$0x13360] =	vst v3;
	v3 =	vadd.f32 v16, v8;
	v8 =	vld [tilespmem:s12+$0x6BA0]  }
0x37f: {  	[tilespmem:s12+$0x6B70] =	vst v5;
	v4 =	vadd.f32 v4, v9;
	v5 =	vld [tilespmem:s12+$0x133A0]  }
0x380: {  	[tilespmem:s12+$0x13370] =	vst v3;
	v3 =	vadd.f32 v10, v9;
	v9 =	vld [tilespmem:s12+$0x6BB0]  }
0x381: {  	[tilespmem:s12+$0x6B80] =	vst v4;
	v4 =	vadd.f32 v7, v11;
	v7 =	vld [tilespmem:s12+$0x133B0]  }
0x382: {  	[tilespmem:s12+$0x13380] =	vst v3;
	v3 =	vadd.f32 v6, v11;
	v6 =	vld [tilespmem:s12+$0x6BC0]  }
0x383: {  	[tilespmem:s12+$0x6B90] =	vst v4;
	v4 =	vadd.f32 v8, v12;
	v8 =	vld [tilespmem:s12+$0x133C0]  }
0x384: {  	[tilespmem:s12+$0x13390] =	vst v3;
	v3 =	vadd.f32 v5, v12;
	v10 =	vld [tilespmem:s12+$0x6BD0]  }
0x385: {  	[tilespmem:s12+$0x6BA0] =	vst v4;
	v5 =	vadd.f32 v9, v13;
	v11 =	vld [tilespmem:s12+$0x133D0]  }
.Ltmp6:
0x386: {  	[tilespmem:s12+$0x133A0] =	vst v3;
	v7 =	vadd.f32 v7, v13;
	v4 =	vld [tilespmem:s12+$0x6BE0];
	(pc) =	sbr.rel @p0 .LBB2_15-.Ltmp6, $4  }
0x387: {  	[tilespmem:s12+$0x6BB0] =	vst v5;
	v6 =	vadd.f32 v6, v14;
	v3 =	vld [tilespmem:s12+$0x133E0]  }
0x388: {  	[tilespmem:s12+$0x133B0] =	vst v7;
	v7 =	vadd.f32 v8, v14;
	v5 =	vld [tilespmem:s12+$0x6BF0]  }
0x389: {  	[tilespmem:s12+$0x6BC0] =	vst v6;
	v9 =	vadd.f32 v10, v15;
	v6 =	vld [tilespmem:s12+$0x133F0]  }
0x38a: {  	s13 =	sadd.s32 $0x400, s13;
	[tilespmem:s12+$0x133C0] =	vst v7;
	v8 =	vadd.f32 v11, v15;
	v7 =	vld [tilespmem:s12+$0x6C00]  }
0x38b: {  	[tilespmem:s12+$0x6BD0] =	vst v9;
	v4 =	vadd.f32 v4, v2;
	v9 =	vld [tilespmem:s12+$0x13400]  }
0x38c: {  	[tilespmem:s12+$0x133D0] =	vst v8;
	v2 =	vadd.f32 v3, v2  }
0x38d: {  	[tilespmem:s12+$0x6BE0] =	vst v4;
	v3 =	vadd.f32 v5, v1  }
0x38e: {  	[tilespmem:s12+$0x133E0] =	vst v2;
	v1 =	vadd.f32 v6, v1  }
0x38f: {  	s13 =	rddreg [dreg:$0xd];
	[tilespmem:s12+$0x6BF0] =	vst v3;
	v2 =	vadd.f32 v7, v0  }
0x390: {  	s13 =	sadd.s32 s20, s13;
	[tilespmem:s12+$0x133F0] =	vst v1;
	v0 =	vadd.f32 v9, v0  }
0x391: {  	s13 =	sshll.u32 s13, $0x5;
	[tilespmem:s12+$0x6C00] =	vst v2  }
0x392: {  	s14 =	sadd.s32 s4, s13;
	[tilespmem:s12+$0x13400] =	vst v0  }
0x393: {  	[hbm4b:s14+s18] =	stream.strided.scatter [tilespmem:s22], [sflag:$0x5], $0x6400, s19, s18, $0x38;
	[tilespmem:$0x1FC00] =	vst v63  }
0x394: {  	s15 =	sadd.s32 s13, s9  }
0x395: {  	[hbm4b:s15+s18] =	stream.strided.scatter [tilespmem:s25], [sflag:$0x5], $0x6400, s19, s18, $0x38;
	[tilespmem:$0x1FC00] =	vst v63  }
0x396: {  	_ =	swait.ge [sflag:s8], $0x6400  }
0x397: {  	[sflag:s8] =	ssyncset.done $0x0  }
0x398: {  	[sflag:s8] =	ssyncadd.s32 $0xFFFF9C00  }
0x399: {  	_ =	swait.ge [sflag:s8], $0x6400  }
0x39a: {  	[sflag:s8] =	ssyncset.done $0x0  }
0x39b: {  	[sflag:s8] =	ssyncadd.s32 $0xFFFF9C00  }
0x39c: {  	_ =	swait.ge [sflag:s10], $0x6400  }
0x39d: {  	[sflag:s10] =	ssyncset.done $0x0  }
0x39e: {  	[sflag:s10] =	ssyncadd.s32 $0xFFFF9C00  }
0x39f: {  	p0 =	seq.s32 s5, $0x3;
	_ =	swait.ge [sflag:s11], $0x6400  }
0x3a0: {  	s12 =	sshll.u32 @!p0 s5, $0x8;
	[sflag:s11] =	ssyncset.done $0x0;
	s13 =	rddreg [dreg:$0xe]  }
0x3a1: {  	[sflag:s11] =	ssyncadd.s32 $0xFFFF9C00;
	s12 =	sadd.s32 @!p0 s12, s13;
	s13 =	simm.s32 @!p0 $0x0  }
0x3a2: {  	[tilespmem:s13], [sflag:$0x6] =	stream.linear.gather @!p0 [hbm4b:s12+s13], $0x800, $0x38;
	[tilespmem:$0x1FC00] =	vst v63  }
0x3a3: {  	s12 =	simm.s32 @!p0 $0x6  }
0x3a4: {  	_ =	swait.ge @!p0 [sflag:s12], $0x800  }
0x3a5: {  	[sflag:s12] =	ssyncset.done @!p0 $0x0  }
0x3a6: {  	s14 =	simm.s32 @!p0 $0x6C00;
	[sflag:s12] =	ssyncadd.s32 @!p0 $0xFFFFF800;
	s12 =	simm.s32 @!p0 $0x64  }
0x3a7: {  	[tilespmem:s14], [sflag:$0x1] =	stream.indirect.gather @!p0 [hbm4b:s1+s12], $0x80, s13, s12, $0xb8;
	[tilespmem:$0x1FC00] =	vst v63  }
0x3a8: {  	s15 =	simm.s32 @!p0 $0x9E00;
	s14 =	simm.s32 @!p0 $0x80  }
0x3a9: {  	[tilespmem:s15], [sflag:$0x1] =	stream.indirect.gather @!p0 [hbm4b:s1+s12], $0x80, s14, s12, $0xb8;
	[tilespmem:$0x1FC00] =	vst v63  }
0x3aa: {  	s15 =	simm.s32 @!p0 $0x13400  }
0x3ab: {  	[tilespmem:s15], [sflag:$0x3] =	stream.indirect.gather @!p0 [hbm4b:s2+s12], $0x80, s13, s12, $0xb8;
	[tilespmem:$0x1FC00] =	vst v63  }
0x3ac: {  	s13 =	simm.s32 @!p0 $0x16600  }
0x3ad: {  	[tilespmem:s13], [sflag:$0x3] =	stream.indirect.gather @!p0 [hbm4b:s2+s12], $0x80, s14, s12, $0xb8;
	[tilespmem:$0x1FC00] =	vst v63  }
0x3ae: {  	s12 =	simm.s32 $0xF0  }
0x3af: {  	v3 =	vld [tilespmem:s12+$0x710]  }
0x3b0: {  	v4 =	vld [tilespmem:s12+$0x720]  }
0x3b1: {  	v5 =	vld [tilespmem:s12+$0x730]  }
0x3b2: {  	v6 =	vld [tilespmem:s12+$0x740]  }
0x3b3: {  	v7 =	vld [tilespmem:s12+$0x750]  }
0x3b4: {  	v8 =	vld [tilespmem:s12+$0x760]  }
0x3b5: {  	v9 =	vld [tilespmem:s12+$0x770]  }
0x3b6: {  	v10 =	vld [tilespmem:s12+$0x780]  }
0x3b7: {  	v11 =	vld [tilespmem:s12+$0x790]  }
0x3b8: {  	v12 =	vld [tilespmem:s12+$0x7A0]  }
0x3b9: {  	v13 =	vld [tilespmem:s12+$0x7B0]  }
0x3ba: {  	v14 =	vld [tilespmem:s12+$0x7C0]  }
0x3bb: {  	v15 =	vld [tilespmem:s12+$0x7D0]  }
0x3bc: {  	v2 =	vld [tilespmem:s12+$0x7E0]  }
0x3bd: {  	v1 =	vld [tilespmem:s12+$0x7F0]  }
0x3be: {  	v16 =	vld [tilespmem:s12+$0xCF10]  }
0x3bf: {  	v17 =	vld [tilespmem:s12+$0x19710]  }
0x3c0: {  	v18 =	vld [tilespmem:s12+$0xCF20]  }
0x3c1: {  	v22 =	vld [tilespmem:s12+$0xCF40]  }
0x3c2: {  	v57 =	vld [tilespmem:s12+$0x19740]  }
0x3c3: {  	v19 =	vld [tilespmem:s12+$0x19720]  }
0x3c4: {  	v20 =	vld [tilespmem:s12+$0xCF30];
	v16 =	vadd.f32 v16, v3  }
0x3c5: {  	v21 =	vld [tilespmem:s12+$0x19730];
	v3 =	vadd.f32 v17, v3  }
0x3c6: {  	v0 =	vld [tilespmem:s12+$0x800];
	v58 =	vadd.f32 v18, v4;
	[tilespmem:s12+$0xCF10] =	vst v16  }
0x3c7: {  	v62 =	vadd.f32 v22, v6;
	v6 =	vadd.f32 v57, v6;
	[tilespmem:s12+$0x19710] =	vst v3;
	v3 =	vld [tilespmem:s12+$0xCF50]  }
0x3c8: {  	v59 =	vld [tilespmem:s12+$0x19750];
	v4 =	vadd.f32 v19, v4;
	[tilespmem:s12+$0xCF20] =	vst v58  }
0x3c9: {  	v60 =	vadd.f32 v20, v5;
	[tilespmem:s12+$0x19740] =	vst v6;
	v6 =	vld [tilespmem:s12+$0xCF80]  }
0x3ca: {  	v5 =	vadd.f32 v21, v5;
	[tilespmem:s12+$0x19720] =	vst v4;
	v4 =	vld [tilespmem:s12+$0xCF60]  }
0x3cb: {  	v61 =	vld [tilespmem:s12+$0x19760];
	[tilespmem:s12+$0xCF30] =	vst v60  }
0x3cc: {  	[tilespmem:s12+$0x19730] =	vst v5;
	v5 =	vld [tilespmem:s12+$0xCF70];
	v3 =	vadd.f32 v3, v7  }
0x3cd: {  	v63 =	vld [tilespmem:s12+$0x19770];
	[tilespmem:s12+$0xCF40] =	vst v62;
	v7 =	vadd.f32 v59, v7  }
0x3ce: {  	v6 =	vadd.f32 v6, v10;
	[tilespmem:s12+$0xCF50] =	vst v3;
	v3 =	vld [tilespmem:s12+$0x19780]  }
0x3cf: {  	v4 =	vadd.f32 v4, v8;
	[tilespmem:s12+$0x19750] =	vst v7;
	v7 =	vld [tilespmem:s12+$0xCF90]  }
0x3d0: {  	v8 =	vadd.f32 v61, v8;
	[tilespmem:s12+$0xCF80] =	vst v6;
	v6 =	vld [tilespmem:s12+$0x197B0]  }
0x3d1: {  	v5 =	vadd.f32 v5, v9;
	[tilespmem:s12+$0xCF60] =	vst v4;
	v4 =	vld [tilespmem:s12+$0x19790]  }
0x3d2: {  	v9 =	vadd.f32 v63, v9;
	[tilespmem:s12+$0x19760] =	vst v8;
	v8 =	vld [tilespmem:s12+$0xCFA0]  }
0x3d3: {  	[tilespmem:s12+$0xCF70] =	vst v5;
	v5 =	vld [tilespmem:s12+$0x197A0];
	v3 =	vadd.f32 v3, v10  }
0x3d4: {  	[tilespmem:s12+$0x19770] =	vst v9;
	v9 =	vld [tilespmem:s12+$0xCFB0];
	v7 =	vadd.f32 v7, v11  }
0x3d5: {  	v10 =	vld [tilespmem:s12+$0xCFC0];
	v6 =	vadd.f32 v6, v13;
	[tilespmem:s12+$0x19780] =	vst v3  }
0x3d6: {  	v3 =	vadd.f32 v4, v11;
	[tilespmem:s12+$0xCF90] =	vst v7;
	v7 =	vld [tilespmem:s12+$0x197C0]  }
0x3d7: {  	v4 =	vadd.f32 v8, v12;
	v8 =	vld [tilespmem:s12+$0xCFD0];
	[tilespmem:s12+$0x197B0] =	vst v6  }
0x3d8: {  	v11 =	vld [tilespmem:s12+$0x197D0];
	[tilespmem:s12+$0x19790] =	vst v3;
	v3 =	vadd.f32 v5, v12  }
0x3d9: {  	[tilespmem:s12+$0xCFA0] =	vst v4;
	v5 =	vadd.f32 v9, v13;
	v4 =	vld [tilespmem:s12+$0xCFE0]  }
0x3da: {  	v9 =	vadd.f32 v10, v14;
	[tilespmem:s12+$0x197A0] =	vst v3;
	v3 =	vld [tilespmem:s12+$0x197E0]  }
0x3db: {  	[tilespmem:s12+$0xCFB0] =	vst v5;
	v5 =	vld [tilespmem:s12+$0xCFF0];
	v7 =	vadd.f32 v7, v14  }
0x3dc: {  	v6 =	vld [tilespmem:s12+$0x197F0];
	[tilespmem:s12+$0xCFC0] =	vst v9;
	v9 =	vadd.f32 v8, v15  }
0x3dd: {  	s13 =	simm.s32 $0x7C0;
	v8 =	vadd.f32 v11, v15;
	[tilespmem:s12+$0x197C0] =	vst v7;
	v7 =	vld [tilespmem:s12+$0xD000]  }
.LBB2_17:
0x3de: {  	s14 =	sshra.s32 s13, $0x2;
	p0 =	sne.s32 s13, $0x18FC0;
	[tilespmem:s12+$0xCFD0] =	vst v9;
	v4 =	vadd.f32 v4, v2;
	v9 =	vld [tilespmem:s12+$0x19800]  }
0x3df: {  	v10 =	vld [tilespmem:s14+$0x710];
	[tilespmem:s12+$0x197D0] =	vst v8;
	v2 =	vadd.f32 v3, v2  }
0x3e0: {  	v3 =	vld [tilespmem:s14+$0x720];
	[tilespmem:s12+$0xCFE0] =	vst v4;
	v4 =	vadd.f32 v5, v1  }
0x3e1: {  	v5 =	vld [tilespmem:s14+$0x730];
	[tilespmem:s12+$0x197E0] =	vst v2;
	v1 =	vadd.f32 v6, v1  }
0x3e2: {  	v6 =	vld [tilespmem:s14+$0x740];
	[tilespmem:s12+$0xCFF0] =	vst v4;
	v2 =	vadd.f32 v7, v0  }
0x3e3: {  	v4 =	vld [tilespmem:s14+$0x750];
	[tilespmem:s12+$0x197F0] =	vst v1;
	v0 =	vadd.f32 v9, v0  }
0x3e4: {  	v7 =	vld [tilespmem:s14+$0x760];
	[tilespmem:s12+$0xD000] =	vst v2  }
0x3e5: {  	v8 =	vld [tilespmem:s14+$0x770];
	[tilespmem:s12+$0x19800] =	vst v0;
	s12 =	smov.u32 s14  }
0x3e6: {  	v9 =	vld [tilespmem:s12+$0x780]  }
0x3e7: {  	v11 =	vld [tilespmem:s12+$0x790]  }
0x3e8: {  	v12 =	vld [tilespmem:s12+$0x7A0]  }
0x3e9: {  	v13 =	vld [tilespmem:s12+$0x7B0]  }
0x3ea: {  	v14 =	vld [tilespmem:s12+$0x7C0]  }
0x3eb: {  	v15 =	vld [tilespmem:s12+$0x7D0]  }
0x3ec: {  	v2 =	vld [tilespmem:s12+$0x7E0]  }
0x3ed: {  	v1 =	vld [tilespmem:s12+$0x7F0]  }
0x3ee: {  	v0 =	vld [tilespmem:s12+$0x800]  }
0x3ef: {  	v16 =	vld [tilespmem:s12+$0xCF10]  }
0x3f0: {  	v17 =	vld [tilespmem:s12+$0x19710]  }
0x3f1: {  	v18 =	vld [tilespmem:s12+$0xCF20]  }
0x3f2: {  	v19 =	vld [tilespmem:s12+$0x19720]  }
0x3f3: {  	v20 =	vld [tilespmem:s12+$0xCF30]  }
0x3f4: {  	v16 =	vadd.f32 v16, v10;
	v21 =	vld [tilespmem:s12+$0x19730]  }
0x3f5: {  	v10 =	vadd.f32 v17, v10;
	v17 =	vld [tilespmem:s12+$0xCF40]  }
0x3f6: {  	[tilespmem:s12+$0xCF10] =	vst v16;
	v16 =	vadd.f32 v18, v3;
	v18 =	vld [tilespmem:s12+$0x19740]  }
0x3f7: {  	[tilespmem:s12+$0x19710] =	vst v10;
	v3 =	vadd.f32 v19, v3;
	v10 =	vld [tilespmem:s12+$0xCF50]  }
0x3f8: {  	[tilespmem:s12+$0xCF20] =	vst v16;
	v16 =	vadd.f32 v20, v5;
	v19 =	vld [tilespmem:s12+$0x19750]  }
0x3f9: {  	[tilespmem:s12+$0x19720] =	vst v3;
	v3 =	vadd.f32 v21, v5;
	v5 =	vld [tilespmem:s12+$0xCF60]  }
0x3fa: {  	[tilespmem:s12+$0xCF30] =	vst v16;
	v16 =	vadd.f32 v17, v6;
	v17 =	vld [tilespmem:s12+$0x19760]  }
0x3fb: {  	[tilespmem:s12+$0x19730] =	vst v3;
	v3 =	vadd.f32 v18, v6;
	v6 =	vld [tilespmem:s12+$0xCF70]  }
0x3fc: {  	[tilespmem:s12+$0xCF40] =	vst v16;
	v10 =	vadd.f32 v10, v4;
	v16 =	vld [tilespmem:s12+$0x19770]  }
0x3fd: {  	[tilespmem:s12+$0x19740] =	vst v3;
	v3 =	vadd.f32 v19, v4;
	v4 =	vld [tilespmem:s12+$0xCF80]  }
0x3fe: {  	[tilespmem:s12+$0xCF50] =	vst v10;
	v5 =	vadd.f32 v5, v7;
	v10 =	vld [tilespmem:s12+$0x19780]  }
0x3ff: {  	[tilespmem:s12+$0x19750] =	vst v3;
	v3 =	vadd.f32 v17, v7;
	v7 =	vld [tilespmem:s12+$0xCF90]  }
0x400: {  	[tilespmem:s12+$0xCF60] =	vst v5;
	v5 =	vadd.f32 v6, v8;
	v6 =	vld [tilespmem:s12+$0x19790]  }
0x401: {  	[tilespmem:s12+$0x19760] =	vst v3;
	v3 =	vadd.f32 v16, v8;
	v8 =	vld [tilespmem:s12+$0xCFA0]  }
0x402: {  	[tilespmem:s12+$0xCF70] =	vst v5;
	v4 =	vadd.f32 v4, v9;
	v5 =	vld [tilespmem:s12+$0x197A0]  }
0x403: {  	[tilespmem:s12+$0x19770] =	vst v3;
	v3 =	vadd.f32 v10, v9;
	v9 =	vld [tilespmem:s12+$0xCFB0]  }
0x404: {  	[tilespmem:s12+$0xCF80] =	vst v4;
	v4 =	vadd.f32 v7, v11;
	v7 =	vld [tilespmem:s12+$0x197B0]  }
0x405: {  	[tilespmem:s12+$0x19780] =	vst v3;
	v3 =	vadd.f32 v6, v11;
	v6 =	vld [tilespmem:s12+$0xCFC0]  }
0x406: {  	[tilespmem:s12+$0xCF90] =	vst v4;
	v4 =	vadd.f32 v8, v12;
	v8 =	vld [tilespmem:s12+$0x197C0]  }
0x407: {  	[tilespmem:s12+$0x19790] =	vst v3;
	v3 =	vadd.f32 v5, v12;
	v10 =	vld [tilespmem:s12+$0xCFD0]  }
0x408: {  	[tilespmem:s12+$0xCFA0] =	vst v4;
	v5 =	vadd.f32 v9, v13;
	v11 =	vld [tilespmem:s12+$0x197D0]  }
.Ltmp7:
0x409: {  	[tilespmem:s12+$0x197A0] =	vst v3;
	v7 =	vadd.f32 v7, v13;
	v4 =	vld [tilespmem:s12+$0xCFE0];
	(pc) =	sbr.rel @p0 .LBB2_17-.Ltmp7, $4  }
0x40a: {  	[tilespmem:s12+$0xCFB0] =	vst v5;
	v6 =	vadd.f32 v6, v14;
	v3 =	vld [tilespmem:s12+$0x197E0]  }
0x40b: {  	[tilespmem:s12+$0x197B0] =	vst v7;
	v7 =	vadd.f32 v8, v14;
	v5 =	vld [tilespmem:s12+$0xCFF0]  }
0x40c: {  	[tilespmem:s12+$0xCFC0] =	vst v6;
	v9 =	vadd.f32 v10, v15;
	v6 =	vld [tilespmem:s12+$0x197F0]  }
0x40d: {  	s13 =	sadd.s32 $0x400, s13;
	[tilespmem:s12+$0x197C0] =	vst v7;
	v8 =	vadd.f32 v11, v15;
	v7 =	vld [tilespmem:s12+$0xD000]  }
0x40e: {  	[tilespmem:s12+$0xCFD0] =	vst v9;
	v4 =	vadd.f32 v4, v2;
	v58 =	vld [tilespmem:s12+$0x19800]  }
0x40f: {  	[tilespmem:s12+$0x197D0] =	vst v8;
	v59 =	vadd.f32 v3, v2  }
0x410: {  	[tilespmem:s12+$0xCFE0] =	vst v4;
	v60 =	vadd.f32 v5, v1  }
0x411: {  	[tilespmem:s12+$0x197E0] =	vst v59;
	v61 =	vadd.f32 v6, v1  }
0x412: {  	s13 =	rddreg [dreg:$0xf];
	s5 =	sadd.s32 $0x1, s5;
	[tilespmem:s12+$0xCFF0] =	vst v60;
	v62 =	vadd.f32 v7, v0  }
0x413: {  	s13 =	sadd.s32 s20, s13;
	p0 =	sne.s32 s5, $0x4;
	[tilespmem:s12+$0x197F0] =	vst v61;
	v63 =	vadd.f32 v58, v0  }
.Ltmp8:
0x414: {  	s13 =	sshll.u32 s13, $0x5;
	[tilespmem:s12+$0xD000] =	vst v62;
	(pc) =	sbr.rel @p0 .LBB2_2-.Ltmp8, $4  }
0x415: {  	s15 =	sadd.s32 s4, s13;
	[tilespmem:s12+$0x19800] =	vst v63  }
0x416: {  	[hbm4b:s15+s18] =	stream.strided.scatter [tilespmem:s29], [sflag:$0x5], $0x6400, s19, s18, $0x38;
	[tilespmem:$0x1FC00] =	vst v63  }
0x417: {  	s20 =	sadd.s32 s13, s9  }
0x418: {  	[hbm4b:s20+s18] =	stream.strided.scatter [tilespmem:s0], [sflag:$0x5], $0x6400, s19, s18, $0x38;
	[tilespmem:$0x1FC00] =	vst v63  }
0x419: {  	_ =	swait.ge [sflag:s8], $0x6400  }
0x41a: {  	[sflag:s8] =	ssyncset.done $0x0  }
0x41b: {  	[sflag:s8] =	ssyncadd.s32 $0xFFFF9C00  }
0x41c: {  	_ =	swait.ge [sflag:s8], $0x6400  }
0x41d: {  	s12 =	rddreg [dreg:$0x11]  }
0x41e: {  	s5 =	rddreg [dreg:$0x10];
	s12 =	sadd.s32 $0x1, s12  }
0x41f: {  	p0 =	sne.s32 s12, s5  }
.Ltmp9:
0x420: {  	_ = 	snop;
	(pc) =	sbr.rel @p0 .LBB2_1-.Ltmp9, $3  }
0x421: {  	_ =	sdelay $0x1  }
0x422: {  	[sflag:s8] =	ssyncset.done $0x0  }
0x423: {  	[sflag:s8] =	ssyncadd.s32 $0xFFFF9C00  }
0x424: {  	_ =	sfence.sel $0x180000  }
0x425: {  	[bflag:$0x0] =	sbarrier.arrive $0xFFFF  }
0x426: {  	_ =	strace $0x90000047  }
0x427: {  	s0 =	stileid.u32;
	[bflag:$0x2] =	sbarrier.arrive $0xFFFF  }
0x428: {  	p0 =	sne.s32 s0, $0x0;
	s0 =	rddreg [dreg:$0x4]  }
0x429: {  	s0 =	sadd.s32 @!p0 $0x100000, s0  }
0x42a: {  	[sflag:s0] =	ssyncadd.tile.s32 @!p0 $0x1;
	_ =	shalt  }
.Lfunc_end2:
_tile_overlayer_lowered:
.L_overlay_start_2:
0x42b: {  	(tag) =	ssettag $0x2  }
0x42c: {  	s0 =	rddreg [dreg:$0x0];
	s2 =	stileid.u32  }
0x42d: {  	s1 =	rddreg [dreg:$0x1];
	p0 =	sne.s32 s2, $0x0  }
0x42e: {  	s3 =	rddreg [dreg:$0x2];
	[bflag:$0x3] =	sbarrier.arrive $0xFFFF;
	s2 =	simm.s32 @!p0 $0x1C06  }
0x42f: {  	[timem:s3], [sflag:s2] =	dma.local @!p0 [hbm:s0], s1  }
0x430: {  	s0 =	simm.s32 @!p0 $0x6  }
0x431: {  	_ =	swait.ge @!p0 [sflag:s0], s1  }
0x432: {  	s1 =	ssub.s32 @!p0 $0x0, s1;
	[sflag:s0] =	ssyncset.done @!p0 $0x0  }
0x433: {  	[sflag:s0] =	ssyncadd.s32 @!p0 s1  }
0x434: {  	[bflag:$0x3] =	sbarrier.arrive $0xFFFF  }
0x435: {  	_ =	shalt  }

</sc_bundles>
